<compile_context>
chip_gen: v7x
topology: tpu7x:2x2x1
jax: 0.10.2.dev20260603
libtpu: 0.0.44.dev20260713+nightly
codegen_flags: <defaults>
</compile_context>

<pallas_src>
import functools

import jax
import jax.numpy as jnp
from jax import lax
from jax.experimental import pallas as pl
from jax.experimental.pallas import tpu as pltpu
from jax.experimental.pallas import tpu_sc as plsc

NC, NS = 2, 16
NW = NC * NS
CHUNK = 128
STAGE = 16
LANES = 16


def _sc_segsum(x, src, dst, zeros, n2):
  n, d = x.shape
  nit = src.shape[1]
  ndeg = (n2 + 2 * LANES - 1) // LANES * LANES
  rpt = (n // NS) // 8 * 8
  tail = n - (NS - 1) * rpt
  rpt2 = (n2 // NS) // 8 * 8
  tail2 = n2 - (NS - 1) * rpt2

  mesh = plsc.VectorSubcoreMesh(core_axis_name="c", subcore_axis_name="s")

  @functools.partial(
      pl.kernel,
      out_type=(jax.ShapeDtypeStruct((NC, n, d), jnp.float32),
                jax.ShapeDtypeStruct((NW, ndeg), jnp.float32)),
      mesh=mesh,
      compiler_params=pltpu.CompilerParams(needs_layout_passes=False),
      scratch_types=[
          pltpu.VMEM_SHARED((n2, d), jnp.float32),
          pltpu.VMEM((STAGE, CHUNK), jnp.int32),
          pltpu.VMEM((STAGE, CHUNK), jnp.int32),
          pltpu.VMEM((2, CHUNK, d), jnp.float32),
          pltpu.VMEM((ndeg,), jnp.float32),
          pltpu.SemaphoreType.DMA,
          pltpu.SemaphoreType.DMA,
          pltpu.SemaphoreType.DMA,
          pltpu.SemaphoreType.DMA,
      ],
  )
  def seg_kernel(x_hbm, src_hbm, dst_hbm, zeros_hbm, zdeg_hbm, out_hbm,
                 deg_hbm, acc, src_v, dst_v, rows_v, deg_v,
                 gsem0, gsem1, ssem0, ssem1):
    cid = lax.axis_index("c")
    sid = lax.axis_index("s")
    wid = cid * NS + sid
    gsems = (gsem0, gsem1)
    ssems = (ssem0, ssem1)

    z0 = sid * rpt2
    pltpu.sync_copy(zeros_hbm.at[pl.ds(0, rpt2)], acc.at[pl.ds(z0, rpt2)])

    @pl.when(sid == NS - 1)
    def _zero_tail():
      t0 = NS * rpt2
      pltpu.sync_copy(zeros_hbm.at[pl.ds(0, tail2 - rpt2)],
                      acc.at[pl.ds(t0, tail2 - rpt2)])

    pltpu.sync_copy(zdeg_hbm, deg_v)
    plsc.subcore_barrier()

    def gather_start(l, p):
      pltpu.async_copy(x_hbm.at[src_v.at[l]], rows_v.at[p], gsems[p])

    def gather_wait(l, p):
      pltpu.make_async_copy(x_hbm.at[src_v.at[l]], rows_v.at[p],
                            gsems[p]).wait()

    def scatter_start(l, p):
      pltpu.async_copy(rows_v.at[p], acc.at[dst_v.at[l]], ssems[p], add=True)

    def scatter_wait(l, p):
      pltpu.make_async_copy(rows_v.at[p], acc.at[dst_v.at[l]],
                            ssems[p]).wait()

    def degrees(l):
      for j in range(CHUNK // LANES):
        dvec = dst_v[l, pl.ds(j * LANES, LANES)]
        cnt, last = plsc.scan_count(dvec)
        plsc.addupdate_scatter(deg_v, [dvec], cnt.astype(jnp.float32),
                               mask=last)

    def step_mid(l, p):
      scatter_wait(l - 1, 1 - p)
      gather_start(l + 1, 1 - p)
      degrees(l)
      gather_wait(l, p)
      scatter_start(l, p)

    for base in range(0, nit, STAGE):
      pltpu.sync_copy(src_hbm.at[wid, pl.ds(base, STAGE)], src_v)
      pltpu.sync_copy(dst_hbm.at[wid, pl.ds(base, STAGE)], dst_v)
      gather_start(0, 0)
      gather_start(1, 1)
      degrees(0)
      gather_wait(0, 0)
      scatter_start(0, 0)

      def body(o, _):
        step_mid(2 * o + 1, 1)
        step_mid(2 * o + 2, 0)
        return _

      lax.fori_loop(0, STAGE // 2 - 1, body, 0, unroll=False)
      scatter_wait(STAGE - 2, 0)
      degrees(STAGE - 1)
      gather_wait(STAGE - 1, 1)
      scatter_start(STAGE - 1, 1)
      scatter_wait(STAGE - 1, 1)
    plsc.subcore_barrier()

    r0 = sid * rpt
    pltpu.sync_copy(acc.at[pl.ds(r0, rpt)],
                    out_hbm.at[cid, pl.ds(r0, rpt)])

    @pl.when(sid == NS - 1)
    def _write_tail():
      t0 = NS * rpt
      pltpu.sync_copy(acc.at[pl.ds(t0, tail - rpt)],
                      out_hbm.at[cid, pl.ds(t0, tail - rpt)])

    pltpu.sync_copy(deg_v, deg_hbm.at[wid])

  return seg_kernel(x, src, dst, zeros, jnp.zeros((ndeg,), jnp.float32))


def _tc_pre_body(x_ref, w1a_ref, b1_ref, xw_ref):
  xw_ref[...] = x_ref[...] @ w1a_ref[...] + b1_ref[...][None, :]


def _tc_pre(x, w1a, b1):
  n, d = x.shape
  h = w1a.shape[1]
  bn = 2048
  return pl.pallas_call(
      _tc_pre_body,
      grid=(-(-n // bn),),
      in_specs=[
          pl.BlockSpec((bn, d), lambda i: (i, 0)),
          pl.BlockSpec((d, h), lambda i: (0, 0)),
          pl.BlockSpec((h,), lambda i: (0,)),
      ],
      out_specs=pl.BlockSpec((bn, h), lambda i: (i, 0)),
      out_shape=jax.ShapeDtypeStruct((n, h), jnp.float32),
  )(x, w1a, b1)


def _tc_mlp_body(xw_ref, a0_ref, a1_ref, deg_ref, w1b_ref,
                 wc1_ref, bc1_ref, pw_ref, wc2_ref, bc2_ref, out_ref):
  a = a0_ref[0] + a1_ref[0]
  deg = jnp.sum(deg_ref[...], axis=0)[:, None]
  agg = a / jnp.maximum(deg, 1.0)
  h = jnp.maximum(xw_ref[...] + agg @ w1b_ref[...], 0.0)
  p1 = h @ wc1_ref[...] + bc1_ref[...][None, :]
  p1 = jnp.where(p1 >= 0, p1, pw_ref[...][None, :] * p1)
  out_ref[...] = p1 @ wc2_ref[...] + bc2_ref[...][None, :]


def _tc_mlp(xw, partials, degs, w1b, wc1, bc1, prelu_w, wc2, bc2):
  n, d = partials.shape[1], partials.shape[2]
  h = wc1.shape[0]
  c = wc2.shape[1]
  bn = 2048
  grid = -(-n // bn)

  full = lambda shape: pl.BlockSpec(shape, lambda i: (0,) * len(shape))
  return pl.pallas_call(
      _tc_mlp_body,
      grid=(grid,),
      in_specs=[
          pl.BlockSpec((bn, h), lambda i: (i, 0)),
          pl.BlockSpec((1, bn, d), lambda i: (0, i, 0)),
          pl.BlockSpec((1, bn, d), lambda i: (1, i, 0)),
          pl.BlockSpec((NW, bn), lambda i: (0, i)),
          full((d, h)),
          full((h, h)), full((h,)), full((h,)),
          full((h, c)), full((c,)),
      ],
      out_specs=pl.BlockSpec((bn, c), lambda i: (i, 0)),
      out_shape=jax.ShapeDtypeStruct((n, c), jnp.float32),
  )(xw, partials, partials, degs, w1b, wc1, bc1, prelu_w, wc2, bc2)


def kernel(x, edge_index, labels, W1, b1, Wc1, bc1, prelu_w, Wc2, bc2):
  n, d = x.shape
  e = edge_index.shape[1]
  nit = (-(-e // (NW * CHUNK)) + STAGE - 1) // STAGE * STAGE
  per_tile = e // NW
  pad_per_tile = nit * CHUNK - per_tile
  n2 = n + NS
  rpt2 = (n2 // NS) // 8 * 8
  zeros = jnp.zeros((n2 - (NS - 1) * rpt2, d), jnp.float32)
  lane = jnp.arange(NW, dtype=edge_index.dtype)
  ghost_dst = jnp.broadcast_to((n + lane % NS)[:, None], (NW, pad_per_tile))
  ghost_src = jnp.broadcast_to(((lane * (n // NW)) % n)[:, None],
                               (NW, pad_per_tile))
  src = jnp.concatenate(
      [edge_index[0].reshape(NW, per_tile), ghost_src], axis=1
  ).reshape(NW, nit, CHUNK)
  dst = jnp.concatenate(
      [edge_index[1].reshape(NW, per_tile), ghost_dst], axis=1
  ).reshape(NW, nit, CHUNK)
  partials, degs = _sc_segsum(x, src, dst, zeros, n2)
  xw = _tc_pre(x, W1[:d], b1)
  return _tc_mlp(xw, partials, degs, W1[d:],
                 Wc1, bc1, prelu_w, Wc2, bc2)

# --- scband reference (transcript-rebuilt; emitter-appended) ---
"""Pipeline reference for scband-gcn-v-52278341927162 (READ-ONLY COPY).

The authoritative reference and input builder live on the scoring server;
editing this copy changes nothing except your own understanding.
"""

import jax, jax.numpy as jnp
import numpy as np

N, E, D, H, C = 10000, 320000, 128, 128, 2

def setup_inputs(seed: int = 0) -> dict:
    key = jax.random.key(seed)
    ks = jax.random.split(key, 12)
    x = jax.random.normal(ks[0], (N, D), dtype=jnp.float32)
    edge_index = jax.random.randint(ks[1], (2, E), 0, N, dtype=jnp.int32)
    labels = jax.random.randint(ks[2], (N,), 0, C, dtype=jnp.int32)
    # GraphConv weight: [2*feature_dim, nhid] (concat of self + mean-aggregated feats)
    W1 = jax.random.normal(ks[3], (2 * D, H), dtype=jnp.float32) * 0.05
    b1 = jnp.zeros((H,), dtype=jnp.float32)
    # classifier1: Linear(nhid, nhid) + PReLU(nhid)
    Wc1 = jax.random.normal(ks[4], (H, H), dtype=jnp.float32) * 0.05
    bc1 = jnp.zeros((H,), dtype=jnp.float32)
    prelu_w = jnp.full((H,), 0.25, dtype=jnp.float32)
    # classifier2: Linear(nhid, nclass)
    Wc2 = jax.random.normal(ks[5], (H, C), dtype=jnp.float32) * 0.05
    bc2 = jnp.zeros((C,), dtype=jnp.float32)
    return {"x": x, "edge_index": edge_index, "labels": labels,
            "W1": W1, "b1": b1, "Wc1": Wc1, "bc1": bc1,
            "prelu_w": prelu_w, "Wc2": Wc2, "bc2": bc2}

def reference(x, edge_index, labels, W1, b1, Wc1, bc1, prelu_w, Wc2, bc2):
    src = edge_index[0]
    dst = edge_index[1]
    n = x.shape[0]
    # MeanAggregator: spmm with row-normalized adjacency == mean over neighbors
    msg = jnp.take(x, src, axis=0)                      # gather [E, D]
    agg = jax.ops.segment_sum(msg, dst, num_segments=n)  # scatter-add [N, D]
    deg = jax.ops.segment_sum(jnp.ones((msg.shape[0],), dtype=x.dtype), dst, num_segments=n)
    agg = agg / jnp.clip(deg, 1.0, None)[:, None]
    # GraphConv: concat [self, agg] -> linear -> relu (dropout=0)
    cat = jnp.concatenate([x, agg], axis=-1)             # [N, 2D]
    h = jax.nn.relu(cat @ W1 + b1)                       # [N, H]
    # dst_num = len(labels) == N, so h[:dst_num] == h
    dst_num = labels.shape[0]
    h = h[:dst_num]
    # classifier1: Linear + PReLU(per-channel)
    p1 = h @ Wc1 + bc1
    p1 = jnp.where(p1 >= 0, p1, prelu_w[None, :] * p1)
    # classifier2: Linear
    pred = p1 @ Wc2 + bc2                                # [N, C]
    return pred

if __name__ == "__main__":
    import jax
    _d = setup_inputs()
    print(jax.jit(kernel)(*tuple(_d.values())))

</pallas_src>

<mosaic_0001>
#map = affine_map<(d0, d1) -> (0, 0)>
#map1 = affine_map<(d0, d1) -> (0, 0, 0)>
#map2 = affine_map<(d0, d1) -> (0)>
module attributes {stable_mosaic.version = 14 : i64} {
  func.func @seg_kernel(%arg0: i32, %arg1: i32, %arg2: memref<10000x128xf32, #tpu.memory_space<hbm>>, %arg3: memref<32x80x128xi32, #tpu.memory_space<hbm>>, %arg4: memref<32x80x128xi32, #tpu.memory_space<hbm>>, %arg5: memref<656x128xf32, #tpu.memory_space<hbm>>, %arg6: memref<10032xf32, #tpu.memory_space<hbm>>, %arg7: memref<2x10000x128xf32, #tpu.memory_space<hbm>>, %arg8: memref<32x10032xf32, #tpu.memory_space<hbm>>, %arg9: memref<10016x128xf32, #tpu.memory_space<vmem_shared>>, %arg10: memref<16x128xi32, #tpu.memory_space<vmem>>, %arg11: memref<16x128xi32, #tpu.memory_space<vmem>>, %arg12: memref<2x128x128xf32, #tpu.memory_space<vmem>>, %arg13: memref<10032xf32, #tpu.memory_space<vmem>>, %arg14: memref<!tpu.dma_semaphore, #tpu.memory_space<semaphore_mem>>, %arg15: memref<!tpu.dma_semaphore, #tpu.memory_space<semaphore_mem>>, %arg16: memref<!tpu.dma_semaphore, #tpu.memory_space<semaphore_mem>>, %arg17: memref<!tpu.dma_semaphore, #tpu.memory_space<semaphore_mem>>) attributes {dimension_semantics = [#tpu.dimension_semantics<core_parallel>, #tpu.dimension_semantics<subcore_parallel>], iteration_bounds = array<i64: 2, 16>, scalar_prefetch = 0 : i64, scratch_operands = 9 : i64, tpu.core_type = #tpu.core_type<sc_vector_subcore>, window_params = [{transform_indices = #map}, {transform_indices = #map1}, {transform_indices = #map1}, {transform_indices = #map}, {transform_indices = #map2}, {transform_indices = #map1}, {transform_indices = #map}]} {
    %mul3A = arith.constant 16 : i32
    %mul3A_0 = arith.muli %arg0, %mul3A : i32
    %add3A = arith.addi %mul3A_0, %arg1 : i32
    %mul3A_1 = arith.constant 624 : i32
    %mul3A_2 = arith.muli %arg1, %mul3A_1 : i32
    "tpu.region"() ({
      %run_scoped3A = tpu.sem_alloc : memref<!tpu.dma_semaphore, #tpu.memory_space<semaphore_mem>>
      %dma_start3A_1237 = arith.constant 0 : i32
      %dma_start3A_1238 = tpu.memref_slice %arg9[%mul3A_2, %dma_start3A_1237] : memref<10016x128xf32, #tpu.memory_space<vmem_shared>> -> memref<624x128xf32, #tpu.memory_space<vmem_shared>>
      %dma_start3A_1239 = arith.constant 0 : i32
      %dma_start3A_1240 = arith.constant 0 : i32
      %dma_start3A_1241 = tpu.memref_slice %arg5[%dma_start3A_1239, %dma_start3A_1240] : memref<656x128xf32, #tpu.memory_space<hbm>> -> memref<624x128xf32, #tpu.memory_space<hbm>>
      tpu.enqueue_dma source(%dma_start3A_1241 : memref<624x128xf32, #tpu.memory_space<hbm>>) target(%dma_start3A_1238 : memref<624x128xf32, #tpu.memory_space<vmem_shared>>) target_semaphore(%run_scoped3A : memref<!tpu.dma_semaphore, #tpu.memory_space<semaphore_mem>>)
      %dma_wait3A_1242 = arith.constant 0 : i32
      %dma_wait3A_1243 = tpu.memref_slice %arg9[%mul3A_2, %dma_wait3A_1242] : memref<10016x128xf32, #tpu.memory_space<vmem_shared>> -> memref<624x128xf32, #tpu.memory_space<vmem_shared>>
      %dma_wait3A_1244 = arith.constant 0 : i32
      %dma_wait3A_1245 = arith.constant 0 : i32
      %dma_wait3A_1246 = tpu.memref_slice %arg5[%dma_wait3A_1244, %dma_wait3A_1245] : memref<656x128xf32, #tpu.memory_space<hbm>> -> memref<624x128xf32, #tpu.memory_space<hbm>>
      tpu.wait_dma2 semaphore(%run_scoped3A : memref<!tpu.dma_semaphore, #tpu.memory_space<semaphore_mem>>) src(%dma_wait3A_1246 : memref<624x128xf32, #tpu.memory_space<hbm>>) dst(%dma_wait3A_1243 : memref<624x128xf32, #tpu.memory_space<vmem_shared>>)
      tpu.yield
    }) : () -> ()
    %eq3A = arith.constant 15 : i32
    %eq3A_3 = arith.cmpi eq, %arg1, %eq3A : i32
    %convert_element_type3A = arith.extui %eq3A_3 : i1 to i32
    %cond3A = arith.constant 0 : i32
    %cond3A_4 = arith.cmpi ne, %convert_element_type3A, %cond3A : i32
    scf.if %cond3A_4 {
      "tpu.region"() ({
        %run_scoped3A = tpu.sem_alloc : memref<!tpu.dma_semaphore, #tpu.memory_space<semaphore_mem>>
        %dma_start3A_1237 = arith.constant 9984 : i32
        %dma_start3A_1238 = arith.constant 0 : i32
        %dma_start3A_1239 = tpu.memref_slice %arg9[%dma_start3A_1237, %dma_start3A_1238] : memref<10016x128xf32, #tpu.memory_space<vmem_shared>> -> memref<32x128xf32, #tpu.memory_space<vmem_shared>>
        %dma_start3A_1240 = arith.constant 0 : i32
        %dma_start3A_1241 = arith.constant 0 : i32
        %dma_start3A_1242 = tpu.memref_slice %arg5[%dma_start3A_1240, %dma_start3A_1241] : memref<656x128xf32, #tpu.memory_space<hbm>> -> memref<32x128xf32, #tpu.memory_space<hbm>>
        tpu.enqueue_dma source(%dma_start3A_1242 : memref<32x128xf32, #tpu.memory_space<hbm>>) target(%dma_start3A_1239 : memref<32x128xf32, #tpu.memory_space<vmem_shared>>) target_semaphore(%run_scoped3A : memref<!tpu.dma_semaphore, #tpu.memory_space<semaphore_mem>>)
        %dma_wait3A_1243 = arith.constant 9984 : i32
        %dma_wait3A_1244 = arith.constant 0 : i32
        %dma_wait3A_1245 = tpu.memref_slice %arg9[%dma_wait3A_1243, %dma_wait3A_1244] : memref<10016x128xf32, #tpu.memory_space<vmem_shared>> -> memref<32x128xf32, #tpu.memory_space<vmem_shared>>
        %dma_wait3A_1246 = arith.constant 0 : i32
        %dma_wait3A_1247 = arith.constant 0 : i32
        %dma_wait3A_1248 = tpu.memref_slice %arg5[%dma_wait3A_1246, %dma_wait3A_1247] : memref<656x128xf32, #tpu.memory_space<hbm>> -> memref<32x128xf32, #tpu.memory_space<hbm>>
        tpu.wait_dma2 semaphore(%run_scoped3A : memref<!tpu.dma_semaphore, #tpu.memory_space<semaphore_mem>>) src(%dma_wait3A_1248 : memref<32x128xf32, #tpu.memory_space<hbm>>) dst(%dma_wait3A_1245 : memref<32x128xf32, #tpu.memory_space<vmem_shared>>)
        tpu.yield
      }) : () -> ()
    } else {
    }
    "tpu.region"() ({
      %run_scoped3A = tpu.sem_alloc : memref<!tpu.dma_semaphore, #tpu.memory_space<semaphore_mem>>
      tpu.enqueue_dma source(%arg6 : memref<10032xf32, #tpu.memory_space<hbm>>) target(%arg13 : memref<10032xf32, #tpu.memory_space<vmem>>) target_semaphore(%run_scoped3A : memref<!tpu.dma_semaphore, #tpu.memory_space<semaphore_mem>>)
      tpu.wait_dma2 semaphore(%run_scoped3A : memref<!tpu.dma_semaphore, #tpu.memory_space<semaphore_mem>>) src(%arg6 : memref<10032xf32, #tpu.memory_space<hbm>>) dst(%arg13 : memref<10032xf32, #tpu.memory_space<vmem>>)
      tpu.yield
    }) : () -> ()
    %barrier3A = arith.constant 0 : index
    tpu.barrier barrier_id(%barrier3A)
    "tpu.region"() ({
      %run_scoped3A = tpu.sem_alloc : memref<!tpu.dma_semaphore, #tpu.memory_space<semaphore_mem>>
      %dma_start3A_1237 = arith.constant 0 : i32
      %dma_start3A_1238 = arith.constant 0 : i32
      %dma_start3A_1239 = tpu.memref_slice %arg3[%add3A, %dma_start3A_1237, %dma_start3A_1238] : memref<32x80x128xi32, #tpu.memory_space<hbm>> -> memref<1x16x128xi32, #tpu.memory_space<hbm>>
      %dma_start3A_1240 = tpu.memref_squeeze %dma_start3A_1239 : memref<1x16x128xi32, #tpu.memory_space<hbm>> -> memref<16x128xi32, #tpu.memory_space<hbm>>
      %dma_start3A_1241 = arith.constant 0 : i32
      %dma_start3A_1242 = arith.constant 0 : i32
      %dma_start3A_1243 = tpu.memref_slice %arg3[%add3A, %dma_start3A_1241, %dma_start3A_1242] : memref<32x80x128xi32, #tpu.memory_space<hbm>> -> memref<1x16x128xi32, #tpu.memory_space<hbm>>
      %dma_start3A_1244 = tpu.memref_squeeze %dma_start3A_1243 : memref<1x16x128xi32, #tpu.memory_space<hbm>> -> memref<16x128xi32, #tpu.memory_space<hbm>>
      tpu.enqueue_dma source(%dma_start3A_1244 : memref<16x128xi32, #tpu.memory_space<hbm>>) target(%arg10 : memref<16x128xi32, #tpu.memory_space<vmem>>) target_semaphore(%run_scoped3A : memref<!tpu.dma_semaphore, #tpu.memory_space<semaphore_mem>>)
      %dma_wait3A_1245 = arith.constant 0 : i32
      %dma_wait3A_1246 = arith.constant 0 : i32
      %dma_wait3A_1247 = tpu.memref_slice %arg3[%add3A, %dma_wait3A_1245, %dma_wait3A_1246] : memref<32x80x128xi32, #tpu.memory_space<hbm>> -> memref<1x16x128xi32, #tpu.memory_space<hbm>>
      %dma_wait3A_1248 = tpu.memref_squeeze %dma_wait3A_1247 : memref<1x16x128xi32, #tpu.memory_space<hbm>> -> memref<16x128xi32, #tpu.memory_space<hbm>>
      %dma_wait3A_1249 = arith.constant 0 : i32
      %dma_wait3A_1250 = arith.constant 0 : i32
      %dma_wait3A_1251 = tpu.memref_slice %arg3[%add3A, %dma_wait3A_1249, %dma_wait3A_1250] : memref<32x80x128xi32, #tpu.memory_space<hbm>> -> memref<1x16x128xi32, #tpu.memory_space<hbm>>
      %dma_wait3A_1252 = tpu.memref_squeeze %dma_wait3A_1251 : memref<1x16x128xi32, #tpu.memory_space<hbm>> -> memref<16x128xi32, #tpu.memory_space<hbm>>
      tpu.wait_dma2 semaphore(%run_scoped3A : memref<!tpu.dma_semaphore, #tpu.memory_space<semaphore_mem>>) src(%dma_wait3A_1252 : memref<16x128xi32, #tpu.memory_space<hbm>>) dst(%arg10 : memref<16x128xi32, #tpu.memory_space<vmem>>)
      tpu.yield
    }) : () -> ()
    "tpu.region"() ({
      %run_scoped3A = tpu.sem_alloc : memref<!tpu.dma_semaphore, #tpu.memory_space<semaphore_mem>>
      %dma_start3A_1237 = arith.constant 0 : i32
      %dma_start3A_1238 = arith.constant 0 : i32
      %dma_start3A_1239 = tpu.memref_slice %arg4[%add3A, %dma_start3A_1237, %dma_start3A_1238] : memref<32x80x128xi32, #tpu.memory_space<hbm>> -> memref<1x16x128xi32, #tpu.memory_space<hbm>>
      %dma_start3A_1240 = tpu.memref_squeeze %dma_start3A_1239 : memref<1x16x128xi32, #tpu.memory_space<hbm>> -> memref<16x128xi32, #tpu.memory_space<hbm>>
      %dma_start3A_1241 = arith.constant 0 : i32
      %dma_start3A_1242 = arith.constant 0 : i32
      %dma_start3A_1243 = tpu.memref_slice %arg4[%add3A, %dma_start3A_1241, %dma_start3A_1242] : memref<32x80x128xi32, #tpu.memory_space<hbm>> -> memref<1x16x128xi32, #tpu.memory_space<hbm>>
      %dma_start3A_1244 = tpu.memref_squeeze %dma_start3A_1243 : memref<1x16x128xi32, #tpu.memory_space<hbm>> -> memref<16x128xi32, #tpu.memory_space<hbm>>
      tpu.enqueue_dma source(%dma_start3A_1244 : memref<16x128xi32, #tpu.memory_space<hbm>>) target(%arg11 : memref<16x128xi32, #tpu.memory_space<vmem>>) target_semaphore(%run_scoped3A : memref<!tpu.dma_semaphore, #tpu.memory_space<semaphore_mem>>)
      %dma_wait3A_1245 = arith.constant 0 : i32
      %dma_wait3A_1246 = arith.constant 0 : i32
      %dma_wait3A_1247 = tpu.memref_slice %arg4[%add3A, %dma_wait3A_1245, %dma_wait3A_1246] : memref<32x80x128xi32, #tpu.memory_space<hbm>> -> memref<1x16x128xi32, #tpu.memory_space<hbm>>
      %dma_wait3A_1248 = tpu.memref_squeeze %dma_wait3A_1247 : memref<1x16x128xi32, #tpu.memory_space<hbm>> -> memref<16x128xi32, #tpu.memory_space<hbm>>
      %dma_wait3A_1249 = arith.constant 0 : i32
      %dma_wait3A_1250 = arith.constant 0 : i32
      %dma_wait3A_1251 = tpu.memref_slice %arg4[%add3A, %dma_wait3A_1249, %dma_wait3A_1250] : memref<32x80x128xi32, #tpu.memory_space<hbm>> -> memref<1x16x128xi32, #tpu.memory_space<hbm>>
      %dma_wait3A_1252 = tpu.memref_squeeze %dma_wait3A_1251 : memref<1x16x128xi32, #tpu.memory_space<hbm>> -> memref<16x128xi32, #tpu.memory_space<hbm>>
      tpu.wait_dma2 semaphore(%run_scoped3A : memref<!tpu.dma_semaphore, #tpu.memory_space<semaphore_mem>>) src(%dma_wait3A_1252 : memref<16x128xi32, #tpu.memory_space<hbm>>) dst(%arg11 : memref<16x128xi32, #tpu.memory_space<vmem>>)
      tpu.yield
    }) : () -> ()
    %dma_start3A = arith.constant 0 : i32
    %dma_start3A_5 = arith.constant 0 : i32
    %dma_start3A_6 = arith.constant 0 : i32
    %dma_start3A_7 = arith.constant 0 : i32
    %dma_start3A_8 = tpu.memref_slice %arg12[%dma_start3A_5, %dma_start3A_6, %dma_start3A_7] : memref<2x128x128xf32, #tpu.memory_space<vmem>> -> memref<1x128x128xf32, #tpu.memory_space<vmem>>
    %dma_start3A_9 = tpu.memref_squeeze %dma_start3A_8 : memref<1x128x128xf32, #tpu.memory_space<vmem>> -> memref<128x128xf32, #tpu.memory_space<vmem>>
    %dma_start3A_10 = arith.constant 0 : i32
    %dma_start3A_11 = tpu.memref_slice %arg10[%dma_start3A, %dma_start3A_10] : memref<16x128xi32, #tpu.memory_space<vmem>> -> memref<1x128xi32, #tpu.memory_space<vmem>>
    %dma_start3A_12 = tpu.memref_squeeze %dma_start3A_11 : memref<1x128xi32, #tpu.memory_space<vmem>> -> memref<128xi32, #tpu.memory_space<vmem>>
    %dma_start3A_13 = arith.constant 0 : i32
    %dma_start3A_14 = arith.constant 0 : i32
    %dma_start3A_15 = tpu.memref_slice %arg2[%dma_start3A_13, %dma_start3A_14] : memref<10000x128xf32, #tpu.memory_space<hbm>> -> memref<10000x128xf32, #tpu.memory_space<hbm>>
    tpu.enqueue_indirect_dma source(%dma_start3A_15 : memref<10000x128xf32, #tpu.memory_space<hbm>>) target(%dma_start3A_9 : memref<128x128xf32, #tpu.memory_space<vmem>>) offsets(%dma_start3A_12 : memref<128xi32, #tpu.memory_space<vmem>>) semaphore(%arg14 : memref<!tpu.dma_semaphore, #tpu.memory_space<semaphore_mem>>)
    %dma_start3A_16 = arith.constant 1 : i32
    %dma_start3A_17 = arith.constant 1 : i32
    %dma_start3A_18 = arith.constant 0 : i32
    %dma_start3A_19 = arith.constant 0 : i32
    %dma_start3A_20 = tpu.memref_slice %arg12[%dma_start3A_17, %dma_start3A_18, %dma_start3A_19] : memref<2x128x128xf32, #tpu.memory_space<vmem>> -> memref<1x128x128xf32, #tpu.memory_space<vmem>>
    %dma_start3A_21 = tpu.memref_squeeze %dma_start3A_20 : memref<1x128x128xf32, #tpu.memory_space<vmem>> -> memref<128x128xf32, #tpu.memory_space<vmem>>
    %dma_start3A_22 = arith.constant 0 : i32
    %dma_start3A_23 = tpu.memref_slice %arg10[%dma_start3A_16, %dma_start3A_22] : memref<16x128xi32, #tpu.memory_space<vmem>> -> memref<1x128xi32, #tpu.memory_space<vmem>>
    %dma_start3A_24 = tpu.memref_squeeze %dma_start3A_23 : memref<1x128xi32, #tpu.memory_space<vmem>> -> memref<128xi32, #tpu.memory_space<vmem>>
    %dma_start3A_25 = arith.constant 0 : i32
    %dma_start3A_26 = arith.constant 0 : i32
    %dma_start3A_27 = tpu.memref_slice %arg2[%dma_start3A_25, %dma_start3A_26] : memref<10000x128xf32, #tpu.memory_space<hbm>> -> memref<10000x128xf32, #tpu.memory_space<hbm>>
    tpu.enqueue_indirect_dma source(%dma_start3A_27 : memref<10000x128xf32, #tpu.memory_space<hbm>>) target(%dma_start3A_21 : memref<128x128xf32, #tpu.memory_space<vmem>>) offsets(%dma_start3A_24 : memref<128xi32, #tpu.memory_space<vmem>>) semaphore(%arg15 : memref<!tpu.dma_semaphore, #tpu.memory_space<semaphore_mem>>)
    %get3A = arith.constant 0 : i32
    %get3A_28 = arith.index_cast %get3A : i32 to index
    %get3A_29 = arith.constant 0 : index
    %get3A_30 = tpu.vector_load %arg11[%get3A_28, %get3A_29] {strides = array<i32>} : memref<16x128xi32, #tpu.memory_space<vmem>>, vector<16xi32>,
    %broadcast_in_dim3A = arith.constant true
    %broadcast_in_dim3A_31 = vector.broadcast %broadcast_in_dim3A : i1 to vector<16xi1>
    %unique3A, %unique3A_32 = tpu.scan_count mask(%broadcast_in_dim3A_31 : vector<16xi1>) value(%get3A_30 : vector<16xi32>) : vector<16xi1>, vector<16xi32>
    %convert_element_type3A_33 = arith.sitofp %unique3A_32 : vector<16xi32> to vector<16xf32>
    tpu.vector_store_idx %arg13[%get3A_30], %convert_element_type3A_33 masked %unique3A {add = true} : memref<10032xf32, #tpu.memory_space<vmem>>[vector<16xi32>], vector<16xf32>, vector<16xi1>
    %get3A_34 = arith.constant 0 : i32
    %get3A_35 = arith.index_cast %get3A_34 : i32 to index
    %get3A_36 = arith.constant 16 : index
    %get3A_37 = tpu.vector_load %arg11[%get3A_35, %get3A_36] {strides = array<i32>} : memref<16x128xi32, #tpu.memory_space<vmem>>, vector<16xi32>,
    %broadcast_in_dim3A_38 = arith.constant true
    %broadcast_in_dim3A_39 = vector.broadcast %broadcast_in_dim3A_38 : i1 to vector<16xi1>
    %unique3A_40, %unique3A_41 = tpu.scan_count mask(%broadcast_in_dim3A_39 : vector<16xi1>) value(%get3A_37 : vector<16xi32>) : vector<16xi1>, vector<16xi32>
    %convert_element_type3A_42 = arith.sitofp %unique3A_41 : vector<16xi32> to vector<16xf32>
    tpu.vector_store_idx %arg13[%get3A_37], %convert_element_type3A_42 masked %unique3A_40 {add = true} : memref<10032xf32, #tpu.memory_space<vmem>>[vector<16xi32>], vector<16xf32>, vector<16xi1>
    %get3A_43 = arith.constant 0 : i32
    %get3A_44 = arith.index_cast %get3A_43 : i32 to index
    %get3A_45 = arith.constant 32 : index
    %get3A_46 = tpu.vector_load %arg11[%get3A_44, %get3A_45] {strides = array<i32>} : memref<16x128xi32, #tpu.memory_space<vmem>>, vector<16xi32>,
    %broadcast_in_dim3A_47 = arith.constant true
    %broadcast_in_dim3A_48 = vector.broadcast %broadcast_in_dim3A_47 : i1 to vector<16xi1>
    %unique3A_49, %unique3A_50 = tpu.scan_count mask(%broadcast_in_dim3A_48 : vector<16xi1>) value(%get3A_46 : vector<16xi32>) : vector<16xi1>, vector<16xi32>
    %convert_element_type3A_51 = arith.sitofp %unique3A_50 : vector<16xi32> to vector<16xf32>
    tpu.vector_store_idx %arg13[%get3A_46], %convert_element_type3A_51 masked %unique3A_49 {add = true} : memref<10032xf32, #tpu.memory_space<vmem>>[vector<16xi32>], vector<16xf32>, vector<16xi1>
    %get3A_52 = arith.constant 0 : i32
    %get3A_53 = arith.index_cast %get3A_52 : i32 to index
    %get3A_54 = arith.constant 48 : index
    %get3A_55 = tpu.vector_load %arg11[%get3A_53, %get3A_54] {strides = array<i32>} : memref<16x128xi32, #tpu.memory_space<vmem>>, vector<16xi32>,
    %broadcast_in_dim3A_56 = arith.constant true
    %broadcast_in_dim3A_57 = vector.broadcast %broadcast_in_dim3A_56 : i1 to vector<16xi1>
    %unique3A_58, %unique3A_59 = tpu.scan_count mask(%broadcast_in_dim3A_57 : vector<16xi1>) value(%get3A_55 : vector<16xi32>) : vector<16xi1>, vector<16xi32>
    %convert_element_type3A_60 = arith.sitofp %unique3A_59 : vector<16xi32> to vector<16xf32>
    tpu.vector_store_idx %arg13[%get3A_55], %convert_element_type3A_60 masked %unique3A_58 {add = true} : memref<10032xf32, #tpu.memory_space<vmem>>[vector<16xi32>], vector<16xf32>, vector<16xi1>
    %get3A_61 = arith.constant 0 : i32
    %get3A_62 = arith.index_cast %get3A_61 : i32 to index
    %get3A_63 = arith.constant 64 : index
    %get3A_64 = tpu.vector_load %arg11[%get3A_62, %get3A_63] {strides = array<i32>} : memref<16x128xi32, #tpu.memory_space<vmem>>, vector<16xi32>,
    %broadcast_in_dim3A_65 = arith.constant true
    %broadcast_in_dim3A_66 = vector.broadcast %broadcast_in_dim3A_65 : i1 to vector<16xi1>
    %unique3A_67, %unique3A_68 = tpu.scan_count mask(%broadcast_in_dim3A_66 : vector<16xi1>) value(%get3A_64 : vector<16xi32>) : vector<16xi1>, vector<16xi32>
    %convert_element_type3A_69 = arith.sitofp %unique3A_68 : vector<16xi32> to vector<16xf32>
    tpu.vector_store_idx %arg13[%get3A_64], %convert_element_type3A_69 masked %unique3A_67 {add = true} : memref<10032xf32, #tpu.memory_space<vmem>>[vector<16xi32>], vector<16xf32>, vector<16xi1>
    %get3A_70 = arith.constant 0 : i32
    %get3A_71 = arith.index_cast %get3A_70 : i32 to index
    %get3A_72 = arith.constant 80 : index
    %get3A_73 = tpu.vector_load %arg11[%get3A_71, %get3A_72] {strides = array<i32>} : memref<16x128xi32, #tpu.memory_space<vmem>>, vector<16xi32>,
    %broadcast_in_dim3A_74 = arith.constant true
    %broadcast_in_dim3A_75 = vector.broadcast %broadcast_in_dim3A_74 : i1 to vector<16xi1>
    %unique3A_76, %unique3A_77 = tpu.scan_count mask(%broadcast_in_dim3A_75 : vector<16xi1>) value(%get3A_73 : vector<16xi32>) : vector<16xi1>, vector<16xi32>
    %convert_element_type3A_78 = arith.sitofp %unique3A_77 : vector<16xi32> to vector<16xf32>
    tpu.vector_store_idx %arg13[%get3A_73], %convert_element_type3A_78 masked %unique3A_76 {add = true} : memref<10032xf32, #tpu.memory_space<vmem>>[vector<16xi32>], vector<16xf32>, vector<16xi1>
    %get3A_79 = arith.constant 0 : i32
    %get3A_80 = arith.index_cast %get3A_79 : i32 to index
    %get3A_81 = arith.constant 96 : index
    %get3A_82 = tpu.vector_load %arg11[%get3A_80, %get3A_81] {strides = array<i32>} : memref<16x128xi32, #tpu.memory_space<vmem>>, vector<16xi32>,
    %broadcast_in_dim3A_83 = arith.constant true
    %broadcast_in_dim3A_84 = vector.broadcast %broadcast_in_dim3A_83 : i1 to vector<16xi1>
    %unique3A_85, %unique3A_86 = tpu.scan_count mask(%broadcast_in_dim3A_84 : vector<16xi1>) value(%get3A_82 : vector<16xi32>) : vector<16xi1>, vector<16xi32>
    %convert_element_type3A_87 = arith.sitofp %unique3A_86 : vector<16xi32> to vector<16xf32>
    tpu.vector_store_idx %arg13[%get3A_82], %convert_element_type3A_87 masked %unique3A_85 {add = true} : memref<10032xf32, #tpu.memory_space<vmem>>[vector<16xi32>], vector<16xf32>, vector<16xi1>
    %get3A_88 = arith.constant 0 : i32
    %get3A_89 = arith.index_cast %get3A_88 : i32 to index
    %get3A_90 = arith.constant 112 : index
    %get3A_91 = tpu.vector_load %arg11[%get3A_89, %get3A_90] {strides = array<i32>} : memref<16x128xi32, #tpu.memory_space<vmem>>, vector<16xi32>,
    %broadcast_in_dim3A_92 = arith.constant true
    %broadcast_in_dim3A_93 = vector.broadcast %broadcast_in_dim3A_92 : i1 to vector<16xi1>
    %unique3A_94, %unique3A_95 = tpu.scan_count mask(%broadcast_in_dim3A_93 : vector<16xi1>) value(%get3A_91 : vector<16xi32>) : vector<16xi1>, vector<16xi32>
    %convert_element_type3A_96 = arith.sitofp %unique3A_95 : vector<16xi32> to vector<16xf32>
    tpu.vector_store_idx %arg13[%get3A_91], %convert_element_type3A_96 masked %unique3A_94 {add = true} : memref<10032xf32, #tpu.memory_space<vmem>>[vector<16xi32>], vector<16xf32>, vector<16xi1>
    %dma_wait3A = arith.constant 0 : i32
    %dma_wait3A_97 = arith.constant 0 : i32
    %dma_wait3A_98 = arith.constant 0 : i32
    %dma_wait3A_99 = arith.constant 0 : i32
    %dma_wait3A_100 = tpu.memref_slice %arg12[%dma_wait3A_97, %dma_wait3A_98, %dma_wait3A_99] : memref<2x128x128xf32, #tpu.memory_space<vmem>> -> memref<1x128x128xf32, #tpu.memory_space<vmem>>
    %dma_wait3A_101 = tpu.memref_squeeze %dma_wait3A_100 : memref<1x128x128xf32, #tpu.memory_space<vmem>> -> memref<128x128xf32, #tpu.memory_space<vmem>>
    %dma_wait3A_102 = arith.constant 0 : i32
    %dma_wait3A_103 = tpu.memref_slice %arg10[%dma_wait3A, %dma_wait3A_102] : memref<16x128xi32, #tpu.memory_space<vmem>> -> memref<1x128xi32, #tpu.memory_space<vmem>>
    %dma_wait3A_104 = tpu.memref_squeeze %dma_wait3A_103 : memref<1x128xi32, #tpu.memory_space<vmem>> -> memref<128xi32, #tpu.memory_space<vmem>>
    %dma_wait3A_105 = arith.constant 0 : i32
    %dma_wait3A_106 = arith.constant 0 : i32
    %dma_wait3A_107 = tpu.memref_slice %arg2[%dma_wait3A_105, %dma_wait3A_106] : memref<10000x128xf32, #tpu.memory_space<hbm>> -> memref<10000x128xf32, #tpu.memory_space<hbm>>
    tpu.wait_indirect_dma semaphore(%arg14 : memref<!tpu.dma_semaphore, #tpu.memory_space<semaphore_mem>>) src(%dma_wait3A_107 : memref<10000x128xf32, #tpu.memory_space<hbm>>) dst(%dma_wait3A_101 : memref<128x128xf32, #tpu.memory_space<vmem>>)
    %dma_start3A_108 = arith.constant 0 : i32
    %dma_start3A_109 = arith.constant 0 : i32
    %dma_start3A_110 = arith.constant 0 : i32
    %dma_start3A_111 = arith.constant 0 : i32
    %dma_start3A_112 = tpu.memref_slice %arg12[%dma_start3A_108, %dma_start3A_110, %dma_start3A_111] : memref<2x128x128xf32, #tpu.memory_space<vmem>> -> memref<1x128x128xf32, #tpu.memory_space<vmem>>
    %dma_start3A_113 = tpu.memref_squeeze %dma_start3A_112 : memref<1x128x128xf32, #tpu.memory_space<vmem>> -> memref<128x128xf32, #tpu.memory_space<vmem>>
    %dma_start3A_114 = arith.constant 0 : i32
    %dma_start3A_115 = tpu.memref_slice %arg11[%dma_start3A_109, %dma_start3A_114] : memref<16x128xi32, #tpu.memory_space<vmem>> -> memref<1x128xi32, #tpu.memory_space<vmem>>
    %dma_start3A_116 = tpu.memref_squeeze %dma_start3A_115 : memref<1x128xi32, #tpu.memory_space<vmem>> -> memref<128xi32, #tpu.memory_space<vmem>>
    %dma_start3A_117 = arith.constant 0 : i32
    %dma_start3A_118 = arith.constant 0 : i32
    %dma_start3A_119 = tpu.memref_slice %arg9[%dma_start3A_117, %dma_start3A_118] : memref<10016x128xf32, #tpu.memory_space<vmem_shared>> -> memref<10016x128xf32, #tpu.memory_space<vmem_shared>>
    tpu.enqueue_indirect_dma source(%dma_start3A_113 : memref<128x128xf32, #tpu.memory_space<vmem>>) target(%dma_start3A_119 : memref<10016x128xf32, #tpu.memory_space<vmem_shared>>) offsets(%dma_start3A_116 : memref<128xi32, #tpu.memory_space<vmem>>) semaphore(%arg16 : memref<!tpu.dma_semaphore, #tpu.memory_space<semaphore_mem>>) {add = true}
    %scan3A = arith.constant 0 : i32
    %scan3A_120 = arith.constant 0 : i32
    %scan3A_121 = arith.constant 7 : i32
    %scan3A_122 = arith.addi %scan3A_120, %scan3A_121 : i32
    %scan3A_123 = arith.constant 1 : i32
    scf.for %scan3A_1237 = %scan3A_120 to %scan3A_122 step %scan3A_123  : i32 {
      %mul3A_1238 = arith.constant 2 : i32
      %mul3A_1239 = arith.muli %mul3A_1238, %scan3A_1237 : i32
      %add3A_1240 = arith.constant 1 : i32
      %add3A_1241 = arith.addi %mul3A_1239, %add3A_1240 : i32
      %sub3A = arith.constant 1 : i32
      %sub3A_1242 = arith.subi %add3A_1241, %sub3A : i32
      %dma_wait3A_1243 = arith.constant 0 : i32
      %dma_wait3A_1244 = arith.constant 0 : i32
      %dma_wait3A_1245 = arith.constant 0 : i32
      %dma_wait3A_1246 = tpu.memref_slice %arg12[%dma_wait3A_1243, %dma_wait3A_1244, %dma_wait3A_1245] : memref<2x128x128xf32, #tpu.memory_space<vmem>> -> memref<1x128x128xf32, #tpu.memory_space<vmem>>
      %dma_wait3A_1247 = tpu.memref_squeeze %dma_wait3A_1246 : memref<1x128x128xf32, #tpu.memory_space<vmem>> -> memref<128x128xf32, #tpu.memory_space<vmem>>
      %dma_wait3A_1248 = arith.constant 0 : i32
      %dma_wait3A_1249 = tpu.memref_slice %arg11[%sub3A_1242, %dma_wait3A_1248] : memref<16x128xi32, #tpu.memory_space<vmem>> -> memref<1x128xi32, #tpu.memory_space<vmem>>
      %dma_wait3A_1250 = tpu.memref_squeeze %dma_wait3A_1249 : memref<1x128xi32, #tpu.memory_space<vmem>> -> memref<128xi32, #tpu.memory_space<vmem>>
      %dma_wait3A_1251 = arith.constant 0 : i32
      %dma_wait3A_1252 = arith.constant 0 : i32
      %dma_wait3A_1253 = tpu.memref_slice %arg9[%dma_wait3A_1251, %dma_wait3A_1252] : memref<10016x128xf32, #tpu.memory_space<vmem_shared>> -> memref<10016x128xf32, #tpu.memory_space<vmem_shared>>
      tpu.wait_indirect_dma semaphore(%arg16 : memref<!tpu.dma_semaphore, #tpu.memory_space<semaphore_mem>>) src(%dma_wait3A_1247 : memref<128x128xf32, #tpu.memory_space<vmem>>) dst(%dma_wait3A_1253 : memref<10016x128xf32, #tpu.memory_space<vmem_shared>>)
      %add3A_1254 = arith.constant 1 : i32
      %add3A_1255 = arith.addi %add3A_1241, %add3A_1254 : i32
      %dma_start3A_1256 = arith.constant 0 : i32
      %dma_start3A_1257 = arith.constant 0 : i32
      %dma_start3A_1258 = arith.constant 0 : i32
      %dma_start3A_1259 = tpu.memref_slice %arg12[%dma_start3A_1256, %dma_start3A_1257, %dma_start3A_1258] : memref<2x128x128xf32, #tpu.memory_space<vmem>> -> memref<1x128x128xf32, #tpu.memory_space<vmem>>
      %dma_start3A_1260 = tpu.memref_squeeze %dma_start3A_1259 : memref<1x128x128xf32, #tpu.memory_space<vmem>> -> memref<128x128xf32, #tpu.memory_space<vmem>>
      %dma_start3A_1261 = arith.constant 0 : i32
      %dma_start3A_1262 = tpu.memref_slice %arg10[%add3A_1255, %dma_start3A_1261] : memref<16x128xi32, #tpu.memory_space<vmem>> -> memref<1x128xi32, #tpu.memory_space<vmem>>
      %dma_start3A_1263 = tpu.memref_squeeze %dma_start3A_1262 : memref<1x128xi32, #tpu.memory_space<vmem>> -> memref<128xi32, #tpu.memory_space<vmem>>
      %dma_start3A_1264 = arith.constant 0 : i32
      %dma_start3A_1265 = arith.constant 0 : i32
      %dma_start3A_1266 = tpu.memref_slice %arg2[%dma_start3A_1264, %dma_start3A_1265] : memref<10000x128xf32, #tpu.memory_space<hbm>> -> memref<10000x128xf32, #tpu.memory_space<hbm>>
      tpu.enqueue_indirect_dma source(%dma_start3A_1266 : memref<10000x128xf32, #tpu.memory_space<hbm>>) target(%dma_start3A_1260 : memref<128x128xf32, #tpu.memory_space<vmem>>) offsets(%dma_start3A_1263 : memref<128xi32, #tpu.memory_space<vmem>>) semaphore(%arg14 : memref<!tpu.dma_semaphore, #tpu.memory_space<semaphore_mem>>)
      %get3A_1267 = arith.index_cast %add3A_1241 : i32 to index
      %get3A_1268 = arith.constant 0 : index
      %get3A_1269 = tpu.vector_load %arg11[%get3A_1267, %get3A_1268] {strides = array<i32>} : memref<16x128xi32, #tpu.memory_space<vmem>>, vector<16xi32>,
      %broadcast_in_dim3A_1270 = arith.constant true
      %broadcast_in_dim3A_1271 = vector.broadcast %broadcast_in_dim3A_1270 : i1 to vector<16xi1>
      %unique3A_1272, %unique3A_1273 = tpu.scan_count mask(%broadcast_in_dim3A_1271 : vector<16xi1>) value(%get3A_1269 : vector<16xi32>) : vector<16xi1>, vector<16xi32>
      %convert_element_type3A_1274 = arith.sitofp %unique3A_1273 : vector<16xi32> to vector<16xf32>
      tpu.vector_store_idx %arg13[%get3A_1269], %convert_element_type3A_1274 masked %unique3A_1272 {add = true} : memref<10032xf32, #tpu.memory_space<vmem>>[vector<16xi32>], vector<16xf32>, vector<16xi1>
      %get3A_1275 = arith.index_cast %add3A_1241 : i32 to index
      %get3A_1276 = arith.constant 16 : index
      %get3A_1277 = tpu.vector_load %arg11[%get3A_1275, %get3A_1276] {strides = array<i32>} : memref<16x128xi32, #tpu.memory_space<vmem>>, vector<16xi32>,
      %broadcast_in_dim3A_1278 = arith.constant true
      %broadcast_in_dim3A_1279 = vector.broadcast %broadcast_in_dim3A_1278 : i1 to vector<16xi1>
      %unique3A_1280, %unique3A_1281 = tpu.scan_count mask(%broadcast_in_dim3A_1279 : vector<16xi1>) value(%get3A_1277 : vector<16xi32>) : vector<16xi1>, vector<16xi32>
      %convert_element_type3A_1282 = arith.sitofp %unique3A_1281 : vector<16xi32> to vector<16xf32>
      tpu.vector_store_idx %arg13[%get3A_1277], %convert_element_type3A_1282 masked %unique3A_1280 {add = true} : memref<10032xf32, #tpu.memory_space<vmem>>[vector<16xi32>], vector<16xf32>, vector<16xi1>
      %get3A_1283 = arith.index_cast %add3A_1241 : i32 to index
      %get3A_1284 = arith.constant 32 : index
      %get3A_1285 = tpu.vector_load %arg11[%get3A_1283, %get3A_1284] {strides = array<i32>} : memref<16x128xi32, #tpu.memory_space<vmem>>, vector<16xi32>,
      %broadcast_in_dim3A_1286 = arith.constant true
      %broadcast_in_dim3A_1287 = vector.broadcast %broadcast_in_dim3A_1286 : i1 to vector<16xi1>
      %unique3A_1288, %unique3A_1289 = tpu.scan_count mask(%broadcast_in_dim3A_1287 : vector<16xi1>) value(%get3A_1285 : vector<16xi32>) : vector<16xi1>, vector<16xi32>
      %convert_element_type3A_1290 = arith.sitofp %unique3A_1289 : vector<16xi32> to vector<16xf32>
      tpu.vector_store_idx %arg13[%get3A_1285], %convert_element_type3A_1290 masked %unique3A_1288 {add = true} : memref<10032xf32, #tpu.memory_space<vmem>>[vector<16xi32>], vector<16xf32>, vector<16xi1>
      %get3A_1291 = arith.index_cast %add3A_1241 : i32 to index
      %get3A_1292 = arith.constant 48 : index
      %get3A_1293 = tpu.vector_load %arg11[%get3A_1291, %get3A_1292] {strides = array<i32>} : memref<16x128xi32, #tpu.memory_space<vmem>>, vector<16xi32>,
      %broadcast_in_dim3A_1294 = arith.constant true
      %broadcast_in_dim3A_1295 = vector.broadcast %broadcast_in_dim3A_1294 : i1 to vector<16xi1>
      %unique3A_1296, %unique3A_1297 = tpu.scan_count mask(%broadcast_in_dim3A_1295 : vector<16xi1>) value(%get3A_1293 : vector<16xi32>) : vector<16xi1>, vector<16xi32>
      %convert_element_type3A_1298 = arith.sitofp %unique3A_1297 : vector<16xi32> to vector<16xf32>
      tpu.vector_store_idx %arg13[%get3A_1293], %convert_element_type3A_1298 masked %unique3A_1296 {add = true} : memref<10032xf32, #tpu.memory_space<vmem>>[vector<16xi32>], vector<16xf32>, vector<16xi1>
      %get3A_1299 = arith.index_cast %add3A_1241 : i32 to index
      %get3A_1300 = arith.constant 64 : index
      %get3A_1301 = tpu.vector_load %arg11[%get3A_1299, %get3A_1300] {strides = array<i32>} : memref<16x128xi32, #tpu.memory_space<vmem>>, vector<16xi32>,
      %broadcast_in_dim3A_1302 = arith.constant true
      %broadcast_in_dim3A_1303 = vector.broadcast %broadcast_in_dim3A_1302 : i1 to vector<16xi1>
      %unique3A_1304, %unique3A_1305 = tpu.scan_count mask(%broadcast_in_dim3A_1303 : vector<16xi1>) value(%get3A_1301 : vector<16xi32>) : vector<16xi1>, vector<16xi32>
      %convert_element_type3A_1306 = arith.sitofp %unique3A_1305 : vector<16xi32> to vector<16xf32>
      tpu.vector_store_idx %arg13[%get3A_1301], %convert_element_type3A_1306 masked %unique3A_1304 {add = true} : memref<10032xf32, #tpu.memory_space<vmem>>[vector<16xi32>], vector<16xf32>, vector<16xi1>
      %get3A_1307 = arith.index_cast %add3A_1241 : i32 to index
      %get3A_1308 = arith.constant 80 : index
      %get3A_1309 = tpu.vector_load %arg11[%get3A_1307, %get3A_1308] {strides = array<i32>} : memref<16x128xi32, #tpu.memory_space<vmem>>, vector<16xi32>,
      %broadcast_in_dim3A_1310 = arith.constant true
      %broadcast_in_dim3A_1311 = vector.broadcast %broadcast_in_dim3A_1310 : i1 to vector<16xi1>
      %unique3A_1312, %unique3A_1313 = tpu.scan_count mask(%broadcast_in_dim3A_1311 : vector<16xi1>) value(%get3A_1309 : vector<16xi32>) : vector<16xi1>, vector<16xi32>
      %convert_element_type3A_1314 = arith.sitofp %unique3A_1313 : vector<16xi32> to vector<16xf32>
      tpu.vector_store_idx %arg13[%get3A_1309], %convert_element_type3A_1314 masked %unique3A_1312 {add = true} : memref<10032xf32, #tpu.memory_space<vmem>>[vector<16xi32>], vector<16xf32>, vector<16xi1>
      %get3A_1315 = arith.index_cast %add3A_1241 : i32 to index
      %get3A_1316 = arith.constant 96 : index
      %get3A_1317 = tpu.vector_load %arg11[%get3A_1315, %get3A_1316] {strides = array<i32>} : memref<16x128xi32, #tpu.memory_space<vmem>>, vector<16xi32>,
      %broadcast_in_dim3A_1318 = arith.constant true
      %broadcast_in_dim3A_1319 = vector.broadcast %broadcast_in_dim3A_1318 : i1 to vector<16xi1>
      %unique3A_1320, %unique3A_1321 = tpu.scan_count mask(%broadcast_in_dim3A_1319 : vector<16xi1>) value(%get3A_1317 : vector<16xi32>) : vector<16xi1>, vector<16xi32>
      %convert_element_type3A_1322 = arith.sitofp %unique3A_1321 : vector<16xi32> to vector<16xf32>
      tpu.vector_store_idx %arg13[%get3A_1317], %convert_element_type3A_1322 masked %unique3A_1320 {add = true} : memref<10032xf32, #tpu.memory_space<vmem>>[vector<16xi32>], vector<16xf32>, vector<16xi1>
      %get3A_1323 = arith.index_cast %add3A_1241 : i32 to index
      %get3A_1324 = arith.constant 112 : index
      %get3A_1325 = tpu.vector_load %arg11[%get3A_1323, %get3A_1324] {strides = array<i32>} : memref<16x128xi32, #tpu.memory_space<vmem>>, vector<16xi32>,
      %broadcast_in_dim3A_1326 = arith.constant true
      %broadcast_in_dim3A_1327 = vector.broadcast %broadcast_in_dim3A_1326 : i1 to vector<16xi1>
      %unique3A_1328, %unique3A_1329 = tpu.scan_count mask(%broadcast_in_dim3A_1327 : vector<16xi1>) value(%get3A_1325 : vector<16xi32>) : vector<16xi1>, vector<16xi32>
      %convert_element_type3A_1330 = arith.sitofp %unique3A_1329 : vector<16xi32> to vector<16xf32>
      tpu.vector_store_idx %arg13[%get3A_1325], %convert_element_type3A_1330 masked %unique3A_1328 {add = true} : memref<10032xf32, #tpu.memory_space<vmem>>[vector<16xi32>], vector<16xf32>, vector<16xi1>
      %dma_wait3A_1331 = arith.constant 1 : i32
      %dma_wait3A_1332 = arith.constant 0 : i32
      %dma_wait3A_1333 = arith.constant 0 : i32
      %dma_wait3A_1334 = tpu.memref_slice %arg12[%dma_wait3A_1331, %dma_wait3A_1332, %dma_wait3A_1333] : memref<2x128x128xf32, #tpu.memory_space<vmem>> -> memref<1x128x128xf32, #tpu.memory_space<vmem>>
      %dma_wait3A_1335 = tpu.memref_squeeze %dma_wait3A_1334 : memref<1x128x128xf32, #tpu.memory_space<vmem>> -> memref<128x128xf32, #tpu.memory_space<vmem>>
      %dma_wait3A_1336 = arith.constant 0 : i32
      %dma_wait3A_1337 = tpu.memref_slice %arg10[%add3A_1241, %dma_wait3A_1336] : memref<16x128xi32, #tpu.memory_space<vmem>> -> memref<1x128xi32, #tpu.memory_space<vmem>>
      %dma_wait3A_1338 = tpu.memref_squeeze %dma_wait3A_1337 : memref<1x128xi32, #tpu.memory_space<vmem>> -> memref<128xi32, #tpu.memory_space<vmem>>
      %dma_wait3A_1339 = arith.constant 0 : i32
      %dma_wait3A_1340 = arith.constant 0 : i32
      %dma_wait3A_1341 = tpu.memref_slice %arg2[%dma_wait3A_1339, %dma_wait3A_1340] : memref<10000x128xf32, #tpu.memory_space<hbm>> -> memref<10000x128xf32, #tpu.memory_space<hbm>>
      tpu.wait_indirect_dma semaphore(%arg15 : memref<!tpu.dma_semaphore, #tpu.memory_space<semaphore_mem>>) src(%dma_wait3A_1341 : memref<10000x128xf32, #tpu.memory_space<hbm>>) dst(%dma_wait3A_1335 : memref<128x128xf32, #tpu.memory_space<vmem>>)
      %dma_start3A_1342 = arith.constant 1 : i32
      %dma_start3A_1343 = arith.constant 0 : i32
      %dma_start3A_1344 = arith.constant 0 : i32
      %dma_start3A_1345 = tpu.memref_slice %arg12[%dma_start3A_1342, %dma_start3A_1343, %dma_start3A_1344] : memref<2x128x128xf32, #tpu.memory_space<vmem>> -> memref<1x128x128xf32, #tpu.memory_space<vmem>>
      %dma_start3A_1346 = tpu.memref_squeeze %dma_start3A_1345 : memref<1x128x128xf32, #tpu.memory_space<vmem>> -> memref<128x128xf32, #tpu.memory_space<vmem>>
      %dma_start3A_1347 = arith.constant 0 : i32
      %dma_start3A_1348 = tpu.memref_slice %arg11[%add3A_1241, %dma_start3A_1347] : memref<16x128xi32, #tpu.memory_space<vmem>> -> memref<1x128xi32, #tpu.memory_space<vmem>>
      %dma_start3A_1349 = tpu.memref_squeeze %dma_start3A_1348 : memref<1x128xi32, #tpu.memory_space<vmem>> -> memref<128xi32, #tpu.memory_space<vmem>>
      %dma_start3A_1350 = arith.constant 0 : i32
      %dma_start3A_1351 = arith.constant 0 : i32
      %dma_start3A_1352 = tpu.memref_slice %arg9[%dma_start3A_1350, %dma_start3A_1351] : memref<10016x128xf32, #tpu.memory_space<vmem_shared>> -> memref<10016x128xf32, #tpu.memory_space<vmem_shared>>
      tpu.enqueue_indirect_dma source(%dma_start3A_1346 : memref<128x128xf32, #tpu.memory_space<vmem>>) target(%dma_start3A_1352 : memref<10016x128xf32, #tpu.memory_space<vmem_shared>>) offsets(%dma_start3A_1349 : memref<128xi32, #tpu.memory_space<vmem>>) semaphore(%arg17 : memref<!tpu.dma_semaphore, #tpu.memory_space<semaphore_mem>>) {add = true}
      %mul3A_1353 = arith.constant 2 : i32
      %mul3A_1354 = arith.muli %mul3A_1353, %scan3A_1237 : i32
      %add3A_1355 = arith.constant 2 : i32
      %add3A_1356 = arith.addi %mul3A_1354, %add3A_1355 : i32
      %sub3A_1357 = arith.constant 1 : i32
      %sub3A_1358 = arith.subi %add3A_1356, %sub3A_1357 : i32
      %dma_wait3A_1359 = arith.constant 1 : i32
      %dma_wait3A_1360 = arith.constant 0 : i32
      %dma_wait3A_1361 = arith.constant 0 : i32
      %dma_wait3A_1362 = tpu.memref_slice %arg12[%dma_wait3A_1359, %dma_wait3A_1360, %dma_wait3A_1361] : memref<2x128x128xf32, #tpu.memory_space<vmem>> -> memref<1x128x128xf32, #tpu.memory_space<vmem>>
      %dma_wait3A_1363 = tpu.memref_squeeze %dma_wait3A_1362 : memref<1x128x128xf32, #tpu.memory_space<vmem>> -> memref<128x128xf32, #tpu.memory_space<vmem>>
      %dma_wait3A_1364 = arith.constant 0 : i32
      %dma_wait3A_1365 = tpu.memref_slice %arg11[%sub3A_1358, %dma_wait3A_1364] : memref<16x128xi32, #tpu.memory_space<vmem>> -> memref<1x128xi32, #tpu.memory_space<vmem>>
      %dma_wait3A_1366 = tpu.memref_squeeze %dma_wait3A_1365 : memref<1x128xi32, #tpu.memory_space<vmem>> -> memref<128xi32, #tpu.memory_space<vmem>>
      %dma_wait3A_1367 = arith.constant 0 : i32
      %dma_wait3A_1368 = arith.constant 0 : i32
      %dma_wait3A_1369 = tpu.memref_slice %arg9[%dma_wait3A_1367, %dma_wait3A_1368] : memref<10016x128xf32, #tpu.memory_space<vmem_shared>> -> memref<10016x128xf32, #tpu.memory_space<vmem_shared>>
      tpu.wait_indirect_dma semaphore(%arg17 : memref<!tpu.dma_semaphore, #tpu.memory_space<semaphore_mem>>) src(%dma_wait3A_1363 : memref<128x128xf32, #tpu.memory_space<vmem>>) dst(%dma_wait3A_1369 : memref<10016x128xf32, #tpu.memory_space<vmem_shared>>)
      %add3A_1370 = arith.constant 1 : i32
      %add3A_1371 = arith.addi %add3A_1356, %add3A_1370 : i32
      %dma_start3A_1372 = arith.constant 1 : i32
      %dma_start3A_1373 = arith.constant 0 : i32
      %dma_start3A_1374 = arith.constant 0 : i32
      %dma_start3A_1375 = tpu.memref_slice %arg12[%dma_start3A_1372, %dma_start3A_1373, %dma_start3A_1374] : memref<2x128x128xf32, #tpu.memory_space<vmem>> -> memref<1x128x128xf32, #tpu.memory_space<vmem>>
      %dma_start3A_1376 = tpu.memref_squeeze %dma_start3A_1375 : memref<1x128x128xf32, #tpu.memory_space<vmem>> -> memref<128x128xf32, #tpu.memory_space<vmem>>
      %dma_start3A_1377 = arith.constant 0 : i32
      %dma_start3A_1378 = tpu.memref_slice %arg10[%add3A_1371, %dma_start3A_1377] : memref<16x128xi32, #tpu.memory_space<vmem>> -> memref<1x128xi32, #tpu.memory_space<vmem>>
      %dma_start3A_1379 = tpu.memref_squeeze %dma_start3A_1378 : memref<1x128xi32, #tpu.memory_space<vmem>> -> memref<128xi32, #tpu.memory_space<vmem>>
      %dma_start3A_1380 = arith.constant 0 : i32
      %dma_start3A_1381 = arith.constant 0 : i32
      %dma_start3A_1382 = tpu.memref_slice %arg2[%dma_start3A_1380, %dma_start3A_1381] : memref<10000x128xf32, #tpu.memory_space<hbm>> -> memref<10000x128xf32, #tpu.memory_space<hbm>>
      tpu.enqueue_indirect_dma source(%dma_start3A_1382 : memref<10000x128xf32, #tpu.memory_space<hbm>>) target(%dma_start3A_1376 : memref<128x128xf32, #tpu.memory_space<vmem>>) offsets(%dma_start3A_1379 : memref<128xi32, #tpu.memory_space<vmem>>) semaphore(%arg15 : memref<!tpu.dma_semaphore, #tpu.memory_space<semaphore_mem>>)
      %get3A_1383 = arith.index_cast %add3A_1356 : i32 to index
      %get3A_1384 = arith.constant 0 : index
      %get3A_1385 = tpu.vector_load %arg11[%get3A_1383, %get3A_1384] {strides = array<i32>} : memref<16x128xi32, #tpu.memory_space<vmem>>, vector<16xi32>,
      %broadcast_in_dim3A_1386 = arith.constant true
      %broadcast_in_dim3A_1387 = vector.broadcast %broadcast_in_dim3A_1386 : i1 to vector<16xi1>
      %unique3A_1388, %unique3A_1389 = tpu.scan_count mask(%broadcast_in_dim3A_1387 : vector<16xi1>) value(%get3A_1385 : vector<16xi32>) : vector<16xi1>, vector<16xi32>
      %convert_element_type3A_1390 = arith.sitofp %unique3A_1389 : vector<16xi32> to vector<16xf32>
      tpu.vector_store_idx %arg13[%get3A_1385], %convert_element_type3A_1390 masked %unique3A_1388 {add = true} : memref<10032xf32, #tpu.memory_space<vmem>>[vector<16xi32>], vector<16xf32>, vector<16xi1>
      %get3A_1391 = arith.index_cast %add3A_1356 : i32 to index
      %get3A_1392 = arith.constant 16 : index
      %get3A_1393 = tpu.vector_load %arg11[%get3A_1391, %get3A_1392] {strides = array<i32>} : memref<16x128xi32, #tpu.memory_space<vmem>>, vector<16xi32>,
      %broadcast_in_dim3A_1394 = arith.constant true
      %broadcast_in_dim3A_1395 = vector.broadcast %broadcast_in_dim3A_1394 : i1 to vector<16xi1>
      %unique3A_1396, %unique3A_1397 = tpu.scan_count mask(%broadcast_in_dim3A_1395 : vector<16xi1>) value(%get3A_1393 : vector<16xi32>) : vector<16xi1>, vector<16xi32>
      %convert_element_type3A_1398 = arith.sitofp %unique3A_1397 : vector<16xi32> to vector<16xf32>
      tpu.vector_store_idx %arg13[%get3A_1393], %convert_element_type3A_1398 masked %unique3A_1396 {add = true} : memref<10032xf32, #tpu.memory_space<vmem>>[vector<16xi32>], vector<16xf32>, vector<16xi1>
      %get3A_1399 = arith.index_cast %add3A_1356 : i32 to index
      %get3A_1400 = arith.constant 32 : index
      %get3A_1401 = tpu.vector_load %arg11[%get3A_1399, %get3A_1400] {strides = array<i32>} : memref<16x128xi32, #tpu.memory_space<vmem>>, vector<16xi32>,
      %broadcast_in_dim3A_1402 = arith.constant true
      %broadcast_in_dim3A_1403 = vector.broadcast %broadcast_in_dim3A_1402 : i1 to vector<16xi1>
      %unique3A_1404, %unique3A_1405 = tpu.scan_count mask(%broadcast_in_dim3A_1403 : vector<16xi1>) value(%get3A_1401 : vector<16xi32>) : vector<16xi1>, vector<16xi32>
      %convert_element_type3A_1406 = arith.sitofp %unique3A_1405 : vector<16xi32> to vector<16xf32>
      tpu.vector_store_idx %arg13[%get3A_1401], %convert_element_type3A_1406 masked %unique3A_1404 {add = true} : memref<10032xf32, #tpu.memory_space<vmem>>[vector<16xi32>], vector<16xf32>, vector<16xi1>
      %get3A_1407 = arith.index_cast %add3A_1356 : i32 to index
      %get3A_1408 = arith.constant 48 : index
      %get3A_1409 = tpu.vector_load %arg11[%get3A_1407, %get3A_1408] {strides = array<i32>} : memref<16x128xi32, #tpu.memory_space<vmem>>, vector<16xi32>,
      %broadcast_in_dim3A_1410 = arith.constant true
      %broadcast_in_dim3A_1411 = vector.broadcast %broadcast_in_dim3A_1410 : i1 to vector<16xi1>
      %unique3A_1412, %unique3A_1413 = tpu.scan_count mask(%broadcast_in_dim3A_1411 : vector<16xi1>) value(%get3A_1409 : vector<16xi32>) : vector<16xi1>, vector<16xi32>
      %convert_element_type3A_1414 = arith.sitofp %unique3A_1413 : vector<16xi32> to vector<16xf32>
      tpu.vector_store_idx %arg13[%get3A_1409], %convert_element_type3A_1414 masked %unique3A_1412 {add = true} : memref<10032xf32, #tpu.memory_space<vmem>>[vector<16xi32>], vector<16xf32>, vector<16xi1>
      %get3A_1415 = arith.index_cast %add3A_1356 : i32 to index
      %get3A_1416 = arith.constant 64 : index
      %get3A_1417 = tpu.vector_load %arg11[%get3A_1415, %get3A_1416] {strides = array<i32>} : memref<16x128xi32, #tpu.memory_space<vmem>>, vector<16xi32>,
      %broadcast_in_dim3A_1418 = arith.constant true
      %broadcast_in_dim3A_1419 = vector.broadcast %broadcast_in_dim3A_1418 : i1 to vector<16xi1>
      %unique3A_1420, %unique3A_1421 = tpu.scan_count mask(%broadcast_in_dim3A_1419 : vector<16xi1>) value(%get3A_1417 : vector<16xi32>) : vector<16xi1>, vector<16xi32>
      %convert_element_type3A_1422 = arith.sitofp %unique3A_1421 : vector<16xi32> to vector<16xf32>
      tpu.vector_store_idx %arg13[%get3A_1417], %convert_element_type3A_1422 masked %unique3A_1420 {add = true} : memref<10032xf32, #tpu.memory_space<vmem>>[vector<16xi32>], vector<16xf32>, vector<16xi1>
      %get3A_1423 = arith.index_cast %add3A_1356 : i32 to index
      %get3A_1424 = arith.constant 80 : index
      %get3A_1425 = tpu.vector_load %arg11[%get3A_1423, %get3A_1424] {strides = array<i32>} : memref<16x128xi32, #tpu.memory_space<vmem>>, vector<16xi32>,
      %broadcast_in_dim3A_1426 = arith.constant true
      %broadcast_in_dim3A_1427 = vector.broadcast %broadcast_in_dim3A_1426 : i1 to vector<16xi1>
      %unique3A_1428, %unique3A_1429 = tpu.scan_count mask(%broadcast_in_dim3A_1427 : vector<16xi1>) value(%get3A_1425 : vector<16xi32>) : vector<16xi1>, vector<16xi32>
      %convert_element_type3A_1430 = arith.sitofp %unique3A_1429 : vector<16xi32> to vector<16xf32>
      tpu.vector_store_idx %arg13[%get3A_1425], %convert_element_type3A_1430 masked %unique3A_1428 {add = true} : memref<10032xf32, #tpu.memory_space<vmem>>[vector<16xi32>], vector<16xf32>, vector<16xi1>
      %get3A_1431 = arith.index_cast %add3A_1356 : i32 to index
      %get3A_1432 = arith.constant 96 : index
      %get3A_1433 = tpu.vector_load %arg11[%get3A_1431, %get3A_1432] {strides = array<i32>} : memref<16x128xi32, #tpu.memory_space<vmem>>, vector<16xi32>,
      %broadcast_in_dim3A_1434 = arith.constant true
      %broadcast_in_dim3A_1435 = vector.broadcast %broadcast_in_dim3A_1434 : i1 to vector<16xi1>
      %unique3A_1436, %unique3A_1437 = tpu.scan_count mask(%broadcast_in_dim3A_1435 : vector<16xi1>) value(%get3A_1433 : vector<16xi32>) : vector<16xi1>, vector<16xi32>
      %convert_element_type3A_1438 = arith.sitofp %unique3A_1437 : vector<16xi32> to vector<16xf32>
      tpu.vector_store_idx %arg13[%get3A_1433], %convert_element_type3A_1438 masked %unique3A_1436 {add = true} : memref<10032xf32, #tpu.memory_space<vmem>>[vector<16xi32>], vector<16xf32>, vector<16xi1>
      %get3A_1439 = arith.index_cast %add3A_1356 : i32 to index
      %get3A_1440 = arith.constant 112 : index
      %get3A_1441 = tpu.vector_load %arg11[%get3A_1439, %get3A_1440] {strides = array<i32>} : memref<16x128xi32, #tpu.memory_space<vmem>>, vector<16xi32>,
      %broadcast_in_dim3A_1442 = arith.constant true
      %broadcast_in_dim3A_1443 = vector.broadcast %broadcast_in_dim3A_1442 : i1 to vector<16xi1>
      %unique3A_1444, %unique3A_1445 = tpu.scan_count mask(%broadcast_in_dim3A_1443 : vector<16xi1>) value(%get3A_1441 : vector<16xi32>) : vector<16xi1>, vector<16xi32>
      %convert_element_type3A_1446 = arith.sitofp %unique3A_1445 : vector<16xi32> to vector<16xf32>
      tpu.vector_store_idx %arg13[%get3A_1441], %convert_element_type3A_1446 masked %unique3A_1444 {add = true} : memref<10032xf32, #tpu.memory_space<vmem>>[vector<16xi32>], vector<16xf32>, vector<16xi1>
      %dma_wait3A_1447 = arith.constant 0 : i32
      %dma_wait3A_1448 = arith.constant 0 : i32
      %dma_wait3A_1449 = arith.constant 0 : i32
      %dma_wait3A_1450 = tpu.memref_slice %arg12[%dma_wait3A_1447, %dma_wait3A_1448, %dma_wait3A_1449] : memref<2x128x128xf32, #tpu.memory_space<vmem>> -> memref<1x128x128xf32, #tpu.memory_space<vmem>>
      %dma_wait3A_1451 = tpu.memref_squeeze %dma_wait3A_1450 : memref<1x128x128xf32, #tpu.memory_space<vmem>> -> memref<128x128xf32, #tpu.memory_space<vmem>>
      %dma_wait3A_1452 = arith.constant 0 : i32
      %dma_wait3A_1453 = tpu.memref_slice %arg10[%add3A_1356, %dma_wait3A_1452] : memref<16x128xi32, #tpu.memory_space<vmem>> -> memref<1x128xi32, #tpu.memory_space<vmem>>
      %dma_wait3A_1454 = tpu.memref_squeeze %dma_wait3A_1453 : memref<1x128xi32, #tpu.memory_space<vmem>> -> memref<128xi32, #tpu.memory_space<vmem>>
      %dma_wait3A_1455 = arith.constant 0 : i32
      %dma_wait3A_1456 = arith.constant 0 : i32
      %dma_wait3A_1457 = tpu.memref_slice %arg2[%dma_wait3A_1455, %dma_wait3A_1456] : memref<10000x128xf32, #tpu.memory_space<hbm>> -> memref<10000x128xf32, #tpu.memory_space<hbm>>
      tpu.wait_indirect_dma semaphore(%arg14 : memref<!tpu.dma_semaphore, #tpu.memory_space<semaphore_mem>>) src(%dma_wait3A_1457 : memref<10000x128xf32, #tpu.memory_space<hbm>>) dst(%dma_wait3A_1451 : memref<128x128xf32, #tpu.memory_space<vmem>>)
      %dma_start3A_1458 = arith.constant 0 : i32
      %dma_start3A_1459 = arith.constant 0 : i32
      %dma_start3A_1460 = arith.constant 0 : i32
      %dma_start3A_1461 = tpu.memref_slice %arg12[%dma_start3A_1458, %dma_start3A_1459, %dma_start3A_1460] : memref<2x128x128xf32, #tpu.memory_space<vmem>> -> memref<1x128x128xf32, #tpu.memory_space<vmem>>
      %dma_start3A_1462 = tpu.memref_squeeze %dma_start3A_1461 : memref<1x128x128xf32, #tpu.memory_space<vmem>> -> memref<128x128xf32, #tpu.memory_space<vmem>>
      %dma_start3A_1463 = arith.constant 0 : i32
      %dma_start3A_1464 = tpu.memref_slice %arg11[%add3A_1356, %dma_start3A_1463] : memref<16x128xi32, #tpu.memory_space<vmem>> -> memref<1x128xi32, #tpu.memory_space<vmem>>
      %dma_start3A_1465 = tpu.memref_squeeze %dma_start3A_1464 : memref<1x128xi32, #tpu.memory_space<vmem>> -> memref<128xi32, #tpu.memory_space<vmem>>
      %dma_start3A_1466 = arith.constant 0 : i32
      %dma_start3A_1467 = arith.constant 0 : i32
      %dma_start3A_1468 = tpu.memref_slice %arg9[%dma_start3A_1466, %dma_start3A_1467] : memref<10016x128xf32, #tpu.memory_space<vmem_shared>> -> memref<10016x128xf32, #tpu.memory_space<vmem_shared>>
      tpu.enqueue_indirect_dma source(%dma_start3A_1462 : memref<128x128xf32, #tpu.memory_space<vmem>>) target(%dma_start3A_1468 : memref<10016x128xf32, #tpu.memory_space<vmem_shared>>) offsets(%dma_start3A_1465 : memref<128xi32, #tpu.memory_space<vmem>>) semaphore(%arg16 : memref<!tpu.dma_semaphore, #tpu.memory_space<semaphore_mem>>) {add = true}
    }
    %scan3A_124 = arith.constant 7 : i32
    %dma_wait3A_125 = arith.constant 0 : i32
    %dma_wait3A_126 = arith.constant 14 : i32
    %dma_wait3A_127 = arith.constant 0 : i32
    %dma_wait3A_128 = arith.constant 0 : i32
    %dma_wait3A_129 = tpu.memref_slice %arg12[%dma_wait3A_125, %dma_wait3A_127, %dma_wait3A_128] : memref<2x128x128xf32, #tpu.memory_space<vmem>> -> memref<1x128x128xf32, #tpu.memory_space<vmem>>
    %dma_wait3A_130 = tpu.memref_squeeze %dma_wait3A_129 : memref<1x128x128xf32, #tpu.memory_space<vmem>> -> memref<128x128xf32, #tpu.memory_space<vmem>>
    %dma_wait3A_131 = arith.constant 0 : i32
    %dma_wait3A_132 = tpu.memref_slice %arg11[%dma_wait3A_126, %dma_wait3A_131] : memref<16x128xi32, #tpu.memory_space<vmem>> -> memref<1x128xi32, #tpu.memory_space<vmem>>
    %dma_wait3A_133 = tpu.memref_squeeze %dma_wait3A_132 : memref<1x128xi32, #tpu.memory_space<vmem>> -> memref<128xi32, #tpu.memory_space<vmem>>
    %dma_wait3A_134 = arith.constant 0 : i32
    %dma_wait3A_135 = arith.constant 0 : i32
    %dma_wait3A_136 = tpu.memref_slice %arg9[%dma_wait3A_134, %dma_wait3A_135] : memref<10016x128xf32, #tpu.memory_space<vmem_shared>> -> memref<10016x128xf32, #tpu.memory_space<vmem_shared>>
    tpu.wait_indirect_dma semaphore(%arg16 : memref<!tpu.dma_semaphore, #tpu.memory_space<semaphore_mem>>) src(%dma_wait3A_130 : memref<128x128xf32, #tpu.memory_space<vmem>>) dst(%dma_wait3A_136 : memref<10016x128xf32, #tpu.memory_space<vmem_shared>>)
    %get3A_137 = arith.constant 15 : i32
    %get3A_138 = arith.index_cast %get3A_137 : i32 to index
    %get3A_139 = arith.constant 0 : index
    %get3A_140 = tpu.vector_load %arg11[%get3A_138, %get3A_139] {strides = array<i32>} : memref<16x128xi32, #tpu.memory_space<vmem>>, vector<16xi32>,
    %broadcast_in_dim3A_141 = arith.constant true
    %broadcast_in_dim3A_142 = vector.broadcast %broadcast_in_dim3A_141 : i1 to vector<16xi1>
    %unique3A_143, %unique3A_144 = tpu.scan_count mask(%broadcast_in_dim3A_142 : vector<16xi1>) value(%get3A_140 : vector<16xi32>) : vector<16xi1>, vector<16xi32>
    %convert_element_type3A_145 = arith.sitofp %unique3A_144 : vector<16xi32> to vector<16xf32>
    tpu.vector_store_idx %arg13[%get3A_140], %convert_element_type3A_145 masked %unique3A_143 {add = true} : memref<10032xf32, #tpu.memory_space<vmem>>[vector<16xi32>], vector<16xf32>, vector<16xi1>
    %get3A_146 = arith.constant 15 : i32
    %get3A_147 = arith.index_cast %get3A_146 : i32 to index
    %get3A_148 = arith.constant 16 : index
    %get3A_149 = tpu.vector_load %arg11[%get3A_147, %get3A_148] {strides = array<i32>} : memref<16x128xi32, #tpu.memory_space<vmem>>, vector<16xi32>,
    %broadcast_in_dim3A_150 = arith.constant true
    %broadcast_in_dim3A_151 = vector.broadcast %broadcast_in_dim3A_150 : i1 to vector<16xi1>
    %unique3A_152, %unique3A_153 = tpu.scan_count mask(%broadcast_in_dim3A_151 : vector<16xi1>) value(%get3A_149 : vector<16xi32>) : vector<16xi1>, vector<16xi32>
    %convert_element_type3A_154 = arith.sitofp %unique3A_153 : vector<16xi32> to vector<16xf32>
    tpu.vector_store_idx %arg13[%get3A_149], %convert_element_type3A_154 masked %unique3A_152 {add = true} : memref<10032xf32, #tpu.memory_space<vmem>>[vector<16xi32>], vector<16xf32>, vector<16xi1>
    %get3A_155 = arith.constant 15 : i32
    %get3A_156 = arith.index_cast %get3A_155 : i32 to index
    %get3A_157 = arith.constant 32 : index
    %get3A_158 = tpu.vector_load %arg11[%get3A_156, %get3A_157] {strides = array<i32>} : memref<16x128xi32, #tpu.memory_space<vmem>>, vector<16xi32>,
    %broadcast_in_dim3A_159 = arith.constant true
    %broadcast_in_dim3A_160 = vector.broadcast %broadcast_in_dim3A_159 : i1 to vector<16xi1>
    %unique3A_161, %unique3A_162 = tpu.scan_count mask(%broadcast_in_dim3A_160 : vector<16xi1>) value(%get3A_158 : vector<16xi32>) : vector<16xi1>, vector<16xi32>
    %convert_element_type3A_163 = arith.sitofp %unique3A_162 : vector<16xi32> to vector<16xf32>
    tpu.vector_store_idx %arg13[%get3A_158], %convert_element_type3A_163 masked %unique3A_161 {add = true} : memref<10032xf32, #tpu.memory_space<vmem>>[vector<16xi32>], vector<16xf32>, vector<16xi1>
    %get3A_164 = arith.constant 15 : i32
    %get3A_165 = arith.index_cast %get3A_164 : i32 to index
    %get3A_166 = arith.constant 48 : index
    %get3A_167 = tpu.vector_load %arg11[%get3A_165, %get3A_166] {strides = array<i32>} : memref<16x128xi32, #tpu.memory_space<vmem>>, vector<16xi32>,
    %broadcast_in_dim3A_168 = arith.constant true
    %broadcast_in_dim3A_169 = vector.broadcast %broadcast_in_dim3A_168 : i1 to vector<16xi1>
    %unique3A_170, %unique3A_171 = tpu.scan_count mask(%broadcast_in_dim3A_169 : vector<16xi1>) value(%get3A_167 : vector<16xi32>) : vector<16xi1>, vector<16xi32>
    %convert_element_type3A_172 = arith.sitofp %unique3A_171 : vector<16xi32> to vector<16xf32>
    tpu.vector_store_idx %arg13[%get3A_167], %convert_element_type3A_172 masked %unique3A_170 {add = true} : memref<10032xf32, #tpu.memory_space<vmem>>[vector<16xi32>], vector<16xf32>, vector<16xi1>
    %get3A_173 = arith.constant 15 : i32
    %get3A_174 = arith.index_cast %get3A_173 : i32 to index
    %get3A_175 = arith.constant 64 : index
    %get3A_176 = tpu.vector_load %arg11[%get3A_174, %get3A_175] {strides = array<i32>} : memref<16x128xi32, #tpu.memory_space<vmem>>, vector<16xi32>,
    %broadcast_in_dim3A_177 = arith.constant true
    %broadcast_in_dim3A_178 = vector.broadcast %broadcast_in_dim3A_177 : i1 to vector<16xi1>
    %unique3A_179, %unique3A_180 = tpu.scan_count mask(%broadcast_in_dim3A_178 : vector<16xi1>) value(%get3A_176 : vector<16xi32>) : vector<16xi1>, vector<16xi32>
    %convert_element_type3A_181 = arith.sitofp %unique3A_180 : vector<16xi32> to vector<16xf32>
    tpu.vector_store_idx %arg13[%get3A_176], %convert_element_type3A_181 masked %unique3A_179 {add = true} : memref<10032xf32, #tpu.memory_space<vmem>>[vector<16xi32>], vector<16xf32>, vector<16xi1>
    %get3A_182 = arith.constant 15 : i32
    %get3A_183 = arith.index_cast %get3A_182 : i32 to index
    %get3A_184 = arith.constant 80 : index
    %get3A_185 = tpu.vector_load %arg11[%get3A_183, %get3A_184] {strides = array<i32>} : memref<16x128xi32, #tpu.memory_space<vmem>>, vector<16xi32>,
    %broadcast_in_dim3A_186 = arith.constant true
    %broadcast_in_dim3A_187 = vector.broadcast %broadcast_in_dim3A_186 : i1 to vector<16xi1>
    %unique3A_188, %unique3A_189 = tpu.scan_count mask(%broadcast_in_dim3A_187 : vector<16xi1>) value(%get3A_185 : vector<16xi32>) : vector<16xi1>, vector<16xi32>
    %convert_element_type3A_190 = arith.sitofp %unique3A_189 : vector<16xi32> to vector<16xf32>
    tpu.vector_store_idx %arg13[%get3A_185], %convert_element_type3A_190 masked %unique3A_188 {add = true} : memref<10032xf32, #tpu.memory_space<vmem>>[vector<16xi32>], vector<16xf32>, vector<16xi1>
    %get3A_191 = arith.constant 15 : i32
    %get3A_192 = arith.index_cast %get3A_191 : i32 to index
    %get3A_193 = arith.constant 96 : index
    %get3A_194 = tpu.vector_load %arg11[%get3A_192, %get3A_193] {strides = array<i32>} : memref<16x128xi32, #tpu.memory_space<vmem>>, vector<16xi32>,
    %broadcast_in_dim3A_195 = arith.constant true
    %broadcast_in_dim3A_196 = vector.broadcast %broadcast_in_dim3A_195 : i1 to vector<16xi1>
    %unique3A_197, %unique3A_198 = tpu.scan_count mask(%broadcast_in_dim3A_196 : vector<16xi1>) value(%get3A_194 : vector<16xi32>) : vector<16xi1>, vector<16xi32>
    %convert_element_type3A_199 = arith.sitofp %unique3A_198 : vector<16xi32> to vector<16xf32>
    tpu.vector_store_idx %arg13[%get3A_194], %convert_element_type3A_199 masked %unique3A_197 {add = true} : memref<10032xf32, #tpu.memory_space<vmem>>[vector<16xi32>], vector<16xf32>, vector<16xi1>
    %get3A_200 = arith.constant 15 : i32
    %get3A_201 = arith.index_cast %get3A_200 : i32 to index
    %get3A_202 = arith.constant 112 : index
    %get3A_203 = tpu.vector_load %arg11[%get3A_201, %get3A_202] {strides = array<i32>} : memref<16x128xi32, #tpu.memory_space<vmem>>, vector<16xi32>,
    %broadcast_in_dim3A_204 = arith.constant true
    %broadcast_in_dim3A_205 = vector.broadcast %broadcast_in_dim3A_204 : i1 to vector<16xi1>
    %unique3A_206, %unique3A_207 = tpu.scan_count mask(%broadcast_in_dim3A_205 : vector<16xi1>) value(%get3A_203 : vector<16xi32>) : vector<16xi1>, vector<16xi32>
    %convert_element_type3A_208 = arith.sitofp %unique3A_207 : vector<16xi32> to vector<16xf32>
    tpu.vector_store_idx %arg13[%get3A_203], %convert_element_type3A_208 masked %unique3A_206 {add = true} : memref<10032xf32, #tpu.memory_space<vmem>>[vector<16xi32>], vector<16xf32>, vector<16xi1>
    %dma_wait3A_209 = arith.constant 15 : i32
    %dma_wait3A_210 = arith.constant 1 : i32
    %dma_wait3A_211 = arith.constant 0 : i32
    %dma_wait3A_212 = arith.constant 0 : i32
    %dma_wait3A_213 = tpu.memref_slice %arg12[%dma_wait3A_210, %dma_wait3A_211, %dma_wait3A_212] : memref<2x128x128xf32, #tpu.memory_space<vmem>> -> memref<1x128x128xf32, #tpu.memory_space<vmem>>
    %dma_wait3A_214 = tpu.memref_squeeze %dma_wait3A_213 : memref<1x128x128xf32, #tpu.memory_space<vmem>> -> memref<128x128xf32, #tpu.memory_space<vmem>>
    %dma_wait3A_215 = arith.constant 0 : i32
    %dma_wait3A_216 = tpu.memref_slice %arg10[%dma_wait3A_209, %dma_wait3A_215] : memref<16x128xi32, #tpu.memory_space<vmem>> -> memref<1x128xi32, #tpu.memory_space<vmem>>
    %dma_wait3A_217 = tpu.memref_squeeze %dma_wait3A_216 : memref<1x128xi32, #tpu.memory_space<vmem>> -> memref<128xi32, #tpu.memory_space<vmem>>
    %dma_wait3A_218 = arith.constant 0 : i32
    %dma_wait3A_219 = arith.constant 0 : i32
    %dma_wait3A_220 = tpu.memref_slice %arg2[%dma_wait3A_218, %dma_wait3A_219] : memref<10000x128xf32, #tpu.memory_space<hbm>> -> memref<10000x128xf32, #tpu.memory_space<hbm>>
    tpu.wait_indirect_dma semaphore(%arg15 : memref<!tpu.dma_semaphore, #tpu.memory_space<semaphore_mem>>) src(%dma_wait3A_220 : memref<10000x128xf32, #tpu.memory_space<hbm>>) dst(%dma_wait3A_214 : memref<128x128xf32, #tpu.memory_space<vmem>>)
    %dma_start3A_221 = arith.constant 1 : i32
    %dma_start3A_222 = arith.constant 15 : i32
    %dma_start3A_223 = arith.constant 0 : i32
    %dma_start3A_224 = arith.constant 0 : i32
    %dma_start3A_225 = tpu.memref_slice %arg12[%dma_start3A_221, %dma_start3A_223, %dma_start3A_224] : memref<2x128x128xf32, #tpu.memory_space<vmem>> -> memref<1x128x128xf32, #tpu.memory_space<vmem>>
    %dma_start3A_226 = tpu.memref_squeeze %dma_start3A_225 : memref<1x128x128xf32, #tpu.memory_space<vmem>> -> memref<128x128xf32, #tpu.memory_space<vmem>>
    %dma_start3A_227 = arith.constant 0 : i32
    %dma_start3A_228 = tpu.memref_slice %arg11[%dma_start3A_222, %dma_start3A_227] : memref<16x128xi32, #tpu.memory_space<vmem>> -> memref<1x128xi32, #tpu.memory_space<vmem>>
    %dma_start3A_229 = tpu.memref_squeeze %dma_start3A_228 : memref<1x128xi32, #tpu.memory_space<vmem>> -> memref<128xi32, #tpu.memory_space<vmem>>
    %dma_start3A_230 = arith.constant 0 : i32
    %dma_start3A_231 = arith.constant 0 : i32
    %dma_start3A_232 = tpu.memref_slice %arg9[%dma_start3A_230, %dma_start3A_231] : memref<10016x128xf32, #tpu.memory_space<vmem_shared>> -> memref<10016x128xf32, #tpu.memory_space<vmem_shared>>
    tpu.enqueue_indirect_dma source(%dma_start3A_226 : memref<128x128xf32, #tpu.memory_space<vmem>>) target(%dma_start3A_232 : memref<10016x128xf32, #tpu.memory_space<vmem_shared>>) offsets(%dma_start3A_229 : memref<128xi32, #tpu.memory_space<vmem>>) semaphore(%arg17 : memref<!tpu.dma_semaphore, #tpu.memory_space<semaphore_mem>>) {add = true}
    %dma_wait3A_233 = arith.constant 1 : i32
    %dma_wait3A_234 = arith.constant 15 : i32
    %dma_wait3A_235 = arith.constant 0 : i32
    %dma_wait3A_236 = arith.constant 0 : i32
    %dma_wait3A_237 = tpu.memref_slice %arg12[%dma_wait3A_233, %dma_wait3A_235, %dma_wait3A_236] : memref<2x128x128xf32, #tpu.memory_space<vmem>> -> memref<1x128x128xf32, #tpu.memory_space<vmem>>
    %dma_wait3A_238 = tpu.memref_squeeze %dma_wait3A_237 : memref<1x128x128xf32, #tpu.memory_space<vmem>> -> memref<128x128xf32, #tpu.memory_space<vmem>>
    %dma_wait3A_239 = arith.constant 0 : i32
    %dma_wait3A_240 = tpu.memref_slice %arg11[%dma_wait3A_234, %dma_wait3A_239] : memref<16x128xi32, #tpu.memory_space<vmem>> -> memref<1x128xi32, #tpu.memory_space<vmem>>
    %dma_wait3A_241 = tpu.memref_squeeze %dma_wait3A_240 : memref<1x128xi32, #tpu.memory_space<vmem>> -> memref<128xi32, #tpu.memory_space<vmem>>
    %dma_wait3A_242 = arith.constant 0 : i32
    %dma_wait3A_243 = arith.constant 0 : i32
    %dma_wait3A_244 = tpu.memref_slice %arg9[%dma_wait3A_242, %dma_wait3A_243] : memref<10016x128xf32, #tpu.memory_space<vmem_shared>> -> memref<10016x128xf32, #tpu.memory_space<vmem_shared>>
    tpu.wait_indirect_dma semaphore(%arg17 : memref<!tpu.dma_semaphore, #tpu.memory_space<semaphore_mem>>) src(%dma_wait3A_238 : memref<128x128xf32, #tpu.memory_space<vmem>>) dst(%dma_wait3A_244 : memref<10016x128xf32, #tpu.memory_space<vmem_shared>>)
    "tpu.region"() ({
      %run_scoped3A = tpu.sem_alloc : memref<!tpu.dma_semaphore, #tpu.memory_space<semaphore_mem>>
      %dma_start3A_1237 = arith.constant 16 : i32
      %dma_start3A_1238 = arith.constant 0 : i32
      %dma_start3A_1239 = tpu.memref_slice %arg3[%add3A, %dma_start3A_1237, %dma_start3A_1238] : memref<32x80x128xi32, #tpu.memory_space<hbm>> -> memref<1x16x128xi32, #tpu.memory_space<hbm>>
      %dma_start3A_1240 = tpu.memref_squeeze %dma_start3A_1239 : memref<1x16x128xi32, #tpu.memory_space<hbm>> -> memref<16x128xi32, #tpu.memory_space<hbm>>
      %dma_start3A_1241 = arith.constant 16 : i32
      %dma_start3A_1242 = arith.constant 0 : i32
      %dma_start3A_1243 = tpu.memref_slice %arg3[%add3A, %dma_start3A_1241, %dma_start3A_1242] : memref<32x80x128xi32, #tpu.memory_space<hbm>> -> memref<1x16x128xi32, #tpu.memory_space<hbm>>
      %dma_start3A_1244 = tpu.memref_squeeze %dma_start3A_1243 : memref<1x16x128xi32, #tpu.memory_space<hbm>> -> memref<16x128xi32, #tpu.memory_space<hbm>>
      tpu.enqueue_dma source(%dma_start3A_1244 : memref<16x128xi32, #tpu.memory_space<hbm>>) target(%arg10 : memref<16x128xi32, #tpu.memory_space<vmem>>) target_semaphore(%run_scoped3A : memref<!tpu.dma_semaphore, #tpu.memory_space<semaphore_mem>>)
      %dma_wait3A_1245 = arith.constant 16 : i32
      %dma_wait3A_1246 = arith.constant 0 : i32
      %dma_wait3A_1247 = tpu.memref_slice %arg3[%add3A, %dma_wait3A_1245, %dma_wait3A_1246] : memref<32x80x128xi32, #tpu.memory_space<hbm>> -> memref<1x16x128xi32, #tpu.memory_space<hbm>>
      %dma_wait3A_1248 = tpu.memref_squeeze %dma_wait3A_1247 : memref<1x16x128xi32, #tpu.memory_space<hbm>> -> memref<16x128xi32, #tpu.memory_space<hbm>>
      %dma_wait3A_1249 = arith.constant 16 : i32
      %dma_wait3A_1250 = arith.constant 0 : i32
      %dma_wait3A_1251 = tpu.memref_slice %arg3[%add3A, %dma_wait3A_1249, %dma_wait3A_1250] : memref<32x80x128xi32, #tpu.memory_space<hbm>> -> memref<1x16x128xi32, #tpu.memory_space<hbm>>
      %dma_wait3A_1252 = tpu.memref_squeeze %dma_wait3A_1251 : memref<1x16x128xi32, #tpu.memory_space<hbm>> -> memref<16x128xi32, #tpu.memory_space<hbm>>
      tpu.wait_dma2 semaphore(%run_scoped3A : memref<!tpu.dma_semaphore, #tpu.memory_space<semaphore_mem>>) src(%dma_wait3A_1252 : memref<16x128xi32, #tpu.memory_space<hbm>>) dst(%arg10 : memref<16x128xi32, #tpu.memory_space<vmem>>)
      tpu.yield
    }) : () -> ()
    "tpu.region"() ({
      %run_scoped3A = tpu.sem_alloc : memref<!tpu.dma_semaphore, #tpu.memory_space<semaphore_mem>>
      %dma_start3A_1237 = arith.constant 16 : i32
      %dma_start3A_1238 = arith.constant 0 : i32
      %dma_start3A_1239 = tpu.memref_slice %arg4[%add3A, %dma_start3A_1237, %dma_start3A_1238] : memref<32x80x128xi32, #tpu.memory_space<hbm>> -> memref<1x16x128xi32, #tpu.memory_space<hbm>>
      %dma_start3A_1240 = tpu.memref_squeeze %dma_start3A_1239 : memref<1x16x128xi32, #tpu.memory_space<hbm>> -> memref<16x128xi32, #tpu.memory_space<hbm>>
      %dma_start3A_1241 = arith.constant 16 : i32
      %dma_start3A_1242 = arith.constant 0 : i32
      %dma_start3A_1243 = tpu.memref_slice %arg4[%add3A, %dma_start3A_1241, %dma_start3A_1242] : memref<32x80x128xi32, #tpu.memory_space<hbm>> -> memref<1x16x128xi32, #tpu.memory_space<hbm>>
      %dma_start3A_1244 = tpu.memref_squeeze %dma_start3A_1243 : memref<1x16x128xi32, #tpu.memory_space<hbm>> -> memref<16x128xi32, #tpu.memory_space<hbm>>
      tpu.enqueue_dma source(%dma_start3A_1244 : memref<16x128xi32, #tpu.memory_space<hbm>>) target(%arg11 : memref<16x128xi32, #tpu.memory_space<vmem>>) target_semaphore(%run_scoped3A : memref<!tpu.dma_semaphore, #tpu.memory_space<semaphore_mem>>)
      %dma_wait3A_1245 = arith.constant 16 : i32
      %dma_wait3A_1246 = arith.constant 0 : i32
      %dma_wait3A_1247 = tpu.memref_slice %arg4[%add3A, %dma_wait3A_1245, %dma_wait3A_1246] : memref<32x80x128xi32, #tpu.memory_space<hbm>> -> memref<1x16x128xi32, #tpu.memory_space<hbm>>
      %dma_wait3A_1248 = tpu.memref_squeeze %dma_wait3A_1247 : memref<1x16x128xi32, #tpu.memory_space<hbm>> -> memref<16x128xi32, #tpu.memory_space<hbm>>
      %dma_wait3A_1249 = arith.constant 16 : i32
      %dma_wait3A_1250 = arith.constant 0 : i32
      %dma_wait3A_1251 = tpu.memref_slice %arg4[%add3A, %dma_wait3A_1249, %dma_wait3A_1250] : memref<32x80x128xi32, #tpu.memory_space<hbm>> -> memref<1x16x128xi32, #tpu.memory_space<hbm>>
      %dma_wait3A_1252 = tpu.memref_squeeze %dma_wait3A_1251 : memref<1x16x128xi32, #tpu.memory_space<hbm>> -> memref<16x128xi32, #tpu.memory_space<hbm>>
      tpu.wait_dma2 semaphore(%run_scoped3A : memref<!tpu.dma_semaphore, #tpu.memory_space<semaphore_mem>>) src(%dma_wait3A_1252 : memref<16x128xi32, #tpu.memory_space<hbm>>) dst(%arg11 : memref<16x128xi32, #tpu.memory_space<vmem>>)
      tpu.yield
    }) : () -> ()
    %dma_start3A_245 = arith.constant 0 : i32
    %dma_start3A_246 = arith.constant 0 : i32
    %dma_start3A_247 = arith.constant 0 : i32
    %dma_start3A_248 = arith.constant 0 : i32
    %dma_start3A_249 = tpu.memref_slice %arg12[%dma_start3A_246, %dma_start3A_247, %dma_start3A_248] : memref<2x128x128xf32, #tpu.memory_space<vmem>> -> memref<1x128x128xf32, #tpu.memory_space<vmem>>
    %dma_start3A_250 = tpu.memref_squeeze %dma_start3A_249 : memref<1x128x128xf32, #tpu.memory_space<vmem>> -> memref<128x128xf32, #tpu.memory_space<vmem>>
    %dma_start3A_251 = arith.constant 0 : i32
    %dma_start3A_252 = tpu.memref_slice %arg10[%dma_start3A_245, %dma_start3A_251] : memref<16x128xi32, #tpu.memory_space<vmem>> -> memref<1x128xi32, #tpu.memory_space<vmem>>
    %dma_start3A_253 = tpu.memref_squeeze %dma_start3A_252 : memref<1x128xi32, #tpu.memory_space<vmem>> -> memref<128xi32, #tpu.memory_space<vmem>>
    %dma_start3A_254 = arith.constant 0 : i32
    %dma_start3A_255 = arith.constant 0 : i32
    %dma_start3A_256 = tpu.memref_slice %arg2[%dma_start3A_254, %dma_start3A_255] : memref<10000x128xf32, #tpu.memory_space<hbm>> -> memref<10000x128xf32, #tpu.memory_space<hbm>>
    tpu.enqueue_indirect_dma source(%dma_start3A_256 : memref<10000x128xf32, #tpu.memory_space<hbm>>) target(%dma_start3A_250 : memref<128x128xf32, #tpu.memory_space<vmem>>) offsets(%dma_start3A_253 : memref<128xi32, #tpu.memory_space<vmem>>) semaphore(%arg14 : memref<!tpu.dma_semaphore, #tpu.memory_space<semaphore_mem>>)
    %dma_start3A_257 = arith.constant 1 : i32
    %dma_start3A_258 = arith.constant 1 : i32
    %dma_start3A_259 = arith.constant 0 : i32
    %dma_start3A_260 = arith.constant 0 : i32
    %dma_start3A_261 = tpu.memref_slice %arg12[%dma_start3A_258, %dma_start3A_259, %dma_start3A_260] : memref<2x128x128xf32, #tpu.memory_space<vmem>> -> memref<1x128x128xf32, #tpu.memory_space<vmem>>
    %dma_start3A_262 = tpu.memref_squeeze %dma_start3A_261 : memref<1x128x128xf32, #tpu.memory_space<vmem>> -> memref<128x128xf32, #tpu.memory_space<vmem>>
    %dma_start3A_263 = arith.constant 0 : i32
    %dma_start3A_264 = tpu.memref_slice %arg10[%dma_start3A_257, %dma_start3A_263] : memref<16x128xi32, #tpu.memory_space<vmem>> -> memref<1x128xi32, #tpu.memory_space<vmem>>
    %dma_start3A_265 = tpu.memref_squeeze %dma_start3A_264 : memref<1x128xi32, #tpu.memory_space<vmem>> -> memref<128xi32, #tpu.memory_space<vmem>>
    %dma_start3A_266 = arith.constant 0 : i32
    %dma_start3A_267 = arith.constant 0 : i32
    %dma_start3A_268 = tpu.memref_slice %arg2[%dma_start3A_266, %dma_start3A_267] : memref<10000x128xf32, #tpu.memory_space<hbm>> -> memref<10000x128xf32, #tpu.memory_space<hbm>>
    tpu.enqueue_indirect_dma source(%dma_start3A_268 : memref<10000x128xf32, #tpu.memory_space<hbm>>) target(%dma_start3A_262 : memref<128x128xf32, #tpu.memory_space<vmem>>) offsets(%dma_start3A_265 : memref<128xi32, #tpu.memory_space<vmem>>) semaphore(%arg15 : memref<!tpu.dma_semaphore, #tpu.memory_space<semaphore_mem>>)
    %get3A_269 = arith.constant 0 : i32
    %get3A_270 = arith.index_cast %get3A_269 : i32 to index
    %get3A_271 = arith.constant 0 : index
    %get3A_272 = tpu.vector_load %arg11[%get3A_270, %get3A_271] {strides = array<i32>} : memref<16x128xi32, #tpu.memory_space<vmem>>, vector<16xi32>,
    %broadcast_in_dim3A_273 = arith.constant true
    %broadcast_in_dim3A_274 = vector.broadcast %broadcast_in_dim3A_273 : i1 to vector<16xi1>
    %unique3A_275, %unique3A_276 = tpu.scan_count mask(%broadcast_in_dim3A_274 : vector<16xi1>) value(%get3A_272 : vector<16xi32>) : vector<16xi1>, vector<16xi32>
    %convert_element_type3A_277 = arith.sitofp %unique3A_276 : vector<16xi32> to vector<16xf32>
    tpu.vector_store_idx %arg13[%get3A_272], %convert_element_type3A_277 masked %unique3A_275 {add = true} : memref<10032xf32, #tpu.memory_space<vmem>>[vector<16xi32>], vector<16xf32>, vector<16xi1>
    %get3A_278 = arith.constant 0 : i32
    %get3A_279 = arith.index_cast %get3A_278 : i32 to index
    %get3A_280 = arith.constant 16 : index
    %get3A_281 = tpu.vector_load %arg11[%get3A_279, %get3A_280] {strides = array<i32>} : memref<16x128xi32, #tpu.memory_space<vmem>>, vector<16xi32>,
    %broadcast_in_dim3A_282 = arith.constant true
    %broadcast_in_dim3A_283 = vector.broadcast %broadcast_in_dim3A_282 : i1 to vector<16xi1>
    %unique3A_284, %unique3A_285 = tpu.scan_count mask(%broadcast_in_dim3A_283 : vector<16xi1>) value(%get3A_281 : vector<16xi32>) : vector<16xi1>, vector<16xi32>
    %convert_element_type3A_286 = arith.sitofp %unique3A_285 : vector<16xi32> to vector<16xf32>
    tpu.vector_store_idx %arg13[%get3A_281], %convert_element_type3A_286 masked %unique3A_284 {add = true} : memref<10032xf32, #tpu.memory_space<vmem>>[vector<16xi32>], vector<16xf32>, vector<16xi1>
    %get3A_287 = arith.constant 0 : i32
    %get3A_288 = arith.index_cast %get3A_287 : i32 to index
    %get3A_289 = arith.constant 32 : index
    %get3A_290 = tpu.vector_load %arg11[%get3A_288, %get3A_289] {strides = array<i32>} : memref<16x128xi32, #tpu.memory_space<vmem>>, vector<16xi32>,
    %broadcast_in_dim3A_291 = arith.constant true
    %broadcast_in_dim3A_292 = vector.broadcast %broadcast_in_dim3A_291 : i1 to vector<16xi1>
    %unique3A_293, %unique3A_294 = tpu.scan_count mask(%broadcast_in_dim3A_292 : vector<16xi1>) value(%get3A_290 : vector<16xi32>) : vector<16xi1>, vector<16xi32>
    %convert_element_type3A_295 = arith.sitofp %unique3A_294 : vector<16xi32> to vector<16xf32>
    tpu.vector_store_idx %arg13[%get3A_290], %convert_element_type3A_295 masked %unique3A_293 {add = true} : memref<10032xf32, #tpu.memory_space<vmem>>[vector<16xi32>], vector<16xf32>, vector<16xi1>
    %get3A_296 = arith.constant 0 : i32
    %get3A_297 = arith.index_cast %get3A_296 : i32 to index
    %get3A_298 = arith.constant 48 : index
    %get3A_299 = tpu.vector_load %arg11[%get3A_297, %get3A_298] {strides = array<i32>} : memref<16x128xi32, #tpu.memory_space<vmem>>, vector<16xi32>,
    %broadcast_in_dim3A_300 = arith.constant true
    %broadcast_in_dim3A_301 = vector.broadcast %broadcast_in_dim3A_300 : i1 to vector<16xi1>
    %unique3A_302, %unique3A_303 = tpu.scan_count mask(%broadcast_in_dim3A_301 : vector<16xi1>) value(%get3A_299 : vector<16xi32>) : vector<16xi1>, vector<16xi32>
    %convert_element_type3A_304 = arith.sitofp %unique3A_303 : vector<16xi32> to vector<16xf32>
    tpu.vector_store_idx %arg13[%get3A_299], %convert_element_type3A_304 masked %unique3A_302 {add = true} : memref<10032xf32, #tpu.memory_space<vmem>>[vector<16xi32>], vector<16xf32>, vector<16xi1>
    %get3A_305 = arith.constant 0 : i32
    %get3A_306 = arith.index_cast %get3A_305 : i32 to index
    %get3A_307 = arith.constant 64 : index
    %get3A_308 = tpu.vector_load %arg11[%get3A_306, %get3A_307] {strides = array<i32>} : memref<16x128xi32, #tpu.memory_space<vmem>>, vector<16xi32>,
    %broadcast_in_dim3A_309 = arith.constant true
    %broadcast_in_dim3A_310 = vector.broadcast %broadcast_in_dim3A_309 : i1 to vector<16xi1>
    %unique3A_311, %unique3A_312 = tpu.scan_count mask(%broadcast_in_dim3A_310 : vector<16xi1>) value(%get3A_308 : vector<16xi32>) : vector<16xi1>, vector<16xi32>
    %convert_element_type3A_313 = arith.sitofp %unique3A_312 : vector<16xi32> to vector<16xf32>
    tpu.vector_store_idx %arg13[%get3A_308], %convert_element_type3A_313 masked %unique3A_311 {add = true} : memref<10032xf32, #tpu.memory_space<vmem>>[vector<16xi32>], vector<16xf32>, vector<16xi1>
    %get3A_314 = arith.constant 0 : i32
    %get3A_315 = arith.index_cast %get3A_314 : i32 to index
    %get3A_316 = arith.constant 80 : index
    %get3A_317 = tpu.vector_load %arg11[%get3A_315, %get3A_316] {strides = array<i32>} : memref<16x128xi32, #tpu.memory_space<vmem>>, vector<16xi32>,
    %broadcast_in_dim3A_318 = arith.constant true
    %broadcast_in_dim3A_319 = vector.broadcast %broadcast_in_dim3A_318 : i1 to vector<16xi1>
    %unique3A_320, %unique3A_321 = tpu.scan_count mask(%broadcast_in_dim3A_319 : vector<16xi1>) value(%get3A_317 : vector<16xi32>) : vector<16xi1>, vector<16xi32>
    %convert_element_type3A_322 = arith.sitofp %unique3A_321 : vector<16xi32> to vector<16xf32>
    tpu.vector_store_idx %arg13[%get3A_317], %convert_element_type3A_322 masked %unique3A_320 {add = true} : memref<10032xf32, #tpu.memory_space<vmem>>[vector<16xi32>], vector<16xf32>, vector<16xi1>
    %get3A_323 = arith.constant 0 : i32
    %get3A_324 = arith.index_cast %get3A_323 : i32 to index
    %get3A_325 = arith.constant 96 : index
    %get3A_326 = tpu.vector_load %arg11[%get3A_324, %get3A_325] {strides = array<i32>} : memref<16x128xi32, #tpu.memory_space<vmem>>, vector<16xi32>,
    %broadcast_in_dim3A_327 = arith.constant true
    %broadcast_in_dim3A_328 = vector.broadcast %broadcast_in_dim3A_327 : i1 to vector<16xi1>
    %unique3A_329, %unique3A_330 = tpu.scan_count mask(%broadcast_in_dim3A_328 : vector<16xi1>) value(%get3A_326 : vector<16xi32>) : vector<16xi1>, vector<16xi32>
    %convert_element_type3A_331 = arith.sitofp %unique3A_330 : vector<16xi32> to vector<16xf32>
    tpu.vector_store_idx %arg13[%get3A_326], %convert_element_type3A_331 masked %unique3A_329 {add = true} : memref<10032xf32, #tpu.memory_space<vmem>>[vector<16xi32>], vector<16xf32>, vector<16xi1>
    %get3A_332 = arith.constant 0 : i32
    %get3A_333 = arith.index_cast %get3A_332 : i32 to index
    %get3A_334 = arith.constant 112 : index
    %get3A_335 = tpu.vector_load %arg11[%get3A_333, %get3A_334] {strides = array<i32>} : memref<16x128xi32, #tpu.memory_space<vmem>>, vector<16xi32>,
    %broadcast_in_dim3A_336 = arith.constant true
    %broadcast_in_dim3A_337 = vector.broadcast %broadcast_in_dim3A_336 : i1 to vector<16xi1>
    %unique3A_338, %unique3A_339 = tpu.scan_count mask(%broadcast_in_dim3A_337 : vector<16xi1>) value(%get3A_335 : vector<16xi32>) : vector<16xi1>, vector<16xi32>
    %convert_element_type3A_340 = arith.sitofp %unique3A_339 : vector<16xi32> to vector<16xf32>
    tpu.vector_store_idx %arg13[%get3A_335], %convert_element_type3A_340 masked %unique3A_338 {add = true} : memref<10032xf32, #tpu.memory_space<vmem>>[vector<16xi32>], vector<16xf32>, vector<16xi1>
    %dma_wait3A_341 = arith.constant 0 : i32
    %dma_wait3A_342 = arith.constant 0 : i32
    %dma_wait3A_343 = arith.constant 0 : i32
    %dma_wait3A_344 = arith.constant 0 : i32
    %dma_wait3A_345 = tpu.memref_slice %arg12[%dma_wait3A_342, %dma_wait3A_343, %dma_wait3A_344] : memref<2x128x128xf32, #tpu.memory_space<vmem>> -> memref<1x128x128xf32, #tpu.memory_space<vmem>>
    %dma_wait3A_346 = tpu.memref_squeeze %dma_wait3A_345 : memref<1x128x128xf32, #tpu.memory_space<vmem>> -> memref<128x128xf32, #tpu.memory_space<vmem>>
    %dma_wait3A_347 = arith.constant 0 : i32
    %dma_wait3A_348 = tpu.memref_slice %arg10[%dma_wait3A_341, %dma_wait3A_347] : memref<16x128xi32, #tpu.memory_space<vmem>> -> memref<1x128xi32, #tpu.memory_space<vmem>>
    %dma_wait3A_349 = tpu.memref_squeeze %dma_wait3A_348 : memref<1x128xi32, #tpu.memory_space<vmem>> -> memref<128xi32, #tpu.memory_space<vmem>>
    %dma_wait3A_350 = arith.constant 0 : i32
    %dma_wait3A_351 = arith.constant 0 : i32
    %dma_wait3A_352 = tpu.memref_slice %arg2[%dma_wait3A_350, %dma_wait3A_351] : memref<10000x128xf32, #tpu.memory_space<hbm>> -> memref<10000x128xf32, #tpu.memory_space<hbm>>
    tpu.wait_indirect_dma semaphore(%arg14 : memref<!tpu.dma_semaphore, #tpu.memory_space<semaphore_mem>>) src(%dma_wait3A_352 : memref<10000x128xf32, #tpu.memory_space<hbm>>) dst(%dma_wait3A_346 : memref<128x128xf32, #tpu.memory_space<vmem>>)
    %dma_start3A_353 = arith.constant 0 : i32
    %dma_start3A_354 = arith.constant 0 : i32
    %dma_start3A_355 = arith.constant 0 : i32
    %dma_start3A_356 = arith.constant 0 : i32
    %dma_start3A_357 = tpu.memref_slice %arg12[%dma_start3A_353, %dma_start3A_355, %dma_start3A_356] : memref<2x128x128xf32, #tpu.memory_space<vmem>> -> memref<1x128x128xf32, #tpu.memory_space<vmem>>
    %dma_start3A_358 = tpu.memref_squeeze %dma_start3A_357 : memref<1x128x128xf32, #tpu.memory_space<vmem>> -> memref<128x128xf32, #tpu.memory_space<vmem>>
    %dma_start3A_359 = arith.constant 0 : i32
    %dma_start3A_360 = tpu.memref_slice %arg11[%dma_start3A_354, %dma_start3A_359] : memref<16x128xi32, #tpu.memory_space<vmem>> -> memref<1x128xi32, #tpu.memory_space<vmem>>
    %dma_start3A_361 = tpu.memref_squeeze %dma_start3A_360 : memref<1x128xi32, #tpu.memory_space<vmem>> -> memref<128xi32, #tpu.memory_space<vmem>>
    %dma_start3A_362 = arith.constant 0 : i32
    %dma_start3A_363 = arith.constant 0 : i32
    %dma_start3A_364 = tpu.memref_slice %arg9[%dma_start3A_362, %dma_start3A_363] : memref<10016x128xf32, #tpu.memory_space<vmem_shared>> -> memref<10016x128xf32, #tpu.memory_space<vmem_shared>>
    tpu.enqueue_indirect_dma source(%dma_start3A_358 : memref<128x128xf32, #tpu.memory_space<vmem>>) target(%dma_start3A_364 : memref<10016x128xf32, #tpu.memory_space<vmem_shared>>) offsets(%dma_start3A_361 : memref<128xi32, #tpu.memory_space<vmem>>) semaphore(%arg16 : memref<!tpu.dma_semaphore, #tpu.memory_space<semaphore_mem>>) {add = true}
    %scan3A_365 = arith.constant 0 : i32
    %scan3A_366 = arith.constant 0 : i32
    %scan3A_367 = arith.constant 7 : i32
    %scan3A_368 = arith.addi %scan3A_366, %scan3A_367 : i32
    %scan3A_369 = arith.constant 1 : i32
    scf.for %scan3A_1237 = %scan3A_366 to %scan3A_368 step %scan3A_369  : i32 {
      %mul3A_1238 = arith.constant 2 : i32
      %mul3A_1239 = arith.muli %mul3A_1238, %scan3A_1237 : i32
      %add3A_1240 = arith.constant 1 : i32
      %add3A_1241 = arith.addi %mul3A_1239, %add3A_1240 : i32
      %sub3A = arith.constant 1 : i32
      %sub3A_1242 = arith.subi %add3A_1241, %sub3A : i32
      %dma_wait3A_1243 = arith.constant 0 : i32
      %dma_wait3A_1244 = arith.constant 0 : i32
      %dma_wait3A_1245 = arith.constant 0 : i32
      %dma_wait3A_1246 = tpu.memref_slice %arg12[%dma_wait3A_1243, %dma_wait3A_1244, %dma_wait3A_1245] : memref<2x128x128xf32, #tpu.memory_space<vmem>> -> memref<1x128x128xf32, #tpu.memory_space<vmem>>
      %dma_wait3A_1247 = tpu.memref_squeeze %dma_wait3A_1246 : memref<1x128x128xf32, #tpu.memory_space<vmem>> -> memref<128x128xf32, #tpu.memory_space<vmem>>
      %dma_wait3A_1248 = arith.constant 0 : i32
      %dma_wait3A_1249 = tpu.memref_slice %arg11[%sub3A_1242, %dma_wait3A_1248] : memref<16x128xi32, #tpu.memory_space<vmem>> -> memref<1x128xi32, #tpu.memory_space<vmem>>
      %dma_wait3A_1250 = tpu.memref_squeeze %dma_wait3A_1249 : memref<1x128xi32, #tpu.memory_space<vmem>> -> memref<128xi32, #tpu.memory_space<vmem>>
      %dma_wait3A_1251 = arith.constant 0 : i32
      %dma_wait3A_1252 = arith.constant 0 : i32
      %dma_wait3A_1253 = tpu.memref_slice %arg9[%dma_wait3A_1251, %dma_wait3A_1252] : memref<10016x128xf32, #tpu.memory_space<vmem_shared>> -> memref<10016x128xf32, #tpu.memory_space<vmem_shared>>
      tpu.wait_indirect_dma semaphore(%arg16 : memref<!tpu.dma_semaphore, #tpu.memory_space<semaphore_mem>>) src(%dma_wait3A_1247 : memref<128x128xf32, #tpu.memory_space<vmem>>) dst(%dma_wait3A_1253 : memref<10016x128xf32, #tpu.memory_space<vmem_shared>>)
      %add3A_1254 = arith.constant 1 : i32
      %add3A_1255 = arith.addi %add3A_1241, %add3A_1254 : i32
      %dma_start3A_1256 = arith.constant 0 : i32
      %dma_start3A_1257 = arith.constant 0 : i32
      %dma_start3A_1258 = arith.constant 0 : i32
      %dma_start3A_1259 = tpu.memref_slice %arg12[%dma_start3A_1256, %dma_start3A_1257, %dma_start3A_1258] : memref<2x128x128xf32, #tpu.memory_space<vmem>> -> memref<1x128x128xf32, #tpu.memory_space<vmem>>
      %dma_start3A_1260 = tpu.memref_squeeze %dma_start3A_1259 : memref<1x128x128xf32, #tpu.memory_space<vmem>> -> memref<128x128xf32, #tpu.memory_space<vmem>>
      %dma_start3A_1261 = arith.constant 0 : i32
      %dma_start3A_1262 = tpu.memref_slice %arg10[%add3A_1255, %dma_start3A_1261] : memref<16x128xi32, #tpu.memory_space<vmem>> -> memref<1x128xi32, #tpu.memory_space<vmem>>
      %dma_start3A_1263 = tpu.memref_squeeze %dma_start3A_1262 : memref<1x128xi32, #tpu.memory_space<vmem>> -> memref<128xi32, #tpu.memory_space<vmem>>
      %dma_start3A_1264 = arith.constant 0 : i32
      %dma_start3A_1265 = arith.constant 0 : i32
      %dma_start3A_1266 = tpu.memref_slice %arg2[%dma_start3A_1264, %dma_start3A_1265] : memref<10000x128xf32, #tpu.memory_space<hbm>> -> memref<10000x128xf32, #tpu.memory_space<hbm>>
      tpu.enqueue_indirect_dma source(%dma_start3A_1266 : memref<10000x128xf32, #tpu.memory_space<hbm>>) target(%dma_start3A_1260 : memref<128x128xf32, #tpu.memory_space<vmem>>) offsets(%dma_start3A_1263 : memref<128xi32, #tpu.memory_space<vmem>>) semaphore(%arg14 : memref<!tpu.dma_semaphore, #tpu.memory_space<semaphore_mem>>)
      %get3A_1267 = arith.index_cast %add3A_1241 : i32 to index
      %get3A_1268 = arith.constant 0 : index
      %get3A_1269 = tpu.vector_load %arg11[%get3A_1267, %get3A_1268] {strides = array<i32>} : memref<16x128xi32, #tpu.memory_space<vmem>>, vector<16xi32>,
      %broadcast_in_dim3A_1270 = arith.constant true
      %broadcast_in_dim3A_1271 = vector.broadcast %broadcast_in_dim3A_1270 : i1 to vector<16xi1>
      %unique3A_1272, %unique3A_1273 = tpu.scan_count mask(%broadcast_in_dim3A_1271 : vector<16xi1>) value(%get3A_1269 : vector<16xi32>) : vector<16xi1>, vector<16xi32>
      %convert_element_type3A_1274 = arith.sitofp %unique3A_1273 : vector<16xi32> to vector<16xf32>
      tpu.vector_store_idx %arg13[%get3A_1269], %convert_element_type3A_1274 masked %unique3A_1272 {add = true} : memref<10032xf32, #tpu.memory_space<vmem>>[vector<16xi32>], vector<16xf32>, vector<16xi1>
      %get3A_1275 = arith.index_cast %add3A_1241 : i32 to index
      %get3A_1276 = arith.constant 16 : index
      %get3A_1277 = tpu.vector_load %arg11[%get3A_1275, %get3A_1276] {strides = array<i32>} : memref<16x128xi32, #tpu.memory_space<vmem>>, vector<16xi32>,
      %broadcast_in_dim3A_1278 = arith.constant true
      %broadcast_in_dim3A_1279 = vector.broadcast %broadcast_in_dim3A_1278 : i1 to vector<16xi1>
      %unique3A_1280, %unique3A_1281 = tpu.scan_count mask(%broadcast_in_dim3A_1279 : vector<16xi1>) value(%get3A_1277 : vector<16xi32>) : vector<16xi1>, vector<16xi32>
      %convert_element_type3A_1282 = arith.sitofp %unique3A_1281 : vector<16xi32> to vector<16xf32>
      tpu.vector_store_idx %arg13[%get3A_1277], %convert_element_type3A_1282 masked %unique3A_1280 {add = true} : memref<10032xf32, #tpu.memory_space<vmem>>[vector<16xi32>], vector<16xf32>, vector<16xi1>
      %get3A_1283 = arith.index_cast %add3A_1241 : i32 to index
      %get3A_1284 = arith.constant 32 : index
      %get3A_1285 = tpu.vector_load %arg11[%get3A_1283, %get3A_1284] {strides = array<i32>} : memref<16x128xi32, #tpu.memory_space<vmem>>, vector<16xi32>,
      %broadcast_in_dim3A_1286 = arith.constant true
      %broadcast_in_dim3A_1287 = vector.broadcast %broadcast_in_dim3A_1286 : i1 to vector<16xi1>
      %unique3A_1288, %unique3A_1289 = tpu.scan_count mask(%broadcast_in_dim3A_1287 : vector<16xi1>) value(%get3A_1285 : vector<16xi32>) : vector<16xi1>, vector<16xi32>
      %convert_element_type3A_1290 = arith.sitofp %unique3A_1289 : vector<16xi32> to vector<16xf32>
      tpu.vector_store_idx %arg13[%get3A_1285], %convert_element_type3A_1290 masked %unique3A_1288 {add = true} : memref<10032xf32, #tpu.memory_space<vmem>>[vector<16xi32>], vector<16xf32>, vector<16xi1>
      %get3A_1291 = arith.index_cast %add3A_1241 : i32 to index
      %get3A_1292 = arith.constant 48 : index
      %get3A_1293 = tpu.vector_load %arg11[%get3A_1291, %get3A_1292] {strides = array<i32>} : memref<16x128xi32, #tpu.memory_space<vmem>>, vector<16xi32>,
      %broadcast_in_dim3A_1294 = arith.constant true
      %broadcast_in_dim3A_1295 = vector.broadcast %broadcast_in_dim3A_1294 : i1 to vector<16xi1>
      %unique3A_1296, %unique3A_1297 = tpu.scan_count mask(%broadcast_in_dim3A_1295 : vector<16xi1>) value(%get3A_1293 : vector<16xi32>) : vector<16xi1>, vector<16xi32>
      %convert_element_type3A_1298 = arith.sitofp %unique3A_1297 : vector<16xi32> to vector<16xf32>
      tpu.vector_store_idx %arg13[%get3A_1293], %convert_element_type3A_1298 masked %unique3A_1296 {add = true} : memref<10032xf32, #tpu.memory_space<vmem>>[vector<16xi32>], vector<16xf32>, vector<16xi1>
      %get3A_1299 = arith.index_cast %add3A_1241 : i32 to index
      %get3A_1300 = arith.constant 64 : index
      %get3A_1301 = tpu.vector_load %arg11[%get3A_1299, %get3A_1300] {strides = array<i32>} : memref<16x128xi32, #tpu.memory_space<vmem>>, vector<16xi32>,
      %broadcast_in_dim3A_1302 = arith.constant true
      %broadcast_in_dim3A_1303 = vector.broadcast %broadcast_in_dim3A_1302 : i1 to vector<16xi1>
      %unique3A_1304, %unique3A_1305 = tpu.scan_count mask(%broadcast_in_dim3A_1303 : vector<16xi1>) value(%get3A_1301 : vector<16xi32>) : vector<16xi1>, vector<16xi32>
      %convert_element_type3A_1306 = arith.sitofp %unique3A_1305 : vector<16xi32> to vector<16xf32>
      tpu.vector_store_idx %arg13[%get3A_1301], %convert_element_type3A_1306 masked %unique3A_1304 {add = true} : memref<10032xf32, #tpu.memory_space<vmem>>[vector<16xi32>], vector<16xf32>, vector<16xi1>
      %get3A_1307 = arith.index_cast %add3A_1241 : i32 to index
      %get3A_1308 = arith.constant 80 : index
      %get3A_1309 = tpu.vector_load %arg11[%get3A_1307, %get3A_1308] {strides = array<i32>} : memref<16x128xi32, #tpu.memory_space<vmem>>, vector<16xi32>,
      %broadcast_in_dim3A_1310 = arith.constant true
      %broadcast_in_dim3A_1311 = vector.broadcast %broadcast_in_dim3A_1310 : i1 to vector<16xi1>
      %unique3A_1312, %unique3A_1313 = tpu.scan_count mask(%broadcast_in_dim3A_1311 : vector<16xi1>) value(%get3A_1309 : vector<16xi32>) : vector<16xi1>, vector<16xi32>
      %convert_element_type3A_1314 = arith.sitofp %unique3A_1313 : vector<16xi32> to vector<16xf32>
      tpu.vector_store_idx %arg13[%get3A_1309], %convert_element_type3A_1314 masked %unique3A_1312 {add = true} : memref<10032xf32, #tpu.memory_space<vmem>>[vector<16xi32>], vector<16xf32>, vector<16xi1>
      %get3A_1315 = arith.index_cast %add3A_1241 : i32 to index
      %get3A_1316 = arith.constant 96 : index
      %get3A_1317 = tpu.vector_load %arg11[%get3A_1315, %get3A_1316] {strides = array<i32>} : memref<16x128xi32, #tpu.memory_space<vmem>>, vector<16xi32>,
      %broadcast_in_dim3A_1318 = arith.constant true
      %broadcast_in_dim3A_1319 = vector.broadcast %broadcast_in_dim3A_1318 : i1 to vector<16xi1>
      %unique3A_1320, %unique3A_1321 = tpu.scan_count mask(%broadcast_in_dim3A_1319 : vector<16xi1>) value(%get3A_1317 : vector<16xi32>) : vector<16xi1>, vector<16xi32>
      %convert_element_type3A_1322 = arith.sitofp %unique3A_1321 : vector<16xi32> to vector<16xf32>
      tpu.vector_store_idx %arg13[%get3A_1317], %convert_element_type3A_1322 masked %unique3A_1320 {add = true} : memref<10032xf32, #tpu.memory_space<vmem>>[vector<16xi32>], vector<16xf32>, vector<16xi1>
      %get3A_1323 = arith.index_cast %add3A_1241 : i32 to index
      %get3A_1324 = arith.constant 112 : index
      %get3A_1325 = tpu.vector_load %arg11[%get3A_1323, %get3A_1324] {strides = array<i32>} : memref<16x128xi32, #tpu.memory_space<vmem>>, vector<16xi32>,
      %broadcast_in_dim3A_1326 = arith.constant true
      %broadcast_in_dim3A_1327 = vector.broadcast %broadcast_in_dim3A_1326 : i1 to vector<16xi1>
      %unique3A_1328, %unique3A_1329 = tpu.scan_count mask(%broadcast_in_dim3A_1327 : vector<16xi1>) value(%get3A_1325 : vector<16xi32>) : vector<16xi1>, vector<16xi32>
      %convert_element_type3A_1330 = arith.sitofp %unique3A_1329 : vector<16xi32> to vector<16xf32>
      tpu.vector_store_idx %arg13[%get3A_1325], %convert_element_type3A_1330 masked %unique3A_1328 {add = true} : memref<10032xf32, #tpu.memory_space<vmem>>[vector<16xi32>], vector<16xf32>, vector<16xi1>
      %dma_wait3A_1331 = arith.constant 1 : i32
      %dma_wait3A_1332 = arith.constant 0 : i32
      %dma_wait3A_1333 = arith.constant 0 : i32
      %dma_wait3A_1334 = tpu.memref_slice %arg12[%dma_wait3A_1331, %dma_wait3A_1332, %dma_wait3A_1333] : memref<2x128x128xf32, #tpu.memory_space<vmem>> -> memref<1x128x128xf32, #tpu.memory_space<vmem>>
      %dma_wait3A_1335 = tpu.memref_squeeze %dma_wait3A_1334 : memref<1x128x128xf32, #tpu.memory_space<vmem>> -> memref<128x128xf32, #tpu.memory_space<vmem>>
      %dma_wait3A_1336 = arith.constant 0 : i32
      %dma_wait3A_1337 = tpu.memref_slice %arg10[%add3A_1241, %dma_wait3A_1336] : memref<16x128xi32, #tpu.memory_space<vmem>> -> memref<1x128xi32, #tpu.memory_space<vmem>>
      %dma_wait3A_1338 = tpu.memref_squeeze %dma_wait3A_1337 : memref<1x128xi32, #tpu.memory_space<vmem>> -> memref<128xi32, #tpu.memory_space<vmem>>
      %dma_wait3A_1339 = arith.constant 0 : i32
      %dma_wait3A_1340 = arith.constant 0 : i32
      %dma_wait3A_1341 = tpu.memref_slice %arg2[%dma_wait3A_1339, %dma_wait3A_1340] : memref<10000x128xf32, #tpu.memory_space<hbm>> -> memref<10000x128xf32, #tpu.memory_space<hbm>>
      tpu.wait_indirect_dma semaphore(%arg15 : memref<!tpu.dma_semaphore, #tpu.memory_space<semaphore_mem>>) src(%dma_wait3A_1341 : memref<10000x128xf32, #tpu.memory_space<hbm>>) dst(%dma_wait3A_1335 : memref<128x128xf32, #tpu.memory_space<vmem>>)
      %dma_start3A_1342 = arith.constant 1 : i32
      %dma_start3A_1343 = arith.constant 0 : i32
      %dma_start3A_1344 = arith.constant 0 : i32
      %dma_start3A_1345 = tpu.memref_slice %arg12[%dma_start3A_1342, %dma_start3A_1343, %dma_start3A_1344] : memref<2x128x128xf32, #tpu.memory_space<vmem>> -> memref<1x128x128xf32, #tpu.memory_space<vmem>>
      %dma_start3A_1346 = tpu.memref_squeeze %dma_start3A_1345 : memref<1x128x128xf32, #tpu.memory_space<vmem>> -> memref<128x128xf32, #tpu.memory_space<vmem>>
      %dma_start3A_1347 = arith.constant 0 : i32
      %dma_start3A_1348 = tpu.memref_slice %arg11[%add3A_1241, %dma_start3A_1347] : memref<16x128xi32, #tpu.memory_space<vmem>> -> memref<1x128xi32, #tpu.memory_space<vmem>>
      %dma_start3A_1349 = tpu.memref_squeeze %dma_start3A_1348 : memref<1x128xi32, #tpu.memory_space<vmem>> -> memref<128xi32, #tpu.memory_space<vmem>>
      %dma_start3A_1350 = arith.constant 0 : i32
      %dma_start3A_1351 = arith.constant 0 : i32
      %dma_start3A_1352 = tpu.memref_slice %arg9[%dma_start3A_1350, %dma_start3A_1351] : memref<10016x128xf32, #tpu.memory_space<vmem_shared>> -> memref<10016x128xf32, #tpu.memory_space<vmem_shared>>
      tpu.enqueue_indirect_dma source(%dma_start3A_1346 : memref<128x128xf32, #tpu.memory_space<vmem>>) target(%dma_start3A_1352 : memref<10016x128xf32, #tpu.memory_space<vmem_shared>>) offsets(%dma_start3A_1349 : memref<128xi32, #tpu.memory_space<vmem>>) semaphore(%arg17 : memref<!tpu.dma_semaphore, #tpu.memory_space<semaphore_mem>>) {add = true}
      %mul3A_1353 = arith.constant 2 : i32
      %mul3A_1354 = arith.muli %mul3A_1353, %scan3A_1237 : i32
      %add3A_1355 = arith.constant 2 : i32
      %add3A_1356 = arith.addi %mul3A_1354, %add3A_1355 : i32
      %sub3A_1357 = arith.constant 1 : i32
      %sub3A_1358 = arith.subi %add3A_1356, %sub3A_1357 : i32
      %dma_wait3A_1359 = arith.constant 1 : i32
      %dma_wait3A_1360 = arith.constant 0 : i32
      %dma_wait3A_1361 = arith.constant 0 : i32
      %dma_wait3A_1362 = tpu.memref_slice %arg12[%dma_wait3A_1359, %dma_wait3A_1360, %dma_wait3A_1361] : memref<2x128x128xf32, #tpu.memory_space<vmem>> -> memref<1x128x128xf32, #tpu.memory_space<vmem>>
      %dma_wait3A_1363 = tpu.memref_squeeze %dma_wait3A_1362 : memref<1x128x128xf32, #tpu.memory_space<vmem>> -> memref<128x128xf32, #tpu.memory_space<vmem>>
      %dma_wait3A_1364 = arith.constant 0 : i32
      %dma_wait3A_1365 = tpu.memref_slice %arg11[%sub3A_1358, %dma_wait3A_1364] : memref<16x128xi32, #tpu.memory_space<vmem>> -> memref<1x128xi32, #tpu.memory_space<vmem>>
      %dma_wait3A_1366 = tpu.memref_squeeze %dma_wait3A_1365 : memref<1x128xi32, #tpu.memory_space<vmem>> -> memref<128xi32, #tpu.memory_space<vmem>>
      %dma_wait3A_1367 = arith.constant 0 : i32
      %dma_wait3A_1368 = arith.constant 0 : i32
      %dma_wait3A_1369 = tpu.memref_slice %arg9[%dma_wait3A_1367, %dma_wait3A_1368] : memref<10016x128xf32, #tpu.memory_space<vmem_shared>> -> memref<10016x128xf32, #tpu.memory_space<vmem_shared>>
      tpu.wait_indirect_dma semaphore(%arg17 : memref<!tpu.dma_semaphore, #tpu.memory_space<semaphore_mem>>) src(%dma_wait3A_1363 : memref<128x128xf32, #tpu.memory_space<vmem>>) dst(%dma_wait3A_1369 : memref<10016x128xf32, #tpu.memory_space<vmem_shared>>)
      %add3A_1370 = arith.constant 1 : i32
      %add3A_1371 = arith.addi %add3A_1356, %add3A_1370 : i32
      %dma_start3A_1372 = arith.constant 1 : i32
      %dma_start3A_1373 = arith.constant 0 : i32
      %dma_start3A_1374 = arith.constant 0 : i32
      %dma_start3A_1375 = tpu.memref_slice %arg12[%dma_start3A_1372, %dma_start3A_1373, %dma_start3A_1374] : memref<2x128x128xf32, #tpu.memory_space<vmem>> -> memref<1x128x128xf32, #tpu.memory_space<vmem>>
      %dma_start3A_1376 = tpu.memref_squeeze %dma_start3A_1375 : memref<1x128x128xf32, #tpu.memory_space<vmem>> -> memref<128x128xf32, #tpu.memory_space<vmem>>
      %dma_start3A_1377 = arith.constant 0 : i32
      %dma_start3A_1378 = tpu.memref_slice %arg10[%add3A_1371, %dma_start3A_1377] : memref<16x128xi32, #tpu.memory_space<vmem>> -> memref<1x128xi32, #tpu.memory_space<vmem>>
      %dma_start3A_1379 = tpu.memref_squeeze %dma_start3A_1378 : memref<1x128xi32, #tpu.memory_space<vmem>> -> memref<128xi32, #tpu.memory_space<vmem>>
      %dma_start3A_1380 = arith.constant 0 : i32
      %dma_start3A_1381 = arith.constant 0 : i32
      %dma_start3A_1382 = tpu.memref_slice %arg2[%dma_start3A_1380, %dma_start3A_1381] : memref<10000x128xf32, #tpu.memory_space<hbm>> -> memref<10000x128xf32, #tpu.memory_space<hbm>>
      tpu.enqueue_indirect_dma source(%dma_start3A_1382 : memref<10000x128xf32, #tpu.memory_space<hbm>>) target(%dma_start3A_1376 : memref<128x128xf32, #tpu.memory_space<vmem>>) offsets(%dma_start3A_1379 : memref<128xi32, #tpu.memory_space<vmem>>) semaphore(%arg15 : memref<!tpu.dma_semaphore, #tpu.memory_space<semaphore_mem>>)
      %get3A_1383 = arith.index_cast %add3A_1356 : i32 to index
      %get3A_1384 = arith.constant 0 : index
      %get3A_1385 = tpu.vector_load %arg11[%get3A_1383, %get3A_1384] {strides = array<i32>} : memref<16x128xi32, #tpu.memory_space<vmem>>, vector<16xi32>,
      %broadcast_in_dim3A_1386 = arith.constant true
      %broadcast_in_dim3A_1387 = vector.broadcast %broadcast_in_dim3A_1386 : i1 to vector<16xi1>
      %unique3A_1388, %unique3A_1389 = tpu.scan_count mask(%broadcast_in_dim3A_1387 : vector<16xi1>) value(%get3A_1385 : vector<16xi32>) : vector<16xi1>, vector<16xi32>
      %convert_element_type3A_1390 = arith.sitofp %unique3A_1389 : vector<16xi32> to vector<16xf32>
      tpu.vector_store_idx %arg13[%get3A_1385], %convert_element_type3A_1390 masked %unique3A_1388 {add = true} : memref<10032xf32, #tpu.memory_space<vmem>>[vector<16xi32>], vector<16xf32>, vector<16xi1>
      %get3A_1391 = arith.index_cast %add3A_1356 : i32 to index
      %get3A_1392 = arith.constant 16 : index
      %get3A_1393 = tpu.vector_load %arg11[%get3A_1391, %get3A_1392] {strides = array<i32>} : memref<16x128xi32, #tpu.memory_space<vmem>>, vector<16xi32>,
      %broadcast_in_dim3A_1394 = arith.constant true
      %broadcast_in_dim3A_1395 = vector.broadcast %broadcast_in_dim3A_1394 : i1 to vector<16xi1>
      %unique3A_1396, %unique3A_1397 = tpu.scan_count mask(%broadcast_in_dim3A_1395 : vector<16xi1>) value(%get3A_1393 : vector<16xi32>) : vector<16xi1>, vector<16xi32>
      %convert_element_type3A_1398 = arith.sitofp %unique3A_1397 : vector<16xi32> to vector<16xf32>
      tpu.vector_store_idx %arg13[%get3A_1393], %convert_element_type3A_1398 masked %unique3A_1396 {add = true} : memref<10032xf32, #tpu.memory_space<vmem>>[vector<16xi32>], vector<16xf32>, vector<16xi1>
      %get3A_1399 = arith.index_cast %add3A_1356 : i32 to index
      %get3A_1400 = arith.constant 32 : index
      %get3A_1401 = tpu.vector_load %arg11[%get3A_1399, %get3A_1400] {strides = array<i32>} : memref<16x128xi32, #tpu.memory_space<vmem>>, vector<16xi32>,
      %broadcast_in_dim3A_1402 = arith.constant true
      %broadcast_in_dim3A_1403 = vector.broadcast %broadcast_in_dim3A_1402 : i1 to vector<16xi1>
      %unique3A_1404, %unique3A_1405 = tpu.scan_count mask(%broadcast_in_dim3A_1403 : vector<16xi1>) value(%get3A_1401 : vector<16xi32>) : vector<16xi1>, vector<16xi32>
      %convert_element_type3A_1406 = arith.sitofp %unique3A_1405 : vector<16xi32> to vector<16xf32>
      tpu.vector_store_idx %arg13[%get3A_1401], %convert_element_type3A_1406 masked %unique3A_1404 {add = true} : memref<10032xf32, #tpu.memory_space<vmem>>[vector<16xi32>], vector<16xf32>, vector<16xi1>
      %get3A_1407 = arith.index_cast %add3A_1356 : i32 to index
      %get3A_1408 = arith.constant 48 : index
      %get3A_1409 = tpu.vector_load %arg11[%get3A_1407, %get3A_1408] {strides = array<i32>} : memref<16x128xi32, #tpu.memory_space<vmem>>, vector<16xi32>,
      %broadcast_in_dim3A_1410 = arith.constant true
      %broadcast_in_dim3A_1411 = vector.broadcast %broadcast_in_dim3A_1410 : i1 to vector<16xi1>
      %unique3A_1412, %unique3A_1413 = tpu.scan_count mask(%broadcast_in_dim3A_1411 : vector<16xi1>) value(%get3A_1409 : vector<16xi32>) : vector<16xi1>, vector<16xi32>
      %convert_element_type3A_1414 = arith.sitofp %unique3A_1413 : vector<16xi32> to vector<16xf32>
      tpu.vector_store_idx %arg13[%get3A_1409], %convert_element_type3A_1414 masked %unique3A_1412 {add = true} : memref<10032xf32, #tpu.memory_space<vmem>>[vector<16xi32>], vector<16xf32>, vector<16xi1>
      %get3A_1415 = arith.index_cast %add3A_1356 : i32 to index
      %get3A_1416 = arith.constant 64 : index
      %get3A_1417 = tpu.vector_load %arg11[%get3A_1415, %get3A_1416] {strides = array<i32>} : memref<16x128xi32, #tpu.memory_space<vmem>>, vector<16xi32>,
      %broadcast_in_dim3A_1418 = arith.constant true
      %broadcast_in_dim3A_1419 = vector.broadcast %broadcast_in_dim3A_1418 : i1 to vector<16xi1>
      %unique3A_1420, %unique3A_1421 = tpu.scan_count mask(%broadcast_in_dim3A_1419 : vector<16xi1>) value(%get3A_1417 : vector<16xi32>) : vector<16xi1>, vector<16xi32>
      %convert_element_type3A_1422 = arith.sitofp %unique3A_1421 : vector<16xi32> to vector<16xf32>
      tpu.vector_store_idx %arg13[%get3A_1417], %convert_element_type3A_1422 masked %unique3A_1420 {add = true} : memref<10032xf32, #tpu.memory_space<vmem>>[vector<16xi32>], vector<16xf32>, vector<16xi1>
      %get3A_1423 = arith.index_cast %add3A_1356 : i32 to index
      %get3A_1424 = arith.constant 80 : index
      %get3A_1425 = tpu.vector_load %arg11[%get3A_1423, %get3A_1424] {strides = array<i32>} : memref<16x128xi32, #tpu.memory_space<vmem>>, vector<16xi32>,
      %broadcast_in_dim3A_1426 = arith.constant true
      %broadcast_in_dim3A_1427 = vector.broadcast %broadcast_in_dim3A_1426 : i1 to vector<16xi1>
      %unique3A_1428, %unique3A_1429 = tpu.scan_count mask(%broadcast_in_dim3A_1427 : vector<16xi1>) value(%get3A_1425 : vector<16xi32>) : vector<16xi1>, vector<16xi32>
      %convert_element_type3A_1430 = arith.sitofp %unique3A_1429 : vector<16xi32> to vector<16xf32>
      tpu.vector_store_idx %arg13[%get3A_1425], %convert_element_type3A_1430 masked %unique3A_1428 {add = true} : memref<10032xf32, #tpu.memory_space<vmem>>[vector<16xi32>], vector<16xf32>, vector<16xi1>
      %get3A_1431 = arith.index_cast %add3A_1356 : i32 to index
      %get3A_1432 = arith.constant 96 : index
      %get3A_1433 = tpu.vector_load %arg11[%get3A_1431, %get3A_1432] {strides = array<i32>} : memref<16x128xi32, #tpu.memory_space<vmem>>, vector<16xi32>,
      %broadcast_in_dim3A_1434 = arith.constant true
      %broadcast_in_dim3A_1435 = vector.broadcast %broadcast_in_dim3A_1434 : i1 to vector<16xi1>
      %unique3A_1436, %unique3A_1437 = tpu.scan_count mask(%broadcast_in_dim3A_1435 : vector<16xi1>) value(%get3A_1433 : vector<16xi32>) : vector<16xi1>, vector<16xi32>
      %convert_element_type3A_1438 = arith.sitofp %unique3A_1437 : vector<16xi32> to vector<16xf32>
      tpu.vector_store_idx %arg13[%get3A_1433], %convert_element_type3A_1438 masked %unique3A_1436 {add = true} : memref<10032xf32, #tpu.memory_space<vmem>>[vector<16xi32>], vector<16xf32>, vector<16xi1>
      %get3A_1439 = arith.index_cast %add3A_1356 : i32 to index
      %get3A_1440 = arith.constant 112 : index
      %get3A_1441 = tpu.vector_load %arg11[%get3A_1439, %get3A_1440] {strides = array<i32>} : memref<16x128xi32, #tpu.memory_space<vmem>>, vector<16xi32>,
      %broadcast_in_dim3A_1442 = arith.constant true
      %broadcast_in_dim3A_1443 = vector.broadcast %broadcast_in_dim3A_1442 : i1 to vector<16xi1>
      %unique3A_1444, %unique3A_1445 = tpu.scan_count mask(%broadcast_in_dim3A_1443 : vector<16xi1>) value(%get3A_1441 : vector<16xi32>) : vector<16xi1>, vector<16xi32>
      %convert_element_type3A_1446 = arith.sitofp %unique3A_1445 : vector<16xi32> to vector<16xf32>
      tpu.vector_store_idx %arg13[%get3A_1441], %convert_element_type3A_1446 masked %unique3A_1444 {add = true} : memref<10032xf32, #tpu.memory_space<vmem>>[vector<16xi32>], vector<16xf32>, vector<16xi1>
      %dma_wait3A_1447 = arith.constant 0 : i32
      %dma_wait3A_1448 = arith.constant 0 : i32
      %dma_wait3A_1449 = arith.constant 0 : i32
      %dma_wait3A_1450 = tpu.memref_slice %arg12[%dma_wait3A_1447, %dma_wait3A_1448, %dma_wait3A_1449] : memref<2x128x128xf32, #tpu.memory_space<vmem>> -> memref<1x128x128xf32, #tpu.memory_space<vmem>>
      %dma_wait3A_1451 = tpu.memref_squeeze %dma_wait3A_1450 : memref<1x128x128xf32, #tpu.memory_space<vmem>> -> memref<128x128xf32, #tpu.memory_space<vmem>>
      %dma_wait3A_1452 = arith.constant 0 : i32
      %dma_wait3A_1453 = tpu.memref_slice %arg10[%add3A_1356, %dma_wait3A_1452] : memref<16x128xi32, #tpu.memory_space<vmem>> -> memref<1x128xi32, #tpu.memory_space<vmem>>
      %dma_wait3A_1454 = tpu.memref_squeeze %dma_wait3A_1453 : memref<1x128xi32, #tpu.memory_space<vmem>> -> memref<128xi32, #tpu.memory_space<vmem>>
      %dma_wait3A_1455 = arith.constant 0 : i32
      %dma_wait3A_1456 = arith.constant 0 : i32
      %dma_wait3A_1457 = tpu.memref_slice %arg2[%dma_wait3A_1455, %dma_wait3A_1456] : memref<10000x128xf32, #tpu.memory_space<hbm>> -> memref<10000x128xf32, #tpu.memory_space<hbm>>
      tpu.wait_indirect_dma semaphore(%arg14 : memref<!tpu.dma_semaphore, #tpu.memory_space<semaphore_mem>>) src(%dma_wait3A_1457 : memref<10000x128xf32, #tpu.memory_space<hbm>>) dst(%dma_wait3A_1451 : memref<128x128xf32, #tpu.memory_space<vmem>>)
      %dma_start3A_1458 = arith.constant 0 : i32
      %dma_start3A_1459 = arith.constant 0 : i32
      %dma_start3A_1460 = arith.constant 0 : i32
      %dma_start3A_1461 = tpu.memref_slice %arg12[%dma_start3A_1458, %dma_start3A_1459, %dma_start3A_1460] : memref<2x128x128xf32, #tpu.memory_space<vmem>> -> memref<1x128x128xf32, #tpu.memory_space<vmem>>
      %dma_start3A_1462 = tpu.memref_squeeze %dma_start3A_1461 : memref<1x128x128xf32, #tpu.memory_space<vmem>> -> memref<128x128xf32, #tpu.memory_space<vmem>>
      %dma_start3A_1463 = arith.constant 0 : i32
      %dma_start3A_1464 = tpu.memref_slice %arg11[%add3A_1356, %dma_start3A_1463] : memref<16x128xi32, #tpu.memory_space<vmem>> -> memref<1x128xi32, #tpu.memory_space<vmem>>
      %dma_start3A_1465 = tpu.memref_squeeze %dma_start3A_1464 : memref<1x128xi32, #tpu.memory_space<vmem>> -> memref<128xi32, #tpu.memory_space<vmem>>
      %dma_start3A_1466 = arith.constant 0 : i32
      %dma_start3A_1467 = arith.constant 0 : i32
      %dma_start3A_1468 = tpu.memref_slice %arg9[%dma_start3A_1466, %dma_start3A_1467] : memref<10016x128xf32, #tpu.memory_space<vmem_shared>> -> memref<10016x128xf32, #tpu.memory_space<vmem_shared>>
      tpu.enqueue_indirect_dma source(%dma_start3A_1462 : memref<128x128xf32, #tpu.memory_space<vmem>>) target(%dma_start3A_1468 : memref<10016x128xf32, #tpu.memory_space<vmem_shared>>) offsets(%dma_start3A_1465 : memref<128xi32, #tpu.memory_space<vmem>>) semaphore(%arg16 : memref<!tpu.dma_semaphore, #tpu.memory_space<semaphore_mem>>) {add = true}
    }
    %scan3A_370 = arith.constant 7 : i32
    %dma_wait3A_371 = arith.constant 0 : i32
    %dma_wait3A_372 = arith.constant 14 : i32
    %dma_wait3A_373 = arith.constant 0 : i32
    %dma_wait3A_374 = arith.constant 0 : i32
    %dma_wait3A_375 = tpu.memref_slice %arg12[%dma_wait3A_371, %dma_wait3A_373, %dma_wait3A_374] : memref<2x128x128xf32, #tpu.memory_space<vmem>> -> memref<1x128x128xf32, #tpu.memory_space<vmem>>
    %dma_wait3A_376 = tpu.memref_squeeze %dma_wait3A_375 : memref<1x128x128xf32, #tpu.memory_space<vmem>> -> memref<128x128xf32, #tpu.memory_space<vmem>>
    %dma_wait3A_377 = arith.constant 0 : i32
    %dma_wait3A_378 = tpu.memref_slice %arg11[%dma_wait3A_372, %dma_wait3A_377] : memref<16x128xi32, #tpu.memory_space<vmem>> -> memref<1x128xi32, #tpu.memory_space<vmem>>
    %dma_wait3A_379 = tpu.memref_squeeze %dma_wait3A_378 : memref<1x128xi32, #tpu.memory_space<vmem>> -> memref<128xi32, #tpu.memory_space<vmem>>
    %dma_wait3A_380 = arith.constant 0 : i32
    %dma_wait3A_381 = arith.constant 0 : i32
    %dma_wait3A_382 = tpu.memref_slice %arg9[%dma_wait3A_380, %dma_wait3A_381] : memref<10016x128xf32, #tpu.memory_space<vmem_shared>> -> memref<10016x128xf32, #tpu.memory_space<vmem_shared>>
    tpu.wait_indirect_dma semaphore(%arg16 : memref<!tpu.dma_semaphore, #tpu.memory_space<semaphore_mem>>) src(%dma_wait3A_376 : memref<128x128xf32, #tpu.memory_space<vmem>>) dst(%dma_wait3A_382 : memref<10016x128xf32, #tpu.memory_space<vmem_shared>>)
    %get3A_383 = arith.constant 15 : i32
    %get3A_384 = arith.index_cast %get3A_383 : i32 to index
    %get3A_385 = arith.constant 0 : index
    %get3A_386 = tpu.vector_load %arg11[%get3A_384, %get3A_385] {strides = array<i32>} : memref<16x128xi32, #tpu.memory_space<vmem>>, vector<16xi32>,
    %broadcast_in_dim3A_387 = arith.constant true
    %broadcast_in_dim3A_388 = vector.broadcast %broadcast_in_dim3A_387 : i1 to vector<16xi1>
    %unique3A_389, %unique3A_390 = tpu.scan_count mask(%broadcast_in_dim3A_388 : vector<16xi1>) value(%get3A_386 : vector<16xi32>) : vector<16xi1>, vector<16xi32>
    %convert_element_type3A_391 = arith.sitofp %unique3A_390 : vector<16xi32> to vector<16xf32>
    tpu.vector_store_idx %arg13[%get3A_386], %convert_element_type3A_391 masked %unique3A_389 {add = true} : memref<10032xf32, #tpu.memory_space<vmem>>[vector<16xi32>], vector<16xf32>, vector<16xi1>
    %get3A_392 = arith.constant 15 : i32
    %get3A_393 = arith.index_cast %get3A_392 : i32 to index
    %get3A_394 = arith.constant 16 : index
    %get3A_395 = tpu.vector_load %arg11[%get3A_393, %get3A_394] {strides = array<i32>} : memref<16x128xi32, #tpu.memory_space<vmem>>, vector<16xi32>,
    %broadcast_in_dim3A_396 = arith.constant true
    %broadcast_in_dim3A_397 = vector.broadcast %broadcast_in_dim3A_396 : i1 to vector<16xi1>
    %unique3A_398, %unique3A_399 = tpu.scan_count mask(%broadcast_in_dim3A_397 : vector<16xi1>) value(%get3A_395 : vector<16xi32>) : vector<16xi1>, vector<16xi32>
    %convert_element_type3A_400 = arith.sitofp %unique3A_399 : vector<16xi32> to vector<16xf32>
    tpu.vector_store_idx %arg13[%get3A_395], %convert_element_type3A_400 masked %unique3A_398 {add = true} : memref<10032xf32, #tpu.memory_space<vmem>>[vector<16xi32>], vector<16xf32>, vector<16xi1>
    %get3A_401 = arith.constant 15 : i32
    %get3A_402 = arith.index_cast %get3A_401 : i32 to index
    %get3A_403 = arith.constant 32 : index
    %get3A_404 = tpu.vector_load %arg11[%get3A_402, %get3A_403] {strides = array<i32>} : memref<16x128xi32, #tpu.memory_space<vmem>>, vector<16xi32>,
    %broadcast_in_dim3A_405 = arith.constant true
    %broadcast_in_dim3A_406 = vector.broadcast %broadcast_in_dim3A_405 : i1 to vector<16xi1>
    %unique3A_407, %unique3A_408 = tpu.scan_count mask(%broadcast_in_dim3A_406 : vector<16xi1>) value(%get3A_404 : vector<16xi32>) : vector<16xi1>, vector<16xi32>
    %convert_element_type3A_409 = arith.sitofp %unique3A_408 : vector<16xi32> to vector<16xf32>
    tpu.vector_store_idx %arg13[%get3A_404], %convert_element_type3A_409 masked %unique3A_407 {add = true} : memref<10032xf32, #tpu.memory_space<vmem>>[vector<16xi32>], vector<16xf32>, vector<16xi1>
    %get3A_410 = arith.constant 15 : i32
    %get3A_411 = arith.index_cast %get3A_410 : i32 to index
    %get3A_412 = arith.constant 48 : index
    %get3A_413 = tpu.vector_load %arg11[%get3A_411, %get3A_412] {strides = array<i32>} : memref<16x128xi32, #tpu.memory_space<vmem>>, vector<16xi32>,
    %broadcast_in_dim3A_414 = arith.constant true
    %broadcast_in_dim3A_415 = vector.broadcast %broadcast_in_dim3A_414 : i1 to vector<16xi1>
    %unique3A_416, %unique3A_417 = tpu.scan_count mask(%broadcast_in_dim3A_415 : vector<16xi1>) value(%get3A_413 : vector<16xi32>) : vector<16xi1>, vector<16xi32>
    %convert_element_type3A_418 = arith.sitofp %unique3A_417 : vector<16xi32> to vector<16xf32>
    tpu.vector_store_idx %arg13[%get3A_413], %convert_element_type3A_418 masked %unique3A_416 {add = true} : memref<10032xf32, #tpu.memory_space<vmem>>[vector<16xi32>], vector<16xf32>, vector<16xi1>
    %get3A_419 = arith.constant 15 : i32
    %get3A_420 = arith.index_cast %get3A_419 : i32 to index
    %get3A_421 = arith.constant 64 : index
    %get3A_422 = tpu.vector_load %arg11[%get3A_420, %get3A_421] {strides = array<i32>} : memref<16x128xi32, #tpu.memory_space<vmem>>, vector<16xi32>,
    %broadcast_in_dim3A_423 = arith.constant true
    %broadcast_in_dim3A_424 = vector.broadcast %broadcast_in_dim3A_423 : i1 to vector<16xi1>
    %unique3A_425, %unique3A_426 = tpu.scan_count mask(%broadcast_in_dim3A_424 : vector<16xi1>) value(%get3A_422 : vector<16xi32>) : vector<16xi1>, vector<16xi32>
    %convert_element_type3A_427 = arith.sitofp %unique3A_426 : vector<16xi32> to vector<16xf32>
    tpu.vector_store_idx %arg13[%get3A_422], %convert_element_type3A_427 masked %unique3A_425 {add = true} : memref<10032xf32, #tpu.memory_space<vmem>>[vector<16xi32>], vector<16xf32>, vector<16xi1>
    %get3A_428 = arith.constant 15 : i32
    %get3A_429 = arith.index_cast %get3A_428 : i32 to index
    %get3A_430 = arith.constant 80 : index
    %get3A_431 = tpu.vector_load %arg11[%get3A_429, %get3A_430] {strides = array<i32>} : memref<16x128xi32, #tpu.memory_space<vmem>>, vector<16xi32>,
    %broadcast_in_dim3A_432 = arith.constant true
    %broadcast_in_dim3A_433 = vector.broadcast %broadcast_in_dim3A_432 : i1 to vector<16xi1>
    %unique3A_434, %unique3A_435 = tpu.scan_count mask(%broadcast_in_dim3A_433 : vector<16xi1>) value(%get3A_431 : vector<16xi32>) : vector<16xi1>, vector<16xi32>
    %convert_element_type3A_436 = arith.sitofp %unique3A_435 : vector<16xi32> to vector<16xf32>
    tpu.vector_store_idx %arg13[%get3A_431], %convert_element_type3A_436 masked %unique3A_434 {add = true} : memref<10032xf32, #tpu.memory_space<vmem>>[vector<16xi32>], vector<16xf32>, vector<16xi1>
    %get3A_437 = arith.constant 15 : i32
    %get3A_438 = arith.index_cast %get3A_437 : i32 to index
    %get3A_439 = arith.constant 96 : index
    %get3A_440 = tpu.vector_load %arg11[%get3A_438, %get3A_439] {strides = array<i32>} : memref<16x128xi32, #tpu.memory_space<vmem>>, vector<16xi32>,
    %broadcast_in_dim3A_441 = arith.constant true
    %broadcast_in_dim3A_442 = vector.broadcast %broadcast_in_dim3A_441 : i1 to vector<16xi1>
    %unique3A_443, %unique3A_444 = tpu.scan_count mask(%broadcast_in_dim3A_442 : vector<16xi1>) value(%get3A_440 : vector<16xi32>) : vector<16xi1>, vector<16xi32>
    %convert_element_type3A_445 = arith.sitofp %unique3A_444 : vector<16xi32> to vector<16xf32>
    tpu.vector_store_idx %arg13[%get3A_440], %convert_element_type3A_445 masked %unique3A_443 {add = true} : memref<10032xf32, #tpu.memory_space<vmem>>[vector<16xi32>], vector<16xf32>, vector<16xi1>
    %get3A_446 = arith.constant 15 : i32
    %get3A_447 = arith.index_cast %get3A_446 : i32 to index
    %get3A_448 = arith.constant 112 : index
    %get3A_449 = tpu.vector_load %arg11[%get3A_447, %get3A_448] {strides = array<i32>} : memref<16x128xi32, #tpu.memory_space<vmem>>, vector<16xi32>,
    %broadcast_in_dim3A_450 = arith.constant true
    %broadcast_in_dim3A_451 = vector.broadcast %broadcast_in_dim3A_450 : i1 to vector<16xi1>
    %unique3A_452, %unique3A_453 = tpu.scan_count mask(%broadcast_in_dim3A_451 : vector<16xi1>) value(%get3A_449 : vector<16xi32>) : vector<16xi1>, vector<16xi32>
    %convert_element_type3A_454 = arith.sitofp %unique3A_453 : vector<16xi32> to vector<16xf32>
    tpu.vector_store_idx %arg13[%get3A_449], %convert_element_type3A_454 masked %unique3A_452 {add = true} : memref<10032xf32, #tpu.memory_space<vmem>>[vector<16xi32>], vector<16xf32>, vector<16xi1>
    %dma_wait3A_455 = arith.constant 15 : i32
    %dma_wait3A_456 = arith.constant 1 : i32
    %dma_wait3A_457 = arith.constant 0 : i32
    %dma_wait3A_458 = arith.constant 0 : i32
    %dma_wait3A_459 = tpu.memref_slice %arg12[%dma_wait3A_456, %dma_wait3A_457, %dma_wait3A_458] : memref<2x128x128xf32, #tpu.memory_space<vmem>> -> memref<1x128x128xf32, #tpu.memory_space<vmem>>
    %dma_wait3A_460 = tpu.memref_squeeze %dma_wait3A_459 : memref<1x128x128xf32, #tpu.memory_space<vmem>> -> memref<128x128xf32, #tpu.memory_space<vmem>>
    %dma_wait3A_461 = arith.constant 0 : i32
    %dma_wait3A_462 = tpu.memref_slice %arg10[%dma_wait3A_455, %dma_wait3A_461] : memref<16x128xi32, #tpu.memory_space<vmem>> -> memref<1x128xi32, #tpu.memory_space<vmem>>
    %dma_wait3A_463 = tpu.memref_squeeze %dma_wait3A_462 : memref<1x128xi32, #tpu.memory_space<vmem>> -> memref<128xi32, #tpu.memory_space<vmem>>
    %dma_wait3A_464 = arith.constant 0 : i32
    %dma_wait3A_465 = arith.constant 0 : i32
    %dma_wait3A_466 = tpu.memref_slice %arg2[%dma_wait3A_464, %dma_wait3A_465] : memref<10000x128xf32, #tpu.memory_space<hbm>> -> memref<10000x128xf32, #tpu.memory_space<hbm>>
    tpu.wait_indirect_dma semaphore(%arg15 : memref<!tpu.dma_semaphore, #tpu.memory_space<semaphore_mem>>) src(%dma_wait3A_466 : memref<10000x128xf32, #tpu.memory_space<hbm>>) dst(%dma_wait3A_460 : memref<128x128xf32, #tpu.memory_space<vmem>>)
    %dma_start3A_467 = arith.constant 1 : i32
    %dma_start3A_468 = arith.constant 15 : i32
    %dma_start3A_469 = arith.constant 0 : i32
    %dma_start3A_470 = arith.constant 0 : i32
    %dma_start3A_471 = tpu.memref_slice %arg12[%dma_start3A_467, %dma_start3A_469, %dma_start3A_470] : memref<2x128x128xf32, #tpu.memory_space<vmem>> -> memref<1x128x128xf32, #tpu.memory_space<vmem>>
    %dma_start3A_472 = tpu.memref_squeeze %dma_start3A_471 : memref<1x128x128xf32, #tpu.memory_space<vmem>> -> memref<128x128xf32, #tpu.memory_space<vmem>>
    %dma_start3A_473 = arith.constant 0 : i32
    %dma_start3A_474 = tpu.memref_slice %arg11[%dma_start3A_468, %dma_start3A_473] : memref<16x128xi32, #tpu.memory_space<vmem>> -> memref<1x128xi32, #tpu.memory_space<vmem>>
    %dma_start3A_475 = tpu.memref_squeeze %dma_start3A_474 : memref<1x128xi32, #tpu.memory_space<vmem>> -> memref<128xi32, #tpu.memory_space<vmem>>
    %dma_start3A_476 = arith.constant 0 : i32
    %dma_start3A_477 = arith.constant 0 : i32
    %dma_start3A_478 = tpu.memref_slice %arg9[%dma_start3A_476, %dma_start3A_477] : memref<10016x128xf32, #tpu.memory_space<vmem_shared>> -> memref<10016x128xf32, #tpu.memory_space<vmem_shared>>
    tpu.enqueue_indirect_dma source(%dma_start3A_472 : memref<128x128xf32, #tpu.memory_space<vmem>>) target(%dma_start3A_478 : memref<10016x128xf32, #tpu.memory_space<vmem_shared>>) offsets(%dma_start3A_475 : memref<128xi32, #tpu.memory_space<vmem>>) semaphore(%arg17 : memref<!tpu.dma_semaphore, #tpu.memory_space<semaphore_mem>>) {add = true}
    %dma_wait3A_479 = arith.constant 1 : i32
    %dma_wait3A_480 = arith.constant 15 : i32
    %dma_wait3A_481 = arith.constant 0 : i32
    %dma_wait3A_482 = arith.constant 0 : i32
    %dma_wait3A_483 = tpu.memref_slice %arg12[%dma_wait3A_479, %dma_wait3A_481, %dma_wait3A_482] : memref<2x128x128xf32, #tpu.memory_space<vmem>> -> memref<1x128x128xf32, #tpu.memory_space<vmem>>
    %dma_wait3A_484 = tpu.memref_squeeze %dma_wait3A_483 : memref<1x128x128xf32, #tpu.memory_space<vmem>> -> memref<128x128xf32, #tpu.memory_space<vmem>>
    %dma_wait3A_485 = arith.constant 0 : i32
    %dma_wait3A_486 = tpu.memref_slice %arg11[%dma_wait3A_480, %dma_wait3A_485] : memref<16x128xi32, #tpu.memory_space<vmem>> -> memref<1x128xi32, #tpu.memory_space<vmem>>
    %dma_wait3A_487 = tpu.memref_squeeze %dma_wait3A_486 : memref<1x128xi32, #tpu.memory_space<vmem>> -> memref<128xi32, #tpu.memory_space<vmem>>
    %dma_wait3A_488 = arith.constant 0 : i32
    %dma_wait3A_489 = arith.constant 0 : i32
    %dma_wait3A_490 = tpu.memref_slice %arg9[%dma_wait3A_488, %dma_wait3A_489] : memref<10016x128xf32, #tpu.memory_space<vmem_shared>> -> memref<10016x128xf32, #tpu.memory_space<vmem_shared>>
    tpu.wait_indirect_dma semaphore(%arg17 : memref<!tpu.dma_semaphore, #tpu.memory_space<semaphore_mem>>) src(%dma_wait3A_484 : memref<128x128xf32, #tpu.memory_space<vmem>>) dst(%dma_wait3A_490 : memref<10016x128xf32, #tpu.memory_space<vmem_shared>>)
    "tpu.region"() ({
      %run_scoped3A = tpu.sem_alloc : memref<!tpu.dma_semaphore, #tpu.memory_space<semaphore_mem>>
      %dma_start3A_1237 = arith.constant 32 : i32
      %dma_start3A_1238 = arith.constant 0 : i32
      %dma_start3A_1239 = tpu.memref_slice %arg3[%add3A, %dma_start3A_1237, %dma_start3A_1238] : memref<32x80x128xi32, #tpu.memory_space<hbm>> -> memref<1x16x128xi32, #tpu.memory_space<hbm>>
      %dma_start3A_1240 = tpu.memref_squeeze %dma_start3A_1239 : memref<1x16x128xi32, #tpu.memory_space<hbm>> -> memref<16x128xi32, #tpu.memory_space<hbm>>
      %dma_start3A_1241 = arith.constant 32 : i32
      %dma_start3A_1242 = arith.constant 0 : i32
      %dma_start3A_1243 = tpu.memref_slice %arg3[%add3A, %dma_start3A_1241, %dma_start3A_1242] : memref<32x80x128xi32, #tpu.memory_space<hbm>> -> memref<1x16x128xi32, #tpu.memory_space<hbm>>
      %dma_start3A_1244 = tpu.memref_squeeze %dma_start3A_1243 : memref<1x16x128xi32, #tpu.memory_space<hbm>> -> memref<16x128xi32, #tpu.memory_space<hbm>>
      tpu.enqueue_dma source(%dma_start3A_1244 : memref<16x128xi32, #tpu.memory_space<hbm>>) target(%arg10 : memref<16x128xi32, #tpu.memory_space<vmem>>) target_semaphore(%run_scoped3A : memref<!tpu.dma_semaphore, #tpu.memory_space<semaphore_mem>>)
      %dma_wait3A_1245 = arith.constant 32 : i32
      %dma_wait3A_1246 = arith.constant 0 : i32
      %dma_wait3A_1247 = tpu.memref_slice %arg3[%add3A, %dma_wait3A_1245, %dma_wait3A_1246] : memref<32x80x128xi32, #tpu.memory_space<hbm>> -> memref<1x16x128xi32, #tpu.memory_space<hbm>>
      %dma_wait3A_1248 = tpu.memref_squeeze %dma_wait3A_1247 : memref<1x16x128xi32, #tpu.memory_space<hbm>> -> memref<16x128xi32, #tpu.memory_space<hbm>>
      %dma_wait3A_1249 = arith.constant 32 : i32
      %dma_wait3A_1250 = arith.constant 0 : i32
      %dma_wait3A_1251 = tpu.memref_slice %arg3[%add3A, %dma_wait3A_1249, %dma_wait3A_1250] : memref<32x80x128xi32, #tpu.memory_space<hbm>> -> memref<1x16x128xi32, #tpu.memory_space<hbm>>
      %dma_wait3A_1252 = tpu.memref_squeeze %dma_wait3A_1251 : memref<1x16x128xi32, #tpu.memory_space<hbm>> -> memref<16x128xi32, #tpu.memory_space<hbm>>
      tpu.wait_dma2 semaphore(%run_scoped3A : memref<!tpu.dma_semaphore, #tpu.memory_space<semaphore_mem>>) src(%dma_wait3A_1252 : memref<16x128xi32, #tpu.memory_space<hbm>>) dst(%arg10 : memref<16x128xi32, #tpu.memory_space<vmem>>)
      tpu.yield
    }) : () -> ()
    "tpu.region"() ({
      %run_scoped3A = tpu.sem_alloc : memref<!tpu.dma_semaphore, #tpu.memory_space<semaphore_mem>>
      %dma_start3A_1237 = arith.constant 32 : i32
      %dma_start3A_1238 = arith.constant 0 : i32
      %dma_start3A_1239 = tpu.memref_slice %arg4[%add3A, %dma_start3A_1237, %dma_start3A_1238] : memref<32x80x128xi32, #tpu.memory_space<hbm>> -> memref<1x16x128xi32, #tpu.memory_space<hbm>>
      %dma_start3A_1240 = tpu.memref_squeeze %dma_start3A_1239 : memref<1x16x128xi32, #tpu.memory_space<hbm>> -> memref<16x128xi32, #tpu.memory_space<hbm>>
      %dma_start3A_1241 = arith.constant 32 : i32
      %dma_start3A_1242 = arith.constant 0 : i32
      %dma_start3A_1243 = tpu.memref_slice %arg4[%add3A, %dma_start3A_1241, %dma_start3A_1242] : memref<32x80x128xi32, #tpu.memory_space<hbm>> -> memref<1x16x128xi32, #tpu.memory_space<hbm>>
      %dma_start3A_1244 = tpu.memref_squeeze %dma_start3A_1243 : memref<1x16x128xi32, #tpu.memory_space<hbm>> -> memref<16x128xi32, #tpu.memory_space<hbm>>
      tpu.enqueue_dma source(%dma_start3A_1244 : memref<16x128xi32, #tpu.memory_space<hbm>>) target(%arg11 : memref<16x128xi32, #tpu.memory_space<vmem>>) target_semaphore(%run_scoped3A : memref<!tpu.dma_semaphore, #tpu.memory_space<semaphore_mem>>)
      %dma_wait3A_1245 = arith.constant 32 : i32
      %dma_wait3A_1246 = arith.constant 0 : i32
      %dma_wait3A_1247 = tpu.memref_slice %arg4[%add3A, %dma_wait3A_1245, %dma_wait3A_1246] : memref<32x80x128xi32, #tpu.memory_space<hbm>> -> memref<1x16x128xi32, #tpu.memory_space<hbm>>
      %dma_wait3A_1248 = tpu.memref_squeeze %dma_wait3A_1247 : memref<1x16x128xi32, #tpu.memory_space<hbm>> -> memref<16x128xi32, #tpu.memory_space<hbm>>
      %dma_wait3A_1249 = arith.constant 32 : i32
      %dma_wait3A_1250 = arith.constant 0 : i32
      %dma_wait3A_1251 = tpu.memref_slice %arg4[%add3A, %dma_wait3A_1249, %dma_wait3A_1250] : memref<32x80x128xi32, #tpu.memory_space<hbm>> -> memref<1x16x128xi32, #tpu.memory_space<hbm>>
      %dma_wait3A_1252 = tpu.memref_squeeze %dma_wait3A_1251 : memref<1x16x128xi32, #tpu.memory_space<hbm>> -> memref<16x128xi32, #tpu.memory_space<hbm>>
      tpu.wait_dma2 semaphore(%run_scoped3A : memref<!tpu.dma_semaphore, #tpu.memory_space<semaphore_mem>>) src(%dma_wait3A_1252 : memref<16x128xi32, #tpu.memory_space<hbm>>) dst(%arg11 : memref<16x128xi32, #tpu.memory_space<vmem>>)
      tpu.yield
    }) : () -> ()
    %dma_start3A_491 = arith.constant 0 : i32
    %dma_start3A_492 = arith.constant 0 : i32
    %dma_start3A_493 = arith.constant 0 : i32
    %dma_start3A_494 = arith.constant 0 : i32
    %dma_start3A_495 = tpu.memref_slice %arg12[%dma_start3A_492, %dma_start3A_493, %dma_start3A_494] : memref<2x128x128xf32, #tpu.memory_space<vmem>> -> memref<1x128x128xf32, #tpu.memory_space<vmem>>
    %dma_start3A_496 = tpu.memref_squeeze %dma_start3A_495 : memref<1x128x128xf32, #tpu.memory_space<vmem>> -> memref<128x128xf32, #tpu.memory_space<vmem>>
    %dma_start3A_497 = arith.constant 0 : i32
    %dma_start3A_498 = tpu.memref_slice %arg10[%dma_start3A_491, %dma_start3A_497] : memref<16x128xi32, #tpu.memory_space<vmem>> -> memref<1x128xi32, #tpu.memory_space<vmem>>
    %dma_start3A_499 = tpu.memref_squeeze %dma_start3A_498 : memref<1x128xi32, #tpu.memory_space<vmem>> -> memref<128xi32, #tpu.memory_space<vmem>>
    %dma_start3A_500 = arith.constant 0 : i32
    %dma_start3A_501 = arith.constant 0 : i32
    %dma_start3A_502 = tpu.memref_slice %arg2[%dma_start3A_500, %dma_start3A_501] : memref<10000x128xf32, #tpu.memory_space<hbm>> -> memref<10000x128xf32, #tpu.memory_space<hbm>>
    tpu.enqueue_indirect_dma source(%dma_start3A_502 : memref<10000x128xf32, #tpu.memory_space<hbm>>) target(%dma_start3A_496 : memref<128x128xf32, #tpu.memory_space<vmem>>) offsets(%dma_start3A_499 : memref<128xi32, #tpu.memory_space<vmem>>) semaphore(%arg14 : memref<!tpu.dma_semaphore, #tpu.memory_space<semaphore_mem>>)
    %dma_start3A_503 = arith.constant 1 : i32
    %dma_start3A_504 = arith.constant 1 : i32
    %dma_start3A_505 = arith.constant 0 : i32
    %dma_start3A_506 = arith.constant 0 : i32
    %dma_start3A_507 = tpu.memref_slice %arg12[%dma_start3A_504, %dma_start3A_505, %dma_start3A_506] : memref<2x128x128xf32, #tpu.memory_space<vmem>> -> memref<1x128x128xf32, #tpu.memory_space<vmem>>
    %dma_start3A_508 = tpu.memref_squeeze %dma_start3A_507 : memref<1x128x128xf32, #tpu.memory_space<vmem>> -> memref<128x128xf32, #tpu.memory_space<vmem>>
    %dma_start3A_509 = arith.constant 0 : i32
    %dma_start3A_510 = tpu.memref_slice %arg10[%dma_start3A_503, %dma_start3A_509] : memref<16x128xi32, #tpu.memory_space<vmem>> -> memref<1x128xi32, #tpu.memory_space<vmem>>
    %dma_start3A_511 = tpu.memref_squeeze %dma_start3A_510 : memref<1x128xi32, #tpu.memory_space<vmem>> -> memref<128xi32, #tpu.memory_space<vmem>>
    %dma_start3A_512 = arith.constant 0 : i32
    %dma_start3A_513 = arith.constant 0 : i32
    %dma_start3A_514 = tpu.memref_slice %arg2[%dma_start3A_512, %dma_start3A_513] : memref<10000x128xf32, #tpu.memory_space<hbm>> -> memref<10000x128xf32, #tpu.memory_space<hbm>>
    tpu.enqueue_indirect_dma source(%dma_start3A_514 : memref<10000x128xf32, #tpu.memory_space<hbm>>) target(%dma_start3A_508 : memref<128x128xf32, #tpu.memory_space<vmem>>) offsets(%dma_start3A_511 : memref<128xi32, #tpu.memory_space<vmem>>) semaphore(%arg15 : memref<!tpu.dma_semaphore, #tpu.memory_space<semaphore_mem>>)
    %get3A_515 = arith.constant 0 : i32
    %get3A_516 = arith.index_cast %get3A_515 : i32 to index
    %get3A_517 = arith.constant 0 : index
    %get3A_518 = tpu.vector_load %arg11[%get3A_516, %get3A_517] {strides = array<i32>} : memref<16x128xi32, #tpu.memory_space<vmem>>, vector<16xi32>,
    %broadcast_in_dim3A_519 = arith.constant true
    %broadcast_in_dim3A_520 = vector.broadcast %broadcast_in_dim3A_519 : i1 to vector<16xi1>
    %unique3A_521, %unique3A_522 = tpu.scan_count mask(%broadcast_in_dim3A_520 : vector<16xi1>) value(%get3A_518 : vector<16xi32>) : vector<16xi1>, vector<16xi32>
    %convert_element_type3A_523 = arith.sitofp %unique3A_522 : vector<16xi32> to vector<16xf32>
    tpu.vector_store_idx %arg13[%get3A_518], %convert_element_type3A_523 masked %unique3A_521 {add = true} : memref<10032xf32, #tpu.memory_space<vmem>>[vector<16xi32>], vector<16xf32>, vector<16xi1>
    %get3A_524 = arith.constant 0 : i32
    %get3A_525 = arith.index_cast %get3A_524 : i32 to index
    %get3A_526 = arith.constant 16 : index
    %get3A_527 = tpu.vector_load %arg11[%get3A_525, %get3A_526] {strides = array<i32>} : memref<16x128xi32, #tpu.memory_space<vmem>>, vector<16xi32>,
    %broadcast_in_dim3A_528 = arith.constant true
    %broadcast_in_dim3A_529 = vector.broadcast %broadcast_in_dim3A_528 : i1 to vector<16xi1>
    %unique3A_530, %unique3A_531 = tpu.scan_count mask(%broadcast_in_dim3A_529 : vector<16xi1>) value(%get3A_527 : vector<16xi32>) : vector<16xi1>, vector<16xi32>
    %convert_element_type3A_532 = arith.sitofp %unique3A_531 : vector<16xi32> to vector<16xf32>
    tpu.vector_store_idx %arg13[%get3A_527], %convert_element_type3A_532 masked %unique3A_530 {add = true} : memref<10032xf32, #tpu.memory_space<vmem>>[vector<16xi32>], vector<16xf32>, vector<16xi1>
    %get3A_533 = arith.constant 0 : i32
    %get3A_534 = arith.index_cast %get3A_533 : i32 to index
    %get3A_535 = arith.constant 32 : index
    %get3A_536 = tpu.vector_load %arg11[%get3A_534, %get3A_535] {strides = array<i32>} : memref<16x128xi32, #tpu.memory_space<vmem>>, vector<16xi32>,
    %broadcast_in_dim3A_537 = arith.constant true
    %broadcast_in_dim3A_538 = vector.broadcast %broadcast_in_dim3A_537 : i1 to vector<16xi1>
    %unique3A_539, %unique3A_540 = tpu.scan_count mask(%broadcast_in_dim3A_538 : vector<16xi1>) value(%get3A_536 : vector<16xi32>) : vector<16xi1>, vector<16xi32>
    %convert_element_type3A_541 = arith.sitofp %unique3A_540 : vector<16xi32> to vector<16xf32>
    tpu.vector_store_idx %arg13[%get3A_536], %convert_element_type3A_541 masked %unique3A_539 {add = true} : memref<10032xf32, #tpu.memory_space<vmem>>[vector<16xi32>], vector<16xf32>, vector<16xi1>
    %get3A_542 = arith.constant 0 : i32
    %get3A_543 = arith.index_cast %get3A_542 : i32 to index
    %get3A_544 = arith.constant 48 : index
    %get3A_545 = tpu.vector_load %arg11[%get3A_543, %get3A_544] {strides = array<i32>} : memref<16x128xi32, #tpu.memory_space<vmem>>, vector<16xi32>,
    %broadcast_in_dim3A_546 = arith.constant true
    %broadcast_in_dim3A_547 = vector.broadcast %broadcast_in_dim3A_546 : i1 to vector<16xi1>
    %unique3A_548, %unique3A_549 = tpu.scan_count mask(%broadcast_in_dim3A_547 : vector<16xi1>) value(%get3A_545 : vector<16xi32>) : vector<16xi1>, vector<16xi32>
    %convert_element_type3A_550 = arith.sitofp %unique3A_549 : vector<16xi32> to vector<16xf32>
    tpu.vector_store_idx %arg13[%get3A_545], %convert_element_type3A_550 masked %unique3A_548 {add = true} : memref<10032xf32, #tpu.memory_space<vmem>>[vector<16xi32>], vector<16xf32>, vector<16xi1>
    %get3A_551 = arith.constant 0 : i32
    %get3A_552 = arith.index_cast %get3A_551 : i32 to index
    %get3A_553 = arith.constant 64 : index
    %get3A_554 = tpu.vector_load %arg11[%get3A_552, %get3A_553] {strides = array<i32>} : memref<16x128xi32, #tpu.memory_space<vmem>>, vector<16xi32>,
    %broadcast_in_dim3A_555 = arith.constant true
    %broadcast_in_dim3A_556 = vector.broadcast %broadcast_in_dim3A_555 : i1 to vector<16xi1>
    %unique3A_557, %unique3A_558 = tpu.scan_count mask(%broadcast_in_dim3A_556 : vector<16xi1>) value(%get3A_554 : vector<16xi32>) : vector<16xi1>, vector<16xi32>
    %convert_element_type3A_559 = arith.sitofp %unique3A_558 : vector<16xi32> to vector<16xf32>
    tpu.vector_store_idx %arg13[%get3A_554], %convert_element_type3A_559 masked %unique3A_557 {add = true} : memref<10032xf32, #tpu.memory_space<vmem>>[vector<16xi32>], vector<16xf32>, vector<16xi1>
    %get3A_560 = arith.constant 0 : i32
    %get3A_561 = arith.index_cast %get3A_560 : i32 to index
    %get3A_562 = arith.constant 80 : index
    %get3A_563 = tpu.vector_load %arg11[%get3A_561, %get3A_562] {strides = array<i32>} : memref<16x128xi32, #tpu.memory_space<vmem>>, vector<16xi32>,
    %broadcast_in_dim3A_564 = arith.constant true
    %broadcast_in_dim3A_565 = vector.broadcast %broadcast_in_dim3A_564 : i1 to vector<16xi1>
    %unique3A_566, %unique3A_567 = tpu.scan_count mask(%broadcast_in_dim3A_565 : vector<16xi1>) value(%get3A_563 : vector<16xi32>) : vector<16xi1>, vector<16xi32>
    %convert_element_type3A_568 = arith.sitofp %unique3A_567 : vector<16xi32> to vector<16xf32>
    tpu.vector_store_idx %arg13[%get3A_563], %convert_element_type3A_568 masked %unique3A_566 {add = true} : memref<10032xf32, #tpu.memory_space<vmem>>[vector<16xi32>], vector<16xf32>, vector<16xi1>
    %get3A_569 = arith.constant 0 : i32
    %get3A_570 = arith.index_cast %get3A_569 : i32 to index
    %get3A_571 = arith.constant 96 : index
    %get3A_572 = tpu.vector_load %arg11[%get3A_570, %get3A_571] {strides = array<i32>} : memref<16x128xi32, #tpu.memory_space<vmem>>, vector<16xi32>,
    %broadcast_in_dim3A_573 = arith.constant true
    %broadcast_in_dim3A_574 = vector.broadcast %broadcast_in_dim3A_573 : i1 to vector<16xi1>
    %unique3A_575, %unique3A_576 = tpu.scan_count mask(%broadcast_in_dim3A_574 : vector<16xi1>) value(%get3A_572 : vector<16xi32>) : vector<16xi1>, vector<16xi32>
    %convert_element_type3A_577 = arith.sitofp %unique3A_576 : vector<16xi32> to vector<16xf32>
    tpu.vector_store_idx %arg13[%get3A_572], %convert_element_type3A_577 masked %unique3A_575 {add = true} : memref<10032xf32, #tpu.memory_space<vmem>>[vector<16xi32>], vector<16xf32>, vector<16xi1>
    %get3A_578 = arith.constant 0 : i32
    %get3A_579 = arith.index_cast %get3A_578 : i32 to index
    %get3A_580 = arith.constant 112 : index
    %get3A_581 = tpu.vector_load %arg11[%get3A_579, %get3A_580] {strides = array<i32>} : memref<16x128xi32, #tpu.memory_space<vmem>>, vector<16xi32>,
    %broadcast_in_dim3A_582 = arith.constant true
    %broadcast_in_dim3A_583 = vector.broadcast %broadcast_in_dim3A_582 : i1 to vector<16xi1>
    %unique3A_584, %unique3A_585 = tpu.scan_count mask(%broadcast_in_dim3A_583 : vector<16xi1>) value(%get3A_581 : vector<16xi32>) : vector<16xi1>, vector<16xi32>
    %convert_element_type3A_586 = arith.sitofp %unique3A_585 : vector<16xi32> to vector<16xf32>
    tpu.vector_store_idx %arg13[%get3A_581], %convert_element_type3A_586 masked %unique3A_584 {add = true} : memref<10032xf32, #tpu.memory_space<vmem>>[vector<16xi32>], vector<16xf32>, vector<16xi1>
    %dma_wait3A_587 = arith.constant 0 : i32
    %dma_wait3A_588 = arith.constant 0 : i32
    %dma_wait3A_589 = arith.constant 0 : i32
    %dma_wait3A_590 = arith.constant 0 : i32
    %dma_wait3A_591 = tpu.memref_slice %arg12[%dma_wait3A_588, %dma_wait3A_589, %dma_wait3A_590] : memref<2x128x128xf32, #tpu.memory_space<vmem>> -> memref<1x128x128xf32, #tpu.memory_space<vmem>>
    %dma_wait3A_592 = tpu.memref_squeeze %dma_wait3A_591 : memref<1x128x128xf32, #tpu.memory_space<vmem>> -> memref<128x128xf32, #tpu.memory_space<vmem>>
    %dma_wait3A_593 = arith.constant 0 : i32
    %dma_wait3A_594 = tpu.memref_slice %arg10[%dma_wait3A_587, %dma_wait3A_593] : memref<16x128xi32, #tpu.memory_space<vmem>> -> memref<1x128xi32, #tpu.memory_space<vmem>>
    %dma_wait3A_595 = tpu.memref_squeeze %dma_wait3A_594 : memref<1x128xi32, #tpu.memory_space<vmem>> -> memref<128xi32, #tpu.memory_space<vmem>>
    %dma_wait3A_596 = arith.constant 0 : i32
    %dma_wait3A_597 = arith.constant 0 : i32
    %dma_wait3A_598 = tpu.memref_slice %arg2[%dma_wait3A_596, %dma_wait3A_597] : memref<10000x128xf32, #tpu.memory_space<hbm>> -> memref<10000x128xf32, #tpu.memory_space<hbm>>
    tpu.wait_indirect_dma semaphore(%arg14 : memref<!tpu.dma_semaphore, #tpu.memory_space<semaphore_mem>>) src(%dma_wait3A_598 : memref<10000x128xf32, #tpu.memory_space<hbm>>) dst(%dma_wait3A_592 : memref<128x128xf32, #tpu.memory_space<vmem>>)
    %dma_start3A_599 = arith.constant 0 : i32
    %dma_start3A_600 = arith.constant 0 : i32
    %dma_start3A_601 = arith.constant 0 : i32
    %dma_start3A_602 = arith.constant 0 : i32
    %dma_start3A_603 = tpu.memref_slice %arg12[%dma_start3A_599, %dma_start3A_601, %dma_start3A_602] : memref<2x128x128xf32, #tpu.memory_space<vmem>> -> memref<1x128x128xf32, #tpu.memory_space<vmem>>
    %dma_start3A_604 = tpu.memref_squeeze %dma_start3A_603 : memref<1x128x128xf32, #tpu.memory_space<vmem>> -> memref<128x128xf32, #tpu.memory_space<vmem>>
    %dma_start3A_605 = arith.constant 0 : i32
    %dma_start3A_606 = tpu.memref_slice %arg11[%dma_start3A_600, %dma_start3A_605] : memref<16x128xi32, #tpu.memory_space<vmem>> -> memref<1x128xi32, #tpu.memory_space<vmem>>
    %dma_start3A_607 = tpu.memref_squeeze %dma_start3A_606 : memref<1x128xi32, #tpu.memory_space<vmem>> -> memref<128xi32, #tpu.memory_space<vmem>>
    %dma_start3A_608 = arith.constant 0 : i32
    %dma_start3A_609 = arith.constant 0 : i32
    %dma_start3A_610 = tpu.memref_slice %arg9[%dma_start3A_608, %dma_start3A_609] : memref<10016x128xf32, #tpu.memory_space<vmem_shared>> -> memref<10016x128xf32, #tpu.memory_space<vmem_shared>>
    tpu.enqueue_indirect_dma source(%dma_start3A_604 : memref<128x128xf32, #tpu.memory_space<vmem>>) target(%dma_start3A_610 : memref<10016x128xf32, #tpu.memory_space<vmem_shared>>) offsets(%dma_start3A_607 : memref<128xi32, #tpu.memory_space<vmem>>) semaphore(%arg16 : memref<!tpu.dma_semaphore, #tpu.memory_space<semaphore_mem>>) {add = true}
    %scan3A_611 = arith.constant 0 : i32
    %scan3A_612 = arith.constant 0 : i32
    %scan3A_613 = arith.constant 7 : i32
    %scan3A_614 = arith.addi %scan3A_612, %scan3A_613 : i32
    %scan3A_615 = arith.constant 1 : i32
    scf.for %scan3A_1237 = %scan3A_612 to %scan3A_614 step %scan3A_615  : i32 {
      %mul3A_1238 = arith.constant 2 : i32
      %mul3A_1239 = arith.muli %mul3A_1238, %scan3A_1237 : i32
      %add3A_1240 = arith.constant 1 : i32
      %add3A_1241 = arith.addi %mul3A_1239, %add3A_1240 : i32
      %sub3A = arith.constant 1 : i32
      %sub3A_1242 = arith.subi %add3A_1241, %sub3A : i32
      %dma_wait3A_1243 = arith.constant 0 : i32
      %dma_wait3A_1244 = arith.constant 0 : i32
      %dma_wait3A_1245 = arith.constant 0 : i32
      %dma_wait3A_1246 = tpu.memref_slice %arg12[%dma_wait3A_1243, %dma_wait3A_1244, %dma_wait3A_1245] : memref<2x128x128xf32, #tpu.memory_space<vmem>> -> memref<1x128x128xf32, #tpu.memory_space<vmem>>
      %dma_wait3A_1247 = tpu.memref_squeeze %dma_wait3A_1246 : memref<1x128x128xf32, #tpu.memory_space<vmem>> -> memref<128x128xf32, #tpu.memory_space<vmem>>
      %dma_wait3A_1248 = arith.constant 0 : i32
      %dma_wait3A_1249 = tpu.memref_slice %arg11[%sub3A_1242, %dma_wait3A_1248] : memref<16x128xi32, #tpu.memory_space<vmem>> -> memref<1x128xi32, #tpu.memory_space<vmem>>
      %dma_wait3A_1250 = tpu.memref_squeeze %dma_wait3A_1249 : memref<1x128xi32, #tpu.memory_space<vmem>> -> memref<128xi32, #tpu.memory_space<vmem>>
      %dma_wait3A_1251 = arith.constant 0 : i32
      %dma_wait3A_1252 = arith.constant 0 : i32
      %dma_wait3A_1253 = tpu.memref_slice %arg9[%dma_wait3A_1251, %dma_wait3A_1252] : memref<10016x128xf32, #tpu.memory_space<vmem_shared>> -> memref<10016x128xf32, #tpu.memory_space<vmem_shared>>
      tpu.wait_indirect_dma semaphore(%arg16 : memref<!tpu.dma_semaphore, #tpu.memory_space<semaphore_mem>>) src(%dma_wait3A_1247 : memref<128x128xf32, #tpu.memory_space<vmem>>) dst(%dma_wait3A_1253 : memref<10016x128xf32, #tpu.memory_space<vmem_shared>>)
      %add3A_1254 = arith.constant 1 : i32
      %add3A_1255 = arith.addi %add3A_1241, %add3A_1254 : i32
      %dma_start3A_1256 = arith.constant 0 : i32
      %dma_start3A_1257 = arith.constant 0 : i32
      %dma_start3A_1258 = arith.constant 0 : i32
      %dma_start3A_1259 = tpu.memref_slice %arg12[%dma_start3A_1256, %dma_start3A_1257, %dma_start3A_1258] : memref<2x128x128xf32, #tpu.memory_space<vmem>> -> memref<1x128x128xf32, #tpu.memory_space<vmem>>
      %dma_start3A_1260 = tpu.memref_squeeze %dma_start3A_1259 : memref<1x128x128xf32, #tpu.memory_space<vmem>> -> memref<128x128xf32, #tpu.memory_space<vmem>>
      %dma_start3A_1261 = arith.constant 0 : i32
      %dma_start3A_1262 = tpu.memref_slice %arg10[%add3A_1255, %dma_start3A_1261] : memref<16x128xi32, #tpu.memory_space<vmem>> -> memref<1x128xi32, #tpu.memory_space<vmem>>
      %dma_start3A_1263 = tpu.memref_squeeze %dma_start3A_1262 : memref<1x128xi32, #tpu.memory_space<vmem>> -> memref<128xi32, #tpu.memory_space<vmem>>
      %dma_start3A_1264 = arith.constant 0 : i32
      %dma_start3A_1265 = arith.constant 0 : i32
      %dma_start3A_1266 = tpu.memref_slice %arg2[%dma_start3A_1264, %dma_start3A_1265] : memref<10000x128xf32, #tpu.memory_space<hbm>> -> memref<10000x128xf32, #tpu.memory_space<hbm>>
      tpu.enqueue_indirect_dma source(%dma_start3A_1266 : memref<10000x128xf32, #tpu.memory_space<hbm>>) target(%dma_start3A_1260 : memref<128x128xf32, #tpu.memory_space<vmem>>) offsets(%dma_start3A_1263 : memref<128xi32, #tpu.memory_space<vmem>>) semaphore(%arg14 : memref<!tpu.dma_semaphore, #tpu.memory_space<semaphore_mem>>)
      %get3A_1267 = arith.index_cast %add3A_1241 : i32 to index
      %get3A_1268 = arith.constant 0 : index
      %get3A_1269 = tpu.vector_load %arg11[%get3A_1267, %get3A_1268] {strides = array<i32>} : memref<16x128xi32, #tpu.memory_space<vmem>>, vector<16xi32>,
      %broadcast_in_dim3A_1270 = arith.constant true
      %broadcast_in_dim3A_1271 = vector.broadcast %broadcast_in_dim3A_1270 : i1 to vector<16xi1>
      %unique3A_1272, %unique3A_1273 = tpu.scan_count mask(%broadcast_in_dim3A_1271 : vector<16xi1>) value(%get3A_1269 : vector<16xi32>) : vector<16xi1>, vector<16xi32>
      %convert_element_type3A_1274 = arith.sitofp %unique3A_1273 : vector<16xi32> to vector<16xf32>
      tpu.vector_store_idx %arg13[%get3A_1269], %convert_element_type3A_1274 masked %unique3A_1272 {add = true} : memref<10032xf32, #tpu.memory_space<vmem>>[vector<16xi32>], vector<16xf32>, vector<16xi1>
      %get3A_1275 = arith.index_cast %add3A_1241 : i32 to index
      %get3A_1276 = arith.constant 16 : index
      %get3A_1277 = tpu.vector_load %arg11[%get3A_1275, %get3A_1276] {strides = array<i32>} : memref<16x128xi32, #tpu.memory_space<vmem>>, vector<16xi32>,
      %broadcast_in_dim3A_1278 = arith.constant true
      %broadcast_in_dim3A_1279 = vector.broadcast %broadcast_in_dim3A_1278 : i1 to vector<16xi1>
      %unique3A_1280, %unique3A_1281 = tpu.scan_count mask(%broadcast_in_dim3A_1279 : vector<16xi1>) value(%get3A_1277 : vector<16xi32>) : vector<16xi1>, vector<16xi32>
      %convert_element_type3A_1282 = arith.sitofp %unique3A_1281 : vector<16xi32> to vector<16xf32>
      tpu.vector_store_idx %arg13[%get3A_1277], %convert_element_type3A_1282 masked %unique3A_1280 {add = true} : memref<10032xf32, #tpu.memory_space<vmem>>[vector<16xi32>], vector<16xf32>, vector<16xi1>
      %get3A_1283 = arith.index_cast %add3A_1241 : i32 to index
      %get3A_1284 = arith.constant 32 : index
      %get3A_1285 = tpu.vector_load %arg11[%get3A_1283, %get3A_1284] {strides = array<i32>} : memref<16x128xi32, #tpu.memory_space<vmem>>, vector<16xi32>,
      %broadcast_in_dim3A_1286 = arith.constant true
      %broadcast_in_dim3A_1287 = vector.broadcast %broadcast_in_dim3A_1286 : i1 to vector<16xi1>
      %unique3A_1288, %unique3A_1289 = tpu.scan_count mask(%broadcast_in_dim3A_1287 : vector<16xi1>) value(%get3A_1285 : vector<16xi32>) : vector<16xi1>, vector<16xi32>
      %convert_element_type3A_1290 = arith.sitofp %unique3A_1289 : vector<16xi32> to vector<16xf32>
      tpu.vector_store_idx %arg13[%get3A_1285], %convert_element_type3A_1290 masked %unique3A_1288 {add = true} : memref<10032xf32, #tpu.memory_space<vmem>>[vector<16xi32>], vector<16xf32>, vector<16xi1>
      %get3A_1291 = arith.index_cast %add3A_1241 : i32 to index
      %get3A_1292 = arith.constant 48 : index
      %get3A_1293 = tpu.vector_load %arg11[%get3A_1291, %get3A_1292] {strides = array<i32>} : memref<16x128xi32, #tpu.memory_space<vmem>>, vector<16xi32>,
      %broadcast_in_dim3A_1294 = arith.constant true
      %broadcast_in_dim3A_1295 = vector.broadcast %broadcast_in_dim3A_1294 : i1 to vector<16xi1>
      %unique3A_1296, %unique3A_1297 = tpu.scan_count mask(%broadcast_in_dim3A_1295 : vector<16xi1>) value(%get3A_1293 : vector<16xi32>) : vector<16xi1>, vector<16xi32>
      %convert_element_type3A_1298 = arith.sitofp %unique3A_1297 : vector<16xi32> to vector<16xf32>
      tpu.vector_store_idx %arg13[%get3A_1293], %convert_element_type3A_1298 masked %unique3A_1296 {add = true} : memref<10032xf32, #tpu.memory_space<vmem>>[vector<16xi32>], vector<16xf32>, vector<16xi1>
      %get3A_1299 = arith.index_cast %add3A_1241 : i32 to index
      %get3A_1300 = arith.constant 64 : index
      %get3A_1301 = tpu.vector_load %arg11[%get3A_1299, %get3A_1300] {strides = array<i32>} : memref<16x128xi32, #tpu.memory_space<vmem>>, vector<16xi32>,
      %broadcast_in_dim3A_1302 = arith.constant true
      %broadcast_in_dim3A_1303 = vector.broadcast %broadcast_in_dim3A_1302 : i1 to vector<16xi1>
      %unique3A_1304, %unique3A_1305 = tpu.scan_count mask(%broadcast_in_dim3A_1303 : vector<16xi1>) value(%get3A_1301 : vector<16xi32>) : vector<16xi1>, vector<16xi32>
      %convert_element_type3A_1306 = arith.sitofp %unique3A_1305 : vector<16xi32> to vector<16xf32>
      tpu.vector_store_idx %arg13[%get3A_1301], %convert_element_type3A_1306 masked %unique3A_1304 {add = true} : memref<10032xf32, #tpu.memory_space<vmem>>[vector<16xi32>], vector<16xf32>, vector<16xi1>
      %get3A_1307 = arith.index_cast %add3A_1241 : i32 to index
      %get3A_1308 = arith.constant 80 : index
      %get3A_1309 = tpu.vector_load %arg11[%get3A_1307, %get3A_1308] {strides = array<i32>} : memref<16x128xi32, #tpu.memory_space<vmem>>, vector<16xi32>,
      %broadcast_in_dim3A_1310 = arith.constant true
      %broadcast_in_dim3A_1311 = vector.broadcast %broadcast_in_dim3A_1310 : i1 to vector<16xi1>
      %unique3A_1312, %unique3A_1313 = tpu.scan_count mask(%broadcast_in_dim3A_1311 : vector<16xi1>) value(%get3A_1309 : vector<16xi32>) : vector<16xi1>, vector<16xi32>
      %convert_element_type3A_1314 = arith.sitofp %unique3A_1313 : vector<16xi32> to vector<16xf32>
      tpu.vector_store_idx %arg13[%get3A_1309], %convert_element_type3A_1314 masked %unique3A_1312 {add = true} : memref<10032xf32, #tpu.memory_space<vmem>>[vector<16xi32>], vector<16xf32>, vector<16xi1>
      %get3A_1315 = arith.index_cast %add3A_1241 : i32 to index
      %get3A_1316 = arith.constant 96 : index
      %get3A_1317 = tpu.vector_load %arg11[%get3A_1315, %get3A_1316] {strides = array<i32>} : memref<16x128xi32, #tpu.memory_space<vmem>>, vector<16xi32>,
      %broadcast_in_dim3A_1318 = arith.constant true
      %broadcast_in_dim3A_1319 = vector.broadcast %broadcast_in_dim3A_1318 : i1 to vector<16xi1>
      %unique3A_1320, %unique3A_1321 = tpu.scan_count mask(%broadcast_in_dim3A_1319 : vector<16xi1>) value(%get3A_1317 : vector<16xi32>) : vector<16xi1>, vector<16xi32>
      %convert_element_type3A_1322 = arith.sitofp %unique3A_1321 : vector<16xi32> to vector<16xf32>
      tpu.vector_store_idx %arg13[%get3A_1317], %convert_element_type3A_1322 masked %unique3A_1320 {add = true} : memref<10032xf32, #tpu.memory_space<vmem>>[vector<16xi32>], vector<16xf32>, vector<16xi1>
      %get3A_1323 = arith.index_cast %add3A_1241 : i32 to index
      %get3A_1324 = arith.constant 112 : index
      %get3A_1325 = tpu.vector_load %arg11[%get3A_1323, %get3A_1324] {strides = array<i32>} : memref<16x128xi32, #tpu.memory_space<vmem>>, vector<16xi32>,
      %broadcast_in_dim3A_1326 = arith.constant true
      %broadcast_in_dim3A_1327 = vector.broadcast %broadcast_in_dim3A_1326 : i1 to vector<16xi1>
      %unique3A_1328, %unique3A_1329 = tpu.scan_count mask(%broadcast_in_dim3A_1327 : vector<16xi1>) value(%get3A_1325 : vector<16xi32>) : vector<16xi1>, vector<16xi32>
      %convert_element_type3A_1330 = arith.sitofp %unique3A_1329 : vector<16xi32> to vector<16xf32>
      tpu.vector_store_idx %arg13[%get3A_1325], %convert_element_type3A_1330 masked %unique3A_1328 {add = true} : memref<10032xf32, #tpu.memory_space<vmem>>[vector<16xi32>], vector<16xf32>, vector<16xi1>
      %dma_wait3A_1331 = arith.constant 1 : i32
      %dma_wait3A_1332 = arith.constant 0 : i32
      %dma_wait3A_1333 = arith.constant 0 : i32
      %dma_wait3A_1334 = tpu.memref_slice %arg12[%dma_wait3A_1331, %dma_wait3A_1332, %dma_wait3A_1333] : memref<2x128x128xf32, #tpu.memory_space<vmem>> -> memref<1x128x128xf32, #tpu.memory_space<vmem>>
      %dma_wait3A_1335 = tpu.memref_squeeze %dma_wait3A_1334 : memref<1x128x128xf32, #tpu.memory_space<vmem>> -> memref<128x128xf32, #tpu.memory_space<vmem>>
      %dma_wait3A_1336 = arith.constant 0 : i32
      %dma_wait3A_1337 = tpu.memref_slice %arg10[%add3A_1241, %dma_wait3A_1336] : memref<16x128xi32, #tpu.memory_space<vmem>> -> memref<1x128xi32, #tpu.memory_space<vmem>>
      %dma_wait3A_1338 = tpu.memref_squeeze %dma_wait3A_1337 : memref<1x128xi32, #tpu.memory_space<vmem>> -> memref<128xi32, #tpu.memory_space<vmem>>
      %dma_wait3A_1339 = arith.constant 0 : i32
      %dma_wait3A_1340 = arith.constant 0 : i32
      %dma_wait3A_1341 = tpu.memref_slice %arg2[%dma_wait3A_1339, %dma_wait3A_1340] : memref<10000x128xf32, #tpu.memory_space<hbm>> -> memref<10000x128xf32, #tpu.memory_space<hbm>>
      tpu.wait_indirect_dma semaphore(%arg15 : memref<!tpu.dma_semaphore, #tpu.memory_space<semaphore_mem>>) src(%dma_wait3A_1341 : memref<10000x128xf32, #tpu.memory_space<hbm>>) dst(%dma_wait3A_1335 : memref<128x128xf32, #tpu.memory_space<vmem>>)
      %dma_start3A_1342 = arith.constant 1 : i32
      %dma_start3A_1343 = arith.constant 0 : i32
      %dma_start3A_1344 = arith.constant 0 : i32
      %dma_start3A_1345 = tpu.memref_slice %arg12[%dma_start3A_1342, %dma_start3A_1343, %dma_start3A_1344] : memref<2x128x128xf32, #tpu.memory_space<vmem>> -> memref<1x128x128xf32, #tpu.memory_space<vmem>>
      %dma_start3A_1346 = tpu.memref_squeeze %dma_start3A_1345 : memref<1x128x128xf32, #tpu.memory_space<vmem>> -> memref<128x128xf32, #tpu.memory_space<vmem>>
      %dma_start3A_1347 = arith.constant 0 : i32
      %dma_start3A_1348 = tpu.memref_slice %arg11[%add3A_1241, %dma_start3A_1347] : memref<16x128xi32, #tpu.memory_space<vmem>> -> memref<1x128xi32, #tpu.memory_space<vmem>>
      %dma_start3A_1349 = tpu.memref_squeeze %dma_start3A_1348 : memref<1x128xi32, #tpu.memory_space<vmem>> -> memref<128xi32, #tpu.memory_space<vmem>>
      %dma_start3A_1350 = arith.constant 0 : i32
      %dma_start3A_1351 = arith.constant 0 : i32
      %dma_start3A_1352 = tpu.memref_slice %arg9[%dma_start3A_1350, %dma_start3A_1351] : memref<10016x128xf32, #tpu.memory_space<vmem_shared>> -> memref<10016x128xf32, #tpu.memory_space<vmem_shared>>
      tpu.enqueue_indirect_dma source(%dma_start3A_1346 : memref<128x128xf32, #tpu.memory_space<vmem>>) target(%dma_start3A_1352 : memref<10016x128xf32, #tpu.memory_space<vmem_shared>>) offsets(%dma_start3A_1349 : memref<128xi32, #tpu.memory_space<vmem>>) semaphore(%arg17 : memref<!tpu.dma_semaphore, #tpu.memory_space<semaphore_mem>>) {add = true}
      %mul3A_1353 = arith.constant 2 : i32
      %mul3A_1354 = arith.muli %mul3A_1353, %scan3A_1237 : i32
      %add3A_1355 = arith.constant 2 : i32
      %add3A_1356 = arith.addi %mul3A_1354, %add3A_1355 : i32
      %sub3A_1357 = arith.constant 1 : i32
      %sub3A_1358 = arith.subi %add3A_1356, %sub3A_1357 : i32
      %dma_wait3A_1359 = arith.constant 1 : i32
      %dma_wait3A_1360 = arith.constant 0 : i32
      %dma_wait3A_1361 = arith.constant 0 : i32
      %dma_wait3A_1362 = tpu.memref_slice %arg12[%dma_wait3A_1359, %dma_wait3A_1360, %dma_wait3A_1361] : memref<2x128x128xf32, #tpu.memory_space<vmem>> -> memref<1x128x128xf32, #tpu.memory_space<vmem>>
      %dma_wait3A_1363 = tpu.memref_squeeze %dma_wait3A_1362 : memref<1x128x128xf32, #tpu.memory_space<vmem>> -> memref<128x128xf32, #tpu.memory_space<vmem>>
      %dma_wait3A_1364 = arith.constant 0 : i32
      %dma_wait3A_1365 = tpu.memref_slice %arg11[%sub3A_1358, %dma_wait3A_1364] : memref<16x128xi32, #tpu.memory_space<vmem>> -> memref<1x128xi32, #tpu.memory_space<vmem>>
      %dma_wait3A_1366 = tpu.memref_squeeze %dma_wait3A_1365 : memref<1x128xi32, #tpu.memory_space<vmem>> -> memref<128xi32, #tpu.memory_space<vmem>>
      %dma_wait3A_1367 = arith.constant 0 : i32
      %dma_wait3A_1368 = arith.constant 0 : i32
      %dma_wait3A_1369 = tpu.memref_slice %arg9[%dma_wait3A_1367, %dma_wait3A_1368] : memref<10016x128xf32, #tpu.memory_space<vmem_shared>> -> memref<10016x128xf32, #tpu.memory_space<vmem_shared>>
      tpu.wait_indirect_dma semaphore(%arg17 : memref<!tpu.dma_semaphore, #tpu.memory_space<semaphore_mem>>) src(%dma_wait3A_1363 : memref<128x128xf32, #tpu.memory_space<vmem>>) dst(%dma_wait3A_1369 : memref<10016x128xf32, #tpu.memory_space<vmem_shared>>)
      %add3A_1370 = arith.constant 1 : i32
      %add3A_1371 = arith.addi %add3A_1356, %add3A_1370 : i32
      %dma_start3A_1372 = arith.constant 1 : i32
      %dma_start3A_1373 = arith.constant 0 : i32
      %dma_start3A_1374 = arith.constant 0 : i32
      %dma_start3A_1375 = tpu.memref_slice %arg12[%dma_start3A_1372, %dma_start3A_1373, %dma_start3A_1374] : memref<2x128x128xf32, #tpu.memory_space<vmem>> -> memref<1x128x128xf32, #tpu.memory_space<vmem>>
      %dma_start3A_1376 = tpu.memref_squeeze %dma_start3A_1375 : memref<1x128x128xf32, #tpu.memory_space<vmem>> -> memref<128x128xf32, #tpu.memory_space<vmem>>
      %dma_start3A_1377 = arith.constant 0 : i32
      %dma_start3A_1378 = tpu.memref_slice %arg10[%add3A_1371, %dma_start3A_1377] : memref<16x128xi32, #tpu.memory_space<vmem>> -> memref<1x128xi32, #tpu.memory_space<vmem>>
      %dma_start3A_1379 = tpu.memref_squeeze %dma_start3A_1378 : memref<1x128xi32, #tpu.memory_space<vmem>> -> memref<128xi32, #tpu.memory_space<vmem>>
      %dma_start3A_1380 = arith.constant 0 : i32
      %dma_start3A_1381 = arith.constant 0 : i32
      %dma_start3A_1382 = tpu.memref_slice %arg2[%dma_start3A_1380, %dma_start3A_1381] : memref<10000x128xf32, #tpu.memory_space<hbm>> -> memref<10000x128xf32, #tpu.memory_space<hbm>>
      tpu.enqueue_indirect_dma source(%dma_start3A_1382 : memref<10000x128xf32, #tpu.memory_space<hbm>>) target(%dma_start3A_1376 : memref<128x128xf32, #tpu.memory_space<vmem>>) offsets(%dma_start3A_1379 : memref<128xi32, #tpu.memory_space<vmem>>) semaphore(%arg15 : memref<!tpu.dma_semaphore, #tpu.memory_space<semaphore_mem>>)
      %get3A_1383 = arith.index_cast %add3A_1356 : i32 to index
      %get3A_1384 = arith.constant 0 : index
      %get3A_1385 = tpu.vector_load %arg11[%get3A_1383, %get3A_1384] {strides = array<i32>} : memref<16x128xi32, #tpu.memory_space<vmem>>, vector<16xi32>,
      %broadcast_in_dim3A_1386 = arith.constant true
      %broadcast_in_dim3A_1387 = vector.broadcast %broadcast_in_dim3A_1386 : i1 to vector<16xi1>
      %unique3A_1388, %unique3A_1389 = tpu.scan_count mask(%broadcast_in_dim3A_1387 : vector<16xi1>) value(%get3A_1385 : vector<16xi32>) : vector<16xi1>, vector<16xi32>
      %convert_element_type3A_1390 = arith.sitofp %unique3A_1389 : vector<16xi32> to vector<16xf32>
      tpu.vector_store_idx %arg13[%get3A_1385], %convert_element_type3A_1390 masked %unique3A_1388 {add = true} : memref<10032xf32, #tpu.memory_space<vmem>>[vector<16xi32>], vector<16xf32>, vector<16xi1>
      %get3A_1391 = arith.index_cast %add3A_1356 : i32 to index
      %get3A_1392 = arith.constant 16 : index
      %get3A_1393 = tpu.vector_load %arg11[%get3A_1391, %get3A_1392] {strides = array<i32>} : memref<16x128xi32, #tpu.memory_space<vmem>>, vector<16xi32>,
      %broadcast_in_dim3A_1394 = arith.constant true
      %broadcast_in_dim3A_1395 = vector.broadcast %broadcast_in_dim3A_1394 : i1 to vector<16xi1>
      %unique3A_1396, %unique3A_1397 = tpu.scan_count mask(%broadcast_in_dim3A_1395 : vector<16xi1>) value(%get3A_1393 : vector<16xi32>) : vector<16xi1>, vector<16xi32>
      %convert_element_type3A_1398 = arith.sitofp %unique3A_1397 : vector<16xi32> to vector<16xf32>
      tpu.vector_store_idx %arg13[%get3A_1393], %convert_element_type3A_1398 masked %unique3A_1396 {add = true} : memref<10032xf32, #tpu.memory_space<vmem>>[vector<16xi32>], vector<16xf32>, vector<16xi1>
      %get3A_1399 = arith.index_cast %add3A_1356 : i32 to index
      %get3A_1400 = arith.constant 32 : index
      %get3A_1401 = tpu.vector_load %arg11[%get3A_1399, %get3A_1400] {strides = array<i32>} : memref<16x128xi32, #tpu.memory_space<vmem>>, vector<16xi32>,
      %broadcast_in_dim3A_1402 = arith.constant true
      %broadcast_in_dim3A_1403 = vector.broadcast %broadcast_in_dim3A_1402 : i1 to vector<16xi1>
      %unique3A_1404, %unique3A_1405 = tpu.scan_count mask(%broadcast_in_dim3A_1403 : vector<16xi1>) value(%get3A_1401 : vector<16xi32>) : vector<16xi1>, vector<16xi32>
      %convert_element_type3A_1406 = arith.sitofp %unique3A_1405 : vector<16xi32> to vector<16xf32>
      tpu.vector_store_idx %arg13[%get3A_1401], %convert_element_type3A_1406 masked %unique3A_1404 {add = true} : memref<10032xf32, #tpu.memory_space<vmem>>[vector<16xi32>], vector<16xf32>, vector<16xi1>
      %get3A_1407 = arith.index_cast %add3A_1356 : i32 to index
      %get3A_1408 = arith.constant 48 : index
      %get3A_1409 = tpu.vector_load %arg11[%get3A_1407, %get3A_1408] {strides = array<i32>} : memref<16x128xi32, #tpu.memory_space<vmem>>, vector<16xi32>,
      %broadcast_in_dim3A_1410 = arith.constant true
      %broadcast_in_dim3A_1411 = vector.broadcast %broadcast_in_dim3A_1410 : i1 to vector<16xi1>
      %unique3A_1412, %unique3A_1413 = tpu.scan_count mask(%broadcast_in_dim3A_1411 : vector<16xi1>) value(%get3A_1409 : vector<16xi32>) : vector<16xi1>, vector<16xi32>
      %convert_element_type3A_1414 = arith.sitofp %unique3A_1413 : vector<16xi32> to vector<16xf32>
      tpu.vector_store_idx %arg13[%get3A_1409], %convert_element_type3A_1414 masked %unique3A_1412 {add = true} : memref<10032xf32, #tpu.memory_space<vmem>>[vector<16xi32>], vector<16xf32>, vector<16xi1>
      %get3A_1415 = arith.index_cast %add3A_1356 : i32 to index
      %get3A_1416 = arith.constant 64 : index
      %get3A_1417 = tpu.vector_load %arg11[%get3A_1415, %get3A_1416] {strides = array<i32>} : memref<16x128xi32, #tpu.memory_space<vmem>>, vector<16xi32>,
      %broadcast_in_dim3A_1418 = arith.constant true
      %broadcast_in_dim3A_1419 = vector.broadcast %broadcast_in_dim3A_1418 : i1 to vector<16xi1>
      %unique3A_1420, %unique3A_1421 = tpu.scan_count mask(%broadcast_in_dim3A_1419 : vector<16xi1>) value(%get3A_1417 : vector<16xi32>) : vector<16xi1>, vector<16xi32>
      %convert_element_type3A_1422 = arith.sitofp %unique3A_1421 : vector<16xi32> to vector<16xf32>
      tpu.vector_store_idx %arg13[%get3A_1417], %convert_element_type3A_1422 masked %unique3A_1420 {add = true} : memref<10032xf32, #tpu.memory_space<vmem>>[vector<16xi32>], vector<16xf32>, vector<16xi1>
      %get3A_1423 = arith.index_cast %add3A_1356 : i32 to index
      %get3A_1424 = arith.constant 80 : index
      %get3A_1425 = tpu.vector_load %arg11[%get3A_1423, %get3A_1424] {strides = array<i32>} : memref<16x128xi32, #tpu.memory_space<vmem>>, vector<16xi32>,
      %broadcast_in_dim3A_1426 = arith.constant true
      %broadcast_in_dim3A_1427 = vector.broadcast %broadcast_in_dim3A_1426 : i1 to vector<16xi1>
      %unique3A_1428, %unique3A_1429 = tpu.scan_count mask(%broadcast_in_dim3A_1427 : vector<16xi1>) value(%get3A_1425 : vector<16xi32>) : vector<16xi1>, vector<16xi32>
      %convert_element_type3A_1430 = arith.sitofp %unique3A_1429 : vector<16xi32> to vector<16xf32>
      tpu.vector_store_idx %arg13[%get3A_1425], %convert_element_type3A_1430 masked %unique3A_1428 {add = true} : memref<10032xf32, #tpu.memory_space<vmem>>[vector<16xi32>], vector<16xf32>, vector<16xi1>
      %get3A_1431 = arith.index_cast %add3A_1356 : i32 to index
      %get3A_1432 = arith.constant 96 : index
      %get3A_1433 = tpu.vector_load %arg11[%get3A_1431, %get3A_1432] {strides = array<i32>} : memref<16x128xi32, #tpu.memory_space<vmem>>, vector<16xi32>,
      %broadcast_in_dim3A_1434 = arith.constant true
      %broadcast_in_dim3A_1435 = vector.broadcast %broadcast_in_dim3A_1434 : i1 to vector<16xi1>
      %unique3A_1436, %unique3A_1437 = tpu.scan_count mask(%broadcast_in_dim3A_1435 : vector<16xi1>) value(%get3A_1433 : vector<16xi32>) : vector<16xi1>, vector<16xi32>
      %convert_element_type3A_1438 = arith.sitofp %unique3A_1437 : vector<16xi32> to vector<16xf32>
      tpu.vector_store_idx %arg13[%get3A_1433], %convert_element_type3A_1438 masked %unique3A_1436 {add = true} : memref<10032xf32, #tpu.memory_space<vmem>>[vector<16xi32>], vector<16xf32>, vector<16xi1>
      %get3A_1439 = arith.index_cast %add3A_1356 : i32 to index
      %get3A_1440 = arith.constant 112 : index
      %get3A_1441 = tpu.vector_load %arg11[%get3A_1439, %get3A_1440] {strides = array<i32>} : memref<16x128xi32, #tpu.memory_space<vmem>>, vector<16xi32>,
      %broadcast_in_dim3A_1442 = arith.constant true
      %broadcast_in_dim3A_1443 = vector.broadcast %broadcast_in_dim3A_1442 : i1 to vector<16xi1>
      %unique3A_1444, %unique3A_1445 = tpu.scan_count mask(%broadcast_in_dim3A_1443 : vector<16xi1>) value(%get3A_1441 : vector<16xi32>) : vector<16xi1>, vector<16xi32>
      %convert_element_type3A_1446 = arith.sitofp %unique3A_1445 : vector<16xi32> to vector<16xf32>
      tpu.vector_store_idx %arg13[%get3A_1441], %convert_element_type3A_1446 masked %unique3A_1444 {add = true} : memref<10032xf32, #tpu.memory_space<vmem>>[vector<16xi32>], vector<16xf32>, vector<16xi1>
      %dma_wait3A_1447 = arith.constant 0 : i32
      %dma_wait3A_1448 = arith.constant 0 : i32
      %dma_wait3A_1449 = arith.constant 0 : i32
      %dma_wait3A_1450 = tpu.memref_slice %arg12[%dma_wait3A_1447, %dma_wait3A_1448, %dma_wait3A_1449] : memref<2x128x128xf32, #tpu.memory_space<vmem>> -> memref<1x128x128xf32, #tpu.memory_space<vmem>>
      %dma_wait3A_1451 = tpu.memref_squeeze %dma_wait3A_1450 : memref<1x128x128xf32, #tpu.memory_space<vmem>> -> memref<128x128xf32, #tpu.memory_space<vmem>>
      %dma_wait3A_1452 = arith.constant 0 : i32
      %dma_wait3A_1453 = tpu.memref_slice %arg10[%add3A_1356, %dma_wait3A_1452] : memref<16x128xi32, #tpu.memory_space<vmem>> -> memref<1x128xi32, #tpu.memory_space<vmem>>
      %dma_wait3A_1454 = tpu.memref_squeeze %dma_wait3A_1453 : memref<1x128xi32, #tpu.memory_space<vmem>> -> memref<128xi32, #tpu.memory_space<vmem>>
      %dma_wait3A_1455 = arith.constant 0 : i32
      %dma_wait3A_1456 = arith.constant 0 : i32
      %dma_wait3A_1457 = tpu.memref_slice %arg2[%dma_wait3A_1455, %dma_wait3A_1456] : memref<10000x128xf32, #tpu.memory_space<hbm>> -> memref<10000x128xf32, #tpu.memory_space<hbm>>
      tpu.wait_indirect_dma semaphore(%arg14 : memref<!tpu.dma_semaphore, #tpu.memory_space<semaphore_mem>>) src(%dma_wait3A_1457 : memref<10000x128xf32, #tpu.memory_space<hbm>>) dst(%dma_wait3A_1451 : memref<128x128xf32, #tpu.memory_space<vmem>>)
      %dma_start3A_1458 = arith.constant 0 : i32
      %dma_start3A_1459 = arith.constant 0 : i32
      %dma_start3A_1460 = arith.constant 0 : i32
      %dma_start3A_1461 = tpu.memref_slice %arg12[%dma_start3A_1458, %dma_start3A_1459, %dma_start3A_1460] : memref<2x128x128xf32, #tpu.memory_space<vmem>> -> memref<1x128x128xf32, #tpu.memory_space<vmem>>
      %dma_start3A_1462 = tpu.memref_squeeze %dma_start3A_1461 : memref<1x128x128xf32, #tpu.memory_space<vmem>> -> memref<128x128xf32, #tpu.memory_space<vmem>>
      %dma_start3A_1463 = arith.constant 0 : i32
      %dma_start3A_1464 = tpu.memref_slice %arg11[%add3A_1356, %dma_start3A_1463] : memref<16x128xi32, #tpu.memory_space<vmem>> -> memref<1x128xi32, #tpu.memory_space<vmem>>
      %dma_start3A_1465 = tpu.memref_squeeze %dma_start3A_1464 : memref<1x128xi32, #tpu.memory_space<vmem>> -> memref<128xi32, #tpu.memory_space<vmem>>
      %dma_start3A_1466 = arith.constant 0 : i32
      %dma_start3A_1467 = arith.constant 0 : i32
      %dma_start3A_1468 = tpu.memref_slice %arg9[%dma_start3A_1466, %dma_start3A_1467] : memref<10016x128xf32, #tpu.memory_space<vmem_shared>> -> memref<10016x128xf32, #tpu.memory_space<vmem_shared>>
      tpu.enqueue_indirect_dma source(%dma_start3A_1462 : memref<128x128xf32, #tpu.memory_space<vmem>>) target(%dma_start3A_1468 : memref<10016x128xf32, #tpu.memory_space<vmem_shared>>) offsets(%dma_start3A_1465 : memref<128xi32, #tpu.memory_space<vmem>>) semaphore(%arg16 : memref<!tpu.dma_semaphore, #tpu.memory_space<semaphore_mem>>) {add = true}
    }
    %scan3A_616 = arith.constant 7 : i32
    %dma_wait3A_617 = arith.constant 0 : i32
    %dma_wait3A_618 = arith.constant 14 : i32
    %dma_wait3A_619 = arith.constant 0 : i32
    %dma_wait3A_620 = arith.constant 0 : i32
    %dma_wait3A_621 = tpu.memref_slice %arg12[%dma_wait3A_617, %dma_wait3A_619, %dma_wait3A_620] : memref<2x128x128xf32, #tpu.memory_space<vmem>> -> memref<1x128x128xf32, #tpu.memory_space<vmem>>
    %dma_wait3A_622 = tpu.memref_squeeze %dma_wait3A_621 : memref<1x128x128xf32, #tpu.memory_space<vmem>> -> memref<128x128xf32, #tpu.memory_space<vmem>>
    %dma_wait3A_623 = arith.constant 0 : i32
    %dma_wait3A_624 = tpu.memref_slice %arg11[%dma_wait3A_618, %dma_wait3A_623] : memref<16x128xi32, #tpu.memory_space<vmem>> -> memref<1x128xi32, #tpu.memory_space<vmem>>
    %dma_wait3A_625 = tpu.memref_squeeze %dma_wait3A_624 : memref<1x128xi32, #tpu.memory_space<vmem>> -> memref<128xi32, #tpu.memory_space<vmem>>
    %dma_wait3A_626 = arith.constant 0 : i32
    %dma_wait3A_627 = arith.constant 0 : i32
    %dma_wait3A_628 = tpu.memref_slice %arg9[%dma_wait3A_626, %dma_wait3A_627] : memref<10016x128xf32, #tpu.memory_space<vmem_shared>> -> memref<10016x128xf32, #tpu.memory_space<vmem_shared>>
    tpu.wait_indirect_dma semaphore(%arg16 : memref<!tpu.dma_semaphore, #tpu.memory_space<semaphore_mem>>) src(%dma_wait3A_622 : memref<128x128xf32, #tpu.memory_space<vmem>>) dst(%dma_wait3A_628 : memref<10016x128xf32, #tpu.memory_space<vmem_shared>>)
    %get3A_629 = arith.constant 15 : i32
    %get3A_630 = arith.index_cast %get3A_629 : i32 to index
    %get3A_631 = arith.constant 0 : index
    %get3A_632 = tpu.vector_load %arg11[%get3A_630, %get3A_631] {strides = array<i32>} : memref<16x128xi32, #tpu.memory_space<vmem>>, vector<16xi32>,
    %broadcast_in_dim3A_633 = arith.constant true
    %broadcast_in_dim3A_634 = vector.broadcast %broadcast_in_dim3A_633 : i1 to vector<16xi1>
    %unique3A_635, %unique3A_636 = tpu.scan_count mask(%broadcast_in_dim3A_634 : vector<16xi1>) value(%get3A_632 : vector<16xi32>) : vector<16xi1>, vector<16xi32>
    %convert_element_type3A_637 = arith.sitofp %unique3A_636 : vector<16xi32> to vector<16xf32>
    tpu.vector_store_idx %arg13[%get3A_632], %convert_element_type3A_637 masked %unique3A_635 {add = true} : memref<10032xf32, #tpu.memory_space<vmem>>[vector<16xi32>], vector<16xf32>, vector<16xi1>
    %get3A_638 = arith.constant 15 : i32
    %get3A_639 = arith.index_cast %get3A_638 : i32 to index
    %get3A_640 = arith.constant 16 : index
    %get3A_641 = tpu.vector_load %arg11[%get3A_639, %get3A_640] {strides = array<i32>} : memref<16x128xi32, #tpu.memory_space<vmem>>, vector<16xi32>,
    %broadcast_in_dim3A_642 = arith.constant true
    %broadcast_in_dim3A_643 = vector.broadcast %broadcast_in_dim3A_642 : i1 to vector<16xi1>
    %unique3A_644, %unique3A_645 = tpu.scan_count mask(%broadcast_in_dim3A_643 : vector<16xi1>) value(%get3A_641 : vector<16xi32>) : vector<16xi1>, vector<16xi32>
    %convert_element_type3A_646 = arith.sitofp %unique3A_645 : vector<16xi32> to vector<16xf32>
    tpu.vector_store_idx %arg13[%get3A_641], %convert_element_type3A_646 masked %unique3A_644 {add = true} : memref<10032xf32, #tpu.memory_space<vmem>>[vector<16xi32>], vector<16xf32>, vector<16xi1>
    %get3A_647 = arith.constant 15 : i32
    %get3A_648 = arith.index_cast %get3A_647 : i32 to index
    %get3A_649 = arith.constant 32 : index
    %get3A_650 = tpu.vector_load %arg11[%get3A_648, %get3A_649] {strides = array<i32>} : memref<16x128xi32, #tpu.memory_space<vmem>>, vector<16xi32>,
    %broadcast_in_dim3A_651 = arith.constant true
    %broadcast_in_dim3A_652 = vector.broadcast %broadcast_in_dim3A_651 : i1 to vector<16xi1>
    %unique3A_653, %unique3A_654 = tpu.scan_count mask(%broadcast_in_dim3A_652 : vector<16xi1>) value(%get3A_650 : vector<16xi32>) : vector<16xi1>, vector<16xi32>
    %convert_element_type3A_655 = arith.sitofp %unique3A_654 : vector<16xi32> to vector<16xf32>
    tpu.vector_store_idx %arg13[%get3A_650], %convert_element_type3A_655 masked %unique3A_653 {add = true} : memref<10032xf32, #tpu.memory_space<vmem>>[vector<16xi32>], vector<16xf32>, vector<16xi1>
    %get3A_656 = arith.constant 15 : i32
    %get3A_657 = arith.index_cast %get3A_656 : i32 to index
    %get3A_658 = arith.constant 48 : index
    %get3A_659 = tpu.vector_load %arg11[%get3A_657, %get3A_658] {strides = array<i32>} : memref<16x128xi32, #tpu.memory_space<vmem>>, vector<16xi32>,
    %broadcast_in_dim3A_660 = arith.constant true
    %broadcast_in_dim3A_661 = vector.broadcast %broadcast_in_dim3A_660 : i1 to vector<16xi1>
    %unique3A_662, %unique3A_663 = tpu.scan_count mask(%broadcast_in_dim3A_661 : vector<16xi1>) value(%get3A_659 : vector<16xi32>) : vector<16xi1>, vector<16xi32>
    %convert_element_type3A_664 = arith.sitofp %unique3A_663 : vector<16xi32> to vector<16xf32>
    tpu.vector_store_idx %arg13[%get3A_659], %convert_element_type3A_664 masked %unique3A_662 {add = true} : memref<10032xf32, #tpu.memory_space<vmem>>[vector<16xi32>], vector<16xf32>, vector<16xi1>
    %get3A_665 = arith.constant 15 : i32
    %get3A_666 = arith.index_cast %get3A_665 : i32 to index
    %get3A_667 = arith.constant 64 : index
    %get3A_668 = tpu.vector_load %arg11[%get3A_666, %get3A_667] {strides = array<i32>} : memref<16x128xi32, #tpu.memory_space<vmem>>, vector<16xi32>,
    %broadcast_in_dim3A_669 = arith.constant true
    %broadcast_in_dim3A_670 = vector.broadcast %broadcast_in_dim3A_669 : i1 to vector<16xi1>
    %unique3A_671, %unique3A_672 = tpu.scan_count mask(%broadcast_in_dim3A_670 : vector<16xi1>) value(%get3A_668 : vector<16xi32>) : vector<16xi1>, vector<16xi32>
    %convert_element_type3A_673 = arith.sitofp %unique3A_672 : vector<16xi32> to vector<16xf32>
    tpu.vector_store_idx %arg13[%get3A_668], %convert_element_type3A_673 masked %unique3A_671 {add = true} : memref<10032xf32, #tpu.memory_space<vmem>>[vector<16xi32>], vector<16xf32>, vector<16xi1>
    %get3A_674 = arith.constant 15 : i32
    %get3A_675 = arith.index_cast %get3A_674 : i32 to index
    %get3A_676 = arith.constant 80 : index
    %get3A_677 = tpu.vector_load %arg11[%get3A_675, %get3A_676] {strides = array<i32>} : memref<16x128xi32, #tpu.memory_space<vmem>>, vector<16xi32>,
    %broadcast_in_dim3A_678 = arith.constant true
    %broadcast_in_dim3A_679 = vector.broadcast %broadcast_in_dim3A_678 : i1 to vector<16xi1>
    %unique3A_680, %unique3A_681 = tpu.scan_count mask(%broadcast_in_dim3A_679 : vector<16xi1>) value(%get3A_677 : vector<16xi32>) : vector<16xi1>, vector<16xi32>
    %convert_element_type3A_682 = arith.sitofp %unique3A_681 : vector<16xi32> to vector<16xf32>
    tpu.vector_store_idx %arg13[%get3A_677], %convert_element_type3A_682 masked %unique3A_680 {add = true} : memref<10032xf32, #tpu.memory_space<vmem>>[vector<16xi32>], vector<16xf32>, vector<16xi1>
    %get3A_683 = arith.constant 15 : i32
    %get3A_684 = arith.index_cast %get3A_683 : i32 to index
    %get3A_685 = arith.constant 96 : index
    %get3A_686 = tpu.vector_load %arg11[%get3A_684, %get3A_685] {strides = array<i32>} : memref<16x128xi32, #tpu.memory_space<vmem>>, vector<16xi32>,
    %broadcast_in_dim3A_687 = arith.constant true
    %broadcast_in_dim3A_688 = vector.broadcast %broadcast_in_dim3A_687 : i1 to vector<16xi1>
    %unique3A_689, %unique3A_690 = tpu.scan_count mask(%broadcast_in_dim3A_688 : vector<16xi1>) value(%get3A_686 : vector<16xi32>) : vector<16xi1>, vector<16xi32>
    %convert_element_type3A_691 = arith.sitofp %unique3A_690 : vector<16xi32> to vector<16xf32>
    tpu.vector_store_idx %arg13[%get3A_686], %convert_element_type3A_691 masked %unique3A_689 {add = true} : memref<10032xf32, #tpu.memory_space<vmem>>[vector<16xi32>], vector<16xf32>, vector<16xi1>
    %get3A_692 = arith.constant 15 : i32
    %get3A_693 = arith.index_cast %get3A_692 : i32 to index
    %get3A_694 = arith.constant 112 : index
    %get3A_695 = tpu.vector_load %arg11[%get3A_693, %get3A_694] {strides = array<i32>} : memref<16x128xi32, #tpu.memory_space<vmem>>, vector<16xi32>,
    %broadcast_in_dim3A_696 = arith.constant true
    %broadcast_in_dim3A_697 = vector.broadcast %broadcast_in_dim3A_696 : i1 to vector<16xi1>
    %unique3A_698, %unique3A_699 = tpu.scan_count mask(%broadcast_in_dim3A_697 : vector<16xi1>) value(%get3A_695 : vector<16xi32>) : vector<16xi1>, vector<16xi32>
    %convert_element_type3A_700 = arith.sitofp %unique3A_699 : vector<16xi32> to vector<16xf32>
    tpu.vector_store_idx %arg13[%get3A_695], %convert_element_type3A_700 masked %unique3A_698 {add = true} : memref<10032xf32, #tpu.memory_space<vmem>>[vector<16xi32>], vector<16xf32>, vector<16xi1>
    %dma_wait3A_701 = arith.constant 15 : i32
    %dma_wait3A_702 = arith.constant 1 : i32
    %dma_wait3A_703 = arith.constant 0 : i32
    %dma_wait3A_704 = arith.constant 0 : i32
    %dma_wait3A_705 = tpu.memref_slice %arg12[%dma_wait3A_702, %dma_wait3A_703, %dma_wait3A_704] : memref<2x128x128xf32, #tpu.memory_space<vmem>> -> memref<1x128x128xf32, #tpu.memory_space<vmem>>
    %dma_wait3A_706 = tpu.memref_squeeze %dma_wait3A_705 : memref<1x128x128xf32, #tpu.memory_space<vmem>> -> memref<128x128xf32, #tpu.memory_space<vmem>>
    %dma_wait3A_707 = arith.constant 0 : i32
    %dma_wait3A_708 = tpu.memref_slice %arg10[%dma_wait3A_701, %dma_wait3A_707] : memref<16x128xi32, #tpu.memory_space<vmem>> -> memref<1x128xi32, #tpu.memory_space<vmem>>
    %dma_wait3A_709 = tpu.memref_squeeze %dma_wait3A_708 : memref<1x128xi32, #tpu.memory_space<vmem>> -> memref<128xi32, #tpu.memory_space<vmem>>
    %dma_wait3A_710 = arith.constant 0 : i32
    %dma_wait3A_711 = arith.constant 0 : i32
    %dma_wait3A_712 = tpu.memref_slice %arg2[%dma_wait3A_710, %dma_wait3A_711] : memref<10000x128xf32, #tpu.memory_space<hbm>> -> memref<10000x128xf32, #tpu.memory_space<hbm>>
    tpu.wait_indirect_dma semaphore(%arg15 : memref<!tpu.dma_semaphore, #tpu.memory_space<semaphore_mem>>) src(%dma_wait3A_712 : memref<10000x128xf32, #tpu.memory_space<hbm>>) dst(%dma_wait3A_706 : memref<128x128xf32, #tpu.memory_space<vmem>>)
    %dma_start3A_713 = arith.constant 1 : i32
    %dma_start3A_714 = arith.constant 15 : i32
    %dma_start3A_715 = arith.constant 0 : i32
    %dma_start3A_716 = arith.constant 0 : i32
    %dma_start3A_717 = tpu.memref_slice %arg12[%dma_start3A_713, %dma_start3A_715, %dma_start3A_716] : memref<2x128x128xf32, #tpu.memory_space<vmem>> -> memref<1x128x128xf32, #tpu.memory_space<vmem>>
    %dma_start3A_718 = tpu.memref_squeeze %dma_start3A_717 : memref<1x128x128xf32, #tpu.memory_space<vmem>> -> memref<128x128xf32, #tpu.memory_space<vmem>>
    %dma_start3A_719 = arith.constant 0 : i32
    %dma_start3A_720 = tpu.memref_slice %arg11[%dma_start3A_714, %dma_start3A_719] : memref<16x128xi32, #tpu.memory_space<vmem>> -> memref<1x128xi32, #tpu.memory_space<vmem>>
    %dma_start3A_721 = tpu.memref_squeeze %dma_start3A_720 : memref<1x128xi32, #tpu.memory_space<vmem>> -> memref<128xi32, #tpu.memory_space<vmem>>
    %dma_start3A_722 = arith.constant 0 : i32
    %dma_start3A_723 = arith.constant 0 : i32
    %dma_start3A_724 = tpu.memref_slice %arg9[%dma_start3A_722, %dma_start3A_723] : memref<10016x128xf32, #tpu.memory_space<vmem_shared>> -> memref<10016x128xf32, #tpu.memory_space<vmem_shared>>
    tpu.enqueue_indirect_dma source(%dma_start3A_718 : memref<128x128xf32, #tpu.memory_space<vmem>>) target(%dma_start3A_724 : memref<10016x128xf32, #tpu.memory_space<vmem_shared>>) offsets(%dma_start3A_721 : memref<128xi32, #tpu.memory_space<vmem>>) semaphore(%arg17 : memref<!tpu.dma_semaphore, #tpu.memory_space<semaphore_mem>>) {add = true}
    %dma_wait3A_725 = arith.constant 1 : i32
    %dma_wait3A_726 = arith.constant 15 : i32
    %dma_wait3A_727 = arith.constant 0 : i32
    %dma_wait3A_728 = arith.constant 0 : i32
    %dma_wait3A_729 = tpu.memref_slice %arg12[%dma_wait3A_725, %dma_wait3A_727, %dma_wait3A_728] : memref<2x128x128xf32, #tpu.memory_space<vmem>> -> memref<1x128x128xf32, #tpu.memory_space<vmem>>
    %dma_wait3A_730 = tpu.memref_squeeze %dma_wait3A_729 : memref<1x128x128xf32, #tpu.memory_space<vmem>> -> memref<128x128xf32, #tpu.memory_space<vmem>>
    %dma_wait3A_731 = arith.constant 0 : i32
    %dma_wait3A_732 = tpu.memref_slice %arg11[%dma_wait3A_726, %dma_wait3A_731] : memref<16x128xi32, #tpu.memory_space<vmem>> -> memref<1x128xi32, #tpu.memory_space<vmem>>
    %dma_wait3A_733 = tpu.memref_squeeze %dma_wait3A_732 : memref<1x128xi32, #tpu.memory_space<vmem>> -> memref<128xi32, #tpu.memory_space<vmem>>
    %dma_wait3A_734 = arith.constant 0 : i32
    %dma_wait3A_735 = arith.constant 0 : i32
    %dma_wait3A_736 = tpu.memref_slice %arg9[%dma_wait3A_734, %dma_wait3A_735] : memref<10016x128xf32, #tpu.memory_space<vmem_shared>> -> memref<10016x128xf32, #tpu.memory_space<vmem_shared>>
    tpu.wait_indirect_dma semaphore(%arg17 : memref<!tpu.dma_semaphore, #tpu.memory_space<semaphore_mem>>) src(%dma_wait3A_730 : memref<128x128xf32, #tpu.memory_space<vmem>>) dst(%dma_wait3A_736 : memref<10016x128xf32, #tpu.memory_space<vmem_shared>>)
    "tpu.region"() ({
      %run_scoped3A = tpu.sem_alloc : memref<!tpu.dma_semaphore, #tpu.memory_space<semaphore_mem>>
      %dma_start3A_1237 = arith.constant 48 : i32
      %dma_start3A_1238 = arith.constant 0 : i32
      %dma_start3A_1239 = tpu.memref_slice %arg3[%add3A, %dma_start3A_1237, %dma_start3A_1238] : memref<32x80x128xi32, #tpu.memory_space<hbm>> -> memref<1x16x128xi32, #tpu.memory_space<hbm>>
      %dma_start3A_1240 = tpu.memref_squeeze %dma_start3A_1239 : memref<1x16x128xi32, #tpu.memory_space<hbm>> -> memref<16x128xi32, #tpu.memory_space<hbm>>
      %dma_start3A_1241 = arith.constant 48 : i32
      %dma_start3A_1242 = arith.constant 0 : i32
      %dma_start3A_1243 = tpu.memref_slice %arg3[%add3A, %dma_start3A_1241, %dma_start3A_1242] : memref<32x80x128xi32, #tpu.memory_space<hbm>> -> memref<1x16x128xi32, #tpu.memory_space<hbm>>
      %dma_start3A_1244 = tpu.memref_squeeze %dma_start3A_1243 : memref<1x16x128xi32, #tpu.memory_space<hbm>> -> memref<16x128xi32, #tpu.memory_space<hbm>>
      tpu.enqueue_dma source(%dma_start3A_1244 : memref<16x128xi32, #tpu.memory_space<hbm>>) target(%arg10 : memref<16x128xi32, #tpu.memory_space<vmem>>) target_semaphore(%run_scoped3A : memref<!tpu.dma_semaphore, #tpu.memory_space<semaphore_mem>>)
      %dma_wait3A_1245 = arith.constant 48 : i32
      %dma_wait3A_1246 = arith.constant 0 : i32
      %dma_wait3A_1247 = tpu.memref_slice %arg3[%add3A, %dma_wait3A_1245, %dma_wait3A_1246] : memref<32x80x128xi32, #tpu.memory_space<hbm>> -> memref<1x16x128xi32, #tpu.memory_space<hbm>>
      %dma_wait3A_1248 = tpu.memref_squeeze %dma_wait3A_1247 : memref<1x16x128xi32, #tpu.memory_space<hbm>> -> memref<16x128xi32, #tpu.memory_space<hbm>>
      %dma_wait3A_1249 = arith.constant 48 : i32
      %dma_wait3A_1250 = arith.constant 0 : i32
      %dma_wait3A_1251 = tpu.memref_slice %arg3[%add3A, %dma_wait3A_1249, %dma_wait3A_1250] : memref<32x80x128xi32, #tpu.memory_space<hbm>> -> memref<1x16x128xi32, #tpu.memory_space<hbm>>
      %dma_wait3A_1252 = tpu.memref_squeeze %dma_wait3A_1251 : memref<1x16x128xi32, #tpu.memory_space<hbm>> -> memref<16x128xi32, #tpu.memory_space<hbm>>
      tpu.wait_dma2 semaphore(%run_scoped3A : memref<!tpu.dma_semaphore, #tpu.memory_space<semaphore_mem>>) src(%dma_wait3A_1252 : memref<16x128xi32, #tpu.memory_space<hbm>>) dst(%arg10 : memref<16x128xi32, #tpu.memory_space<vmem>>)
      tpu.yield
    }) : () -> ()
    "tpu.region"() ({
      %run_scoped3A = tpu.sem_alloc : memref<!tpu.dma_semaphore, #tpu.memory_space<semaphore_mem>>
      %dma_start3A_1237 = arith.constant 48 : i32
      %dma_start3A_1238 = arith.constant 0 : i32
      %dma_start3A_1239 = tpu.memref_slice %arg4[%add3A, %dma_start3A_1237, %dma_start3A_1238] : memref<32x80x128xi32, #tpu.memory_space<hbm>> -> memref<1x16x128xi32, #tpu.memory_space<hbm>>
      %dma_start3A_1240 = tpu.memref_squeeze %dma_start3A_1239 : memref<1x16x128xi32, #tpu.memory_space<hbm>> -> memref<16x128xi32, #tpu.memory_space<hbm>>
      %dma_start3A_1241 = arith.constant 48 : i32
      %dma_start3A_1242 = arith.constant 0 : i32
      %dma_start3A_1243 = tpu.memref_slice %arg4[%add3A, %dma_start3A_1241, %dma_start3A_1242] : memref<32x80x128xi32, #tpu.memory_space<hbm>> -> memref<1x16x128xi32, #tpu.memory_space<hbm>>
      %dma_start3A_1244 = tpu.memref_squeeze %dma_start3A_1243 : memref<1x16x128xi32, #tpu.memory_space<hbm>> -> memref<16x128xi32, #tpu.memory_space<hbm>>
      tpu.enqueue_dma source(%dma_start3A_1244 : memref<16x128xi32, #tpu.memory_space<hbm>>) target(%arg11 : memref<16x128xi32, #tpu.memory_space<vmem>>) target_semaphore(%run_scoped3A : memref<!tpu.dma_semaphore, #tpu.memory_space<semaphore_mem>>)
      %dma_wait3A_1245 = arith.constant 48 : i32
      %dma_wait3A_1246 = arith.constant 0 : i32
      %dma_wait3A_1247 = tpu.memref_slice %arg4[%add3A, %dma_wait3A_1245, %dma_wait3A_1246] : memref<32x80x128xi32, #tpu.memory_space<hbm>> -> memref<1x16x128xi32, #tpu.memory_space<hbm>>
      %dma_wait3A_1248 = tpu.memref_squeeze %dma_wait3A_1247 : memref<1x16x128xi32, #tpu.memory_space<hbm>> -> memref<16x128xi32, #tpu.memory_space<hbm>>
      %dma_wait3A_1249 = arith.constant 48 : i32
      %dma_wait3A_1250 = arith.constant 0 : i32
      %dma_wait3A_1251 = tpu.memref_slice %arg4[%add3A, %dma_wait3A_1249, %dma_wait3A_1250] : memref<32x80x128xi32, #tpu.memory_space<hbm>> -> memref<1x16x128xi32, #tpu.memory_space<hbm>>
      %dma_wait3A_1252 = tpu.memref_squeeze %dma_wait3A_1251 : memref<1x16x128xi32, #tpu.memory_space<hbm>> -> memref<16x128xi32, #tpu.memory_space<hbm>>
      tpu.wait_dma2 semaphore(%run_scoped3A : memref<!tpu.dma_semaphore, #tpu.memory_space<semaphore_mem>>) src(%dma_wait3A_1252 : memref<16x128xi32, #tpu.memory_space<hbm>>) dst(%arg11 : memref<16x128xi32, #tpu.memory_space<vmem>>)
      tpu.yield
    }) : () -> ()
    %dma_start3A_737 = arith.constant 0 : i32
    %dma_start3A_738 = arith.constant 0 : i32
    %dma_start3A_739 = arith.constant 0 : i32
    %dma_start3A_740 = arith.constant 0 : i32
    %dma_start3A_741 = tpu.memref_slice %arg12[%dma_start3A_738, %dma_start3A_739, %dma_start3A_740] : memref<2x128x128xf32, #tpu.memory_space<vmem>> -> memref<1x128x128xf32, #tpu.memory_space<vmem>>
    %dma_start3A_742 = tpu.memref_squeeze %dma_start3A_741 : memref<1x128x128xf32, #tpu.memory_space<vmem>> -> memref<128x128xf32, #tpu.memory_space<vmem>>
    %dma_start3A_743 = arith.constant 0 : i32
    %dma_start3A_744 = tpu.memref_slice %arg10[%dma_start3A_737, %dma_start3A_743] : memref<16x128xi32, #tpu.memory_space<vmem>> -> memref<1x128xi32, #tpu.memory_space<vmem>>
    %dma_start3A_745 = tpu.memref_squeeze %dma_start3A_744 : memref<1x128xi32, #tpu.memory_space<vmem>> -> memref<128xi32, #tpu.memory_space<vmem>>
    %dma_start3A_746 = arith.constant 0 : i32
    %dma_start3A_747 = arith.constant 0 : i32
    %dma_start3A_748 = tpu.memref_slice %arg2[%dma_start3A_746, %dma_start3A_747] : memref<10000x128xf32, #tpu.memory_space<hbm>> -> memref<10000x128xf32, #tpu.memory_space<hbm>>
    tpu.enqueue_indirect_dma source(%dma_start3A_748 : memref<10000x128xf32, #tpu.memory_space<hbm>>) target(%dma_start3A_742 : memref<128x128xf32, #tpu.memory_space<vmem>>) offsets(%dma_start3A_745 : memref<128xi32, #tpu.memory_space<vmem>>) semaphore(%arg14 : memref<!tpu.dma_semaphore, #tpu.memory_space<semaphore_mem>>)
    %dma_start3A_749 = arith.constant 1 : i32
    %dma_start3A_750 = arith.constant 1 : i32
    %dma_start3A_751 = arith.constant 0 : i32
    %dma_start3A_752 = arith.constant 0 : i32
    %dma_start3A_753 = tpu.memref_slice %arg12[%dma_start3A_750, %dma_start3A_751, %dma_start3A_752] : memref<2x128x128xf32, #tpu.memory_space<vmem>> -> memref<1x128x128xf32, #tpu.memory_space<vmem>>
    %dma_start3A_754 = tpu.memref_squeeze %dma_start3A_753 : memref<1x128x128xf32, #tpu.memory_space<vmem>> -> memref<128x128xf32, #tpu.memory_space<vmem>>
    %dma_start3A_755 = arith.constant 0 : i32
    %dma_start3A_756 = tpu.memref_slice %arg10[%dma_start3A_749, %dma_start3A_755] : memref<16x128xi32, #tpu.memory_space<vmem>> -> memref<1x128xi32, #tpu.memory_space<vmem>>
    %dma_start3A_757 = tpu.memref_squeeze %dma_start3A_756 : memref<1x128xi32, #tpu.memory_space<vmem>> -> memref<128xi32, #tpu.memory_space<vmem>>
    %dma_start3A_758 = arith.constant 0 : i32
    %dma_start3A_759 = arith.constant 0 : i32
    %dma_start3A_760 = tpu.memref_slice %arg2[%dma_start3A_758, %dma_start3A_759] : memref<10000x128xf32, #tpu.memory_space<hbm>> -> memref<10000x128xf32, #tpu.memory_space<hbm>>
    tpu.enqueue_indirect_dma source(%dma_start3A_760 : memref<10000x128xf32, #tpu.memory_space<hbm>>) target(%dma_start3A_754 : memref<128x128xf32, #tpu.memory_space<vmem>>) offsets(%dma_start3A_757 : memref<128xi32, #tpu.memory_space<vmem>>) semaphore(%arg15 : memref<!tpu.dma_semaphore, #tpu.memory_space<semaphore_mem>>)
    %get3A_761 = arith.constant 0 : i32
    %get3A_762 = arith.index_cast %get3A_761 : i32 to index
    %get3A_763 = arith.constant 0 : index
    %get3A_764 = tpu.vector_load %arg11[%get3A_762, %get3A_763] {strides = array<i32>} : memref<16x128xi32, #tpu.memory_space<vmem>>, vector<16xi32>,
    %broadcast_in_dim3A_765 = arith.constant true
    %broadcast_in_dim3A_766 = vector.broadcast %broadcast_in_dim3A_765 : i1 to vector<16xi1>
    %unique3A_767, %unique3A_768 = tpu.scan_count mask(%broadcast_in_dim3A_766 : vector<16xi1>) value(%get3A_764 : vector<16xi32>) : vector<16xi1>, vector<16xi32>
    %convert_element_type3A_769 = arith.sitofp %unique3A_768 : vector<16xi32> to vector<16xf32>
    tpu.vector_store_idx %arg13[%get3A_764], %convert_element_type3A_769 masked %unique3A_767 {add = true} : memref<10032xf32, #tpu.memory_space<vmem>>[vector<16xi32>], vector<16xf32>, vector<16xi1>
    %get3A_770 = arith.constant 0 : i32
    %get3A_771 = arith.index_cast %get3A_770 : i32 to index
    %get3A_772 = arith.constant 16 : index
    %get3A_773 = tpu.vector_load %arg11[%get3A_771, %get3A_772] {strides = array<i32>} : memref<16x128xi32, #tpu.memory_space<vmem>>, vector<16xi32>,
    %broadcast_in_dim3A_774 = arith.constant true
    %broadcast_in_dim3A_775 = vector.broadcast %broadcast_in_dim3A_774 : i1 to vector<16xi1>
    %unique3A_776, %unique3A_777 = tpu.scan_count mask(%broadcast_in_dim3A_775 : vector<16xi1>) value(%get3A_773 : vector<16xi32>) : vector<16xi1>, vector<16xi32>
    %convert_element_type3A_778 = arith.sitofp %unique3A_777 : vector<16xi32> to vector<16xf32>
    tpu.vector_store_idx %arg13[%get3A_773], %convert_element_type3A_778 masked %unique3A_776 {add = true} : memref<10032xf32, #tpu.memory_space<vmem>>[vector<16xi32>], vector<16xf32>, vector<16xi1>
    %get3A_779 = arith.constant 0 : i32
    %get3A_780 = arith.index_cast %get3A_779 : i32 to index
    %get3A_781 = arith.constant 32 : index
    %get3A_782 = tpu.vector_load %arg11[%get3A_780, %get3A_781] {strides = array<i32>} : memref<16x128xi32, #tpu.memory_space<vmem>>, vector<16xi32>,
    %broadcast_in_dim3A_783 = arith.constant true
    %broadcast_in_dim3A_784 = vector.broadcast %broadcast_in_dim3A_783 : i1 to vector<16xi1>
    %unique3A_785, %unique3A_786 = tpu.scan_count mask(%broadcast_in_dim3A_784 : vector<16xi1>) value(%get3A_782 : vector<16xi32>) : vector<16xi1>, vector<16xi32>
    %convert_element_type3A_787 = arith.sitofp %unique3A_786 : vector<16xi32> to vector<16xf32>
    tpu.vector_store_idx %arg13[%get3A_782], %convert_element_type3A_787 masked %unique3A_785 {add = true} : memref<10032xf32, #tpu.memory_space<vmem>>[vector<16xi32>], vector<16xf32>, vector<16xi1>
    %get3A_788 = arith.constant 0 : i32
    %get3A_789 = arith.index_cast %get3A_788 : i32 to index
    %get3A_790 = arith.constant 48 : index
    %get3A_791 = tpu.vector_load %arg11[%get3A_789, %get3A_790] {strides = array<i32>} : memref<16x128xi32, #tpu.memory_space<vmem>>, vector<16xi32>,
    %broadcast_in_dim3A_792 = arith.constant true
    %broadcast_in_dim3A_793 = vector.broadcast %broadcast_in_dim3A_792 : i1 to vector<16xi1>
    %unique3A_794, %unique3A_795 = tpu.scan_count mask(%broadcast_in_dim3A_793 : vector<16xi1>) value(%get3A_791 : vector<16xi32>) : vector<16xi1>, vector<16xi32>
    %convert_element_type3A_796 = arith.sitofp %unique3A_795 : vector<16xi32> to vector<16xf32>
    tpu.vector_store_idx %arg13[%get3A_791], %convert_element_type3A_796 masked %unique3A_794 {add = true} : memref<10032xf32, #tpu.memory_space<vmem>>[vector<16xi32>], vector<16xf32>, vector<16xi1>
    %get3A_797 = arith.constant 0 : i32
    %get3A_798 = arith.index_cast %get3A_797 : i32 to index
    %get3A_799 = arith.constant 64 : index
    %get3A_800 = tpu.vector_load %arg11[%get3A_798, %get3A_799] {strides = array<i32>} : memref<16x128xi32, #tpu.memory_space<vmem>>, vector<16xi32>,
    %broadcast_in_dim3A_801 = arith.constant true
    %broadcast_in_dim3A_802 = vector.broadcast %broadcast_in_dim3A_801 : i1 to vector<16xi1>
    %unique3A_803, %unique3A_804 = tpu.scan_count mask(%broadcast_in_dim3A_802 : vector<16xi1>) value(%get3A_800 : vector<16xi32>) : vector<16xi1>, vector<16xi32>
    %convert_element_type3A_805 = arith.sitofp %unique3A_804 : vector<16xi32> to vector<16xf32>
    tpu.vector_store_idx %arg13[%get3A_800], %convert_element_type3A_805 masked %unique3A_803 {add = true} : memref<10032xf32, #tpu.memory_space<vmem>>[vector<16xi32>], vector<16xf32>, vector<16xi1>
    %get3A_806 = arith.constant 0 : i32
    %get3A_807 = arith.index_cast %get3A_806 : i32 to index
    %get3A_808 = arith.constant 80 : index
    %get3A_809 = tpu.vector_load %arg11[%get3A_807, %get3A_808] {strides = array<i32>} : memref<16x128xi32, #tpu.memory_space<vmem>>, vector<16xi32>,
    %broadcast_in_dim3A_810 = arith.constant true
    %broadcast_in_dim3A_811 = vector.broadcast %broadcast_in_dim3A_810 : i1 to vector<16xi1>
    %unique3A_812, %unique3A_813 = tpu.scan_count mask(%broadcast_in_dim3A_811 : vector<16xi1>) value(%get3A_809 : vector<16xi32>) : vector<16xi1>, vector<16xi32>
    %convert_element_type3A_814 = arith.sitofp %unique3A_813 : vector<16xi32> to vector<16xf32>
    tpu.vector_store_idx %arg13[%get3A_809], %convert_element_type3A_814 masked %unique3A_812 {add = true} : memref<10032xf32, #tpu.memory_space<vmem>>[vector<16xi32>], vector<16xf32>, vector<16xi1>
    %get3A_815 = arith.constant 0 : i32
    %get3A_816 = arith.index_cast %get3A_815 : i32 to index
    %get3A_817 = arith.constant 96 : index
    %get3A_818 = tpu.vector_load %arg11[%get3A_816, %get3A_817] {strides = array<i32>} : memref<16x128xi32, #tpu.memory_space<vmem>>, vector<16xi32>,
    %broadcast_in_dim3A_819 = arith.constant true
    %broadcast_in_dim3A_820 = vector.broadcast %broadcast_in_dim3A_819 : i1 to vector<16xi1>
    %unique3A_821, %unique3A_822 = tpu.scan_count mask(%broadcast_in_dim3A_820 : vector<16xi1>) value(%get3A_818 : vector<16xi32>) : vector<16xi1>, vector<16xi32>
    %convert_element_type3A_823 = arith.sitofp %unique3A_822 : vector<16xi32> to vector<16xf32>
    tpu.vector_store_idx %arg13[%get3A_818], %convert_element_type3A_823 masked %unique3A_821 {add = true} : memref<10032xf32, #tpu.memory_space<vmem>>[vector<16xi32>], vector<16xf32>, vector<16xi1>
    %get3A_824 = arith.constant 0 : i32
    %get3A_825 = arith.index_cast %get3A_824 : i32 to index
    %get3A_826 = arith.constant 112 : index
    %get3A_827 = tpu.vector_load %arg11[%get3A_825, %get3A_826] {strides = array<i32>} : memref<16x128xi32, #tpu.memory_space<vmem>>, vector<16xi32>,
    %broadcast_in_dim3A_828 = arith.constant true
    %broadcast_in_dim3A_829 = vector.broadcast %broadcast_in_dim3A_828 : i1 to vector<16xi1>
    %unique3A_830, %unique3A_831 = tpu.scan_count mask(%broadcast_in_dim3A_829 : vector<16xi1>) value(%get3A_827 : vector<16xi32>) : vector<16xi1>, vector<16xi32>
    %convert_element_type3A_832 = arith.sitofp %unique3A_831 : vector<16xi32> to vector<16xf32>
    tpu.vector_store_idx %arg13[%get3A_827], %convert_element_type3A_832 masked %unique3A_830 {add = true} : memref<10032xf32, #tpu.memory_space<vmem>>[vector<16xi32>], vector<16xf32>, vector<16xi1>
    %dma_wait3A_833 = arith.constant 0 : i32
    %dma_wait3A_834 = arith.constant 0 : i32
    %dma_wait3A_835 = arith.constant 0 : i32
    %dma_wait3A_836 = arith.constant 0 : i32
    %dma_wait3A_837 = tpu.memref_slice %arg12[%dma_wait3A_834, %dma_wait3A_835, %dma_wait3A_836] : memref<2x128x128xf32, #tpu.memory_space<vmem>> -> memref<1x128x128xf32, #tpu.memory_space<vmem>>
    %dma_wait3A_838 = tpu.memref_squeeze %dma_wait3A_837 : memref<1x128x128xf32, #tpu.memory_space<vmem>> -> memref<128x128xf32, #tpu.memory_space<vmem>>
    %dma_wait3A_839 = arith.constant 0 : i32
    %dma_wait3A_840 = tpu.memref_slice %arg10[%dma_wait3A_833, %dma_wait3A_839] : memref<16x128xi32, #tpu.memory_space<vmem>> -> memref<1x128xi32, #tpu.memory_space<vmem>>
    %dma_wait3A_841 = tpu.memref_squeeze %dma_wait3A_840 : memref<1x128xi32, #tpu.memory_space<vmem>> -> memref<128xi32, #tpu.memory_space<vmem>>
    %dma_wait3A_842 = arith.constant 0 : i32
    %dma_wait3A_843 = arith.constant 0 : i32
    %dma_wait3A_844 = tpu.memref_slice %arg2[%dma_wait3A_842, %dma_wait3A_843] : memref<10000x128xf32, #tpu.memory_space<hbm>> -> memref<10000x128xf32, #tpu.memory_space<hbm>>
    tpu.wait_indirect_dma semaphore(%arg14 : memref<!tpu.dma_semaphore, #tpu.memory_space<semaphore_mem>>) src(%dma_wait3A_844 : memref<10000x128xf32, #tpu.memory_space<hbm>>) dst(%dma_wait3A_838 : memref<128x128xf32, #tpu.memory_space<vmem>>)
    %dma_start3A_845 = arith.constant 0 : i32
    %dma_start3A_846 = arith.constant 0 : i32
    %dma_start3A_847 = arith.constant 0 : i32
    %dma_start3A_848 = arith.constant 0 : i32
    %dma_start3A_849 = tpu.memref_slice %arg12[%dma_start3A_845, %dma_start3A_847, %dma_start3A_848] : memref<2x128x128xf32, #tpu.memory_space<vmem>> -> memref<1x128x128xf32, #tpu.memory_space<vmem>>
    %dma_start3A_850 = tpu.memref_squeeze %dma_start3A_849 : memref<1x128x128xf32, #tpu.memory_space<vmem>> -> memref<128x128xf32, #tpu.memory_space<vmem>>
    %dma_start3A_851 = arith.constant 0 : i32
    %dma_start3A_852 = tpu.memref_slice %arg11[%dma_start3A_846, %dma_start3A_851] : memref<16x128xi32, #tpu.memory_space<vmem>> -> memref<1x128xi32, #tpu.memory_space<vmem>>
    %dma_start3A_853 = tpu.memref_squeeze %dma_start3A_852 : memref<1x128xi32, #tpu.memory_space<vmem>> -> memref<128xi32, #tpu.memory_space<vmem>>
    %dma_start3A_854 = arith.constant 0 : i32
    %dma_start3A_855 = arith.constant 0 : i32
    %dma_start3A_856 = tpu.memref_slice %arg9[%dma_start3A_854, %dma_start3A_855] : memref<10016x128xf32, #tpu.memory_space<vmem_shared>> -> memref<10016x128xf32, #tpu.memory_space<vmem_shared>>
    tpu.enqueue_indirect_dma source(%dma_start3A_850 : memref<128x128xf32, #tpu.memory_space<vmem>>) target(%dma_start3A_856 : memref<10016x128xf32, #tpu.memory_space<vmem_shared>>) offsets(%dma_start3A_853 : memref<128xi32, #tpu.memory_space<vmem>>) semaphore(%arg16 : memref<!tpu.dma_semaphore, #tpu.memory_space<semaphore_mem>>) {add = true}
    %scan3A_857 = arith.constant 0 : i32
    %scan3A_858 = arith.constant 0 : i32
    %scan3A_859 = arith.constant 7 : i32
    %scan3A_860 = arith.addi %scan3A_858, %scan3A_859 : i32
    %scan3A_861 = arith.constant 1 : i32
    scf.for %scan3A_1237 = %scan3A_858 to %scan3A_860 step %scan3A_861  : i32 {
      %mul3A_1238 = arith.constant 2 : i32
      %mul3A_1239 = arith.muli %mul3A_1238, %scan3A_1237 : i32
      %add3A_1240 = arith.constant 1 : i32
      %add3A_1241 = arith.addi %mul3A_1239, %add3A_1240 : i32
      %sub3A = arith.constant 1 : i32
      %sub3A_1242 = arith.subi %add3A_1241, %sub3A : i32
      %dma_wait3A_1243 = arith.constant 0 : i32
      %dma_wait3A_1244 = arith.constant 0 : i32
      %dma_wait3A_1245 = arith.constant 0 : i32
      %dma_wait3A_1246 = tpu.memref_slice %arg12[%dma_wait3A_1243, %dma_wait3A_1244, %dma_wait3A_1245] : memref<2x128x128xf32, #tpu.memory_space<vmem>> -> memref<1x128x128xf32, #tpu.memory_space<vmem>>
      %dma_wait3A_1247 = tpu.memref_squeeze %dma_wait3A_1246 : memref<1x128x128xf32, #tpu.memory_space<vmem>> -> memref<128x128xf32, #tpu.memory_space<vmem>>
      %dma_wait3A_1248 = arith.constant 0 : i32
      %dma_wait3A_1249 = tpu.memref_slice %arg11[%sub3A_1242, %dma_wait3A_1248] : memref<16x128xi32, #tpu.memory_space<vmem>> -> memref<1x128xi32, #tpu.memory_space<vmem>>
      %dma_wait3A_1250 = tpu.memref_squeeze %dma_wait3A_1249 : memref<1x128xi32, #tpu.memory_space<vmem>> -> memref<128xi32, #tpu.memory_space<vmem>>
      %dma_wait3A_1251 = arith.constant 0 : i32
      %dma_wait3A_1252 = arith.constant 0 : i32
      %dma_wait3A_1253 = tpu.memref_slice %arg9[%dma_wait3A_1251, %dma_wait3A_1252] : memref<10016x128xf32, #tpu.memory_space<vmem_shared>> -> memref<10016x128xf32, #tpu.memory_space<vmem_shared>>
      tpu.wait_indirect_dma semaphore(%arg16 : memref<!tpu.dma_semaphore, #tpu.memory_space<semaphore_mem>>) src(%dma_wait3A_1247 : memref<128x128xf32, #tpu.memory_space<vmem>>) dst(%dma_wait3A_1253 : memref<10016x128xf32, #tpu.memory_space<vmem_shared>>)
      %add3A_1254 = arith.constant 1 : i32
      %add3A_1255 = arith.addi %add3A_1241, %add3A_1254 : i32
      %dma_start3A_1256 = arith.constant 0 : i32
      %dma_start3A_1257 = arith.constant 0 : i32
      %dma_start3A_1258 = arith.constant 0 : i32
      %dma_start3A_1259 = tpu.memref_slice %arg12[%dma_start3A_1256, %dma_start3A_1257, %dma_start3A_1258] : memref<2x128x128xf32, #tpu.memory_space<vmem>> -> memref<1x128x128xf32, #tpu.memory_space<vmem>>
      %dma_start3A_1260 = tpu.memref_squeeze %dma_start3A_1259 : memref<1x128x128xf32, #tpu.memory_space<vmem>> -> memref<128x128xf32, #tpu.memory_space<vmem>>
      %dma_start3A_1261 = arith.constant 0 : i32
      %dma_start3A_1262 = tpu.memref_slice %arg10[%add3A_1255, %dma_start3A_1261] : memref<16x128xi32, #tpu.memory_space<vmem>> -> memref<1x128xi32, #tpu.memory_space<vmem>>
      %dma_start3A_1263 = tpu.memref_squeeze %dma_start3A_1262 : memref<1x128xi32, #tpu.memory_space<vmem>> -> memref<128xi32, #tpu.memory_space<vmem>>
      %dma_start3A_1264 = arith.constant 0 : i32
      %dma_start3A_1265 = arith.constant 0 : i32
      %dma_start3A_1266 = tpu.memref_slice %arg2[%dma_start3A_1264, %dma_start3A_1265] : memref<10000x128xf32, #tpu.memory_space<hbm>> -> memref<10000x128xf32, #tpu.memory_space<hbm>>
      tpu.enqueue_indirect_dma source(%dma_start3A_1266 : memref<10000x128xf32, #tpu.memory_space<hbm>>) target(%dma_start3A_1260 : memref<128x128xf32, #tpu.memory_space<vmem>>) offsets(%dma_start3A_1263 : memref<128xi32, #tpu.memory_space<vmem>>) semaphore(%arg14 : memref<!tpu.dma_semaphore, #tpu.memory_space<semaphore_mem>>)
      %get3A_1267 = arith.index_cast %add3A_1241 : i32 to index
      %get3A_1268 = arith.constant 0 : index
      %get3A_1269 = tpu.vector_load %arg11[%get3A_1267, %get3A_1268] {strides = array<i32>} : memref<16x128xi32, #tpu.memory_space<vmem>>, vector<16xi32>,
      %broadcast_in_dim3A_1270 = arith.constant true
      %broadcast_in_dim3A_1271 = vector.broadcast %broadcast_in_dim3A_1270 : i1 to vector<16xi1>
      %unique3A_1272, %unique3A_1273 = tpu.scan_count mask(%broadcast_in_dim3A_1271 : vector<16xi1>) value(%get3A_1269 : vector<16xi32>) : vector<16xi1>, vector<16xi32>
      %convert_element_type3A_1274 = arith.sitofp %unique3A_1273 : vector<16xi32> to vector<16xf32>
      tpu.vector_store_idx %arg13[%get3A_1269], %convert_element_type3A_1274 masked %unique3A_1272 {add = true} : memref<10032xf32, #tpu.memory_space<vmem>>[vector<16xi32>], vector<16xf32>, vector<16xi1>
      %get3A_1275 = arith.index_cast %add3A_1241 : i32 to index
      %get3A_1276 = arith.constant 16 : index
      %get3A_1277 = tpu.vector_load %arg11[%get3A_1275, %get3A_1276] {strides = array<i32>} : memref<16x128xi32, #tpu.memory_space<vmem>>, vector<16xi32>,
      %broadcast_in_dim3A_1278 = arith.constant true
      %broadcast_in_dim3A_1279 = vector.broadcast %broadcast_in_dim3A_1278 : i1 to vector<16xi1>
      %unique3A_1280, %unique3A_1281 = tpu.scan_count mask(%broadcast_in_dim3A_1279 : vector<16xi1>) value(%get3A_1277 : vector<16xi32>) : vector<16xi1>, vector<16xi32>
      %convert_element_type3A_1282 = arith.sitofp %unique3A_1281 : vector<16xi32> to vector<16xf32>
      tpu.vector_store_idx %arg13[%get3A_1277], %convert_element_type3A_1282 masked %unique3A_1280 {add = true} : memref<10032xf32, #tpu.memory_space<vmem>>[vector<16xi32>], vector<16xf32>, vector<16xi1>
      %get3A_1283 = arith.index_cast %add3A_1241 : i32 to index
      %get3A_1284 = arith.constant 32 : index
      %get3A_1285 = tpu.vector_load %arg11[%get3A_1283, %get3A_1284] {strides = array<i32>} : memref<16x128xi32, #tpu.memory_space<vmem>>, vector<16xi32>,
      %broadcast_in_dim3A_1286 = arith.constant true
      %broadcast_in_dim3A_1287 = vector.broadcast %broadcast_in_dim3A_1286 : i1 to vector<16xi1>
      %unique3A_1288, %unique3A_1289 = tpu.scan_count mask(%broadcast_in_dim3A_1287 : vector<16xi1>) value(%get3A_1285 : vector<16xi32>) : vector<16xi1>, vector<16xi32>
      %convert_element_type3A_1290 = arith.sitofp %unique3A_1289 : vector<16xi32> to vector<16xf32>
      tpu.vector_store_idx %arg13[%get3A_1285], %convert_element_type3A_1290 masked %unique3A_1288 {add = true} : memref<10032xf32, #tpu.memory_space<vmem>>[vector<16xi32>], vector<16xf32>, vector<16xi1>
      %get3A_1291 = arith.index_cast %add3A_1241 : i32 to index
      %get3A_1292 = arith.constant 48 : index
      %get3A_1293 = tpu.vector_load %arg11[%get3A_1291, %get3A_1292] {strides = array<i32>} : memref<16x128xi32, #tpu.memory_space<vmem>>, vector<16xi32>,
      %broadcast_in_dim3A_1294 = arith.constant true
      %broadcast_in_dim3A_1295 = vector.broadcast %broadcast_in_dim3A_1294 : i1 to vector<16xi1>
      %unique3A_1296, %unique3A_1297 = tpu.scan_count mask(%broadcast_in_dim3A_1295 : vector<16xi1>) value(%get3A_1293 : vector<16xi32>) : vector<16xi1>, vector<16xi32>
      %convert_element_type3A_1298 = arith.sitofp %unique3A_1297 : vector<16xi32> to vector<16xf32>
      tpu.vector_store_idx %arg13[%get3A_1293], %convert_element_type3A_1298 masked %unique3A_1296 {add = true} : memref<10032xf32, #tpu.memory_space<vmem>>[vector<16xi32>], vector<16xf32>, vector<16xi1>
      %get3A_1299 = arith.index_cast %add3A_1241 : i32 to index
      %get3A_1300 = arith.constant 64 : index
      %get3A_1301 = tpu.vector_load %arg11[%get3A_1299, %get3A_1300] {strides = array<i32>} : memref<16x128xi32, #tpu.memory_space<vmem>>, vector<16xi32>,
      %broadcast_in_dim3A_1302 = arith.constant true
      %broadcast_in_dim3A_1303 = vector.broadcast %broadcast_in_dim3A_1302 : i1 to vector<16xi1>
      %unique3A_1304, %unique3A_1305 = tpu.scan_count mask(%broadcast_in_dim3A_1303 : vector<16xi1>) value(%get3A_1301 : vector<16xi32>) : vector<16xi1>, vector<16xi32>
      %convert_element_type3A_1306 = arith.sitofp %unique3A_1305 : vector<16xi32> to vector<16xf32>
      tpu.vector_store_idx %arg13[%get3A_1301], %convert_element_type3A_1306 masked %unique3A_1304 {add = true} : memref<10032xf32, #tpu.memory_space<vmem>>[vector<16xi32>], vector<16xf32>, vector<16xi1>
      %get3A_1307 = arith.index_cast %add3A_1241 : i32 to index
      %get3A_1308 = arith.constant 80 : index
      %get3A_1309 = tpu.vector_load %arg11[%get3A_1307, %get3A_1308] {strides = array<i32>} : memref<16x128xi32, #tpu.memory_space<vmem>>, vector<16xi32>,
      %broadcast_in_dim3A_1310 = arith.constant true
      %broadcast_in_dim3A_1311 = vector.broadcast %broadcast_in_dim3A_1310 : i1 to vector<16xi1>
      %unique3A_1312, %unique3A_1313 = tpu.scan_count mask(%broadcast_in_dim3A_1311 : vector<16xi1>) value(%get3A_1309 : vector<16xi32>) : vector<16xi1>, vector<16xi32>
      %convert_element_type3A_1314 = arith.sitofp %unique3A_1313 : vector<16xi32> to vector<16xf32>
      tpu.vector_store_idx %arg13[%get3A_1309], %convert_element_type3A_1314 masked %unique3A_1312 {add = true} : memref<10032xf32, #tpu.memory_space<vmem>>[vector<16xi32>], vector<16xf32>, vector<16xi1>
      %get3A_1315 = arith.index_cast %add3A_1241 : i32 to index
      %get3A_1316 = arith.constant 96 : index
      %get3A_1317 = tpu.vector_load %arg11[%get3A_1315, %get3A_1316] {strides = array<i32>} : memref<16x128xi32, #tpu.memory_space<vmem>>, vector<16xi32>,
      %broadcast_in_dim3A_1318 = arith.constant true
      %broadcast_in_dim3A_1319 = vector.broadcast %broadcast_in_dim3A_1318 : i1 to vector<16xi1>
      %unique3A_1320, %unique3A_1321 = tpu.scan_count mask(%broadcast_in_dim3A_1319 : vector<16xi1>) value(%get3A_1317 : vector<16xi32>) : vector<16xi1>, vector<16xi32>
      %convert_element_type3A_1322 = arith.sitofp %unique3A_1321 : vector<16xi32> to vector<16xf32>
      tpu.vector_store_idx %arg13[%get3A_1317], %convert_element_type3A_1322 masked %unique3A_1320 {add = true} : memref<10032xf32, #tpu.memory_space<vmem>>[vector<16xi32>], vector<16xf32>, vector<16xi1>
      %get3A_1323 = arith.index_cast %add3A_1241 : i32 to index
      %get3A_1324 = arith.constant 112 : index
      %get3A_1325 = tpu.vector_load %arg11[%get3A_1323, %get3A_1324] {strides = array<i32>} : memref<16x128xi32, #tpu.memory_space<vmem>>, vector<16xi32>,
      %broadcast_in_dim3A_1326 = arith.constant true
      %broadcast_in_dim3A_1327 = vector.broadcast %broadcast_in_dim3A_1326 : i1 to vector<16xi1>
      %unique3A_1328, %unique3A_1329 = tpu.scan_count mask(%broadcast_in_dim3A_1327 : vector<16xi1>) value(%get3A_1325 : vector<16xi32>) : vector<16xi1>, vector<16xi32>
      %convert_element_type3A_1330 = arith.sitofp %unique3A_1329 : vector<16xi32> to vector<16xf32>
      tpu.vector_store_idx %arg13[%get3A_1325], %convert_element_type3A_1330 masked %unique3A_1328 {add = true} : memref<10032xf32, #tpu.memory_space<vmem>>[vector<16xi32>], vector<16xf32>, vector<16xi1>
      %dma_wait3A_1331 = arith.constant 1 : i32
      %dma_wait3A_1332 = arith.constant 0 : i32
      %dma_wait3A_1333 = arith.constant 0 : i32
      %dma_wait3A_1334 = tpu.memref_slice %arg12[%dma_wait3A_1331, %dma_wait3A_1332, %dma_wait3A_1333] : memref<2x128x128xf32, #tpu.memory_space<vmem>> -> memref<1x128x128xf32, #tpu.memory_space<vmem>>
      %dma_wait3A_1335 = tpu.memref_squeeze %dma_wait3A_1334 : memref<1x128x128xf32, #tpu.memory_space<vmem>> -> memref<128x128xf32, #tpu.memory_space<vmem>>
      %dma_wait3A_1336 = arith.constant 0 : i32
      %dma_wait3A_1337 = tpu.memref_slice %arg10[%add3A_1241, %dma_wait3A_1336] : memref<16x128xi32, #tpu.memory_space<vmem>> -> memref<1x128xi32, #tpu.memory_space<vmem>>
      %dma_wait3A_1338 = tpu.memref_squeeze %dma_wait3A_1337 : memref<1x128xi32, #tpu.memory_space<vmem>> -> memref<128xi32, #tpu.memory_space<vmem>>
      %dma_wait3A_1339 = arith.constant 0 : i32
      %dma_wait3A_1340 = arith.constant 0 : i32
      %dma_wait3A_1341 = tpu.memref_slice %arg2[%dma_wait3A_1339, %dma_wait3A_1340] : memref<10000x128xf32, #tpu.memory_space<hbm>> -> memref<10000x128xf32, #tpu.memory_space<hbm>>
      tpu.wait_indirect_dma semaphore(%arg15 : memref<!tpu.dma_semaphore, #tpu.memory_space<semaphore_mem>>) src(%dma_wait3A_1341 : memref<10000x128xf32, #tpu.memory_space<hbm>>) dst(%dma_wait3A_1335 : memref<128x128xf32, #tpu.memory_space<vmem>>)
      %dma_start3A_1342 = arith.constant 1 : i32
      %dma_start3A_1343 = arith.constant 0 : i32
      %dma_start3A_1344 = arith.constant 0 : i32
      %dma_start3A_1345 = tpu.memref_slice %arg12[%dma_start3A_1342, %dma_start3A_1343, %dma_start3A_1344] : memref<2x128x128xf32, #tpu.memory_space<vmem>> -> memref<1x128x128xf32, #tpu.memory_space<vmem>>
      %dma_start3A_1346 = tpu.memref_squeeze %dma_start3A_1345 : memref<1x128x128xf32, #tpu.memory_space<vmem>> -> memref<128x128xf32, #tpu.memory_space<vmem>>
      %dma_start3A_1347 = arith.constant 0 : i32
      %dma_start3A_1348 = tpu.memref_slice %arg11[%add3A_1241, %dma_start3A_1347] : memref<16x128xi32, #tpu.memory_space<vmem>> -> memref<1x128xi32, #tpu.memory_space<vmem>>
      %dma_start3A_1349 = tpu.memref_squeeze %dma_start3A_1348 : memref<1x128xi32, #tpu.memory_space<vmem>> -> memref<128xi32, #tpu.memory_space<vmem>>
      %dma_start3A_1350 = arith.constant 0 : i32
      %dma_start3A_1351 = arith.constant 0 : i32
      %dma_start3A_1352 = tpu.memref_slice %arg9[%dma_start3A_1350, %dma_start3A_1351] : memref<10016x128xf32, #tpu.memory_space<vmem_shared>> -> memref<10016x128xf32, #tpu.memory_space<vmem_shared>>
      tpu.enqueue_indirect_dma source(%dma_start3A_1346 : memref<128x128xf32, #tpu.memory_space<vmem>>) target(%dma_start3A_1352 : memref<10016x128xf32, #tpu.memory_space<vmem_shared>>) offsets(%dma_start3A_1349 : memref<128xi32, #tpu.memory_space<vmem>>) semaphore(%arg17 : memref<!tpu.dma_semaphore, #tpu.memory_space<semaphore_mem>>) {add = true}
      %mul3A_1353 = arith.constant 2 : i32
      %mul3A_1354 = arith.muli %mul3A_1353, %scan3A_1237 : i32
      %add3A_1355 = arith.constant 2 : i32
      %add3A_1356 = arith.addi %mul3A_1354, %add3A_1355 : i32
      %sub3A_1357 = arith.constant 1 : i32
      %sub3A_1358 = arith.subi %add3A_1356, %sub3A_1357 : i32
      %dma_wait3A_1359 = arith.constant 1 : i32
      %dma_wait3A_1360 = arith.constant 0 : i32
      %dma_wait3A_1361 = arith.constant 0 : i32
      %dma_wait3A_1362 = tpu.memref_slice %arg12[%dma_wait3A_1359, %dma_wait3A_1360, %dma_wait3A_1361] : memref<2x128x128xf32, #tpu.memory_space<vmem>> -> memref<1x128x128xf32, #tpu.memory_space<vmem>>
      %dma_wait3A_1363 = tpu.memref_squeeze %dma_wait3A_1362 : memref<1x128x128xf32, #tpu.memory_space<vmem>> -> memref<128x128xf32, #tpu.memory_space<vmem>>
      %dma_wait3A_1364 = arith.constant 0 : i32
      %dma_wait3A_1365 = tpu.memref_slice %arg11[%sub3A_1358, %dma_wait3A_1364] : memref<16x128xi32, #tpu.memory_space<vmem>> -> memref<1x128xi32, #tpu.memory_space<vmem>>
      %dma_wait3A_1366 = tpu.memref_squeeze %dma_wait3A_1365 : memref<1x128xi32, #tpu.memory_space<vmem>> -> memref<128xi32, #tpu.memory_space<vmem>>
      %dma_wait3A_1367 = arith.constant 0 : i32
      %dma_wait3A_1368 = arith.constant 0 : i32
      %dma_wait3A_1369 = tpu.memref_slice %arg9[%dma_wait3A_1367, %dma_wait3A_1368] : memref<10016x128xf32, #tpu.memory_space<vmem_shared>> -> memref<10016x128xf32, #tpu.memory_space<vmem_shared>>
      tpu.wait_indirect_dma semaphore(%arg17 : memref<!tpu.dma_semaphore, #tpu.memory_space<semaphore_mem>>) src(%dma_wait3A_1363 : memref<128x128xf32, #tpu.memory_space<vmem>>) dst(%dma_wait3A_1369 : memref<10016x128xf32, #tpu.memory_space<vmem_shared>>)
      %add3A_1370 = arith.constant 1 : i32
      %add3A_1371 = arith.addi %add3A_1356, %add3A_1370 : i32
      %dma_start3A_1372 = arith.constant 1 : i32
      %dma_start3A_1373 = arith.constant 0 : i32
      %dma_start3A_1374 = arith.constant 0 : i32
      %dma_start3A_1375 = tpu.memref_slice %arg12[%dma_start3A_1372, %dma_start3A_1373, %dma_start3A_1374] : memref<2x128x128xf32, #tpu.memory_space<vmem>> -> memref<1x128x128xf32, #tpu.memory_space<vmem>>
      %dma_start3A_1376 = tpu.memref_squeeze %dma_start3A_1375 : memref<1x128x128xf32, #tpu.memory_space<vmem>> -> memref<128x128xf32, #tpu.memory_space<vmem>>
      %dma_start3A_1377 = arith.constant 0 : i32
      %dma_start3A_1378 = tpu.memref_slice %arg10[%add3A_1371, %dma_start3A_1377] : memref<16x128xi32, #tpu.memory_space<vmem>> -> memref<1x128xi32, #tpu.memory_space<vmem>>
      %dma_start3A_1379 = tpu.memref_squeeze %dma_start3A_1378 : memref<1x128xi32, #tpu.memory_space<vmem>> -> memref<128xi32, #tpu.memory_space<vmem>>
      %dma_start3A_1380 = arith.constant 0 : i32
      %dma_start3A_1381 = arith.constant 0 : i32
      %dma_start3A_1382 = tpu.memref_slice %arg2[%dma_start3A_1380, %dma_start3A_1381] : memref<10000x128xf32, #tpu.memory_space<hbm>> -> memref<10000x128xf32, #tpu.memory_space<hbm>>
      tpu.enqueue_indirect_dma source(%dma_start3A_1382 : memref<10000x128xf32, #tpu.memory_space<hbm>>) target(%dma_start3A_1376 : memref<128x128xf32, #tpu.memory_space<vmem>>) offsets(%dma_start3A_1379 : memref<128xi32, #tpu.memory_space<vmem>>) semaphore(%arg15 : memref<!tpu.dma_semaphore, #tpu.memory_space<semaphore_mem>>)
      %get3A_1383 = arith.index_cast %add3A_1356 : i32 to index
      %get3A_1384 = arith.constant 0 : index
      %get3A_1385 = tpu.vector_load %arg11[%get3A_1383, %get3A_1384] {strides = array<i32>} : memref<16x128xi32, #tpu.memory_space<vmem>>, vector<16xi32>,
      %broadcast_in_dim3A_1386 = arith.constant true
      %broadcast_in_dim3A_1387 = vector.broadcast %broadcast_in_dim3A_1386 : i1 to vector<16xi1>
      %unique3A_1388, %unique3A_1389 = tpu.scan_count mask(%broadcast_in_dim3A_1387 : vector<16xi1>) value(%get3A_1385 : vector<16xi32>) : vector<16xi1>, vector<16xi32>
      %convert_element_type3A_1390 = arith.sitofp %unique3A_1389 : vector<16xi32> to vector<16xf32>
      tpu.vector_store_idx %arg13[%get3A_1385], %convert_element_type3A_1390 masked %unique3A_1388 {add = true} : memref<10032xf32, #tpu.memory_space<vmem>>[vector<16xi32>], vector<16xf32>, vector<16xi1>
      %get3A_1391 = arith.index_cast %add3A_1356 : i32 to index
      %get3A_1392 = arith.constant 16 : index
      %get3A_1393 = tpu.vector_load %arg11[%get3A_1391, %get3A_1392] {strides = array<i32>} : memref<16x128xi32, #tpu.memory_space<vmem>>, vector<16xi32>,
      %broadcast_in_dim3A_1394 = arith.constant true
      %broadcast_in_dim3A_1395 = vector.broadcast %broadcast_in_dim3A_1394 : i1 to vector<16xi1>
      %unique3A_1396, %unique3A_1397 = tpu.scan_count mask(%broadcast_in_dim3A_1395 : vector<16xi1>) value(%get3A_1393 : vector<16xi32>) : vector<16xi1>, vector<16xi32>
      %convert_element_type3A_1398 = arith.sitofp %unique3A_1397 : vector<16xi32> to vector<16xf32>
      tpu.vector_store_idx %arg13[%get3A_1393], %convert_element_type3A_1398 masked %unique3A_1396 {add = true} : memref<10032xf32, #tpu.memory_space<vmem>>[vector<16xi32>], vector<16xf32>, vector<16xi1>
      %get3A_1399 = arith.index_cast %add3A_1356 : i32 to index
      %get3A_1400 = arith.constant 32 : index
      %get3A_1401 = tpu.vector_load %arg11[%get3A_1399, %get3A_1400] {strides = array<i32>} : memref<16x128xi32, #tpu.memory_space<vmem>>, vector<16xi32>,
      %broadcast_in_dim3A_1402 = arith.constant true
      %broadcast_in_dim3A_1403 = vector.broadcast %broadcast_in_dim3A_1402 : i1 to vector<16xi1>
      %unique3A_1404, %unique3A_1405 = tpu.scan_count mask(%broadcast_in_dim3A_1403 : vector<16xi1>) value(%get3A_1401 : vector<16xi32>) : vector<16xi1>, vector<16xi32>
      %convert_element_type3A_1406 = arith.sitofp %unique3A_1405 : vector<16xi32> to vector<16xf32>
      tpu.vector_store_idx %arg13[%get3A_1401], %convert_element_type3A_1406 masked %unique3A_1404 {add = true} : memref<10032xf32, #tpu.memory_space<vmem>>[vector<16xi32>], vector<16xf32>, vector<16xi1>
      %get3A_1407 = arith.index_cast %add3A_1356 : i32 to index
      %get3A_1408 = arith.constant 48 : index
      %get3A_1409 = tpu.vector_load %arg11[%get3A_1407, %get3A_1408] {strides = array<i32>} : memref<16x128xi32, #tpu.memory_space<vmem>>, vector<16xi32>,
      %broadcast_in_dim3A_1410 = arith.constant true
      %broadcast_in_dim3A_1411 = vector.broadcast %broadcast_in_dim3A_1410 : i1 to vector<16xi1>
      %unique3A_1412, %unique3A_1413 = tpu.scan_count mask(%broadcast_in_dim3A_1411 : vector<16xi1>) value(%get3A_1409 : vector<16xi32>) : vector<16xi1>, vector<16xi32>
      %convert_element_type3A_1414 = arith.sitofp %unique3A_1413 : vector<16xi32> to vector<16xf32>
      tpu.vector_store_idx %arg13[%get3A_1409], %convert_element_type3A_1414 masked %unique3A_1412 {add = true} : memref<10032xf32, #tpu.memory_space<vmem>>[vector<16xi32>], vector<16xf32>, vector<16xi1>
      %get3A_1415 = arith.index_cast %add3A_1356 : i32 to index
      %get3A_1416 = arith.constant 64 : index
      %get3A_1417 = tpu.vector_load %arg11[%get3A_1415, %get3A_1416] {strides = array<i32>} : memref<16x128xi32, #tpu.memory_space<vmem>>, vector<16xi32>,
      %broadcast_in_dim3A_1418 = arith.constant true
      %broadcast_in_dim3A_1419 = vector.broadcast %broadcast_in_dim3A_1418 : i1 to vector<16xi1>
      %unique3A_1420, %unique3A_1421 = tpu.scan_count mask(%broadcast_in_dim3A_1419 : vector<16xi1>) value(%get3A_1417 : vector<16xi32>) : vector<16xi1>, vector<16xi32>
      %convert_element_type3A_1422 = arith.sitofp %unique3A_1421 : vector<16xi32> to vector<16xf32>
      tpu.vector_store_idx %arg13[%get3A_1417], %convert_element_type3A_1422 masked %unique3A_1420 {add = true} : memref<10032xf32, #tpu.memory_space<vmem>>[vector<16xi32>], vector<16xf32>, vector<16xi1>
      %get3A_1423 = arith.index_cast %add3A_1356 : i32 to index
      %get3A_1424 = arith.constant 80 : index
      %get3A_1425 = tpu.vector_load %arg11[%get3A_1423, %get3A_1424] {strides = array<i32>} : memref<16x128xi32, #tpu.memory_space<vmem>>, vector<16xi32>,
      %broadcast_in_dim3A_1426 = arith.constant true
      %broadcast_in_dim3A_1427 = vector.broadcast %broadcast_in_dim3A_1426 : i1 to vector<16xi1>
      %unique3A_1428, %unique3A_1429 = tpu.scan_count mask(%broadcast_in_dim3A_1427 : vector<16xi1>) value(%get3A_1425 : vector<16xi32>) : vector<16xi1>, vector<16xi32>
      %convert_element_type3A_1430 = arith.sitofp %unique3A_1429 : vector<16xi32> to vector<16xf32>
      tpu.vector_store_idx %arg13[%get3A_1425], %convert_element_type3A_1430 masked %unique3A_1428 {add = true} : memref<10032xf32, #tpu.memory_space<vmem>>[vector<16xi32>], vector<16xf32>, vector<16xi1>
      %get3A_1431 = arith.index_cast %add3A_1356 : i32 to index
      %get3A_1432 = arith.constant 96 : index
      %get3A_1433 = tpu.vector_load %arg11[%get3A_1431, %get3A_1432] {strides = array<i32>} : memref<16x128xi32, #tpu.memory_space<vmem>>, vector<16xi32>,
      %broadcast_in_dim3A_1434 = arith.constant true
      %broadcast_in_dim3A_1435 = vector.broadcast %broadcast_in_dim3A_1434 : i1 to vector<16xi1>
      %unique3A_1436, %unique3A_1437 = tpu.scan_count mask(%broadcast_in_dim3A_1435 : vector<16xi1>) value(%get3A_1433 : vector<16xi32>) : vector<16xi1>, vector<16xi32>
      %convert_element_type3A_1438 = arith.sitofp %unique3A_1437 : vector<16xi32> to vector<16xf32>
      tpu.vector_store_idx %arg13[%get3A_1433], %convert_element_type3A_1438 masked %unique3A_1436 {add = true} : memref<10032xf32, #tpu.memory_space<vmem>>[vector<16xi32>], vector<16xf32>, vector<16xi1>
      %get3A_1439 = arith.index_cast %add3A_1356 : i32 to index
      %get3A_1440 = arith.constant 112 : index
      %get3A_1441 = tpu.vector_load %arg11[%get3A_1439, %get3A_1440] {strides = array<i32>} : memref<16x128xi32, #tpu.memory_space<vmem>>, vector<16xi32>,
      %broadcast_in_dim3A_1442 = arith.constant true
      %broadcast_in_dim3A_1443 = vector.broadcast %broadcast_in_dim3A_1442 : i1 to vector<16xi1>
      %unique3A_1444, %unique3A_1445 = tpu.scan_count mask(%broadcast_in_dim3A_1443 : vector<16xi1>) value(%get3A_1441 : vector<16xi32>) : vector<16xi1>, vector<16xi32>
      %convert_element_type3A_1446 = arith.sitofp %unique3A_1445 : vector<16xi32> to vector<16xf32>
      tpu.vector_store_idx %arg13[%get3A_1441], %convert_element_type3A_1446 masked %unique3A_1444 {add = true} : memref<10032xf32, #tpu.memory_space<vmem>>[vector<16xi32>], vector<16xf32>, vector<16xi1>
      %dma_wait3A_1447 = arith.constant 0 : i32
      %dma_wait3A_1448 = arith.constant 0 : i32
      %dma_wait3A_1449 = arith.constant 0 : i32
      %dma_wait3A_1450 = tpu.memref_slice %arg12[%dma_wait3A_1447, %dma_wait3A_1448, %dma_wait3A_1449] : memref<2x128x128xf32, #tpu.memory_space<vmem>> -> memref<1x128x128xf32, #tpu.memory_space<vmem>>
      %dma_wait3A_1451 = tpu.memref_squeeze %dma_wait3A_1450 : memref<1x128x128xf32, #tpu.memory_space<vmem>> -> memref<128x128xf32, #tpu.memory_space<vmem>>
      %dma_wait3A_1452 = arith.constant 0 : i32
      %dma_wait3A_1453 = tpu.memref_slice %arg10[%add3A_1356, %dma_wait3A_1452] : memref<16x128xi32, #tpu.memory_space<vmem>> -> memref<1x128xi32, #tpu.memory_space<vmem>>
      %dma_wait3A_1454 = tpu.memref_squeeze %dma_wait3A_1453 : memref<1x128xi32, #tpu.memory_space<vmem>> -> memref<128xi32, #tpu.memory_space<vmem>>
      %dma_wait3A_1455 = arith.constant 0 : i32
      %dma_wait3A_1456 = arith.constant 0 : i32
      %dma_wait3A_1457 = tpu.memref_slice %arg2[%dma_wait3A_1455, %dma_wait3A_1456] : memref<10000x128xf32, #tpu.memory_space<hbm>> -> memref<10000x128xf32, #tpu.memory_space<hbm>>
      tpu.wait_indirect_dma semaphore(%arg14 : memref<!tpu.dma_semaphore, #tpu.memory_space<semaphore_mem>>) src(%dma_wait3A_1457 : memref<10000x128xf32, #tpu.memory_space<hbm>>) dst(%dma_wait3A_1451 : memref<128x128xf32, #tpu.memory_space<vmem>>)
      %dma_start3A_1458 = arith.constant 0 : i32
      %dma_start3A_1459 = arith.constant 0 : i32
      %dma_start3A_1460 = arith.constant 0 : i32
      %dma_start3A_1461 = tpu.memref_slice %arg12[%dma_start3A_1458, %dma_start3A_1459, %dma_start3A_1460] : memref<2x128x128xf32, #tpu.memory_space<vmem>> -> memref<1x128x128xf32, #tpu.memory_space<vmem>>
      %dma_start3A_1462 = tpu.memref_squeeze %dma_start3A_1461 : memref<1x128x128xf32, #tpu.memory_space<vmem>> -> memref<128x128xf32, #tpu.memory_space<vmem>>
      %dma_start3A_1463 = arith.constant 0 : i32
      %dma_start3A_1464 = tpu.memref_slice %arg11[%add3A_1356, %dma_start3A_1463] : memref<16x128xi32, #tpu.memory_space<vmem>> -> memref<1x128xi32, #tpu.memory_space<vmem>>
      %dma_start3A_1465 = tpu.memref_squeeze %dma_start3A_1464 : memref<1x128xi32, #tpu.memory_space<vmem>> -> memref<128xi32, #tpu.memory_space<vmem>>
      %dma_start3A_1466 = arith.constant 0 : i32
      %dma_start3A_1467 = arith.constant 0 : i32
      %dma_start3A_1468 = tpu.memref_slice %arg9[%dma_start3A_1466, %dma_start3A_1467] : memref<10016x128xf32, #tpu.memory_space<vmem_shared>> -> memref<10016x128xf32, #tpu.memory_space<vmem_shared>>
      tpu.enqueue_indirect_dma source(%dma_start3A_1462 : memref<128x128xf32, #tpu.memory_space<vmem>>) target(%dma_start3A_1468 : memref<10016x128xf32, #tpu.memory_space<vmem_shared>>) offsets(%dma_start3A_1465 : memref<128xi32, #tpu.memory_space<vmem>>) semaphore(%arg16 : memref<!tpu.dma_semaphore, #tpu.memory_space<semaphore_mem>>) {add = true}
    }
    %scan3A_862 = arith.constant 7 : i32
    %dma_wait3A_863 = arith.constant 0 : i32
    %dma_wait3A_864 = arith.constant 14 : i32
    %dma_wait3A_865 = arith.constant 0 : i32
    %dma_wait3A_866 = arith.constant 0 : i32
    %dma_wait3A_867 = tpu.memref_slice %arg12[%dma_wait3A_863, %dma_wait3A_865, %dma_wait3A_866] : memref<2x128x128xf32, #tpu.memory_space<vmem>> -> memref<1x128x128xf32, #tpu.memory_space<vmem>>
    %dma_wait3A_868 = tpu.memref_squeeze %dma_wait3A_867 : memref<1x128x128xf32, #tpu.memory_space<vmem>> -> memref<128x128xf32, #tpu.memory_space<vmem>>
    %dma_wait3A_869 = arith.constant 0 : i32
    %dma_wait3A_870 = tpu.memref_slice %arg11[%dma_wait3A_864, %dma_wait3A_869] : memref<16x128xi32, #tpu.memory_space<vmem>> -> memref<1x128xi32, #tpu.memory_space<vmem>>
    %dma_wait3A_871 = tpu.memref_squeeze %dma_wait3A_870 : memref<1x128xi32, #tpu.memory_space<vmem>> -> memref<128xi32, #tpu.memory_space<vmem>>
    %dma_wait3A_872 = arith.constant 0 : i32
    %dma_wait3A_873 = arith.constant 0 : i32
    %dma_wait3A_874 = tpu.memref_slice %arg9[%dma_wait3A_872, %dma_wait3A_873] : memref<10016x128xf32, #tpu.memory_space<vmem_shared>> -> memref<10016x128xf32, #tpu.memory_space<vmem_shared>>
    tpu.wait_indirect_dma semaphore(%arg16 : memref<!tpu.dma_semaphore, #tpu.memory_space<semaphore_mem>>) src(%dma_wait3A_868 : memref<128x128xf32, #tpu.memory_space<vmem>>) dst(%dma_wait3A_874 : memref<10016x128xf32, #tpu.memory_space<vmem_shared>>)
    %get3A_875 = arith.constant 15 : i32
    %get3A_876 = arith.index_cast %get3A_875 : i32 to index
    %get3A_877 = arith.constant 0 : index
    %get3A_878 = tpu.vector_load %arg11[%get3A_876, %get3A_877] {strides = array<i32>} : memref<16x128xi32, #tpu.memory_space<vmem>>, vector<16xi32>,
    %broadcast_in_dim3A_879 = arith.constant true
    %broadcast_in_dim3A_880 = vector.broadcast %broadcast_in_dim3A_879 : i1 to vector<16xi1>
    %unique3A_881, %unique3A_882 = tpu.scan_count mask(%broadcast_in_dim3A_880 : vector<16xi1>) value(%get3A_878 : vector<16xi32>) : vector<16xi1>, vector<16xi32>
    %convert_element_type3A_883 = arith.sitofp %unique3A_882 : vector<16xi32> to vector<16xf32>
    tpu.vector_store_idx %arg13[%get3A_878], %convert_element_type3A_883 masked %unique3A_881 {add = true} : memref<10032xf32, #tpu.memory_space<vmem>>[vector<16xi32>], vector<16xf32>, vector<16xi1>
    %get3A_884 = arith.constant 15 : i32
    %get3A_885 = arith.index_cast %get3A_884 : i32 to index
    %get3A_886 = arith.constant 16 : index
    %get3A_887 = tpu.vector_load %arg11[%get3A_885, %get3A_886] {strides = array<i32>} : memref<16x128xi32, #tpu.memory_space<vmem>>, vector<16xi32>,
    %broadcast_in_dim3A_888 = arith.constant true
    %broadcast_in_dim3A_889 = vector.broadcast %broadcast_in_dim3A_888 : i1 to vector<16xi1>
    %unique3A_890, %unique3A_891 = tpu.scan_count mask(%broadcast_in_dim3A_889 : vector<16xi1>) value(%get3A_887 : vector<16xi32>) : vector<16xi1>, vector<16xi32>
    %convert_element_type3A_892 = arith.sitofp %unique3A_891 : vector<16xi32> to vector<16xf32>
    tpu.vector_store_idx %arg13[%get3A_887], %convert_element_type3A_892 masked %unique3A_890 {add = true} : memref<10032xf32, #tpu.memory_space<vmem>>[vector<16xi32>], vector<16xf32>, vector<16xi1>
    %get3A_893 = arith.constant 15 : i32
    %get3A_894 = arith.index_cast %get3A_893 : i32 to index
    %get3A_895 = arith.constant 32 : index
    %get3A_896 = tpu.vector_load %arg11[%get3A_894, %get3A_895] {strides = array<i32>} : memref<16x128xi32, #tpu.memory_space<vmem>>, vector<16xi32>,
    %broadcast_in_dim3A_897 = arith.constant true
    %broadcast_in_dim3A_898 = vector.broadcast %broadcast_in_dim3A_897 : i1 to vector<16xi1>
    %unique3A_899, %unique3A_900 = tpu.scan_count mask(%broadcast_in_dim3A_898 : vector<16xi1>) value(%get3A_896 : vector<16xi32>) : vector<16xi1>, vector<16xi32>
    %convert_element_type3A_901 = arith.sitofp %unique3A_900 : vector<16xi32> to vector<16xf32>
    tpu.vector_store_idx %arg13[%get3A_896], %convert_element_type3A_901 masked %unique3A_899 {add = true} : memref<10032xf32, #tpu.memory_space<vmem>>[vector<16xi32>], vector<16xf32>, vector<16xi1>
    %get3A_902 = arith.constant 15 : i32
    %get3A_903 = arith.index_cast %get3A_902 : i32 to index
    %get3A_904 = arith.constant 48 : index
    %get3A_905 = tpu.vector_load %arg11[%get3A_903, %get3A_904] {strides = array<i32>} : memref<16x128xi32, #tpu.memory_space<vmem>>, vector<16xi32>,
    %broadcast_in_dim3A_906 = arith.constant true
    %broadcast_in_dim3A_907 = vector.broadcast %broadcast_in_dim3A_906 : i1 to vector<16xi1>
    %unique3A_908, %unique3A_909 = tpu.scan_count mask(%broadcast_in_dim3A_907 : vector<16xi1>) value(%get3A_905 : vector<16xi32>) : vector<16xi1>, vector<16xi32>
    %convert_element_type3A_910 = arith.sitofp %unique3A_909 : vector<16xi32> to vector<16xf32>
    tpu.vector_store_idx %arg13[%get3A_905], %convert_element_type3A_910 masked %unique3A_908 {add = true} : memref<10032xf32, #tpu.memory_space<vmem>>[vector<16xi32>], vector<16xf32>, vector<16xi1>
    %get3A_911 = arith.constant 15 : i32
    %get3A_912 = arith.index_cast %get3A_911 : i32 to index
    %get3A_913 = arith.constant 64 : index
    %get3A_914 = tpu.vector_load %arg11[%get3A_912, %get3A_913] {strides = array<i32>} : memref<16x128xi32, #tpu.memory_space<vmem>>, vector<16xi32>,
    %broadcast_in_dim3A_915 = arith.constant true
    %broadcast_in_dim3A_916 = vector.broadcast %broadcast_in_dim3A_915 : i1 to vector<16xi1>
    %unique3A_917, %unique3A_918 = tpu.scan_count mask(%broadcast_in_dim3A_916 : vector<16xi1>) value(%get3A_914 : vector<16xi32>) : vector<16xi1>, vector<16xi32>
    %convert_element_type3A_919 = arith.sitofp %unique3A_918 : vector<16xi32> to vector<16xf32>
    tpu.vector_store_idx %arg13[%get3A_914], %convert_element_type3A_919 masked %unique3A_917 {add = true} : memref<10032xf32, #tpu.memory_space<vmem>>[vector<16xi32>], vector<16xf32>, vector<16xi1>
    %get3A_920 = arith.constant 15 : i32
    %get3A_921 = arith.index_cast %get3A_920 : i32 to index
    %get3A_922 = arith.constant 80 : index
    %get3A_923 = tpu.vector_load %arg11[%get3A_921, %get3A_922] {strides = array<i32>} : memref<16x128xi32, #tpu.memory_space<vmem>>, vector<16xi32>,
    %broadcast_in_dim3A_924 = arith.constant true
    %broadcast_in_dim3A_925 = vector.broadcast %broadcast_in_dim3A_924 : i1 to vector<16xi1>
    %unique3A_926, %unique3A_927 = tpu.scan_count mask(%broadcast_in_dim3A_925 : vector<16xi1>) value(%get3A_923 : vector<16xi32>) : vector<16xi1>, vector<16xi32>
    %convert_element_type3A_928 = arith.sitofp %unique3A_927 : vector<16xi32> to vector<16xf32>
    tpu.vector_store_idx %arg13[%get3A_923], %convert_element_type3A_928 masked %unique3A_926 {add = true} : memref<10032xf32, #tpu.memory_space<vmem>>[vector<16xi32>], vector<16xf32>, vector<16xi1>
    %get3A_929 = arith.constant 15 : i32
    %get3A_930 = arith.index_cast %get3A_929 : i32 to index
    %get3A_931 = arith.constant 96 : index
    %get3A_932 = tpu.vector_load %arg11[%get3A_930, %get3A_931] {strides = array<i32>} : memref<16x128xi32, #tpu.memory_space<vmem>>, vector<16xi32>,
    %broadcast_in_dim3A_933 = arith.constant true
    %broadcast_in_dim3A_934 = vector.broadcast %broadcast_in_dim3A_933 : i1 to vector<16xi1>
    %unique3A_935, %unique3A_936 = tpu.scan_count mask(%broadcast_in_dim3A_934 : vector<16xi1>) value(%get3A_932 : vector<16xi32>) : vector<16xi1>, vector<16xi32>
    %convert_element_type3A_937 = arith.sitofp %unique3A_936 : vector<16xi32> to vector<16xf32>
    tpu.vector_store_idx %arg13[%get3A_932], %convert_element_type3A_937 masked %unique3A_935 {add = true} : memref<10032xf32, #tpu.memory_space<vmem>>[vector<16xi32>], vector<16xf32>, vector<16xi1>
    %get3A_938 = arith.constant 15 : i32
    %get3A_939 = arith.index_cast %get3A_938 : i32 to index
    %get3A_940 = arith.constant 112 : index
    %get3A_941 = tpu.vector_load %arg11[%get3A_939, %get3A_940] {strides = array<i32>} : memref<16x128xi32, #tpu.memory_space<vmem>>, vector<16xi32>,
    %broadcast_in_dim3A_942 = arith.constant true
    %broadcast_in_dim3A_943 = vector.broadcast %broadcast_in_dim3A_942 : i1 to vector<16xi1>
    %unique3A_944, %unique3A_945 = tpu.scan_count mask(%broadcast_in_dim3A_943 : vector<16xi1>) value(%get3A_941 : vector<16xi32>) : vector<16xi1>, vector<16xi32>
    %convert_element_type3A_946 = arith.sitofp %unique3A_945 : vector<16xi32> to vector<16xf32>
    tpu.vector_store_idx %arg13[%get3A_941], %convert_element_type3A_946 masked %unique3A_944 {add = true} : memref<10032xf32, #tpu.memory_space<vmem>>[vector<16xi32>], vector<16xf32>, vector<16xi1>
    %dma_wait3A_947 = arith.constant 15 : i32
    %dma_wait3A_948 = arith.constant 1 : i32
    %dma_wait3A_949 = arith.constant 0 : i32
    %dma_wait3A_950 = arith.constant 0 : i32
    %dma_wait3A_951 = tpu.memref_slice %arg12[%dma_wait3A_948, %dma_wait3A_949, %dma_wait3A_950] : memref<2x128x128xf32, #tpu.memory_space<vmem>> -> memref<1x128x128xf32, #tpu.memory_space<vmem>>
    %dma_wait3A_952 = tpu.memref_squeeze %dma_wait3A_951 : memref<1x128x128xf32, #tpu.memory_space<vmem>> -> memref<128x128xf32, #tpu.memory_space<vmem>>
    %dma_wait3A_953 = arith.constant 0 : i32
    %dma_wait3A_954 = tpu.memref_slice %arg10[%dma_wait3A_947, %dma_wait3A_953] : memref<16x128xi32, #tpu.memory_space<vmem>> -> memref<1x128xi32, #tpu.memory_space<vmem>>
    %dma_wait3A_955 = tpu.memref_squeeze %dma_wait3A_954 : memref<1x128xi32, #tpu.memory_space<vmem>> -> memref<128xi32, #tpu.memory_space<vmem>>
    %dma_wait3A_956 = arith.constant 0 : i32
    %dma_wait3A_957 = arith.constant 0 : i32
    %dma_wait3A_958 = tpu.memref_slice %arg2[%dma_wait3A_956, %dma_wait3A_957] : memref<10000x128xf32, #tpu.memory_space<hbm>> -> memref<10000x128xf32, #tpu.memory_space<hbm>>
    tpu.wait_indirect_dma semaphore(%arg15 : memref<!tpu.dma_semaphore, #tpu.memory_space<semaphore_mem>>) src(%dma_wait3A_958 : memref<10000x128xf32, #tpu.memory_space<hbm>>) dst(%dma_wait3A_952 : memref<128x128xf32, #tpu.memory_space<vmem>>)
    %dma_start3A_959 = arith.constant 1 : i32
    %dma_start3A_960 = arith.constant 15 : i32
    %dma_start3A_961 = arith.constant 0 : i32
    %dma_start3A_962 = arith.constant 0 : i32
    %dma_start3A_963 = tpu.memref_slice %arg12[%dma_start3A_959, %dma_start3A_961, %dma_start3A_962] : memref<2x128x128xf32, #tpu.memory_space<vmem>> -> memref<1x128x128xf32, #tpu.memory_space<vmem>>
    %dma_start3A_964 = tpu.memref_squeeze %dma_start3A_963 : memref<1x128x128xf32, #tpu.memory_space<vmem>> -> memref<128x128xf32, #tpu.memory_space<vmem>>
    %dma_start3A_965 = arith.constant 0 : i32
    %dma_start3A_966 = tpu.memref_slice %arg11[%dma_start3A_960, %dma_start3A_965] : memref<16x128xi32, #tpu.memory_space<vmem>> -> memref<1x128xi32, #tpu.memory_space<vmem>>
    %dma_start3A_967 = tpu.memref_squeeze %dma_start3A_966 : memref<1x128xi32, #tpu.memory_space<vmem>> -> memref<128xi32, #tpu.memory_space<vmem>>
    %dma_start3A_968 = arith.constant 0 : i32
    %dma_start3A_969 = arith.constant 0 : i32
    %dma_start3A_970 = tpu.memref_slice %arg9[%dma_start3A_968, %dma_start3A_969] : memref<10016x128xf32, #tpu.memory_space<vmem_shared>> -> memref<10016x128xf32, #tpu.memory_space<vmem_shared>>
    tpu.enqueue_indirect_dma source(%dma_start3A_964 : memref<128x128xf32, #tpu.memory_space<vmem>>) target(%dma_start3A_970 : memref<10016x128xf32, #tpu.memory_space<vmem_shared>>) offsets(%dma_start3A_967 : memref<128xi32, #tpu.memory_space<vmem>>) semaphore(%arg17 : memref<!tpu.dma_semaphore, #tpu.memory_space<semaphore_mem>>) {add = true}
    %dma_wait3A_971 = arith.constant 1 : i32
    %dma_wait3A_972 = arith.constant 15 : i32
    %dma_wait3A_973 = arith.constant 0 : i32
    %dma_wait3A_974 = arith.constant 0 : i32
    %dma_wait3A_975 = tpu.memref_slice %arg12[%dma_wait3A_971, %dma_wait3A_973, %dma_wait3A_974] : memref<2x128x128xf32, #tpu.memory_space<vmem>> -> memref<1x128x128xf32, #tpu.memory_space<vmem>>
    %dma_wait3A_976 = tpu.memref_squeeze %dma_wait3A_975 : memref<1x128x128xf32, #tpu.memory_space<vmem>> -> memref<128x128xf32, #tpu.memory_space<vmem>>
    %dma_wait3A_977 = arith.constant 0 : i32
    %dma_wait3A_978 = tpu.memref_slice %arg11[%dma_wait3A_972, %dma_wait3A_977] : memref<16x128xi32, #tpu.memory_space<vmem>> -> memref<1x128xi32, #tpu.memory_space<vmem>>
    %dma_wait3A_979 = tpu.memref_squeeze %dma_wait3A_978 : memref<1x128xi32, #tpu.memory_space<vmem>> -> memref<128xi32, #tpu.memory_space<vmem>>
    %dma_wait3A_980 = arith.constant 0 : i32
    %dma_wait3A_981 = arith.constant 0 : i32
    %dma_wait3A_982 = tpu.memref_slice %arg9[%dma_wait3A_980, %dma_wait3A_981] : memref<10016x128xf32, #tpu.memory_space<vmem_shared>> -> memref<10016x128xf32, #tpu.memory_space<vmem_shared>>
    tpu.wait_indirect_dma semaphore(%arg17 : memref<!tpu.dma_semaphore, #tpu.memory_space<semaphore_mem>>) src(%dma_wait3A_976 : memref<128x128xf32, #tpu.memory_space<vmem>>) dst(%dma_wait3A_982 : memref<10016x128xf32, #tpu.memory_space<vmem_shared>>)
    "tpu.region"() ({
      %run_scoped3A = tpu.sem_alloc : memref<!tpu.dma_semaphore, #tpu.memory_space<semaphore_mem>>
      %dma_start3A_1237 = arith.constant 64 : i32
      %dma_start3A_1238 = arith.constant 0 : i32
      %dma_start3A_1239 = tpu.memref_slice %arg3[%add3A, %dma_start3A_1237, %dma_start3A_1238] : memref<32x80x128xi32, #tpu.memory_space<hbm>> -> memref<1x16x128xi32, #tpu.memory_space<hbm>>
      %dma_start3A_1240 = tpu.memref_squeeze %dma_start3A_1239 : memref<1x16x128xi32, #tpu.memory_space<hbm>> -> memref<16x128xi32, #tpu.memory_space<hbm>>
      %dma_start3A_1241 = arith.constant 64 : i32
      %dma_start3A_1242 = arith.constant 0 : i32
      %dma_start3A_1243 = tpu.memref_slice %arg3[%add3A, %dma_start3A_1241, %dma_start3A_1242] : memref<32x80x128xi32, #tpu.memory_space<hbm>> -> memref<1x16x128xi32, #tpu.memory_space<hbm>>
      %dma_start3A_1244 = tpu.memref_squeeze %dma_start3A_1243 : memref<1x16x128xi32, #tpu.memory_space<hbm>> -> memref<16x128xi32, #tpu.memory_space<hbm>>
      tpu.enqueue_dma source(%dma_start3A_1244 : memref<16x128xi32, #tpu.memory_space<hbm>>) target(%arg10 : memref<16x128xi32, #tpu.memory_space<vmem>>) target_semaphore(%run_scoped3A : memref<!tpu.dma_semaphore, #tpu.memory_space<semaphore_mem>>)
      %dma_wait3A_1245 = arith.constant 64 : i32
      %dma_wait3A_1246 = arith.constant 0 : i32
      %dma_wait3A_1247 = tpu.memref_slice %arg3[%add3A, %dma_wait3A_1245, %dma_wait3A_1246] : memref<32x80x128xi32, #tpu.memory_space<hbm>> -> memref<1x16x128xi32, #tpu.memory_space<hbm>>
      %dma_wait3A_1248 = tpu.memref_squeeze %dma_wait3A_1247 : memref<1x16x128xi32, #tpu.memory_space<hbm>> -> memref<16x128xi32, #tpu.memory_space<hbm>>
      %dma_wait3A_1249 = arith.constant 64 : i32
      %dma_wait3A_1250 = arith.constant 0 : i32
      %dma_wait3A_1251 = tpu.memref_slice %arg3[%add3A, %dma_wait3A_1249, %dma_wait3A_1250] : memref<32x80x128xi32, #tpu.memory_space<hbm>> -> memref<1x16x128xi32, #tpu.memory_space<hbm>>
      %dma_wait3A_1252 = tpu.memref_squeeze %dma_wait3A_1251 : memref<1x16x128xi32, #tpu.memory_space<hbm>> -> memref<16x128xi32, #tpu.memory_space<hbm>>
      tpu.wait_dma2 semaphore(%run_scoped3A : memref<!tpu.dma_semaphore, #tpu.memory_space<semaphore_mem>>) src(%dma_wait3A_1252 : memref<16x128xi32, #tpu.memory_space<hbm>>) dst(%arg10 : memref<16x128xi32, #tpu.memory_space<vmem>>)
      tpu.yield
    }) : () -> ()
    "tpu.region"() ({
      %run_scoped3A = tpu.sem_alloc : memref<!tpu.dma_semaphore, #tpu.memory_space<semaphore_mem>>
      %dma_start3A_1237 = arith.constant 64 : i32
      %dma_start3A_1238 = arith.constant 0 : i32
      %dma_start3A_1239 = tpu.memref_slice %arg4[%add3A, %dma_start3A_1237, %dma_start3A_1238] : memref<32x80x128xi32, #tpu.memory_space<hbm>> -> memref<1x16x128xi32, #tpu.memory_space<hbm>>
      %dma_start3A_1240 = tpu.memref_squeeze %dma_start3A_1239 : memref<1x16x128xi32, #tpu.memory_space<hbm>> -> memref<16x128xi32, #tpu.memory_space<hbm>>
      %dma_start3A_1241 = arith.constant 64 : i32
      %dma_start3A_1242 = arith.constant 0 : i32
      %dma_start3A_1243 = tpu.memref_slice %arg4[%add3A, %dma_start3A_1241, %dma_start3A_1242] : memref<32x80x128xi32, #tpu.memory_space<hbm>> -> memref<1x16x128xi32, #tpu.memory_space<hbm>>
      %dma_start3A_1244 = tpu.memref_squeeze %dma_start3A_1243 : memref<1x16x128xi32, #tpu.memory_space<hbm>> -> memref<16x128xi32, #tpu.memory_space<hbm>>
      tpu.enqueue_dma source(%dma_start3A_1244 : memref<16x128xi32, #tpu.memory_space<hbm>>) target(%arg11 : memref<16x128xi32, #tpu.memory_space<vmem>>) target_semaphore(%run_scoped3A : memref<!tpu.dma_semaphore, #tpu.memory_space<semaphore_mem>>)
      %dma_wait3A_1245 = arith.constant 64 : i32
      %dma_wait3A_1246 = arith.constant 0 : i32
      %dma_wait3A_1247 = tpu.memref_slice %arg4[%add3A, %dma_wait3A_1245, %dma_wait3A_1246] : memref<32x80x128xi32, #tpu.memory_space<hbm>> -> memref<1x16x128xi32, #tpu.memory_space<hbm>>
      %dma_wait3A_1248 = tpu.memref_squeeze %dma_wait3A_1247 : memref<1x16x128xi32, #tpu.memory_space<hbm>> -> memref<16x128xi32, #tpu.memory_space<hbm>>
      %dma_wait3A_1249 = arith.constant 64 : i32
      %dma_wait3A_1250 = arith.constant 0 : i32
      %dma_wait3A_1251 = tpu.memref_slice %arg4[%add3A, %dma_wait3A_1249, %dma_wait3A_1250] : memref<32x80x128xi32, #tpu.memory_space<hbm>> -> memref<1x16x128xi32, #tpu.memory_space<hbm>>
      %dma_wait3A_1252 = tpu.memref_squeeze %dma_wait3A_1251 : memref<1x16x128xi32, #tpu.memory_space<hbm>> -> memref<16x128xi32, #tpu.memory_space<hbm>>
      tpu.wait_dma2 semaphore(%run_scoped3A : memref<!tpu.dma_semaphore, #tpu.memory_space<semaphore_mem>>) src(%dma_wait3A_1252 : memref<16x128xi32, #tpu.memory_space<hbm>>) dst(%arg11 : memref<16x128xi32, #tpu.memory_space<vmem>>)
      tpu.yield
    }) : () -> ()
    %dma_start3A_983 = arith.constant 0 : i32
    %dma_start3A_984 = arith.constant 0 : i32
    %dma_start3A_985 = arith.constant 0 : i32
    %dma_start3A_986 = arith.constant 0 : i32
    %dma_start3A_987 = tpu.memref_slice %arg12[%dma_start3A_984, %dma_start3A_985, %dma_start3A_986] : memref<2x128x128xf32, #tpu.memory_space<vmem>> -> memref<1x128x128xf32, #tpu.memory_space<vmem>>
    %dma_start3A_988 = tpu.memref_squeeze %dma_start3A_987 : memref<1x128x128xf32, #tpu.memory_space<vmem>> -> memref<128x128xf32, #tpu.memory_space<vmem>>
    %dma_start3A_989 = arith.constant 0 : i32
    %dma_start3A_990 = tpu.memref_slice %arg10[%dma_start3A_983, %dma_start3A_989] : memref<16x128xi32, #tpu.memory_space<vmem>> -> memref<1x128xi32, #tpu.memory_space<vmem>>
    %dma_start3A_991 = tpu.memref_squeeze %dma_start3A_990 : memref<1x128xi32, #tpu.memory_space<vmem>> -> memref<128xi32, #tpu.memory_space<vmem>>
    %dma_start3A_992 = arith.constant 0 : i32
    %dma_start3A_993 = arith.constant 0 : i32
    %dma_start3A_994 = tpu.memref_slice %arg2[%dma_start3A_992, %dma_start3A_993] : memref<10000x128xf32, #tpu.memory_space<hbm>> -> memref<10000x128xf32, #tpu.memory_space<hbm>>
    tpu.enqueue_indirect_dma source(%dma_start3A_994 : memref<10000x128xf32, #tpu.memory_space<hbm>>) target(%dma_start3A_988 : memref<128x128xf32, #tpu.memory_space<vmem>>) offsets(%dma_start3A_991 : memref<128xi32, #tpu.memory_space<vmem>>) semaphore(%arg14 : memref<!tpu.dma_semaphore, #tpu.memory_space<semaphore_mem>>)
    %dma_start3A_995 = arith.constant 1 : i32
    %dma_start3A_996 = arith.constant 1 : i32
    %dma_start3A_997 = arith.constant 0 : i32
    %dma_start3A_998 = arith.constant 0 : i32
    %dma_start3A_999 = tpu.memref_slice %arg12[%dma_start3A_996, %dma_start3A_997, %dma_start3A_998] : memref<2x128x128xf32, #tpu.memory_space<vmem>> -> memref<1x128x128xf32, #tpu.memory_space<vmem>>
    %dma_start3A_1000 = tpu.memref_squeeze %dma_start3A_999 : memref<1x128x128xf32, #tpu.memory_space<vmem>> -> memref<128x128xf32, #tpu.memory_space<vmem>>
    %dma_start3A_1001 = arith.constant 0 : i32
    %dma_start3A_1002 = tpu.memref_slice %arg10[%dma_start3A_995, %dma_start3A_1001] : memref<16x128xi32, #tpu.memory_space<vmem>> -> memref<1x128xi32, #tpu.memory_space<vmem>>
    %dma_start3A_1003 = tpu.memref_squeeze %dma_start3A_1002 : memref<1x128xi32, #tpu.memory_space<vmem>> -> memref<128xi32, #tpu.memory_space<vmem>>
    %dma_start3A_1004 = arith.constant 0 : i32
    %dma_start3A_1005 = arith.constant 0 : i32
    %dma_start3A_1006 = tpu.memref_slice %arg2[%dma_start3A_1004, %dma_start3A_1005] : memref<10000x128xf32, #tpu.memory_space<hbm>> -> memref<10000x128xf32, #tpu.memory_space<hbm>>
    tpu.enqueue_indirect_dma source(%dma_start3A_1006 : memref<10000x128xf32, #tpu.memory_space<hbm>>) target(%dma_start3A_1000 : memref<128x128xf32, #tpu.memory_space<vmem>>) offsets(%dma_start3A_1003 : memref<128xi32, #tpu.memory_space<vmem>>) semaphore(%arg15 : memref<!tpu.dma_semaphore, #tpu.memory_space<semaphore_mem>>)
    %get3A_1007 = arith.constant 0 : i32
    %get3A_1008 = arith.index_cast %get3A_1007 : i32 to index
    %get3A_1009 = arith.constant 0 : index
    %get3A_1010 = tpu.vector_load %arg11[%get3A_1008, %get3A_1009] {strides = array<i32>} : memref<16x128xi32, #tpu.memory_space<vmem>>, vector<16xi32>,
    %broadcast_in_dim3A_1011 = arith.constant true
    %broadcast_in_dim3A_1012 = vector.broadcast %broadcast_in_dim3A_1011 : i1 to vector<16xi1>
    %unique3A_1013, %unique3A_1014 = tpu.scan_count mask(%broadcast_in_dim3A_1012 : vector<16xi1>) value(%get3A_1010 : vector<16xi32>) : vector<16xi1>, vector<16xi32>
    %convert_element_type3A_1015 = arith.sitofp %unique3A_1014 : vector<16xi32> to vector<16xf32>
    tpu.vector_store_idx %arg13[%get3A_1010], %convert_element_type3A_1015 masked %unique3A_1013 {add = true} : memref<10032xf32, #tpu.memory_space<vmem>>[vector<16xi32>], vector<16xf32>, vector<16xi1>
    %get3A_1016 = arith.constant 0 : i32
    %get3A_1017 = arith.index_cast %get3A_1016 : i32 to index
    %get3A_1018 = arith.constant 16 : index
    %get3A_1019 = tpu.vector_load %arg11[%get3A_1017, %get3A_1018] {strides = array<i32>} : memref<16x128xi32, #tpu.memory_space<vmem>>, vector<16xi32>,
    %broadcast_in_dim3A_1020 = arith.constant true
    %broadcast_in_dim3A_1021 = vector.broadcast %broadcast_in_dim3A_1020 : i1 to vector<16xi1>
    %unique3A_1022, %unique3A_1023 = tpu.scan_count mask(%broadcast_in_dim3A_1021 : vector<16xi1>) value(%get3A_1019 : vector<16xi32>) : vector<16xi1>, vector<16xi32>
    %convert_element_type3A_1024 = arith.sitofp %unique3A_1023 : vector<16xi32> to vector<16xf32>
    tpu.vector_store_idx %arg13[%get3A_1019], %convert_element_type3A_1024 masked %unique3A_1022 {add = true} : memref<10032xf32, #tpu.memory_space<vmem>>[vector<16xi32>], vector<16xf32>, vector<16xi1>
    %get3A_1025 = arith.constant 0 : i32
    %get3A_1026 = arith.index_cast %get3A_1025 : i32 to index
    %get3A_1027 = arith.constant 32 : index
    %get3A_1028 = tpu.vector_load %arg11[%get3A_1026, %get3A_1027] {strides = array<i32>} : memref<16x128xi32, #tpu.memory_space<vmem>>, vector<16xi32>,
    %broadcast_in_dim3A_1029 = arith.constant true
    %broadcast_in_dim3A_1030 = vector.broadcast %broadcast_in_dim3A_1029 : i1 to vector<16xi1>
    %unique3A_1031, %unique3A_1032 = tpu.scan_count mask(%broadcast_in_dim3A_1030 : vector<16xi1>) value(%get3A_1028 : vector<16xi32>) : vector<16xi1>, vector<16xi32>
    %convert_element_type3A_1033 = arith.sitofp %unique3A_1032 : vector<16xi32> to vector<16xf32>
    tpu.vector_store_idx %arg13[%get3A_1028], %convert_element_type3A_1033 masked %unique3A_1031 {add = true} : memref<10032xf32, #tpu.memory_space<vmem>>[vector<16xi32>], vector<16xf32>, vector<16xi1>
    %get3A_1034 = arith.constant 0 : i32
    %get3A_1035 = arith.index_cast %get3A_1034 : i32 to index
    %get3A_1036 = arith.constant 48 : index
    %get3A_1037 = tpu.vector_load %arg11[%get3A_1035, %get3A_1036] {strides = array<i32>} : memref<16x128xi32, #tpu.memory_space<vmem>>, vector<16xi32>,
    %broadcast_in_dim3A_1038 = arith.constant true
    %broadcast_in_dim3A_1039 = vector.broadcast %broadcast_in_dim3A_1038 : i1 to vector<16xi1>
    %unique3A_1040, %unique3A_1041 = tpu.scan_count mask(%broadcast_in_dim3A_1039 : vector<16xi1>) value(%get3A_1037 : vector<16xi32>) : vector<16xi1>, vector<16xi32>
    %convert_element_type3A_1042 = arith.sitofp %unique3A_1041 : vector<16xi32> to vector<16xf32>
    tpu.vector_store_idx %arg13[%get3A_1037], %convert_element_type3A_1042 masked %unique3A_1040 {add = true} : memref<10032xf32, #tpu.memory_space<vmem>>[vector<16xi32>], vector<16xf32>, vector<16xi1>
    %get3A_1043 = arith.constant 0 : i32
    %get3A_1044 = arith.index_cast %get3A_1043 : i32 to index
    %get3A_1045 = arith.constant 64 : index
    %get3A_1046 = tpu.vector_load %arg11[%get3A_1044, %get3A_1045] {strides = array<i32>} : memref<16x128xi32, #tpu.memory_space<vmem>>, vector<16xi32>,
    %broadcast_in_dim3A_1047 = arith.constant true
    %broadcast_in_dim3A_1048 = vector.broadcast %broadcast_in_dim3A_1047 : i1 to vector<16xi1>
    %unique3A_1049, %unique3A_1050 = tpu.scan_count mask(%broadcast_in_dim3A_1048 : vector<16xi1>) value(%get3A_1046 : vector<16xi32>) : vector<16xi1>, vector<16xi32>
    %convert_element_type3A_1051 = arith.sitofp %unique3A_1050 : vector<16xi32> to vector<16xf32>
    tpu.vector_store_idx %arg13[%get3A_1046], %convert_element_type3A_1051 masked %unique3A_1049 {add = true} : memref<10032xf32, #tpu.memory_space<vmem>>[vector<16xi32>], vector<16xf32>, vector<16xi1>
    %get3A_1052 = arith.constant 0 : i32
    %get3A_1053 = arith.index_cast %get3A_1052 : i32 to index
    %get3A_1054 = arith.constant 80 : index
    %get3A_1055 = tpu.vector_load %arg11[%get3A_1053, %get3A_1054] {strides = array<i32>} : memref<16x128xi32, #tpu.memory_space<vmem>>, vector<16xi32>,
    %broadcast_in_dim3A_1056 = arith.constant true
    %broadcast_in_dim3A_1057 = vector.broadcast %broadcast_in_dim3A_1056 : i1 to vector<16xi1>
    %unique3A_1058, %unique3A_1059 = tpu.scan_count mask(%broadcast_in_dim3A_1057 : vector<16xi1>) value(%get3A_1055 : vector<16xi32>) : vector<16xi1>, vector<16xi32>
    %convert_element_type3A_1060 = arith.sitofp %unique3A_1059 : vector<16xi32> to vector<16xf32>
    tpu.vector_store_idx %arg13[%get3A_1055], %convert_element_type3A_1060 masked %unique3A_1058 {add = true} : memref<10032xf32, #tpu.memory_space<vmem>>[vector<16xi32>], vector<16xf32>, vector<16xi1>
    %get3A_1061 = arith.constant 0 : i32
    %get3A_1062 = arith.index_cast %get3A_1061 : i32 to index
    %get3A_1063 = arith.constant 96 : index
    %get3A_1064 = tpu.vector_load %arg11[%get3A_1062, %get3A_1063] {strides = array<i32>} : memref<16x128xi32, #tpu.memory_space<vmem>>, vector<16xi32>,
    %broadcast_in_dim3A_1065 = arith.constant true
    %broadcast_in_dim3A_1066 = vector.broadcast %broadcast_in_dim3A_1065 : i1 to vector<16xi1>
    %unique3A_1067, %unique3A_1068 = tpu.scan_count mask(%broadcast_in_dim3A_1066 : vector<16xi1>) value(%get3A_1064 : vector<16xi32>) : vector<16xi1>, vector<16xi32>
    %convert_element_type3A_1069 = arith.sitofp %unique3A_1068 : vector<16xi32> to vector<16xf32>
    tpu.vector_store_idx %arg13[%get3A_1064], %convert_element_type3A_1069 masked %unique3A_1067 {add = true} : memref<10032xf32, #tpu.memory_space<vmem>>[vector<16xi32>], vector<16xf32>, vector<16xi1>
    %get3A_1070 = arith.constant 0 : i32
    %get3A_1071 = arith.index_cast %get3A_1070 : i32 to index
    %get3A_1072 = arith.constant 112 : index
    %get3A_1073 = tpu.vector_load %arg11[%get3A_1071, %get3A_1072] {strides = array<i32>} : memref<16x128xi32, #tpu.memory_space<vmem>>, vector<16xi32>,
    %broadcast_in_dim3A_1074 = arith.constant true
    %broadcast_in_dim3A_1075 = vector.broadcast %broadcast_in_dim3A_1074 : i1 to vector<16xi1>
    %unique3A_1076, %unique3A_1077 = tpu.scan_count mask(%broadcast_in_dim3A_1075 : vector<16xi1>) value(%get3A_1073 : vector<16xi32>) : vector<16xi1>, vector<16xi32>
    %convert_element_type3A_1078 = arith.sitofp %unique3A_1077 : vector<16xi32> to vector<16xf32>
    tpu.vector_store_idx %arg13[%get3A_1073], %convert_element_type3A_1078 masked %unique3A_1076 {add = true} : memref<10032xf32, #tpu.memory_space<vmem>>[vector<16xi32>], vector<16xf32>, vector<16xi1>
    %dma_wait3A_1079 = arith.constant 0 : i32
    %dma_wait3A_1080 = arith.constant 0 : i32
    %dma_wait3A_1081 = arith.constant 0 : i32
    %dma_wait3A_1082 = arith.constant 0 : i32
    %dma_wait3A_1083 = tpu.memref_slice %arg12[%dma_wait3A_1080, %dma_wait3A_1081, %dma_wait3A_1082] : memref<2x128x128xf32, #tpu.memory_space<vmem>> -> memref<1x128x128xf32, #tpu.memory_space<vmem>>
    %dma_wait3A_1084 = tpu.memref_squeeze %dma_wait3A_1083 : memref<1x128x128xf32, #tpu.memory_space<vmem>> -> memref<128x128xf32, #tpu.memory_space<vmem>>
    %dma_wait3A_1085 = arith.constant 0 : i32
    %dma_wait3A_1086 = tpu.memref_slice %arg10[%dma_wait3A_1079, %dma_wait3A_1085] : memref<16x128xi32, #tpu.memory_space<vmem>> -> memref<1x128xi32, #tpu.memory_space<vmem>>
    %dma_wait3A_1087 = tpu.memref_squeeze %dma_wait3A_1086 : memref<1x128xi32, #tpu.memory_space<vmem>> -> memref<128xi32, #tpu.memory_space<vmem>>
    %dma_wait3A_1088 = arith.constant 0 : i32
    %dma_wait3A_1089 = arith.constant 0 : i32
    %dma_wait3A_1090 = tpu.memref_slice %arg2[%dma_wait3A_1088, %dma_wait3A_1089] : memref<10000x128xf32, #tpu.memory_space<hbm>> -> memref<10000x128xf32, #tpu.memory_space<hbm>>
    tpu.wait_indirect_dma semaphore(%arg14 : memref<!tpu.dma_semaphore, #tpu.memory_space<semaphore_mem>>) src(%dma_wait3A_1090 : memref<10000x128xf32, #tpu.memory_space<hbm>>) dst(%dma_wait3A_1084 : memref<128x128xf32, #tpu.memory_space<vmem>>)
    %dma_start3A_1091 = arith.constant 0 : i32
    %dma_start3A_1092 = arith.constant 0 : i32
    %dma_start3A_1093 = arith.constant 0 : i32
    %dma_start3A_1094 = arith.constant 0 : i32
    %dma_start3A_1095 = tpu.memref_slice %arg12[%dma_start3A_1091, %dma_start3A_1093, %dma_start3A_1094] : memref<2x128x128xf32, #tpu.memory_space<vmem>> -> memref<1x128x128xf32, #tpu.memory_space<vmem>>
    %dma_start3A_1096 = tpu.memref_squeeze %dma_start3A_1095 : memref<1x128x128xf32, #tpu.memory_space<vmem>> -> memref<128x128xf32, #tpu.memory_space<vmem>>
    %dma_start3A_1097 = arith.constant 0 : i32
    %dma_start3A_1098 = tpu.memref_slice %arg11[%dma_start3A_1092, %dma_start3A_1097] : memref<16x128xi32, #tpu.memory_space<vmem>> -> memref<1x128xi32, #tpu.memory_space<vmem>>
    %dma_start3A_1099 = tpu.memref_squeeze %dma_start3A_1098 : memref<1x128xi32, #tpu.memory_space<vmem>> -> memref<128xi32, #tpu.memory_space<vmem>>
    %dma_start3A_1100 = arith.constant 0 : i32
    %dma_start3A_1101 = arith.constant 0 : i32
    %dma_start3A_1102 = tpu.memref_slice %arg9[%dma_start3A_1100, %dma_start3A_1101] : memref<10016x128xf32, #tpu.memory_space<vmem_shared>> -> memref<10016x128xf32, #tpu.memory_space<vmem_shared>>
    tpu.enqueue_indirect_dma source(%dma_start3A_1096 : memref<128x128xf32, #tpu.memory_space<vmem>>) target(%dma_start3A_1102 : memref<10016x128xf32, #tpu.memory_space<vmem_shared>>) offsets(%dma_start3A_1099 : memref<128xi32, #tpu.memory_space<vmem>>) semaphore(%arg16 : memref<!tpu.dma_semaphore, #tpu.memory_space<semaphore_mem>>) {add = true}
    %scan3A_1103 = arith.constant 0 : i32
    %scan3A_1104 = arith.constant 0 : i32
    %scan3A_1105 = arith.constant 7 : i32
    %scan3A_1106 = arith.addi %scan3A_1104, %scan3A_1105 : i32
    %scan3A_1107 = arith.constant 1 : i32
    scf.for %scan3A_1237 = %scan3A_1104 to %scan3A_1106 step %scan3A_1107  : i32 {
      %mul3A_1238 = arith.constant 2 : i32
      %mul3A_1239 = arith.muli %mul3A_1238, %scan3A_1237 : i32
      %add3A_1240 = arith.constant 1 : i32
      %add3A_1241 = arith.addi %mul3A_1239, %add3A_1240 : i32
      %sub3A = arith.constant 1 : i32
      %sub3A_1242 = arith.subi %add3A_1241, %sub3A : i32
      %dma_wait3A_1243 = arith.constant 0 : i32
      %dma_wait3A_1244 = arith.constant 0 : i32
      %dma_wait3A_1245 = arith.constant 0 : i32
      %dma_wait3A_1246 = tpu.memref_slice %arg12[%dma_wait3A_1243, %dma_wait3A_1244, %dma_wait3A_1245] : memref<2x128x128xf32, #tpu.memory_space<vmem>> -> memref<1x128x128xf32, #tpu.memory_space<vmem>>
      %dma_wait3A_1247 = tpu.memref_squeeze %dma_wait3A_1246 : memref<1x128x128xf32, #tpu.memory_space<vmem>> -> memref<128x128xf32, #tpu.memory_space<vmem>>
      %dma_wait3A_1248 = arith.constant 0 : i32
      %dma_wait3A_1249 = tpu.memref_slice %arg11[%sub3A_1242, %dma_wait3A_1248] : memref<16x128xi32, #tpu.memory_space<vmem>> -> memref<1x128xi32, #tpu.memory_space<vmem>>
      %dma_wait3A_1250 = tpu.memref_squeeze %dma_wait3A_1249 : memref<1x128xi32, #tpu.memory_space<vmem>> -> memref<128xi32, #tpu.memory_space<vmem>>
      %dma_wait3A_1251 = arith.constant 0 : i32
      %dma_wait3A_1252 = arith.constant 0 : i32
      %dma_wait3A_1253 = tpu.memref_slice %arg9[%dma_wait3A_1251, %dma_wait3A_1252] : memref<10016x128xf32, #tpu.memory_space<vmem_shared>> -> memref<10016x128xf32, #tpu.memory_space<vmem_shared>>
      tpu.wait_indirect_dma semaphore(%arg16 : memref<!tpu.dma_semaphore, #tpu.memory_space<semaphore_mem>>) src(%dma_wait3A_1247 : memref<128x128xf32, #tpu.memory_space<vmem>>) dst(%dma_wait3A_1253 : memref<10016x128xf32, #tpu.memory_space<vmem_shared>>)
      %add3A_1254 = arith.constant 1 : i32
      %add3A_1255 = arith.addi %add3A_1241, %add3A_1254 : i32
      %dma_start3A_1256 = arith.constant 0 : i32
      %dma_start3A_1257 = arith.constant 0 : i32
      %dma_start3A_1258 = arith.constant 0 : i32
      %dma_start3A_1259 = tpu.memref_slice %arg12[%dma_start3A_1256, %dma_start3A_1257, %dma_start3A_1258] : memref<2x128x128xf32, #tpu.memory_space<vmem>> -> memref<1x128x128xf32, #tpu.memory_space<vmem>>
      %dma_start3A_1260 = tpu.memref_squeeze %dma_start3A_1259 : memref<1x128x128xf32, #tpu.memory_space<vmem>> -> memref<128x128xf32, #tpu.memory_space<vmem>>
      %dma_start3A_1261 = arith.constant 0 : i32
      %dma_start3A_1262 = tpu.memref_slice %arg10[%add3A_1255, %dma_start3A_1261] : memref<16x128xi32, #tpu.memory_space<vmem>> -> memref<1x128xi32, #tpu.memory_space<vmem>>
      %dma_start3A_1263 = tpu.memref_squeeze %dma_start3A_1262 : memref<1x128xi32, #tpu.memory_space<vmem>> -> memref<128xi32, #tpu.memory_space<vmem>>
      %dma_start3A_1264 = arith.constant 0 : i32
      %dma_start3A_1265 = arith.constant 0 : i32
      %dma_start3A_1266 = tpu.memref_slice %arg2[%dma_start3A_1264, %dma_start3A_1265] : memref<10000x128xf32, #tpu.memory_space<hbm>> -> memref<10000x128xf32, #tpu.memory_space<hbm>>
      tpu.enqueue_indirect_dma source(%dma_start3A_1266 : memref<10000x128xf32, #tpu.memory_space<hbm>>) target(%dma_start3A_1260 : memref<128x128xf32, #tpu.memory_space<vmem>>) offsets(%dma_start3A_1263 : memref<128xi32, #tpu.memory_space<vmem>>) semaphore(%arg14 : memref<!tpu.dma_semaphore, #tpu.memory_space<semaphore_mem>>)
      %get3A_1267 = arith.index_cast %add3A_1241 : i32 to index
      %get3A_1268 = arith.constant 0 : index
      %get3A_1269 = tpu.vector_load %arg11[%get3A_1267, %get3A_1268] {strides = array<i32>} : memref<16x128xi32, #tpu.memory_space<vmem>>, vector<16xi32>,
      %broadcast_in_dim3A_1270 = arith.constant true
      %broadcast_in_dim3A_1271 = vector.broadcast %broadcast_in_dim3A_1270 : i1 to vector<16xi1>
      %unique3A_1272, %unique3A_1273 = tpu.scan_count mask(%broadcast_in_dim3A_1271 : vector<16xi1>) value(%get3A_1269 : vector<16xi32>) : vector<16xi1>, vector<16xi32>
      %convert_element_type3A_1274 = arith.sitofp %unique3A_1273 : vector<16xi32> to vector<16xf32>
      tpu.vector_store_idx %arg13[%get3A_1269], %convert_element_type3A_1274 masked %unique3A_1272 {add = true} : memref<10032xf32, #tpu.memory_space<vmem>>[vector<16xi32>], vector<16xf32>, vector<16xi1>
      %get3A_1275 = arith.index_cast %add3A_1241 : i32 to index
      %get3A_1276 = arith.constant 16 : index
      %get3A_1277 = tpu.vector_load %arg11[%get3A_1275, %get3A_1276] {strides = array<i32>} : memref<16x128xi32, #tpu.memory_space<vmem>>, vector<16xi32>,
      %broadcast_in_dim3A_1278 = arith.constant true
      %broadcast_in_dim3A_1279 = vector.broadcast %broadcast_in_dim3A_1278 : i1 to vector<16xi1>
      %unique3A_1280, %unique3A_1281 = tpu.scan_count mask(%broadcast_in_dim3A_1279 : vector<16xi1>) value(%get3A_1277 : vector<16xi32>) : vector<16xi1>, vector<16xi32>
      %convert_element_type3A_1282 = arith.sitofp %unique3A_1281 : vector<16xi32> to vector<16xf32>
      tpu.vector_store_idx %arg13[%get3A_1277], %convert_element_type3A_1282 masked %unique3A_1280 {add = true} : memref<10032xf32, #tpu.memory_space<vmem>>[vector<16xi32>], vector<16xf32>, vector<16xi1>
      %get3A_1283 = arith.index_cast %add3A_1241 : i32 to index
      %get3A_1284 = arith.constant 32 : index
      %get3A_1285 = tpu.vector_load %arg11[%get3A_1283, %get3A_1284] {strides = array<i32>} : memref<16x128xi32, #tpu.memory_space<vmem>>, vector<16xi32>,
      %broadcast_in_dim3A_1286 = arith.constant true
      %broadcast_in_dim3A_1287 = vector.broadcast %broadcast_in_dim3A_1286 : i1 to vector<16xi1>
      %unique3A_1288, %unique3A_1289 = tpu.scan_count mask(%broadcast_in_dim3A_1287 : vector<16xi1>) value(%get3A_1285 : vector<16xi32>) : vector<16xi1>, vector<16xi32>
      %convert_element_type3A_1290 = arith.sitofp %unique3A_1289 : vector<16xi32> to vector<16xf32>
      tpu.vector_store_idx %arg13[%get3A_1285], %convert_element_type3A_1290 masked %unique3A_1288 {add = true} : memref<10032xf32, #tpu.memory_space<vmem>>[vector<16xi32>], vector<16xf32>, vector<16xi1>
      %get3A_1291 = arith.index_cast %add3A_1241 : i32 to index
      %get3A_1292 = arith.constant 48 : index
      %get3A_1293 = tpu.vector_load %arg11[%get3A_1291, %get3A_1292] {strides = array<i32>} : memref<16x128xi32, #tpu.memory_space<vmem>>, vector<16xi32>,
      %broadcast_in_dim3A_1294 = arith.constant true
      %broadcast_in_dim3A_1295 = vector.broadcast %broadcast_in_dim3A_1294 : i1 to vector<16xi1>
      %unique3A_1296, %unique3A_1297 = tpu.scan_count mask(%broadcast_in_dim3A_1295 : vector<16xi1>) value(%get3A_1293 : vector<16xi32>) : vector<16xi1>, vector<16xi32>
      %convert_element_type3A_1298 = arith.sitofp %unique3A_1297 : vector<16xi32> to vector<16xf32>
      tpu.vector_store_idx %arg13[%get3A_1293], %convert_element_type3A_1298 masked %unique3A_1296 {add = true} : memref<10032xf32, #tpu.memory_space<vmem>>[vector<16xi32>], vector<16xf32>, vector<16xi1>
      %get3A_1299 = arith.index_cast %add3A_1241 : i32 to index
      %get3A_1300 = arith.constant 64 : index
      %get3A_1301 = tpu.vector_load %arg11[%get3A_1299, %get3A_1300] {strides = array<i32>} : memref<16x128xi32, #tpu.memory_space<vmem>>, vector<16xi32>,
      %broadcast_in_dim3A_1302 = arith.constant true
      %broadcast_in_dim3A_1303 = vector.broadcast %broadcast_in_dim3A_1302 : i1 to vector<16xi1>
      %unique3A_1304, %unique3A_1305 = tpu.scan_count mask(%broadcast_in_dim3A_1303 : vector<16xi1>) value(%get3A_1301 : vector<16xi32>) : vector<16xi1>, vector<16xi32>
      %convert_element_type3A_1306 = arith.sitofp %unique3A_1305 : vector<16xi32> to vector<16xf32>
      tpu.vector_store_idx %arg13[%get3A_1301], %convert_element_type3A_1306 masked %unique3A_1304 {add = true} : memref<10032xf32, #tpu.memory_space<vmem>>[vector<16xi32>], vector<16xf32>, vector<16xi1>
      %get3A_1307 = arith.index_cast %add3A_1241 : i32 to index
      %get3A_1308 = arith.constant 80 : index
      %get3A_1309 = tpu.vector_load %arg11[%get3A_1307, %get3A_1308] {strides = array<i32>} : memref<16x128xi32, #tpu.memory_space<vmem>>, vector<16xi32>,
      %broadcast_in_dim3A_1310 = arith.constant true
      %broadcast_in_dim3A_1311 = vector.broadcast %broadcast_in_dim3A_1310 : i1 to vector<16xi1>
      %unique3A_1312, %unique3A_1313 = tpu.scan_count mask(%broadcast_in_dim3A_1311 : vector<16xi1>) value(%get3A_1309 : vector<16xi32>) : vector<16xi1>, vector<16xi32>
      %convert_element_type3A_1314 = arith.sitofp %unique3A_1313 : vector<16xi32> to vector<16xf32>
      tpu.vector_store_idx %arg13[%get3A_1309], %convert_element_type3A_1314 masked %unique3A_1312 {add = true} : memref<10032xf32, #tpu.memory_space<vmem>>[vector<16xi32>], vector<16xf32>, vector<16xi1>
      %get3A_1315 = arith.index_cast %add3A_1241 : i32 to index
      %get3A_1316 = arith.constant 96 : index
      %get3A_1317 = tpu.vector_load %arg11[%get3A_1315, %get3A_1316] {strides = array<i32>} : memref<16x128xi32, #tpu.memory_space<vmem>>, vector<16xi32>,
      %broadcast_in_dim3A_1318 = arith.constant true
      %broadcast_in_dim3A_1319 = vector.broadcast %broadcast_in_dim3A_1318 : i1 to vector<16xi1>
      %unique3A_1320, %unique3A_1321 = tpu.scan_count mask(%broadcast_in_dim3A_1319 : vector<16xi1>) value(%get3A_1317 : vector<16xi32>) : vector<16xi1>, vector<16xi32>
      %convert_element_type3A_1322 = arith.sitofp %unique3A_1321 : vector<16xi32> to vector<16xf32>
      tpu.vector_store_idx %arg13[%get3A_1317], %convert_element_type3A_1322 masked %unique3A_1320 {add = true} : memref<10032xf32, #tpu.memory_space<vmem>>[vector<16xi32>], vector<16xf32>, vector<16xi1>
      %get3A_1323 = arith.index_cast %add3A_1241 : i32 to index
      %get3A_1324 = arith.constant 112 : index
      %get3A_1325 = tpu.vector_load %arg11[%get3A_1323, %get3A_1324] {strides = array<i32>} : memref<16x128xi32, #tpu.memory_space<vmem>>, vector<16xi32>,
      %broadcast_in_dim3A_1326 = arith.constant true
      %broadcast_in_dim3A_1327 = vector.broadcast %broadcast_in_dim3A_1326 : i1 to vector<16xi1>
      %unique3A_1328, %unique3A_1329 = tpu.scan_count mask(%broadcast_in_dim3A_1327 : vector<16xi1>) value(%get3A_1325 : vector<16xi32>) : vector<16xi1>, vector<16xi32>
      %convert_element_type3A_1330 = arith.sitofp %unique3A_1329 : vector<16xi32> to vector<16xf32>
      tpu.vector_store_idx %arg13[%get3A_1325], %convert_element_type3A_1330 masked %unique3A_1328 {add = true} : memref<10032xf32, #tpu.memory_space<vmem>>[vector<16xi32>], vector<16xf32>, vector<16xi1>
      %dma_wait3A_1331 = arith.constant 1 : i32
      %dma_wait3A_1332 = arith.constant 0 : i32
      %dma_wait3A_1333 = arith.constant 0 : i32
      %dma_wait3A_1334 = tpu.memref_slice %arg12[%dma_wait3A_1331, %dma_wait3A_1332, %dma_wait3A_1333] : memref<2x128x128xf32, #tpu.memory_space<vmem>> -> memref<1x128x128xf32, #tpu.memory_space<vmem>>
      %dma_wait3A_1335 = tpu.memref_squeeze %dma_wait3A_1334 : memref<1x128x128xf32, #tpu.memory_space<vmem>> -> memref<128x128xf32, #tpu.memory_space<vmem>>
      %dma_wait3A_1336 = arith.constant 0 : i32
      %dma_wait3A_1337 = tpu.memref_slice %arg10[%add3A_1241, %dma_wait3A_1336] : memref<16x128xi32, #tpu.memory_space<vmem>> -> memref<1x128xi32, #tpu.memory_space<vmem>>
      %dma_wait3A_1338 = tpu.memref_squeeze %dma_wait3A_1337 : memref<1x128xi32, #tpu.memory_space<vmem>> -> memref<128xi32, #tpu.memory_space<vmem>>
      %dma_wait3A_1339 = arith.constant 0 : i32
      %dma_wait3A_1340 = arith.constant 0 : i32
      %dma_wait3A_1341 = tpu.memref_slice %arg2[%dma_wait3A_1339, %dma_wait3A_1340] : memref<10000x128xf32, #tpu.memory_space<hbm>> -> memref<10000x128xf32, #tpu.memory_space<hbm>>
      tpu.wait_indirect_dma semaphore(%arg15 : memref<!tpu.dma_semaphore, #tpu.memory_space<semaphore_mem>>) src(%dma_wait3A_1341 : memref<10000x128xf32, #tpu.memory_space<hbm>>) dst(%dma_wait3A_1335 : memref<128x128xf32, #tpu.memory_space<vmem>>)
      %dma_start3A_1342 = arith.constant 1 : i32
      %dma_start3A_1343 = arith.constant 0 : i32
      %dma_start3A_1344 = arith.constant 0 : i32
      %dma_start3A_1345 = tpu.memref_slice %arg12[%dma_start3A_1342, %dma_start3A_1343, %dma_start3A_1344] : memref<2x128x128xf32, #tpu.memory_space<vmem>> -> memref<1x128x128xf32, #tpu.memory_space<vmem>>
      %dma_start3A_1346 = tpu.memref_squeeze %dma_start3A_1345 : memref<1x128x128xf32, #tpu.memory_space<vmem>> -> memref<128x128xf32, #tpu.memory_space<vmem>>
      %dma_start3A_1347 = arith.constant 0 : i32
      %dma_start3A_1348 = tpu.memref_slice %arg11[%add3A_1241, %dma_start3A_1347] : memref<16x128xi32, #tpu.memory_space<vmem>> -> memref<1x128xi32, #tpu.memory_space<vmem>>
      %dma_start3A_1349 = tpu.memref_squeeze %dma_start3A_1348 : memref<1x128xi32, #tpu.memory_space<vmem>> -> memref<128xi32, #tpu.memory_space<vmem>>
      %dma_start3A_1350 = arith.constant 0 : i32
      %dma_start3A_1351 = arith.constant 0 : i32
      %dma_start3A_1352 = tpu.memref_slice %arg9[%dma_start3A_1350, %dma_start3A_1351] : memref<10016x128xf32, #tpu.memory_space<vmem_shared>> -> memref<10016x128xf32, #tpu.memory_space<vmem_shared>>
      tpu.enqueue_indirect_dma source(%dma_start3A_1346 : memref<128x128xf32, #tpu.memory_space<vmem>>) target(%dma_start3A_1352 : memref<10016x128xf32, #tpu.memory_space<vmem_shared>>) offsets(%dma_start3A_1349 : memref<128xi32, #tpu.memory_space<vmem>>) semaphore(%arg17 : memref<!tpu.dma_semaphore, #tpu.memory_space<semaphore_mem>>) {add = true}
      %mul3A_1353 = arith.constant 2 : i32
      %mul3A_1354 = arith.muli %mul3A_1353, %scan3A_1237 : i32
      %add3A_1355 = arith.constant 2 : i32
      %add3A_1356 = arith.addi %mul3A_1354, %add3A_1355 : i32
      %sub3A_1357 = arith.constant 1 : i32
      %sub3A_1358 = arith.subi %add3A_1356, %sub3A_1357 : i32
      %dma_wait3A_1359 = arith.constant 1 : i32
      %dma_wait3A_1360 = arith.constant 0 : i32
      %dma_wait3A_1361 = arith.constant 0 : i32
      %dma_wait3A_1362 = tpu.memref_slice %arg12[%dma_wait3A_1359, %dma_wait3A_1360, %dma_wait3A_1361] : memref<2x128x128xf32, #tpu.memory_space<vmem>> -> memref<1x128x128xf32, #tpu.memory_space<vmem>>
      %dma_wait3A_1363 = tpu.memref_squeeze %dma_wait3A_1362 : memref<1x128x128xf32, #tpu.memory_space<vmem>> -> memref<128x128xf32, #tpu.memory_space<vmem>>
      %dma_wait3A_1364 = arith.constant 0 : i32
      %dma_wait3A_1365 = tpu.memref_slice %arg11[%sub3A_1358, %dma_wait3A_1364] : memref<16x128xi32, #tpu.memory_space<vmem>> -> memref<1x128xi32, #tpu.memory_space<vmem>>
      %dma_wait3A_1366 = tpu.memref_squeeze %dma_wait3A_1365 : memref<1x128xi32, #tpu.memory_space<vmem>> -> memref<128xi32, #tpu.memory_space<vmem>>
      %dma_wait3A_1367 = arith.constant 0 : i32
      %dma_wait3A_1368 = arith.constant 0 : i32
      %dma_wait3A_1369 = tpu.memref_slice %arg9[%dma_wait3A_1367, %dma_wait3A_1368] : memref<10016x128xf32, #tpu.memory_space<vmem_shared>> -> memref<10016x128xf32, #tpu.memory_space<vmem_shared>>
      tpu.wait_indirect_dma semaphore(%arg17 : memref<!tpu.dma_semaphore, #tpu.memory_space<semaphore_mem>>) src(%dma_wait3A_1363 : memref<128x128xf32, #tpu.memory_space<vmem>>) dst(%dma_wait3A_1369 : memref<10016x128xf32, #tpu.memory_space<vmem_shared>>)
      %add3A_1370 = arith.constant 1 : i32
      %add3A_1371 = arith.addi %add3A_1356, %add3A_1370 : i32
      %dma_start3A_1372 = arith.constant 1 : i32
      %dma_start3A_1373 = arith.constant 0 : i32
      %dma_start3A_1374 = arith.constant 0 : i32
      %dma_start3A_1375 = tpu.memref_slice %arg12[%dma_start3A_1372, %dma_start3A_1373, %dma_start3A_1374] : memref<2x128x128xf32, #tpu.memory_space<vmem>> -> memref<1x128x128xf32, #tpu.memory_space<vmem>>
      %dma_start3A_1376 = tpu.memref_squeeze %dma_start3A_1375 : memref<1x128x128xf32, #tpu.memory_space<vmem>> -> memref<128x128xf32, #tpu.memory_space<vmem>>
      %dma_start3A_1377 = arith.constant 0 : i32
      %dma_start3A_1378 = tpu.memref_slice %arg10[%add3A_1371, %dma_start3A_1377] : memref<16x128xi32, #tpu.memory_space<vmem>> -> memref<1x128xi32, #tpu.memory_space<vmem>>
      %dma_start3A_1379 = tpu.memref_squeeze %dma_start3A_1378 : memref<1x128xi32, #tpu.memory_space<vmem>> -> memref<128xi32, #tpu.memory_space<vmem>>
      %dma_start3A_1380 = arith.constant 0 : i32
      %dma_start3A_1381 = arith.constant 0 : i32
      %dma_start3A_1382 = tpu.memref_slice %arg2[%dma_start3A_1380, %dma_start3A_1381] : memref<10000x128xf32, #tpu.memory_space<hbm>> -> memref<10000x128xf32, #tpu.memory_space<hbm>>
      tpu.enqueue_indirect_dma source(%dma_start3A_1382 : memref<10000x128xf32, #tpu.memory_space<hbm>>) target(%dma_start3A_1376 : memref<128x128xf32, #tpu.memory_space<vmem>>) offsets(%dma_start3A_1379 : memref<128xi32, #tpu.memory_space<vmem>>) semaphore(%arg15 : memref<!tpu.dma_semaphore, #tpu.memory_space<semaphore_mem>>)
      %get3A_1383 = arith.index_cast %add3A_1356 : i32 to index
      %get3A_1384 = arith.constant 0 : index
      %get3A_1385 = tpu.vector_load %arg11[%get3A_1383, %get3A_1384] {strides = array<i32>} : memref<16x128xi32, #tpu.memory_space<vmem>>, vector<16xi32>,
      %broadcast_in_dim3A_1386 = arith.constant true
      %broadcast_in_dim3A_1387 = vector.broadcast %broadcast_in_dim3A_1386 : i1 to vector<16xi1>
      %unique3A_1388, %unique3A_1389 = tpu.scan_count mask(%broadcast_in_dim3A_1387 : vector<16xi1>) value(%get3A_1385 : vector<16xi32>) : vector<16xi1>, vector<16xi32>
      %convert_element_type3A_1390 = arith.sitofp %unique3A_1389 : vector<16xi32> to vector<16xf32>
      tpu.vector_store_idx %arg13[%get3A_1385], %convert_element_type3A_1390 masked %unique3A_1388 {add = true} : memref<10032xf32, #tpu.memory_space<vmem>>[vector<16xi32>], vector<16xf32>, vector<16xi1>
      %get3A_1391 = arith.index_cast %add3A_1356 : i32 to index
      %get3A_1392 = arith.constant 16 : index
      %get3A_1393 = tpu.vector_load %arg11[%get3A_1391, %get3A_1392] {strides = array<i32>} : memref<16x128xi32, #tpu.memory_space<vmem>>, vector<16xi32>,
      %broadcast_in_dim3A_1394 = arith.constant true
      %broadcast_in_dim3A_1395 = vector.broadcast %broadcast_in_dim3A_1394 : i1 to vector<16xi1>
      %unique3A_1396, %unique3A_1397 = tpu.scan_count mask(%broadcast_in_dim3A_1395 : vector<16xi1>) value(%get3A_1393 : vector<16xi32>) : vector<16xi1>, vector<16xi32>
      %convert_element_type3A_1398 = arith.sitofp %unique3A_1397 : vector<16xi32> to vector<16xf32>
      tpu.vector_store_idx %arg13[%get3A_1393], %convert_element_type3A_1398 masked %unique3A_1396 {add = true} : memref<10032xf32, #tpu.memory_space<vmem>>[vector<16xi32>], vector<16xf32>, vector<16xi1>
      %get3A_1399 = arith.index_cast %add3A_1356 : i32 to index
      %get3A_1400 = arith.constant 32 : index
      %get3A_1401 = tpu.vector_load %arg11[%get3A_1399, %get3A_1400] {strides = array<i32>} : memref<16x128xi32, #tpu.memory_space<vmem>>, vector<16xi32>,
      %broadcast_in_dim3A_1402 = arith.constant true
      %broadcast_in_dim3A_1403 = vector.broadcast %broadcast_in_dim3A_1402 : i1 to vector<16xi1>
      %unique3A_1404, %unique3A_1405 = tpu.scan_count mask(%broadcast_in_dim3A_1403 : vector<16xi1>) value(%get3A_1401 : vector<16xi32>) : vector<16xi1>, vector<16xi32>
      %convert_element_type3A_1406 = arith.sitofp %unique3A_1405 : vector<16xi32> to vector<16xf32>
      tpu.vector_store_idx %arg13[%get3A_1401], %convert_element_type3A_1406 masked %unique3A_1404 {add = true} : memref<10032xf32, #tpu.memory_space<vmem>>[vector<16xi32>], vector<16xf32>, vector<16xi1>
      %get3A_1407 = arith.index_cast %add3A_1356 : i32 to index
      %get3A_1408 = arith.constant 48 : index
      %get3A_1409 = tpu.vector_load %arg11[%get3A_1407, %get3A_1408] {strides = array<i32>} : memref<16x128xi32, #tpu.memory_space<vmem>>, vector<16xi32>,
      %broadcast_in_dim3A_1410 = arith.constant true
      %broadcast_in_dim3A_1411 = vector.broadcast %broadcast_in_dim3A_1410 : i1 to vector<16xi1>
      %unique3A_1412, %unique3A_1413 = tpu.scan_count mask(%broadcast_in_dim3A_1411 : vector<16xi1>) value(%get3A_1409 : vector<16xi32>) : vector<16xi1>, vector<16xi32>
      %convert_element_type3A_1414 = arith.sitofp %unique3A_1413 : vector<16xi32> to vector<16xf32>
      tpu.vector_store_idx %arg13[%get3A_1409], %convert_element_type3A_1414 masked %unique3A_1412 {add = true} : memref<10032xf32, #tpu.memory_space<vmem>>[vector<16xi32>], vector<16xf32>, vector<16xi1>
      %get3A_1415 = arith.index_cast %add3A_1356 : i32 to index
      %get3A_1416 = arith.constant 64 : index
      %get3A_1417 = tpu.vector_load %arg11[%get3A_1415, %get3A_1416] {strides = array<i32>} : memref<16x128xi32, #tpu.memory_space<vmem>>, vector<16xi32>,
      %broadcast_in_dim3A_1418 = arith.constant true
      %broadcast_in_dim3A_1419 = vector.broadcast %broadcast_in_dim3A_1418 : i1 to vector<16xi1>
      %unique3A_1420, %unique3A_1421 = tpu.scan_count mask(%broadcast_in_dim3A_1419 : vector<16xi1>) value(%get3A_1417 : vector<16xi32>) : vector<16xi1>, vector<16xi32>
      %convert_element_type3A_1422 = arith.sitofp %unique3A_1421 : vector<16xi32> to vector<16xf32>
      tpu.vector_store_idx %arg13[%get3A_1417], %convert_element_type3A_1422 masked %unique3A_1420 {add = true} : memref<10032xf32, #tpu.memory_space<vmem>>[vector<16xi32>], vector<16xf32>, vector<16xi1>
      %get3A_1423 = arith.index_cast %add3A_1356 : i32 to index
      %get3A_1424 = arith.constant 80 : index
      %get3A_1425 = tpu.vector_load %arg11[%get3A_1423, %get3A_1424] {strides = array<i32>} : memref<16x128xi32, #tpu.memory_space<vmem>>, vector<16xi32>,
      %broadcast_in_dim3A_1426 = arith.constant true
      %broadcast_in_dim3A_1427 = vector.broadcast %broadcast_in_dim3A_1426 : i1 to vector<16xi1>
      %unique3A_1428, %unique3A_1429 = tpu.scan_count mask(%broadcast_in_dim3A_1427 : vector<16xi1>) value(%get3A_1425 : vector<16xi32>) : vector<16xi1>, vector<16xi32>
      %convert_element_type3A_1430 = arith.sitofp %unique3A_1429 : vector<16xi32> to vector<16xf32>
      tpu.vector_store_idx %arg13[%get3A_1425], %convert_element_type3A_1430 masked %unique3A_1428 {add = true} : memref<10032xf32, #tpu.memory_space<vmem>>[vector<16xi32>], vector<16xf32>, vector<16xi1>
      %get3A_1431 = arith.index_cast %add3A_1356 : i32 to index
      %get3A_1432 = arith.constant 96 : index
      %get3A_1433 = tpu.vector_load %arg11[%get3A_1431, %get3A_1432] {strides = array<i32>} : memref<16x128xi32, #tpu.memory_space<vmem>>, vector<16xi32>,
      %broadcast_in_dim3A_1434 = arith.constant true
      %broadcast_in_dim3A_1435 = vector.broadcast %broadcast_in_dim3A_1434 : i1 to vector<16xi1>
      %unique3A_1436, %unique3A_1437 = tpu.scan_count mask(%broadcast_in_dim3A_1435 : vector<16xi1>) value(%get3A_1433 : vector<16xi32>) : vector<16xi1>, vector<16xi32>
      %convert_element_type3A_1438 = arith.sitofp %unique3A_1437 : vector<16xi32> to vector<16xf32>
      tpu.vector_store_idx %arg13[%get3A_1433], %convert_element_type3A_1438 masked %unique3A_1436 {add = true} : memref<10032xf32, #tpu.memory_space<vmem>>[vector<16xi32>], vector<16xf32>, vector<16xi1>
      %get3A_1439 = arith.index_cast %add3A_1356 : i32 to index
      %get3A_1440 = arith.constant 112 : index
      %get3A_1441 = tpu.vector_load %arg11[%get3A_1439, %get3A_1440] {strides = array<i32>} : memref<16x128xi32, #tpu.memory_space<vmem>>, vector<16xi32>,
      %broadcast_in_dim3A_1442 = arith.constant true
      %broadcast_in_dim3A_1443 = vector.broadcast %broadcast_in_dim3A_1442 : i1 to vector<16xi1>
      %unique3A_1444, %unique3A_1445 = tpu.scan_count mask(%broadcast_in_dim3A_1443 : vector<16xi1>) value(%get3A_1441 : vector<16xi32>) : vector<16xi1>, vector<16xi32>
      %convert_element_type3A_1446 = arith.sitofp %unique3A_1445 : vector<16xi32> to vector<16xf32>
      tpu.vector_store_idx %arg13[%get3A_1441], %convert_element_type3A_1446 masked %unique3A_1444 {add = true} : memref<10032xf32, #tpu.memory_space<vmem>>[vector<16xi32>], vector<16xf32>, vector<16xi1>
      %dma_wait3A_1447 = arith.constant 0 : i32
      %dma_wait3A_1448 = arith.constant 0 : i32
      %dma_wait3A_1449 = arith.constant 0 : i32
      %dma_wait3A_1450 = tpu.memref_slice %arg12[%dma_wait3A_1447, %dma_wait3A_1448, %dma_wait3A_1449] : memref<2x128x128xf32, #tpu.memory_space<vmem>> -> memref<1x128x128xf32, #tpu.memory_space<vmem>>
      %dma_wait3A_1451 = tpu.memref_squeeze %dma_wait3A_1450 : memref<1x128x128xf32, #tpu.memory_space<vmem>> -> memref<128x128xf32, #tpu.memory_space<vmem>>
      %dma_wait3A_1452 = arith.constant 0 : i32
      %dma_wait3A_1453 = tpu.memref_slice %arg10[%add3A_1356, %dma_wait3A_1452] : memref<16x128xi32, #tpu.memory_space<vmem>> -> memref<1x128xi32, #tpu.memory_space<vmem>>
      %dma_wait3A_1454 = tpu.memref_squeeze %dma_wait3A_1453 : memref<1x128xi32, #tpu.memory_space<vmem>> -> memref<128xi32, #tpu.memory_space<vmem>>
      %dma_wait3A_1455 = arith.constant 0 : i32
      %dma_wait3A_1456 = arith.constant 0 : i32
      %dma_wait3A_1457 = tpu.memref_slice %arg2[%dma_wait3A_1455, %dma_wait3A_1456] : memref<10000x128xf32, #tpu.memory_space<hbm>> -> memref<10000x128xf32, #tpu.memory_space<hbm>>
      tpu.wait_indirect_dma semaphore(%arg14 : memref<!tpu.dma_semaphore, #tpu.memory_space<semaphore_mem>>) src(%dma_wait3A_1457 : memref<10000x128xf32, #tpu.memory_space<hbm>>) dst(%dma_wait3A_1451 : memref<128x128xf32, #tpu.memory_space<vmem>>)
      %dma_start3A_1458 = arith.constant 0 : i32
      %dma_start3A_1459 = arith.constant 0 : i32
      %dma_start3A_1460 = arith.constant 0 : i32
      %dma_start3A_1461 = tpu.memref_slice %arg12[%dma_start3A_1458, %dma_start3A_1459, %dma_start3A_1460] : memref<2x128x128xf32, #tpu.memory_space<vmem>> -> memref<1x128x128xf32, #tpu.memory_space<vmem>>
      %dma_start3A_1462 = tpu.memref_squeeze %dma_start3A_1461 : memref<1x128x128xf32, #tpu.memory_space<vmem>> -> memref<128x128xf32, #tpu.memory_space<vmem>>
      %dma_start3A_1463 = arith.constant 0 : i32
      %dma_start3A_1464 = tpu.memref_slice %arg11[%add3A_1356, %dma_start3A_1463] : memref<16x128xi32, #tpu.memory_space<vmem>> -> memref<1x128xi32, #tpu.memory_space<vmem>>
      %dma_start3A_1465 = tpu.memref_squeeze %dma_start3A_1464 : memref<1x128xi32, #tpu.memory_space<vmem>> -> memref<128xi32, #tpu.memory_space<vmem>>
      %dma_start3A_1466 = arith.constant 0 : i32
      %dma_start3A_1467 = arith.constant 0 : i32
      %dma_start3A_1468 = tpu.memref_slice %arg9[%dma_start3A_1466, %dma_start3A_1467] : memref<10016x128xf32, #tpu.memory_space<vmem_shared>> -> memref<10016x128xf32, #tpu.memory_space<vmem_shared>>
      tpu.enqueue_indirect_dma source(%dma_start3A_1462 : memref<128x128xf32, #tpu.memory_space<vmem>>) target(%dma_start3A_1468 : memref<10016x128xf32, #tpu.memory_space<vmem_shared>>) offsets(%dma_start3A_1465 : memref<128xi32, #tpu.memory_space<vmem>>) semaphore(%arg16 : memref<!tpu.dma_semaphore, #tpu.memory_space<semaphore_mem>>) {add = true}
    }
    %scan3A_1108 = arith.constant 7 : i32
    %dma_wait3A_1109 = arith.constant 0 : i32
    %dma_wait3A_1110 = arith.constant 14 : i32
    %dma_wait3A_1111 = arith.constant 0 : i32
    %dma_wait3A_1112 = arith.constant 0 : i32
    %dma_wait3A_1113 = tpu.memref_slice %arg12[%dma_wait3A_1109, %dma_wait3A_1111, %dma_wait3A_1112] : memref<2x128x128xf32, #tpu.memory_space<vmem>> -> memref<1x128x128xf32, #tpu.memory_space<vmem>>
    %dma_wait3A_1114 = tpu.memref_squeeze %dma_wait3A_1113 : memref<1x128x128xf32, #tpu.memory_space<vmem>> -> memref<128x128xf32, #tpu.memory_space<vmem>>
    %dma_wait3A_1115 = arith.constant 0 : i32
    %dma_wait3A_1116 = tpu.memref_slice %arg11[%dma_wait3A_1110, %dma_wait3A_1115] : memref<16x128xi32, #tpu.memory_space<vmem>> -> memref<1x128xi32, #tpu.memory_space<vmem>>
    %dma_wait3A_1117 = tpu.memref_squeeze %dma_wait3A_1116 : memref<1x128xi32, #tpu.memory_space<vmem>> -> memref<128xi32, #tpu.memory_space<vmem>>
    %dma_wait3A_1118 = arith.constant 0 : i32
    %dma_wait3A_1119 = arith.constant 0 : i32
    %dma_wait3A_1120 = tpu.memref_slice %arg9[%dma_wait3A_1118, %dma_wait3A_1119] : memref<10016x128xf32, #tpu.memory_space<vmem_shared>> -> memref<10016x128xf32, #tpu.memory_space<vmem_shared>>
    tpu.wait_indirect_dma semaphore(%arg16 : memref<!tpu.dma_semaphore, #tpu.memory_space<semaphore_mem>>) src(%dma_wait3A_1114 : memref<128x128xf32, #tpu.memory_space<vmem>>) dst(%dma_wait3A_1120 : memref<10016x128xf32, #tpu.memory_space<vmem_shared>>)
    %get3A_1121 = arith.constant 15 : i32
    %get3A_1122 = arith.index_cast %get3A_1121 : i32 to index
    %get3A_1123 = arith.constant 0 : index
    %get3A_1124 = tpu.vector_load %arg11[%get3A_1122, %get3A_1123] {strides = array<i32>} : memref<16x128xi32, #tpu.memory_space<vmem>>, vector<16xi32>,
    %broadcast_in_dim3A_1125 = arith.constant true
    %broadcast_in_dim3A_1126 = vector.broadcast %broadcast_in_dim3A_1125 : i1 to vector<16xi1>
    %unique3A_1127, %unique3A_1128 = tpu.scan_count mask(%broadcast_in_dim3A_1126 : vector<16xi1>) value(%get3A_1124 : vector<16xi32>) : vector<16xi1>, vector<16xi32>
    %convert_element_type3A_1129 = arith.sitofp %unique3A_1128 : vector<16xi32> to vector<16xf32>
    tpu.vector_store_idx %arg13[%get3A_1124], %convert_element_type3A_1129 masked %unique3A_1127 {add = true} : memref<10032xf32, #tpu.memory_space<vmem>>[vector<16xi32>], vector<16xf32>, vector<16xi1>
    %get3A_1130 = arith.constant 15 : i32
    %get3A_1131 = arith.index_cast %get3A_1130 : i32 to index
    %get3A_1132 = arith.constant 16 : index
    %get3A_1133 = tpu.vector_load %arg11[%get3A_1131, %get3A_1132] {strides = array<i32>} : memref<16x128xi32, #tpu.memory_space<vmem>>, vector<16xi32>,
    %broadcast_in_dim3A_1134 = arith.constant true
    %broadcast_in_dim3A_1135 = vector.broadcast %broadcast_in_dim3A_1134 : i1 to vector<16xi1>
    %unique3A_1136, %unique3A_1137 = tpu.scan_count mask(%broadcast_in_dim3A_1135 : vector<16xi1>) value(%get3A_1133 : vector<16xi32>) : vector<16xi1>, vector<16xi32>
    %convert_element_type3A_1138 = arith.sitofp %unique3A_1137 : vector<16xi32> to vector<16xf32>
    tpu.vector_store_idx %arg13[%get3A_1133], %convert_element_type3A_1138 masked %unique3A_1136 {add = true} : memref<10032xf32, #tpu.memory_space<vmem>>[vector<16xi32>], vector<16xf32>, vector<16xi1>
    %get3A_1139 = arith.constant 15 : i32
    %get3A_1140 = arith.index_cast %get3A_1139 : i32 to index
    %get3A_1141 = arith.constant 32 : index
    %get3A_1142 = tpu.vector_load %arg11[%get3A_1140, %get3A_1141] {strides = array<i32>} : memref<16x128xi32, #tpu.memory_space<vmem>>, vector<16xi32>,
    %broadcast_in_dim3A_1143 = arith.constant true
    %broadcast_in_dim3A_1144 = vector.broadcast %broadcast_in_dim3A_1143 : i1 to vector<16xi1>
    %unique3A_1145, %unique3A_1146 = tpu.scan_count mask(%broadcast_in_dim3A_1144 : vector<16xi1>) value(%get3A_1142 : vector<16xi32>) : vector<16xi1>, vector<16xi32>
    %convert_element_type3A_1147 = arith.sitofp %unique3A_1146 : vector<16xi32> to vector<16xf32>
    tpu.vector_store_idx %arg13[%get3A_1142], %convert_element_type3A_1147 masked %unique3A_1145 {add = true} : memref<10032xf32, #tpu.memory_space<vmem>>[vector<16xi32>], vector<16xf32>, vector<16xi1>
    %get3A_1148 = arith.constant 15 : i32
    %get3A_1149 = arith.index_cast %get3A_1148 : i32 to index
    %get3A_1150 = arith.constant 48 : index
    %get3A_1151 = tpu.vector_load %arg11[%get3A_1149, %get3A_1150] {strides = array<i32>} : memref<16x128xi32, #tpu.memory_space<vmem>>, vector<16xi32>,
    %broadcast_in_dim3A_1152 = arith.constant true
    %broadcast_in_dim3A_1153 = vector.broadcast %broadcast_in_dim3A_1152 : i1 to vector<16xi1>
    %unique3A_1154, %unique3A_1155 = tpu.scan_count mask(%broadcast_in_dim3A_1153 : vector<16xi1>) value(%get3A_1151 : vector<16xi32>) : vector<16xi1>, vector<16xi32>
    %convert_element_type3A_1156 = arith.sitofp %unique3A_1155 : vector<16xi32> to vector<16xf32>
    tpu.vector_store_idx %arg13[%get3A_1151], %convert_element_type3A_1156 masked %unique3A_1154 {add = true} : memref<10032xf32, #tpu.memory_space<vmem>>[vector<16xi32>], vector<16xf32>, vector<16xi1>
    %get3A_1157 = arith.constant 15 : i32
    %get3A_1158 = arith.index_cast %get3A_1157 : i32 to index
    %get3A_1159 = arith.constant 64 : index
    %get3A_1160 = tpu.vector_load %arg11[%get3A_1158, %get3A_1159] {strides = array<i32>} : memref<16x128xi32, #tpu.memory_space<vmem>>, vector<16xi32>,
    %broadcast_in_dim3A_1161 = arith.constant true
    %broadcast_in_dim3A_1162 = vector.broadcast %broadcast_in_dim3A_1161 : i1 to vector<16xi1>
    %unique3A_1163, %unique3A_1164 = tpu.scan_count mask(%broadcast_in_dim3A_1162 : vector<16xi1>) value(%get3A_1160 : vector<16xi32>) : vector<16xi1>, vector<16xi32>
    %convert_element_type3A_1165 = arith.sitofp %unique3A_1164 : vector<16xi32> to vector<16xf32>
    tpu.vector_store_idx %arg13[%get3A_1160], %convert_element_type3A_1165 masked %unique3A_1163 {add = true} : memref<10032xf32, #tpu.memory_space<vmem>>[vector<16xi32>], vector<16xf32>, vector<16xi1>
    %get3A_1166 = arith.constant 15 : i32
    %get3A_1167 = arith.index_cast %get3A_1166 : i32 to index
    %get3A_1168 = arith.constant 80 : index
    %get3A_1169 = tpu.vector_load %arg11[%get3A_1167, %get3A_1168] {strides = array<i32>} : memref<16x128xi32, #tpu.memory_space<vmem>>, vector<16xi32>,
    %broadcast_in_dim3A_1170 = arith.constant true
    %broadcast_in_dim3A_1171 = vector.broadcast %broadcast_in_dim3A_1170 : i1 to vector<16xi1>
    %unique3A_1172, %unique3A_1173 = tpu.scan_count mask(%broadcast_in_dim3A_1171 : vector<16xi1>) value(%get3A_1169 : vector<16xi32>) : vector<16xi1>, vector<16xi32>
    %convert_element_type3A_1174 = arith.sitofp %unique3A_1173 : vector<16xi32> to vector<16xf32>
    tpu.vector_store_idx %arg13[%get3A_1169], %convert_element_type3A_1174 masked %unique3A_1172 {add = true} : memref<10032xf32, #tpu.memory_space<vmem>>[vector<16xi32>], vector<16xf32>, vector<16xi1>
    %get3A_1175 = arith.constant 15 : i32
    %get3A_1176 = arith.index_cast %get3A_1175 : i32 to index
    %get3A_1177 = arith.constant 96 : index
    %get3A_1178 = tpu.vector_load %arg11[%get3A_1176, %get3A_1177] {strides = array<i32>} : memref<16x128xi32, #tpu.memory_space<vmem>>, vector<16xi32>,
    %broadcast_in_dim3A_1179 = arith.constant true
    %broadcast_in_dim3A_1180 = vector.broadcast %broadcast_in_dim3A_1179 : i1 to vector<16xi1>
    %unique3A_1181, %unique3A_1182 = tpu.scan_count mask(%broadcast_in_dim3A_1180 : vector<16xi1>) value(%get3A_1178 : vector<16xi32>) : vector<16xi1>, vector<16xi32>
    %convert_element_type3A_1183 = arith.sitofp %unique3A_1182 : vector<16xi32> to vector<16xf32>
    tpu.vector_store_idx %arg13[%get3A_1178], %convert_element_type3A_1183 masked %unique3A_1181 {add = true} : memref<10032xf32, #tpu.memory_space<vmem>>[vector<16xi32>], vector<16xf32>, vector<16xi1>
    %get3A_1184 = arith.constant 15 : i32
    %get3A_1185 = arith.index_cast %get3A_1184 : i32 to index
    %get3A_1186 = arith.constant 112 : index
    %get3A_1187 = tpu.vector_load %arg11[%get3A_1185, %get3A_1186] {strides = array<i32>} : memref<16x128xi32, #tpu.memory_space<vmem>>, vector<16xi32>,
    %broadcast_in_dim3A_1188 = arith.constant true
    %broadcast_in_dim3A_1189 = vector.broadcast %broadcast_in_dim3A_1188 : i1 to vector<16xi1>
    %unique3A_1190, %unique3A_1191 = tpu.scan_count mask(%broadcast_in_dim3A_1189 : vector<16xi1>) value(%get3A_1187 : vector<16xi32>) : vector<16xi1>, vector<16xi32>
    %convert_element_type3A_1192 = arith.sitofp %unique3A_1191 : vector<16xi32> to vector<16xf32>
    tpu.vector_store_idx %arg13[%get3A_1187], %convert_element_type3A_1192 masked %unique3A_1190 {add = true} : memref<10032xf32, #tpu.memory_space<vmem>>[vector<16xi32>], vector<16xf32>, vector<16xi1>
    %dma_wait3A_1193 = arith.constant 15 : i32
    %dma_wait3A_1194 = arith.constant 1 : i32
    %dma_wait3A_1195 = arith.constant 0 : i32
    %dma_wait3A_1196 = arith.constant 0 : i32
    %dma_wait3A_1197 = tpu.memref_slice %arg12[%dma_wait3A_1194, %dma_wait3A_1195, %dma_wait3A_1196] : memref<2x128x128xf32, #tpu.memory_space<vmem>> -> memref<1x128x128xf32, #tpu.memory_space<vmem>>
    %dma_wait3A_1198 = tpu.memref_squeeze %dma_wait3A_1197 : memref<1x128x128xf32, #tpu.memory_space<vmem>> -> memref<128x128xf32, #tpu.memory_space<vmem>>
    %dma_wait3A_1199 = arith.constant 0 : i32
    %dma_wait3A_1200 = tpu.memref_slice %arg10[%dma_wait3A_1193, %dma_wait3A_1199] : memref<16x128xi32, #tpu.memory_space<vmem>> -> memref<1x128xi32, #tpu.memory_space<vmem>>
    %dma_wait3A_1201 = tpu.memref_squeeze %dma_wait3A_1200 : memref<1x128xi32, #tpu.memory_space<vmem>> -> memref<128xi32, #tpu.memory_space<vmem>>
    %dma_wait3A_1202 = arith.constant 0 : i32
    %dma_wait3A_1203 = arith.constant 0 : i32
    %dma_wait3A_1204 = tpu.memref_slice %arg2[%dma_wait3A_1202, %dma_wait3A_1203] : memref<10000x128xf32, #tpu.memory_space<hbm>> -> memref<10000x128xf32, #tpu.memory_space<hbm>>
    tpu.wait_indirect_dma semaphore(%arg15 : memref<!tpu.dma_semaphore, #tpu.memory_space<semaphore_mem>>) src(%dma_wait3A_1204 : memref<10000x128xf32, #tpu.memory_space<hbm>>) dst(%dma_wait3A_1198 : memref<128x128xf32, #tpu.memory_space<vmem>>)
    %dma_start3A_1205 = arith.constant 1 : i32
    %dma_start3A_1206 = arith.constant 15 : i32
    %dma_start3A_1207 = arith.constant 0 : i32
    %dma_start3A_1208 = arith.constant 0 : i32
    %dma_start3A_1209 = tpu.memref_slice %arg12[%dma_start3A_1205, %dma_start3A_1207, %dma_start3A_1208] : memref<2x128x128xf32, #tpu.memory_space<vmem>> -> memref<1x128x128xf32, #tpu.memory_space<vmem>>
    %dma_start3A_1210 = tpu.memref_squeeze %dma_start3A_1209 : memref<1x128x128xf32, #tpu.memory_space<vmem>> -> memref<128x128xf32, #tpu.memory_space<vmem>>
    %dma_start3A_1211 = arith.constant 0 : i32
    %dma_start3A_1212 = tpu.memref_slice %arg11[%dma_start3A_1206, %dma_start3A_1211] : memref<16x128xi32, #tpu.memory_space<vmem>> -> memref<1x128xi32, #tpu.memory_space<vmem>>
    %dma_start3A_1213 = tpu.memref_squeeze %dma_start3A_1212 : memref<1x128xi32, #tpu.memory_space<vmem>> -> memref<128xi32, #tpu.memory_space<vmem>>
    %dma_start3A_1214 = arith.constant 0 : i32
    %dma_start3A_1215 = arith.constant 0 : i32
    %dma_start3A_1216 = tpu.memref_slice %arg9[%dma_start3A_1214, %dma_start3A_1215] : memref<10016x128xf32, #tpu.memory_space<vmem_shared>> -> memref<10016x128xf32, #tpu.memory_space<vmem_shared>>
    tpu.enqueue_indirect_dma source(%dma_start3A_1210 : memref<128x128xf32, #tpu.memory_space<vmem>>) target(%dma_start3A_1216 : memref<10016x128xf32, #tpu.memory_space<vmem_shared>>) offsets(%dma_start3A_1213 : memref<128xi32, #tpu.memory_space<vmem>>) semaphore(%arg17 : memref<!tpu.dma_semaphore, #tpu.memory_space<semaphore_mem>>) {add = true}
    %dma_wait3A_1217 = arith.constant 1 : i32
    %dma_wait3A_1218 = arith.constant 15 : i32
    %dma_wait3A_1219 = arith.constant 0 : i32
    %dma_wait3A_1220 = arith.constant 0 : i32
    %dma_wait3A_1221 = tpu.memref_slice %arg12[%dma_wait3A_1217, %dma_wait3A_1219, %dma_wait3A_1220] : memref<2x128x128xf32, #tpu.memory_space<vmem>> -> memref<1x128x128xf32, #tpu.memory_space<vmem>>
    %dma_wait3A_1222 = tpu.memref_squeeze %dma_wait3A_1221 : memref<1x128x128xf32, #tpu.memory_space<vmem>> -> memref<128x128xf32, #tpu.memory_space<vmem>>
    %dma_wait3A_1223 = arith.constant 0 : i32
    %dma_wait3A_1224 = tpu.memref_slice %arg11[%dma_wait3A_1218, %dma_wait3A_1223] : memref<16x128xi32, #tpu.memory_space<vmem>> -> memref<1x128xi32, #tpu.memory_space<vmem>>
    %dma_wait3A_1225 = tpu.memref_squeeze %dma_wait3A_1224 : memref<1x128xi32, #tpu.memory_space<vmem>> -> memref<128xi32, #tpu.memory_space<vmem>>
    %dma_wait3A_1226 = arith.constant 0 : i32
    %dma_wait3A_1227 = arith.constant 0 : i32
    %dma_wait3A_1228 = tpu.memref_slice %arg9[%dma_wait3A_1226, %dma_wait3A_1227] : memref<10016x128xf32, #tpu.memory_space<vmem_shared>> -> memref<10016x128xf32, #tpu.memory_space<vmem_shared>>
    tpu.wait_indirect_dma semaphore(%arg17 : memref<!tpu.dma_semaphore, #tpu.memory_space<semaphore_mem>>) src(%dma_wait3A_1222 : memref<128x128xf32, #tpu.memory_space<vmem>>) dst(%dma_wait3A_1228 : memref<10016x128xf32, #tpu.memory_space<vmem_shared>>)
    %barrier3A_1229 = arith.constant 0 : index
    tpu.barrier barrier_id(%barrier3A_1229)
    %mul3A_1230 = arith.constant 624 : i32
    %mul3A_1231 = arith.muli %arg1, %mul3A_1230 : i32
    "tpu.region"() ({
      %run_scoped3A = tpu.sem_alloc : memref<!tpu.dma_semaphore, #tpu.memory_space<semaphore_mem>>
      %dma_start3A_1237 = arith.constant 0 : i32
      %dma_start3A_1238 = tpu.memref_slice %arg7[%arg0, %mul3A_1231, %dma_start3A_1237] : memref<2x10000x128xf32, #tpu.memory_space<hbm>> -> memref<1x624x128xf32, #tpu.memory_space<hbm>>
      %dma_start3A_1239 = tpu.memref_squeeze %dma_start3A_1238 : memref<1x624x128xf32, #tpu.memory_space<hbm>> -> memref<624x128xf32, #tpu.memory_space<hbm>>
      %dma_start3A_1240 = arith.constant 0 : i32
      %dma_start3A_1241 = tpu.memref_slice %arg9[%mul3A_1231, %dma_start3A_1240] : memref<10016x128xf32, #tpu.memory_space<vmem_shared>> -> memref<624x128xf32, #tpu.memory_space<vmem_shared>>
      tpu.enqueue_dma source(%dma_start3A_1241 : memref<624x128xf32, #tpu.memory_space<vmem_shared>>) target(%dma_start3A_1239 : memref<624x128xf32, #tpu.memory_space<hbm>>) target_semaphore(%run_scoped3A : memref<!tpu.dma_semaphore, #tpu.memory_space<semaphore_mem>>)
      %dma_wait3A_1242 = arith.constant 0 : i32
      %dma_wait3A_1243 = tpu.memref_slice %arg7[%arg0, %mul3A_1231, %dma_wait3A_1242] : memref<2x10000x128xf32, #tpu.memory_space<hbm>> -> memref<1x624x128xf32, #tpu.memory_space<hbm>>
      %dma_wait3A_1244 = tpu.memref_squeeze %dma_wait3A_1243 : memref<1x624x128xf32, #tpu.memory_space<hbm>> -> memref<624x128xf32, #tpu.memory_space<hbm>>
      %dma_wait3A_1245 = arith.constant 0 : i32
      %dma_wait3A_1246 = tpu.memref_slice %arg9[%mul3A_1231, %dma_wait3A_1245] : memref<10016x128xf32, #tpu.memory_space<vmem_shared>> -> memref<624x128xf32, #tpu.memory_space<vmem_shared>>
      tpu.wait_dma2 semaphore(%run_scoped3A : memref<!tpu.dma_semaphore, #tpu.memory_space<semaphore_mem>>) src(%dma_wait3A_1246 : memref<624x128xf32, #tpu.memory_space<vmem_shared>>) dst(%dma_wait3A_1244 : memref<624x128xf32, #tpu.memory_space<hbm>>)
      tpu.yield
    }) : () -> ()
    %eq3A_1232 = arith.constant 15 : i32
    %eq3A_1233 = arith.cmpi eq, %arg1, %eq3A_1232 : i32
    %convert_element_type3A_1234 = arith.extui %eq3A_1233 : i1 to i32
    %cond3A_1235 = arith.constant 0 : i32
    %cond3A_1236 = arith.cmpi ne, %convert_element_type3A_1234, %cond3A_1235 : i32
    scf.if %cond3A_1236 {
      "tpu.region"() ({
        %run_scoped3A = tpu.sem_alloc : memref<!tpu.dma_semaphore, #tpu.memory_space<semaphore_mem>>
        %dma_start3A_1237 = arith.constant 9984 : i32
        %dma_start3A_1238 = arith.constant 0 : i32
        %dma_start3A_1239 = tpu.memref_slice %arg7[%arg0, %dma_start3A_1237, %dma_start3A_1238] : memref<2x10000x128xf32, #tpu.memory_space<hbm>> -> memref<1x16x128xf32, #tpu.memory_space<hbm>>
        %dma_start3A_1240 = tpu.memref_squeeze %dma_start3A_1239 : memref<1x16x128xf32, #tpu.memory_space<hbm>> -> memref<16x128xf32, #tpu.memory_space<hbm>>
        %dma_start3A_1241 = arith.constant 9984 : i32
        %dma_start3A_1242 = arith.constant 0 : i32
        %dma_start3A_1243 = tpu.memref_slice %arg9[%dma_start3A_1241, %dma_start3A_1242] : memref<10016x128xf32, #tpu.memory_space<vmem_shared>> -> memref<16x128xf32, #tpu.memory_space<vmem_shared>>
        tpu.enqueue_dma source(%dma_start3A_1243 : memref<16x128xf32, #tpu.memory_space<vmem_shared>>) target(%dma_start3A_1240 : memref<16x128xf32, #tpu.memory_space<hbm>>) target_semaphore(%run_scoped3A : memref<!tpu.dma_semaphore, #tpu.memory_space<semaphore_mem>>)
        %dma_wait3A_1244 = arith.constant 9984 : i32
        %dma_wait3A_1245 = arith.constant 0 : i32
        %dma_wait3A_1246 = tpu.memref_slice %arg7[%arg0, %dma_wait3A_1244, %dma_wait3A_1245] : memref<2x10000x128xf32, #tpu.memory_space<hbm>> -> memref<1x16x128xf32, #tpu.memory_space<hbm>>
        %dma_wait3A_1247 = tpu.memref_squeeze %dma_wait3A_1246 : memref<1x16x128xf32, #tpu.memory_space<hbm>> -> memref<16x128xf32, #tpu.memory_space<hbm>>
        %dma_wait3A_1248 = arith.constant 9984 : i32
        %dma_wait3A_1249 = arith.constant 0 : i32
        %dma_wait3A_1250 = tpu.memref_slice %arg9[%dma_wait3A_1248, %dma_wait3A_1249] : memref<10016x128xf32, #tpu.memory_space<vmem_shared>> -> memref<16x128xf32, #tpu.memory_space<vmem_shared>>
        tpu.wait_dma2 semaphore(%run_scoped3A : memref<!tpu.dma_semaphore, #tpu.memory_space<semaphore_mem>>) src(%dma_wait3A_1250 : memref<16x128xf32, #tpu.memory_space<vmem_shared>>) dst(%dma_wait3A_1247 : memref<16x128xf32, #tpu.memory_space<hbm>>)
        tpu.yield
      }) : () -> ()
    } else {
    }
    "tpu.region"() ({
      %run_scoped3A = tpu.sem_alloc : memref<!tpu.dma_semaphore, #tpu.memory_space<semaphore_mem>>
      %dma_start3A_1237 = arith.constant 0 : i32
      %dma_start3A_1238 = tpu.memref_slice %arg8[%add3A, %dma_start3A_1237] : memref<32x10032xf32, #tpu.memory_space<hbm>> -> memref<1x10032xf32, #tpu.memory_space<hbm>>
      %dma_start3A_1239 = tpu.memref_squeeze %dma_start3A_1238 : memref<1x10032xf32, #tpu.memory_space<hbm>> -> memref<10032xf32, #tpu.memory_space<hbm>>
      %dma_start3A_1240 = arith.constant 0 : i32
      %dma_start3A_1241 = tpu.memref_slice %arg8[%add3A, %dma_start3A_1240] : memref<32x10032xf32, #tpu.memory_space<hbm>> -> memref<1x10032xf32, #tpu.memory_space<hbm>>
      %dma_start3A_1242 = tpu.memref_squeeze %dma_start3A_1241 : memref<1x10032xf32, #tpu.memory_space<hbm>> -> memref<10032xf32, #tpu.memory_space<hbm>>
      tpu.enqueue_dma source(%arg13 : memref<10032xf32, #tpu.memory_space<vmem>>) target(%dma_start3A_1242 : memref<10032xf32, #tpu.memory_space<hbm>>) target_semaphore(%run_scoped3A : memref<!tpu.dma_semaphore, #tpu.memory_space<semaphore_mem>>)
      %dma_wait3A_1243 = arith.constant 0 : i32
      %dma_wait3A_1244 = tpu.memref_slice %arg8[%add3A, %dma_wait3A_1243] : memref<32x10032xf32, #tpu.memory_space<hbm>> -> memref<1x10032xf32, #tpu.memory_space<hbm>>
      %dma_wait3A_1245 = tpu.memref_squeeze %dma_wait3A_1244 : memref<1x10032xf32, #tpu.memory_space<hbm>> -> memref<10032xf32, #tpu.memory_space<hbm>>
      %dma_wait3A_1246 = arith.constant 0 : i32
      %dma_wait3A_1247 = tpu.memref_slice %arg8[%add3A, %dma_wait3A_1246] : memref<32x10032xf32, #tpu.memory_space<hbm>> -> memref<1x10032xf32, #tpu.memory_space<hbm>>
      %dma_wait3A_1248 = tpu.memref_squeeze %dma_wait3A_1247 : memref<1x10032xf32, #tpu.memory_space<hbm>> -> memref<10032xf32, #tpu.memory_space<hbm>>
      tpu.wait_dma2 semaphore(%run_scoped3A : memref<!tpu.dma_semaphore, #tpu.memory_space<semaphore_mem>>) src(%arg13 : memref<10032xf32, #tpu.memory_space<vmem>>) dst(%dma_wait3A_1248 : memref<10032xf32, #tpu.memory_space<hbm>>)
      tpu.yield
    }) : () -> ()
    return
  }
}

module attributes {stable_mosaic.version = 14 : i64} {
  func.func @_tc_pre_body(%arg0: i32, %arg1: memref<2048x128xf32, #tpu.memory_space<vmem>>, %arg2: memref<128x128xf32, #tpu.memory_space<vmem>>, %arg3: memref<128xf32, #tpu.memory_space<vmem>>, %arg4: memref<2048x128xf32, #tpu.memory_space<vmem>>) attributes {dimension_semantics = [#tpu.dimension_semantics<arbitrary>], iteration_bounds = array<i64: 5>, scalar_prefetch = 0 : i64, scratch_operands = 0 : i64, tpu.core_type = #tpu.core_type<tc>, window_params = [{transform_indices = @transform_0, window_bounds = array<i64: 2048, 128>}, {pipeline_mode = #tpu.pipeline_mode<synchronous>, transform_indices = @transform_1, window_bounds = array<i64: 128, 128>}, {pipeline_mode = #tpu.pipeline_mode<synchronous>, transform_indices = @transform_2, window_bounds = array<i64: 128>}, {transform_indices = @transform_3, window_bounds = array<i64: 2048, 128>}]} {
    %get3A = arith.constant 0 : index
    %get3A_0 = arith.constant 0 : index
    %get3A_1 = vector.load %arg1[%get3A, %get3A_0] : memref<2048x128xf32, #tpu.memory_space<vmem>>, vector<2048x128xf32>
    %get3A_2 = arith.constant 0 : index
    %get3A_3 = arith.constant 0 : index
    %get3A_4 = vector.load %arg2[%get3A_2, %get3A_3] : memref<128x128xf32, #tpu.memory_space<vmem>>, vector<128x128xf32>
    %dot_general3A = arith.constant dense<0.000000e+00> : vector<2048x128xf32>
    %dot_general3A_5 = tpu.matmul %get3A_1, %get3A_4, %dot_general3A {dimension_numbers = #tpu.dot_dimension_numbers<[1], [0], [0], [1], [0, 0, 1, 1], [], []>, transpose_lhs_hint = false} : vector<2048x128xf32>, vector<128x128xf32>, vector<2048x128xf32> -> vector<2048x128xf32>
    %get3A_6 = arith.constant 0 : index
    %get3A_7 = vector.load %arg3[%get3A_6] : memref<128xf32, #tpu.memory_space<vmem>>, vector<128xf32>
    %broadcast_in_dim3A = vector.shape_cast %get3A_7 : vector<128xf32> to vector<1x128xf32>
    %add3A = vector.broadcast %broadcast_in_dim3A : vector<1x128xf32> to vector<2048x128xf32>
    %add3A_8 = arith.addf %dot_general3A_5, %add3A : vector<2048x128xf32>
    %swap3A = arith.constant 0 : index
    %swap3A_9 = arith.constant 0 : index
    %swap3A_10 = vector.load %arg4[%swap3A, %swap3A_9] : memref<2048x128xf32, #tpu.memory_space<vmem>>, vector<2048x128xf32>
    tpu.vector_store %arg4[%swap3A, %swap3A_9], %add3A_8 {strides = array<i32>} : memref<2048x128xf32, #tpu.memory_space<vmem>>, vector<2048x128xf32>,
    return
  }
  func.func @transform_0(%arg0: i32) -> (i32, i32) {
    %c0_i32 = arith.constant 0 : i32
    %c0_i32_0 = arith.constant 0 : i32
    return %arg0, %c0_i32 : i32, i32
  }
  func.func @transform_1(%arg0: i32) -> (i32, i32) {
    %c0_i32 = arith.constant 0 : i32
    %c0_i32_0 = arith.constant 0 : i32
    %c0_i32_1 = arith.constant 0 : i32
    return %c0_i32, %c0_i32_0 : i32, i32
  }
  func.func @transform_2(%arg0: i32) -> i32 {
    %c0_i32 = arith.constant 0 : i32
    %c0_i32_0 = arith.constant 0 : i32
    return %c0_i32 : i32
  }
  func.func @transform_3(%arg0: i32) -> (i32, i32) {
    %c0_i32 = arith.constant 0 : i32
    %c0_i32_0 = arith.constant 0 : i32
    return %arg0, %c0_i32 : i32, i32
  }
}

module attributes {stable_mosaic.version = 14 : i64} {
  func.func @_tc_mlp_body(%arg0: i32, %arg1: memref<2048x128xf32, #tpu.memory_space<vmem>>, %arg2: memref<1x2048x128xf32, #tpu.memory_space<vmem>>, %arg3: memref<1x2048x128xf32, #tpu.memory_space<vmem>>, %arg4: memref<32x2048xf32, #tpu.memory_space<vmem>>, %arg5: memref<128x128xf32, #tpu.memory_space<vmem>>, %arg6: memref<128x128xf32, #tpu.memory_space<vmem>>, %arg7: memref<128xf32, #tpu.memory_space<vmem>>, %arg8: memref<128xf32, #tpu.memory_space<vmem>>, %arg9: memref<128x2xf32, #tpu.memory_space<vmem>>, %arg10: memref<2xf32, #tpu.memory_space<vmem>>, %arg11: memref<2048x2xf32, #tpu.memory_space<vmem>>) attributes {dimension_semantics = [#tpu.dimension_semantics<arbitrary>], iteration_bounds = array<i64: 5>, scalar_prefetch = 0 : i64, scratch_operands = 0 : i64, tpu.core_type = #tpu.core_type<tc>, window_params = [{transform_indices = @transform_0, window_bounds = array<i64: 2048, 128>}, {transform_indices = @transform_1, window_bounds = array<i64: 1, 2048, 128>}, {transform_indices = @transform_2, window_bounds = array<i64: 1, 2048, 128>}, {transform_indices = @transform_3, window_bounds = array<i64: 32, 2048>}, {pipeline_mode = #tpu.pipeline_mode<synchronous>, transform_indices = @transform_4, window_bounds = array<i64: 128, 128>}, {pipeline_mode = #tpu.pipeline_mode<synchronous>, transform_indices = @transform_5, window_bounds = array<i64: 128, 128>}, {pipeline_mode = #tpu.pipeline_mode<synchronous>, transform_indices = @transform_6, window_bounds = array<i64: 128>}, {pipeline_mode = #tpu.pipeline_mode<synchronous>, transform_indices = @transform_7, window_bounds = array<i64: 128>}, {pipeline_mode = #tpu.pipeline_mode<synchronous>, transform_indices = @transform_8, window_bounds = array<i64: 128, 2>}, {pipeline_mode = #tpu.pipeline_mode<synchronous>, transform_indices = @transform_9, window_bounds = array<i64: 2>}, {transform_indices = @transform_10, window_bounds = array<i64: 2048, 2>}]} {
    %get3A = arith.constant 0 : index
    %get3A_0 = arith.constant 0 : index
    %get3A_1 = arith.constant 0 : index
    %get3A_2 = vector.load %arg2[%get3A, %get3A_0, %get3A_1] : memref<1x2048x128xf32, #tpu.memory_space<vmem>>, vector<1x2048x128xf32>
    %get3A_3 = vector.shape_cast %get3A_2 : vector<1x2048x128xf32> to vector<2048x128xf32>
    %get3A_4 = arith.constant 0 : index
    %get3A_5 = arith.constant 0 : index
    %get3A_6 = arith.constant 0 : index
    %get3A_7 = vector.load %arg3[%get3A_4, %get3A_5, %get3A_6] : memref<1x2048x128xf32, #tpu.memory_space<vmem>>, vector<1x2048x128xf32>
    %get3A_8 = vector.shape_cast %get3A_7 : vector<1x2048x128xf32> to vector<2048x128xf32>
    %add3A = arith.addf %get3A_3, %get3A_8 : vector<2048x128xf32>
    %get3A_9 = arith.constant 0 : index
    %get3A_10 = arith.constant 0 : index
    %get3A_11 = vector.load %arg4[%get3A_9, %get3A_10] : memref<32x2048xf32, #tpu.memory_space<vmem>>, vector<32x2048xf32>
    %reduce_sum3A = arith.constant dense<0.000000e+00> : vector<2048xf32>
    %reduce_sum3A_12 = vector.multi_reduction <add>, %get3A_11, %reduce_sum3A [0] : vector<32x2048xf32> to vector<2048xf32>
    %broadcast_in_dim3A = vector.shape_cast %reduce_sum3A_12 : vector<2048xf32> to vector<2048x1xf32>
    %max3A = arith.constant 1.000000e+00 : f32
    %max3A_13 = vector.broadcast %max3A : f32 to vector<2048x1xf32>
    %max3A_14 = arith.maximumf %broadcast_in_dim3A, %max3A_13 : vector<2048x1xf32>
    %div3A = vector.broadcast %max3A_14 : vector<2048x1xf32> to vector<2048x128xf32>
    %div3A_15 = arith.divf %add3A, %div3A : vector<2048x128xf32>
    %get3A_16 = arith.constant 0 : index
    %get3A_17 = arith.constant 0 : index
    %get3A_18 = vector.load %arg1[%get3A_16, %get3A_17] : memref<2048x128xf32, #tpu.memory_space<vmem>>, vector<2048x128xf32>
    %get3A_19 = arith.constant 0 : index
    %get3A_20 = arith.constant 0 : index
    %get3A_21 = vector.load %arg5[%get3A_19, %get3A_20] : memref<128x128xf32, #tpu.memory_space<vmem>>, vector<128x128xf32>
    %dot_general3A = arith.constant dense<0.000000e+00> : vector<2048x128xf32>
    %dot_general3A_22 = tpu.matmul %div3A_15, %get3A_21, %dot_general3A {dimension_numbers = #tpu.dot_dimension_numbers<[1], [0], [0], [1], [0, 0, 1, 1], [], []>, transpose_lhs_hint = false} : vector<2048x128xf32>, vector<128x128xf32>, vector<2048x128xf32> -> vector<2048x128xf32>
    %add3A_23 = arith.addf %get3A_18, %dot_general3A_22 : vector<2048x128xf32>
    %max3A_24 = arith.constant 0.000000e+00 : f32
    %max3A_25 = vector.broadcast %max3A_24 : f32 to vector<2048x128xf32>
    %max3A_26 = arith.maximumf %add3A_23, %max3A_25 : vector<2048x128xf32>
    %get3A_27 = arith.constant 0 : index
    %get3A_28 = arith.constant 0 : index
    %get3A_29 = vector.load %arg6[%get3A_27, %get3A_28] : memref<128x128xf32, #tpu.memory_space<vmem>>, vector<128x128xf32>
    %dot_general3A_30 = arith.constant dense<0.000000e+00> : vector<2048x128xf32>
    %dot_general3A_31 = tpu.matmul %max3A_26, %get3A_29, %dot_general3A_30 {dimension_numbers = #tpu.dot_dimension_numbers<[1], [0], [0], [1], [0, 0, 1, 1], [], []>, transpose_lhs_hint = false} : vector<2048x128xf32>, vector<128x128xf32>, vector<2048x128xf32> -> vector<2048x128xf32>
    %get3A_32 = arith.constant 0 : index
    %get3A_33 = vector.load %arg7[%get3A_32] : memref<128xf32, #tpu.memory_space<vmem>>, vector<128xf32>
    %broadcast_in_dim3A_34 = vector.shape_cast %get3A_33 : vector<128xf32> to vector<1x128xf32>
    %add3A_35 = vector.broadcast %broadcast_in_dim3A_34 : vector<1x128xf32> to vector<2048x128xf32>
    %add3A_36 = arith.addf %dot_general3A_31, %add3A_35 : vector<2048x128xf32>
    %ge3A = arith.constant 0.000000e+00 : f32
    %ge3A_37 = vector.broadcast %ge3A : f32 to vector<2048x128xf32>
    %ge3A_38 = arith.cmpf oge, %add3A_36, %ge3A_37 : vector<2048x128xf32>
    %get3A_39 = arith.constant 0 : index
    %get3A_40 = vector.load %arg8[%get3A_39] : memref<128xf32, #tpu.memory_space<vmem>>, vector<128xf32>
    %broadcast_in_dim3A_41 = vector.shape_cast %get3A_40 : vector<128xf32> to vector<1x128xf32>
    %mul3A = vector.broadcast %broadcast_in_dim3A_41 : vector<1x128xf32> to vector<2048x128xf32>
    %mul3A_42 = arith.mulf %mul3A, %add3A_36 : vector<2048x128xf32>
    %select_n3A = arith.select %ge3A_38, %add3A_36, %mul3A_42 : vector<2048x128xi1>, vector<2048x128xf32>
    %get3A_43 = arith.constant 0 : index
    %get3A_44 = arith.constant 0 : index
    %get3A_45 = vector.load %arg9[%get3A_43, %get3A_44] : memref<128x2xf32, #tpu.memory_space<vmem>>, vector<128x2xf32>
    %dot_general3A_46 = arith.constant dense<0.000000e+00> : vector<2048x2xf32>
    %dot_general3A_47 = tpu.matmul %select_n3A, %get3A_45, %dot_general3A_46 {dimension_numbers = #tpu.dot_dimension_numbers<[1], [0], [0], [1], [0, 0, 1, 1], [], []>, transpose_lhs_hint = false} : vector<2048x128xf32>, vector<128x2xf32>, vector<2048x2xf32> -> vector<2048x2xf32>
    %get3A_48 = arith.constant 0 : index
    %get3A_49 = vector.load %arg10[%get3A_48] : memref<2xf32, #tpu.memory_space<vmem>>, vector<2xf32>
    %broadcast_in_dim3A_50 = vector.shape_cast %get3A_49 : vector<2xf32> to vector<1x2xf32>
    %add3A_51 = vector.broadcast %broadcast_in_dim3A_50 : vector<1x2xf32> to vector<2048x2xf32>
    %add3A_52 = arith.addf %dot_general3A_47, %add3A_51 : vector<2048x2xf32>
    %swap3A = arith.constant 0 : index
    %swap3A_53 = arith.constant 0 : index
    %swap3A_54 = vector.load %arg11[%swap3A, %swap3A_53] : memref<2048x2xf32, #tpu.memory_space<vmem>>, vector<2048x2xf32>
    tpu.vector_store %arg11[%swap3A, %swap3A_53], %add3A_52 {strides = array<i32>} : memref<2048x2xf32, #tpu.memory_space<vmem>>, vector<2048x2xf32>,
    return
  }
  func.func @transform_0(%arg0: i32) -> (i32, i32) {
    %c0_i32 = arith.constant 0 : i32
    %c0_i32_0 = arith.constant 0 : i32
    return %arg0, %c0_i32 : i32, i32
  }
  func.func @transform_1(%arg0: i32) -> (i32, i32, i32) {
    %c0_i32 = arith.constant 0 : i32
    %c0_i32_0 = arith.constant 0 : i32
    %c0_i32_1 = arith.constant 0 : i32
    return %c0_i32, %arg0, %c0_i32_0 : i32, i32, i32
  }
  func.func @transform_2(%arg0: i32) -> (i32, i32, i32) {
    %c1_i32 = arith.constant 1 : i32
    %c0_i32 = arith.constant 0 : i32
    %c0_i32_0 = arith.constant 0 : i32
    return %c1_i32, %arg0, %c0_i32 : i32, i32, i32
  }
  func.func @transform_3(%arg0: i32) -> (i32, i32) {
    %c0_i32 = arith.constant 0 : i32
    %c0_i32_0 = arith.constant 0 : i32
    return %c0_i32, %arg0 : i32, i32
  }
  func.func @transform_4(%arg0: i32) -> (i32, i32) {
    %c0_i32 = arith.constant 0 : i32
    %c0_i32_0 = arith.constant 0 : i32
    %c0_i32_1 = arith.constant 0 : i32
    return %c0_i32, %c0_i32_0 : i32, i32
  }
  func.func @transform_5(%arg0: i32) -> (i32, i32) {
    %c0_i32 = arith.constant 0 : i32
    %c0_i32_0 = arith.constant 0 : i32
    %c0_i32_1 = arith.constant 0 : i32
    return %c0_i32, %c0_i32_0 : i32, i32
  }
  func.func @transform_6(%arg0: i32) -> i32 {
    %c0_i32 = arith.constant 0 : i32
    %c0_i32_0 = arith.constant 0 : i32
    return %c0_i32 : i32
  }
  func.func @transform_7(%arg0: i32) -> i32 {
    %c0_i32 = arith.constant 0 : i32
    %c0_i32_0 = arith.constant 0 : i32
    return %c0_i32 : i32
  }
  func.func @transform_8(%arg0: i32) -> (i32, i32) {
    %c0_i32 = arith.constant 0 : i32
    %c0_i32_0 = arith.constant 0 : i32
    %c0_i32_1 = arith.constant 0 : i32
    return %c0_i32, %c0_i32_0 : i32, i32
  }
  func.func @transform_9(%arg0: i32) -> i32 {
    %c0_i32 = arith.constant 0 : i32
    %c0_i32_0 = arith.constant 0 : i32
    return %c0_i32 : i32
  }
  func.func @transform_10(%arg0: i32) -> (i32, i32) {
    %c0_i32 = arith.constant 0 : i32
    %c0_i32_0 = arith.constant 0 : i32
    return %arg0, %c0_i32 : i32, i32
  }
}

</mosaic_0001>

<sc_bundles>
// kernel: kernel.5.cloned.1.call-start
scs
__scs_entry_jumppad:
0x0: {  	(pc) =	sbr.rel $0x88, $3  }
0x1: {  	(tag) =	ssettag $0x0;
	lr =	simm.s32 $0x1  }
0x2: {  	[smem:$0x3F98] =	sst lr;
	_ =	strace $0xD0000000  }
0x3: {  	_ = 	snop  }
0x4: {  	_ = 	snop  }
0x5: {  	_ = 	snop  }
0x6: {  	_ = 	snop  }
0x7: {  	_ = 	snop  }
__scs_overlays_trampoline_lowered:
0x8: {  	[smem:$0x3FA7] =	sst s0  }
0x9: {  	[smem:$0x3FA8] =	sst s1  }
0xa: {  	[smem:$0x3FA9] =	sst s2  }
0xb: {  	[smem:$0x3FAA] =	sst s3  }
0xc: {  	[smem:$0x3FAB] =	sst s4  }
0xd: {  	[smem:$0x3FAC] =	sst s5  }
0xe: {  	[smem:$0x3FAD] =	sst s6  }
0xf: {  	[smem:$0x3FAE] =	sst s7  }
0x10: {  	[smem:$0x3FAF] =	sst s8  }
0x11: {  	[smem:$0x3FB0] =	sst s9;
	s0 =	simm.s32 @!p0 $0x0  }
0x12: {  	s1 =	sld [smem:$0x3F96];
	s0 =	simm.s32 @p0 $0x1  }
0x13: {  	[smem:$0x3FB1] =	sst s0;
	s0 =	simm.s32 @!p1 $0x0  }
0x14: {  	s2 =	sld [smem:$0x3F95];
	s0 =	simm.s32 @p1 $0x1  }
0x15: {  	[smem:$0x3FB2] =	sst s0;
	s0 =	simm.s32 @!p2 $0x0  }
0x16: {  	s3 =	sld [smem:$0x3FDB];
	s0 =	simm.s32 @p2 $0x1  }
0x17: {  	s4 =	simm.s32 $0x1BF5;
	[smem:$0x3FB4] =	sst s0  }
0x18: {  	s0 =	sld [smem:$0x3F97];
	_ =	swait.ge [sflag:s4], $0x0  }
0x19: {  	s7 =	sld [smem:$0x3F98]  }
0x1a: {  	s8 =	sadd.s32 $0xFFFFE003, lr  }
0x1b: {  	s9 =	sadd.s32 $0xFFFFFEF7, lr;
	s5 =	simm.s32 $0xFFFFFFFF;
	p2 =	slt.u32 s8, $0xFFFFF086  }
0x1c: {  	p1 =	slt.u32 s9, $0xF7A;
	s5 =	simm.s32 @!p2 $0x0  }
0x1d: {  	s5 =	simm.s32 @p1 $0x1;
	p0 =	seq.s32 s7, s2  }
0x1e: {  	s7 =	smul.u32 @!p0 $0xF7A, s2;
	p2 =	seq.s32 @!p0 s5, $0x0  }
0x1f: {  	s9 =	smul.u32 $0xF7A, s1;
	s8 =	simm.s32 @!p0 $0x1BF5;
	p2 =	por !p2, p0  }
0x20: {  	[sflag:s8] =	ssyncset.s32 @!p0 $0xFFFFF086;
	s6 =	sadd.s32 @!p0 s3, s7;
	s7 =	simm.s32 @!p0 $0x108  }
0x21: {  	s3 =	sadd.s32 s3, s9;
	s6 =	sadd.s32 @!p0 $0x88, s6;
	s7 =	simm.s32 @p2 $0x1082  }
0x22: {  	[simem:s7], [sflag:s8] =	dma.local @!p0 [hbm:s6], $0xF7A  }
0x23: {  	s9 =	sor.u32 $0xD0000000, s2;
	s6 =	simm.s32 $0x108;
	_ =	swait.ge @!p0 [sflag:s8], $0x0  }
0x24: {  	s3 =	sadd.s32 $0x88, s3;
	s6 =	simm.s32 @!p1 $0x1082;
	[sflag:s4] =	ssyncset.s32 $0xFFFFF086  }
0x25: {  	[simem:s6], [sflag:s4] =	dma.local [hbm:s3], $0xF7A  }
0x26: {  	[smem:$0x3F98] =	sst s1;
	(tag) =	ssettag s2;
	_ =	strace s9  }
0x27: {  	s1 =	sld [smem:$0x3FA8]  }
0x28: {  	s2 =	sld [smem:$0x3FA9]  }
0x29: {  	s4 =	sld [smem:$0x3FAB]  }
0x2a: {  	p0 =	seq.s32 s5, $0x0;
	s5 =	sld [smem:$0x3FAC]  }
0x2b: {  	s6 =	sld [smem:$0x3FAD]  }
0x2c: {  	s7 =	sld [smem:$0x3FAE]  }
0x2d: {  	s3 =	simm.s32 $0x108;
	s8 =	sld [smem:$0x3FAF]  }
0x2e: {  	s3 =	simm.s32 @!p0 $0x1082;
	s9 =	sld [smem:$0x3FB0]  }
0x2f: {  	lr =	sadd.s32 s0, s3;
	s0 =	sld [smem:$0x3FA7]  }
0x30: {  	s3 =	sld [smem:$0x3FAA]  }
0x31: {  	[smem:$0x3FB3] =	sst s10  }
0x32: {  	s10 =	sld [smem:$0x3FB1];
	_ =	sdelay $0x3  }
0x33: {  	p0 =	seq.s32 s10, $0x1;
	s10 =	sld [smem:$0x3FB3];
	_ =	sdelay $0x3  }
0x34: {  	[smem:$0x3FB3] =	sst s10  }
0x35: {  	s10 =	sld [smem:$0x3FB2];
	_ =	sdelay $0x3  }
0x36: {  	p1 =	seq.s32 s10, $0x1;
	s10 =	sld [smem:$0x3FB3];
	_ =	sdelay $0x3  }
0x37: {  	[smem:$0x3FB3] =	sst s10  }
0x38: {  	s10 =	sld [smem:$0x3FB4]  }
0x39: {  	_ = 	snop;
	(pc) =	sbr.ind lr, $3  }
0x3a: {  	_ = 	snop  }
0x3b: {  	_ = 	snop  }
0x3c: {  	p2 =	seq.s32 s10, $0x1;
	s10 =	sld [smem:$0x3FB3]  }
0x3d: {  	_ =	shalt  }
0x3e: {  	_ =	shalt  }
0x3f: {  	_ =	shalt  }
0x40: {  	_ =	shalt  }
0x41: {  	_ =	shalt  }
0x42: {  	_ =	shalt  }
0x43: {  	_ =	shalt  }
0x44: {  	_ =	shalt  }
0x45: {  	_ =	shalt  }
0x46: {  	_ =	shalt  }
0x47: {  	_ =	shalt  }
0x48: {  	_ =	shalt  }
0x49: {  	_ =	shalt  }
0x4a: {  	_ =	shalt  }
0x4b: {  	_ =	shalt  }
0x4c: {  	_ =	shalt  }
0x4d: {  	_ =	shalt  }
0x4e: {  	_ =	shalt  }
0x4f: {  	_ =	shalt  }
0x50: {  	_ =	shalt  }
0x51: {  	_ =	shalt  }
0x52: {  	_ =	shalt  }
0x53: {  	_ =	shalt  }
0x54: {  	_ =	shalt  }
0x55: {  	_ =	shalt  }
0x56: {  	_ =	shalt  }
0x57: {  	_ =	shalt  }
0x58: {  	_ =	shalt  }
0x59: {  	_ =	shalt  }
0x5a: {  	_ =	shalt  }
0x5b: {  	_ =	shalt  }
0x5c: {  	_ =	shalt  }
0x5d: {  	_ =	shalt  }
0x5e: {  	_ =	shalt  }
0x5f: {  	_ =	shalt  }
0x60: {  	_ =	shalt  }
0x61: {  	_ =	shalt  }
0x62: {  	_ =	shalt  }
0x63: {  	_ =	shalt  }
0x64: {  	_ =	shalt  }
0x65: {  	_ =	shalt  }
0x66: {  	_ =	shalt  }
0x67: {  	_ =	shalt  }
0x68: {  	_ =	shalt  }
0x69: {  	_ =	shalt  }
0x6a: {  	_ =	shalt  }
0x6b: {  	_ =	shalt  }
0x6c: {  	_ =	shalt  }
0x6d: {  	_ =	shalt  }
0x6e: {  	_ =	shalt  }
0x6f: {  	_ =	shalt  }
0x70: {  	_ =	shalt  }
0x71: {  	_ =	shalt  }
0x72: {  	_ =	shalt  }
0x73: {  	_ =	shalt  }
0x74: {  	_ =	shalt  }
0x75: {  	_ =	shalt  }
0x76: {  	_ =	shalt  }
0x77: {  	_ =	shalt  }
0x78: {  	_ =	shalt  }
0x79: {  	_ =	shalt  }
0x7a: {  	_ =	shalt  }
0x7b: {  	_ =	shalt  }
0x7c: {  	_ =	shalt  }
0x7d: {  	_ =	shalt  }
0x7e: {  	_ =	shalt  }
0x7f: {  	_ =	shalt  }
0x80: {  	_ =	shalt  }
0x81: {  	_ =	shalt  }
0x82: {  	_ =	shalt  }
0x83: {  	_ =	shalt  }
0x84: {  	_ =	shalt  }
0x85: {  	_ =	shalt  }
0x86: {  	_ =	shalt  }
0x87: {  	_ =	shalt  }
.Lfunc_end0:
.L_simem_size_0:
called_computation_lowered:
.L_overlay_start_0:
0x88: {  	s2 =	sld [smem:$0x3FD9]  }
0x89: {  	s3 =	sld [smem:$0x3FFE];
	_ =	sdelay $0x1  }
0x8a: {  	s1 =	srdreg.scid  }
0x8b: {  	s0 =	sand.u32 $0x1, s1  }
0x8c: {  	s17 =	sshll.u32 s0, $0xA;
	s2 =	sadd.s32 s3, s2  }
0x8d: {  	s2 =	sadd.s32 s2, s17  }
0x8e: {  	[smem:$0x3FBF] =	sst s2  }
0x8f: {  	_ = 	snop  }
0x90: {  	s2 =	sld [smem:$0x3FC9]  }
0x91: {  	s18 =	sld [smem:$0x3FD0];
	(tm) =	ssettm $0x1  }
0x92: {  	s4 =	sld [smem:$0x3FFB];
	_ =	sdelay $0x3  }
0x93: {  	_ =	strace s4  }
0x94: {  	s4 =	sld [smem:$0x3FFC];
	_ =	sdelay $0x3  }
0x95: {  	_ =	strace s4  }
0x96: {  	s4 =	sld [smem:$0x3FFD];
	_ =	sdelay $0x3  }
0x97: {  	_ =	strace s4  }
0x98: {  	_ =	strace $0x8FFFFFFF  }
0x99: {  	s19 =	sld [smem:$0x3FDB];
	_ =	sdelay $0x1  }
0x9a: {  	s5 =	simm.s32 $_scs_section_size  }
0x9b: {  	s6 =	simm.s32 $_size__tile_overlayer_lowered;
	s7 =	simm.s32 $_tile_overlayer_lowered  }
0x9c: {  	s22 =	simm.s32 $0x1BFF;
	s21 =	sshll.u32 s7, $0x1;
	s4 =	sadd.s32 s5, s19  }
0x9d: {  	s8 =	simm.s32 $0x0;
	s20 =	sshll.u32 s6, $0x1;
	s6 =	sadd.s32 s21, s4  }
0x9e: {  	[timem:s8], [sflag:s22] =	dma.local [hbm:s6], s20  }
0x9f: {  	_ =	swait.ge [sflag:s22], s20  }
0xa0: {  	s5 =	ssub.s32 $0x0, s20;
	[sflag:s22] =	ssyncset.done $0x0  }
0xa1: {  	[sflag:s22] =	ssyncadd.s32 s5;
	_ =	sdelay $0x1  }
0xa2: {  	s23 =	simm.s32 $0x1B8B  }
0xa3: {  	_ =	swait.ge [sflag:s23], $0x1  }
0xa4: {  	[sflag:s23] =	ssyncset.done $0x0  }
0xa5: {  	s25 =	simm.s32 $0x1B8E;
	s24 =	sld [smem:$0x3FFE];
	[sflag:s23] =	ssyncadd.s32 $0xFFFFFFFF  }
0xa6: {  	s26 =	simm.s32 $execute0_lowered;
	[smem:$0x3FD2] =	sst s25  }
0xa7: {  	s6 =	sshll.u32 s26, $0x1;
	_ =	strace $0x80000046;
	[dreg:$0x1] =	wrdreg $0xFFFFFFFF  }
0xa8: {  	s28 =	simm.s32 $_size_execute0_lowered;
	s4 =	sadd.s32 s4, s6;
	[dreg:$0x0] =	wrdreg $0x0  }
0xa9: {  	s6 =	sshll.u32 s28, $0x1;
	[dreg:$0x2] =	wrdreg s4  }
0xaa: {  	[dreg:$0x3] =	wrdreg s6  }
0xab: {  	[dreg:$0x4] =	wrdreg $0xC0  }
0xac: {  	_ =	task [dreg:s8], $0x5FFFF  }
0xad: {  	[dreg:$0x1] =	wrdreg $0xFFFFFFFF  }
0xae: {  	[dreg:$0x0] =	wrdreg $0x60  }
0xaf: {  	[dreg:$0x2] =	wrdreg s2  }
0xb0: {  	[dreg:$0x3] =	wrdreg s24  }
0xb1: {  	[dreg:$0x4] =	wrdreg s18  }
0xb2: {  	[dreg:$0x5] =	wrdreg $0x0  }
0xb3: {  	[dreg:$0x6] =	wrdreg $0x9  }
0xb4: {  	_ =	task.clear_ibuf [dreg:s8], $0x7FFFF;
	_ =	strace $0x90000046  }
0xb5: {  	s29 =	simm.s32 $0x9;
	_ =	strace $0x80000048  }
0xb6: {  	_ =	swait.ge [sflag:s29], $0x1  }
0xb7: {  	[sflag:s29] =	ssyncadd.s32 $0xFFFFFFFF  }
0xb8: {  	_ =	strace $0x90000048  }
0xb9: {  	_ =	sfence  }
0xba: {  	s30 =	sld [smem:$0x0];
	_ =	sdelay $0x2  }
0xbb: {  	s31 =	sshll.u32 s1, $0xD;
	s1 =	sshrl.u32 s1, $0x2  }
0xbc: {  	s3 =	sand.u32 $0x4000, s31;
	s1 =	sadd.s32 s1, s30  }
0xbd: {  	s0 =	sor.u32 s3, s0;
	s1 =	sshll.u32 s1, $0x11  }
0xbe: {  	s0 =	sor.u32 s1, s0  }
0xbf: {  	s0 =	sadd.s32 $0x8F2B, s0  }
0xc0: {  	[sflag:s0] =	ssyncadd.remote.s32 $0x1  }
0xc1: {  	_ =	sfence.sel $0xFFFF  }
0xc2: {  	[dreg:$0x0] =	wrdreg $0xFFFFFFFF;
	(pc) =	sbr.abs _section_cstart, $3  }
0xc3: {  	[dreg:$0x1] =	wrdreg $0xFFFFFFFF  }
0xc4: {  	_ =	task.clear_ibuf [dreg:s8], $0x2FFFF;
	_ =	strace $0x9FFFFFFF  }
0xc5: {  	(tm) =	ssettm $0x7FFFFFFF  }
tec
execute0_lowered:
.L_overlay_start_1:
0x0: {  	(tag) =	ssettag $0x1  }
0x1: {  	s1 =	rddreg [dreg:$0x0]  }
0x2: {  	s0 =	rddreg [dreg:$0x1]  }
0x3: {  	s3 =	rddreg [dreg:$0x3]  }
0x4: {  	s2 =	srdreg.scid;
	s5 =	simm.s32 $0x0;
	s15 =	stileid.u32  }
0x5: {  	s28 =	simm.s32 $0x14100;
	s29 =	simm.s32 $0x80;
	s30 =	simm.s32 $0x14900  }
0x6: {  	s31 =	simm.s32 $0x13980;
	s2 =	sand.u32 $0x1, s2;
	[smem:$0x7FF] =	sst s5  }
0x7: {  	s7 =	sadd.s32 $0xBC00, s0;
	s9 =	sadd.s32 $0x1C00, s0;
	s10 =	sshll.u32 s15, $0x7  }
0x8: {  	s11 =	sadd.s32 $0x18600, s0;
	s12 =	smul.u32 $0x4E000, s15;
	s14 =	sshll.u32 s15, $0x6  }
0x9: {  	s16 =	sadd.s32 $0x138000, s3;
	p0 =	sne.s32 s15, $0xF;
	s4 =	sshll.u32 s2, $0x4  }
0xa: {  	s26 =	ssub.s32 $0x2, s2;
	s2 =	smul.u32 $0x138800, s2;
	s4 =	sor.u32 s15, s4  }
0xb: {  	_ =	strace $0x80000047;
	s6 =	sshrl.u32 s4, $0x3;
	s4 =	smul.u32 $0x2800, s4  }
0xc: {  	s10 =	sand.u32 $0x380, s10;
	[dreg:$0x6] =	wrdreg s16;
	s8 =	smul.u32 $0x13C00, s6  }
0xd: {  	s13 =	sshrl.u32 s26, $0x1;
	s6 =	sadd.s32 $0x15C00, s0;
	s4 =	sshrl.u32 s4, $0x3  }
0xe: {  	s8 =	sor.u32 s10, s8;
	s10 =	ssub.s32 s26, s13;
	s13 =	sshrl.u32 s12, $0x2  }
0xf: {  	s17 =	sadd.s32 $0x100, s4;
	s18 =	sadd.s32 s7, s4;
	s19 =	sadd.s32 s9, s4  }
0x10: {  	s21 =	sadd.s32 $0x200, s4;
	s23 =	sadd.s32 $0x300, s4;
	[dreg:$0x7] =	wrdreg s18  }
0x11: {  	s4 =	sadd.s32 $0x400, s4;
	s8 =	sshrl.u32 s8, $0x3;
	[dreg:$0x8] =	wrdreg s19  }
0x12: {  	s20 =	sadd.s32 s7, s17;
	s12 =	sadd.s32 s9, s17;
	s22 =	sadd.s32 s7, s21  }
0x13: {  	s24 =	sadd.s32 s7, s23;
	s17 =	sadd.s32 s9, s23;
	s18 =	sadd.s32 s7, s4  }
0x14: {  	s19 =	sadd.s32 s9, s4;
	s23 =	smax.u32 s10, $0x1;
	[dreg:$0x9] =	wrdreg s20  }
0x15: {  	s4 =	simm.s32 $0x1;
	s7 =	simm.s32 $0x2;
	[dreg:$0xa] =	wrdreg s12  }
0x16: {  	s10 =	simm.s32 $0x14880;
	s0 =	sadd.s32 s8, s0;
	[dreg:$0xb] =	wrdreg s22  }
0x17: {  	s8 =	sadd.s32 s13, s3;
	s12 =	sadd.s32 s9, s21;
	[dreg:$0xd] =	wrdreg s24  }
0x18: {  	[dreg:$0x5] =	wrdreg s8;
	s8 =	sor.u32 $0x1C05, s14;
	s14 =	smul.u32 $0x13800, s15  }
0x19: {  	s24 =	simm.s32 $0x5;
	s9 =	simm.s32 $0x4;
	[dreg:$0xc] =	wrdreg s12  }
0x1a: {  	s22 =	sadd.s32 $0x66800, s0;
	s25 =	sadd.s32 s14, s2;
	s2 =	sshrl.u32 s2, $0x3  }
0x1b: {  	s0 =	simm.s32 $0x18900;
	s26 =	sshrl.u32 s25, $0x3;
	s2 =	sadd.s32 s11, s2  }
0x1c: {  	s25 =	simm.s32 $0x1C900;
	s20 =	sadd.s32 s11, s26;
	s21 =	sadd.s32 $0x27000, s2  }
0x1d: {  	s26 =	simm.s32 $0x13900;
	s2 =	simm.s32 $0x3;
	s11 =	simm.s32 $0x0  }
.LBB2_1:
0x1e: {  	s12 =	rddreg [dreg:$0x5]  }
0x1f: {  	s12 =	sshrl.u32 s12, $0x3  }
0x20: {  	[spmem:s12], [sflag:s8] =	dma.local [hbm:s6], $0x2700  }
0x21: {  	_ =	swait.ge [sflag:s24], $0x2700  }
0x22: {  	[sflag:s24] =	ssyncset.done $0x0;
	s13 =	rddreg [dreg:$0x6]  }
0x23: {  	s14 =	simm.s32 @!p0 $0x5;
	[sflag:s24] =	ssyncadd.s32 $0xFFFFD900;
	s13 =	sshrl.u32 @!p0 s13, $0x3  }
0x24: {  	[spmem:s13], [sflag:s8] =	dma.local @!p0 [hbm:s6], $0x200  }
0x25: {  	_ =	swait.ge @!p0 [sflag:s14], $0x200  }
0x26: {  	[sflag:s14] =	ssyncset.done @!p0 $0x0  }
0x27: {  	[sflag:s14] =	ssyncadd.s32 @!p0 $0xFFFFFE00  }
0x28: {  	s14 =	rddreg [dreg:$0x2]  }
0x29: {  	[tilespmem:s25], [sflag:$0x5] =	stream.linear.gather [hbm4b:s14+s5], $0x2780, $0x38;
	[tilespmem:$0x1F080] =	vst v63  }
0x2a: {  	_ =	swait.ge [sflag:s24], $0x2780  }
0x2b: {  	[sflag:s24] =	ssyncset.done $0x0  }
0x2c: {  	[sflag:s24] =	ssyncadd.s32 $0xFFFFD880  }
0x2d: {  	[bflag:$0x0] =	sbarrier.arrive $0xFFFF  }
0x2e: {  	s15 =	rddreg [dreg:$0x7]  }
0x2f: {  	[tilespmem:s26], [sflag:$0x5] =	stream.linear.gather [hbm4b:s15+s5], $0x800, $0x38;
	[tilespmem:$0x1F080] =	vst v63  }
0x30: {  	_ =	swait.ge [sflag:s24], $0x800  }
0x31: {  	[sflag:s24] =	ssyncset.done $0x0  }
0x32: {  	s16 =	rddreg [dreg:$0x8];
	[sflag:s24] =	ssyncadd.s32 $0xFFFFF800  }
0x33: {  	[tilespmem:s28], [sflag:$0x5] =	stream.linear.gather [hbm4b:s16+s5], $0x800, $0x38;
	[tilespmem:$0x1F080] =	vst v63  }
0x34: {  	_ =	swait.ge [sflag:s24], $0x800  }
0x35: {  	[sflag:s24] =	ssyncset.done $0x0  }
0x36: {  	[sflag:s24] =	ssyncadd.s32 $0xFFFFF800  }
0x37: {  	[tilespmem:s30], [sflag:$0x1] =	stream.indirect.gather [hbm4b:s1+s29], $0x80, s26, s29, $0xb8;
	[tilespmem:$0x1F080] =	vst v63  }
0x38: {  	_ = 	snop  }
0x39: {  	[tilespmem:s0], [sflag:$0x2] =	stream.indirect.gather [hbm4b:s1+s29], $0x80, s31, s29, $0xb8;
	[tilespmem:$0x1F080] =	vst v63  }
0x3a: {  	v0 =	vld [tilespmem:$0x14100];
	_ =	sdelay $0x4  }
0x3b: {  	(xrf1) =	vunique.msk.u32 $0xffff, v0;
	_ =	sdelay $0xd  }
0x3c: {  	_, v1, vm0 =	vpop (xrf1);
	_ =	sdelay $0x3  }
0x3d: {  	v1 =	vcvt.s32.f32 v1;
	_ =	sdelay $0x1  }
0x3e: {  	[tilespmem:v0+s25+$0x0] =	vst.idx.add.f32.msk vm0, v1  }
0x3f: {  	v0 =	vld [tilespmem:$0x14110];
	_ =	sdelay $0x4  }
0x40: {  	(xrf1) =	vunique.msk.u32 $0xffff, v0;
	_ =	sdelay $0xd  }
0x41: {  	_, v1, vm0 =	vpop (xrf1);
	_ =	sdelay $0x3  }
0x42: {  	v1 =	vcvt.s32.f32 v1;
	_ =	sdelay $0x1  }
0x43: {  	[tilespmem:v0+s25+$0x0] =	vst.idx.add.f32.msk vm0, v1  }
0x44: {  	v0 =	vld [tilespmem:$0x14120];
	_ =	sdelay $0x4  }
0x45: {  	(xrf1) =	vunique.msk.u32 $0xffff, v0;
	_ =	sdelay $0xd  }
0x46: {  	_, v1, vm0 =	vpop (xrf1);
	_ =	sdelay $0x3  }
0x47: {  	v1 =	vcvt.s32.f32 v1;
	_ =	sdelay $0x1  }
0x48: {  	[tilespmem:v0+s25+$0x0] =	vst.idx.add.f32.msk vm0, v1  }
0x49: {  	v0 =	vld [tilespmem:$0x14130];
	_ =	sdelay $0x4  }
0x4a: {  	(xrf1) =	vunique.msk.u32 $0xffff, v0;
	_ =	sdelay $0xd  }
0x4b: {  	_, v1, vm0 =	vpop (xrf1);
	_ =	sdelay $0x3  }
0x4c: {  	v1 =	vcvt.s32.f32 v1;
	_ =	sdelay $0x1  }
0x4d: {  	[tilespmem:v0+s25+$0x0] =	vst.idx.add.f32.msk vm0, v1  }
0x4e: {  	v0 =	vld [tilespmem:$0x14140];
	_ =	sdelay $0x4  }
0x4f: {  	(xrf1) =	vunique.msk.u32 $0xffff, v0;
	_ =	sdelay $0xd  }
0x50: {  	_, v1, vm0 =	vpop (xrf1);
	_ =	sdelay $0x3  }
0x51: {  	v1 =	vcvt.s32.f32 v1;
	_ =	sdelay $0x1  }
0x52: {  	[tilespmem:v0+s25+$0x0] =	vst.idx.add.f32.msk vm0, v1  }
0x53: {  	v0 =	vld [tilespmem:$0x14150];
	_ =	sdelay $0x4  }
0x54: {  	(xrf1) =	vunique.msk.u32 $0xffff, v0;
	_ =	sdelay $0xd  }
0x55: {  	_, v1, vm0 =	vpop (xrf1);
	_ =	sdelay $0x3  }
0x56: {  	v1 =	vcvt.s32.f32 v1;
	_ =	sdelay $0x1  }
0x57: {  	[tilespmem:v0+s25+$0x0] =	vst.idx.add.f32.msk vm0, v1  }
0x58: {  	v0 =	vld [tilespmem:$0x14160];
	_ =	sdelay $0x4  }
0x59: {  	(xrf1) =	vunique.msk.u32 $0xffff, v0;
	_ =	sdelay $0xd  }
0x5a: {  	_, v1, vm0 =	vpop (xrf1);
	_ =	sdelay $0x3  }
0x5b: {  	v1 =	vcvt.s32.f32 v1;
	_ =	sdelay $0x1  }
0x5c: {  	[tilespmem:v0+s25+$0x0] =	vst.idx.add.f32.msk vm0, v1  }
0x5d: {  	v0 =	vld [tilespmem:$0x14170];
	_ =	sdelay $0x4  }
0x5e: {  	(xrf1) =	vunique.msk.u32 $0xffff, v0;
	_ =	sdelay $0xd  }
0x5f: {  	_, v1, vm0 =	vpop (xrf1);
	_ =	sdelay $0x3  }
0x60: {  	v1 =	vcvt.s32.f32 v1;
	_ =	sdelay $0x1  }
0x61: {  	[tilespmem:v0+s25+$0x0] =	vst.idx.add.f32.msk vm0, v1  }
0x62: {  	_ =	swait.ge [sflag:s4], $0x4000  }
0x63: {  	[sflag:s4] =	ssyncset.done $0x0  }
0x64: {  	s14 =	simm.s32 $0x0;
	[sflag:s4] =	ssyncadd.s32 $0xFFFFC000  }
0x65: {  	[spmem:s3] =	stream.indirect.scatter.add.f32 [tilespmem:s30], [sflag:$0x3], $0x80, s28, s29, $0xb8;
	[tilespmem:$0x1F080] =	vst v63  }
.LBB2_2:
0x66: {  	_ =	swait.ge [sflag:s2], $0x4000  }
0x67: {  	s15 =	sshra.s32 s14, $0x2;
	[sflag:s2] =	ssyncset.done $0x0  }
0x68: {  	s16 =	sadd.s32 $0x13A00, s15;
	[sflag:s2] =	ssyncadd.s32 $0xFFFFC000  }
0x69: {  	[tilespmem:s30], [sflag:$0x1] =	stream.indirect.gather [hbm4b:s1+s29], $0x80, s16, s29, $0xb8;
	[tilespmem:$0x1F080] =	vst v63  }
0x6a: {  	v0 =	vld [tilespmem:s15+$0x14180];
	_ =	sdelay $0x4  }
0x6b: {  	(xrf1) =	vunique.msk.u32 $0xffff, v0;
	_ =	sdelay $0xd  }
0x6c: {  	_, v1, vm0 =	vpop (xrf1);
	_ =	sdelay $0x3  }
0x6d: {  	v1 =	vcvt.s32.f32 v1;
	_ =	sdelay $0x1  }
0x6e: {  	[tilespmem:v0+s25+$0x0] =	vst.idx.add.f32.msk vm0, v1  }
0x6f: {  	v0 =	vld [tilespmem:s15+$0x14190];
	_ =	sdelay $0x4  }
0x70: {  	(xrf1) =	vunique.msk.u32 $0xffff, v0;
	_ =	sdelay $0xd  }
0x71: {  	_, v1, vm0 =	vpop (xrf1);
	_ =	sdelay $0x3  }
0x72: {  	v1 =	vcvt.s32.f32 v1;
	_ =	sdelay $0x1  }
0x73: {  	[tilespmem:v0+s25+$0x0] =	vst.idx.add.f32.msk vm0, v1  }
0x74: {  	v0 =	vld [tilespmem:s15+$0x141A0];
	_ =	sdelay $0x4  }
0x75: {  	(xrf1) =	vunique.msk.u32 $0xffff, v0;
	_ =	sdelay $0xd  }
0x76: {  	_, v1, vm0 =	vpop (xrf1);
	_ =	sdelay $0x3  }
0x77: {  	v1 =	vcvt.s32.f32 v1;
	_ =	sdelay $0x1  }
0x78: {  	[tilespmem:v0+s25+$0x0] =	vst.idx.add.f32.msk vm0, v1  }
0x79: {  	v0 =	vld [tilespmem:s15+$0x141B0];
	_ =	sdelay $0x4  }
0x7a: {  	(xrf1) =	vunique.msk.u32 $0xffff, v0;
	_ =	sdelay $0xd  }
0x7b: {  	_, v1, vm0 =	vpop (xrf1);
	_ =	sdelay $0x3  }
0x7c: {  	v1 =	vcvt.s32.f32 v1;
	_ =	sdelay $0x1  }
0x7d: {  	[tilespmem:v0+s25+$0x0] =	vst.idx.add.f32.msk vm0, v1  }
0x7e: {  	v0 =	vld [tilespmem:s15+$0x141C0];
	_ =	sdelay $0x4  }
0x7f: {  	(xrf1) =	vunique.msk.u32 $0xffff, v0;
	_ =	sdelay $0xd  }
0x80: {  	_, v1, vm0 =	vpop (xrf1);
	_ =	sdelay $0x3  }
0x81: {  	v1 =	vcvt.s32.f32 v1;
	_ =	sdelay $0x1  }
0x82: {  	[tilespmem:v0+s25+$0x0] =	vst.idx.add.f32.msk vm0, v1  }
0x83: {  	v0 =	vld [tilespmem:s15+$0x141D0];
	_ =	sdelay $0x4  }
0x84: {  	(xrf1) =	vunique.msk.u32 $0xffff, v0;
	_ =	sdelay $0xd  }
0x85: {  	_, v1, vm0 =	vpop (xrf1);
	_ =	sdelay $0x3  }
0x86: {  	v1 =	vcvt.s32.f32 v1;
	_ =	sdelay $0x1  }
0x87: {  	[tilespmem:v0+s25+$0x0] =	vst.idx.add.f32.msk vm0, v1  }
0x88: {  	v0 =	vld [tilespmem:s15+$0x141E0];
	_ =	sdelay $0x4  }
0x89: {  	(xrf1) =	vunique.msk.u32 $0xffff, v0;
	_ =	sdelay $0xd  }
0x8a: {  	_, v1, vm0 =	vpop (xrf1);
	_ =	sdelay $0x3  }
0x8b: {  	v1 =	vcvt.s32.f32 v1;
	_ =	sdelay $0x1  }
0x8c: {  	[tilespmem:v0+s25+$0x0] =	vst.idx.add.f32.msk vm0, v1  }
0x8d: {  	v0 =	vld [tilespmem:s15+$0x141F0];
	_ =	sdelay $0x4  }
0x8e: {  	(xrf1) =	vunique.msk.u32 $0xffff, v0;
	_ =	sdelay $0xd  }
0x8f: {  	_, v1, vm0 =	vpop (xrf1);
	_ =	sdelay $0x3  }
0x90: {  	v1 =	vcvt.s32.f32 v1;
	_ =	sdelay $0x1  }
0x91: {  	[tilespmem:v0+s25+$0x0] =	vst.idx.add.f32.msk vm0, v1  }
0x92: {  	_ =	swait.ge [sflag:s7], $0x4000  }
0x93: {  	[sflag:s7] =	ssyncset.done $0x0  }
0x94: {  	s16 =	sadd.s32 $0x14180, s15;
	[sflag:s7] =	ssyncadd.s32 $0xFFFFC000  }
0x95: {  	[spmem:s3] =	stream.indirect.scatter.add.f32 [tilespmem:s0], [sflag:$0x4], $0x80, s16, s29, $0xb8;
	[tilespmem:$0x1F080] =	vst v63  }
0x96: {  	_ =	swait.ge [sflag:s9], $0x4000  }
0x97: {  	[sflag:s9] =	ssyncset.done $0x0  }
0x98: {  	s16 =	sadd.s32 $0x13A80, s15;
	[sflag:s9] =	ssyncadd.s32 $0xFFFFC000  }
0x99: {  	[tilespmem:s0], [sflag:$0x2] =	stream.indirect.gather [hbm4b:s1+s29], $0x80, s16, s29, $0xb8;
	[tilespmem:$0x1F080] =	vst v63  }
0x9a: {  	v63 =	vld [tilespmem:s15+$0x14200];
	_ =	sdelay $0x4  }
0x9b: {  	(xrf1) =	vunique.msk.u32 $0xffff, v63;
	_ =	sdelay $0xd  }
0x9c: {  	_, v1, vm0 =	vpop (xrf1);
	_ =	sdelay $0x3  }
0x9d: {  	v1 =	vcvt.s32.f32 v1;
	_ =	sdelay $0x1  }
0x9e: {  	[tilespmem:v63+s25+$0x0] =	vst.idx.add.f32.msk vm0, v1  }
0x9f: {  	v0 =	vld [tilespmem:s15+$0x14210];
	_ =	sdelay $0x4  }
0xa0: {  	(xrf1) =	vunique.msk.u32 $0xffff, v0;
	_ =	sdelay $0xd  }
0xa1: {  	_, v1, vm0 =	vpop (xrf1);
	_ =	sdelay $0x3  }
0xa2: {  	v1 =	vcvt.s32.f32 v1;
	_ =	sdelay $0x1  }
0xa3: {  	[tilespmem:v0+s25+$0x0] =	vst.idx.add.f32.msk vm0, v1  }
0xa4: {  	v0 =	vld [tilespmem:s15+$0x14220];
	_ =	sdelay $0x4  }
0xa5: {  	(xrf1) =	vunique.msk.u32 $0xffff, v0;
	_ =	sdelay $0xd  }
0xa6: {  	_, v1, vm0 =	vpop (xrf1);
	_ =	sdelay $0x3  }
0xa7: {  	v1 =	vcvt.s32.f32 v1;
	_ =	sdelay $0x1  }
0xa8: {  	[tilespmem:v0+s25+$0x0] =	vst.idx.add.f32.msk vm0, v1  }
0xa9: {  	v0 =	vld [tilespmem:s15+$0x14230];
	_ =	sdelay $0x4  }
0xaa: {  	(xrf1) =	vunique.msk.u32 $0xffff, v0;
	_ =	sdelay $0xd  }
0xab: {  	_, v1, vm0 =	vpop (xrf1);
	_ =	sdelay $0x3  }
0xac: {  	v1 =	vcvt.s32.f32 v1;
	_ =	sdelay $0x1  }
0xad: {  	[tilespmem:v0+s25+$0x0] =	vst.idx.add.f32.msk vm0, v1  }
0xae: {  	v0 =	vld [tilespmem:s15+$0x14240];
	_ =	sdelay $0x4  }
0xaf: {  	(xrf1) =	vunique.msk.u32 $0xffff, v0;
	_ =	sdelay $0xd  }
0xb0: {  	_, v1, vm0 =	vpop (xrf1);
	_ =	sdelay $0x3  }
0xb1: {  	v1 =	vcvt.s32.f32 v1;
	_ =	sdelay $0x1  }
0xb2: {  	[tilespmem:v0+s25+$0x0] =	vst.idx.add.f32.msk vm0, v1  }
0xb3: {  	v0 =	vld [tilespmem:s15+$0x14250];
	_ =	sdelay $0x4  }
0xb4: {  	(xrf1) =	vunique.msk.u32 $0xffff, v0;
	_ =	sdelay $0xd  }
0xb5: {  	_, v1, vm0 =	vpop (xrf1);
	_ =	sdelay $0x3  }
0xb6: {  	v1 =	vcvt.s32.f32 v1;
	_ =	sdelay $0x1  }
0xb7: {  	[tilespmem:v0+s25+$0x0] =	vst.idx.add.f32.msk vm0, v1  }
0xb8: {  	v0 =	vld [tilespmem:s15+$0x14260];
	_ =	sdelay $0x4  }
0xb9: {  	(xrf1) =	vunique.msk.u32 $0xffff, v0;
	_ =	sdelay $0xd  }
0xba: {  	_, v1, vm0 =	vpop (xrf1);
	_ =	sdelay $0x3  }
0xbb: {  	v1 =	vcvt.s32.f32 v1;
	_ =	sdelay $0x1  }
0xbc: {  	[tilespmem:v0+s25+$0x0] =	vst.idx.add.f32.msk vm0, v1  }
0xbd: {  	v0 =	vld [tilespmem:s15+$0x14270];
	_ =	sdelay $0x4  }
0xbe: {  	(xrf1) =	vunique.msk.u32 $0xffff, v0;
	_ =	sdelay $0xd  }
0xbf: {  	_, v1, vm0 =	vpop (xrf1);
	_ =	sdelay $0x3  }
0xc0: {  	v1 =	vcvt.s32.f32 v1  }
0xc1: {  	p1 =	sne.s32 s14, $0x1800  }
.Ltmp0:
0xc2: {  	[tilespmem:v0+s25+$0x0] =	vst.idx.add.f32.msk vm0, v1;
	(pc) =	sbr.rel @p1 .LBB2_2-.Ltmp0, $4  }
0xc3: {  	_ =	swait.ge [sflag:s4], $0x4000  }
0xc4: {  	[sflag:s4] =	ssyncset.done $0x0  }
0xc5: {  	s14 =	sadd.s32 $0x400, s14;
	s15 =	sadd.s32 $0x14200, s15;
	[sflag:s4] =	ssyncadd.s32 $0xFFFFC000  }
0xc6: {  	[spmem:s3] =	stream.indirect.scatter.add.f32 [tilespmem:s30], [sflag:$0x3], $0x80, s15, s29, $0xb8;
	[tilespmem:$0x1F080] =	vst v63  }
0xc7: {  	_ =	swait.ge [sflag:s2], $0x4000  }
0xc8: {  	[sflag:s2] =	ssyncset.done $0x0  }
0xc9: {  	[sflag:s2] =	ssyncadd.s32 $0xFFFFC000  }
0xca: {  	v0 =	vld [tilespmem:$0x14880];
	_ =	sdelay $0x4  }
0xcb: {  	(xrf1) =	vunique.msk.u32 $0xffff, v0;
	_ =	sdelay $0xd  }
0xcc: {  	_, v1, vm0 =	vpop (xrf1);
	_ =	sdelay $0x3  }
0xcd: {  	v1 =	vcvt.s32.f32 v1;
	_ =	sdelay $0x1  }
0xce: {  	[tilespmem:v0+s25+$0x0] =	vst.idx.add.f32.msk vm0, v1  }
0xcf: {  	v0 =	vld [tilespmem:$0x14890];
	_ =	sdelay $0x4  }
0xd0: {  	(xrf1) =	vunique.msk.u32 $0xffff, v0;
	_ =	sdelay $0xd  }
0xd1: {  	_, v1, vm0 =	vpop (xrf1);
	_ =	sdelay $0x3  }
0xd2: {  	v1 =	vcvt.s32.f32 v1;
	_ =	sdelay $0x1  }
0xd3: {  	[tilespmem:v0+s25+$0x0] =	vst.idx.add.f32.msk vm0, v1  }
0xd4: {  	v0 =	vld [tilespmem:$0x148A0];
	_ =	sdelay $0x4  }
0xd5: {  	(xrf1) =	vunique.msk.u32 $0xffff, v0;
	_ =	sdelay $0xd  }
0xd6: {  	_, v1, vm0 =	vpop (xrf1);
	_ =	sdelay $0x3  }
0xd7: {  	v1 =	vcvt.s32.f32 v1;
	_ =	sdelay $0x1  }
0xd8: {  	[tilespmem:v0+s25+$0x0] =	vst.idx.add.f32.msk vm0, v1  }
0xd9: {  	v0 =	vld [tilespmem:$0x148B0];
	_ =	sdelay $0x4  }
0xda: {  	(xrf1) =	vunique.msk.u32 $0xffff, v0;
	_ =	sdelay $0xd  }
0xdb: {  	_, v1, vm0 =	vpop (xrf1);
	_ =	sdelay $0x3  }
0xdc: {  	v1 =	vcvt.s32.f32 v1;
	_ =	sdelay $0x1  }
0xdd: {  	[tilespmem:v0+s25+$0x0] =	vst.idx.add.f32.msk vm0, v1  }
0xde: {  	v0 =	vld [tilespmem:$0x148C0];
	_ =	sdelay $0x4  }
0xdf: {  	(xrf1) =	vunique.msk.u32 $0xffff, v0;
	_ =	sdelay $0xd  }
0xe0: {  	_, v1, vm0 =	vpop (xrf1);
	_ =	sdelay $0x3  }
0xe1: {  	v1 =	vcvt.s32.f32 v1;
	_ =	sdelay $0x1  }
0xe2: {  	[tilespmem:v0+s25+$0x0] =	vst.idx.add.f32.msk vm0, v1  }
0xe3: {  	v0 =	vld [tilespmem:$0x148D0];
	_ =	sdelay $0x4  }
0xe4: {  	(xrf1) =	vunique.msk.u32 $0xffff, v0;
	_ =	sdelay $0xd  }
0xe5: {  	_, v1, vm0 =	vpop (xrf1);
	_ =	sdelay $0x3  }
0xe6: {  	v1 =	vcvt.s32.f32 v1;
	_ =	sdelay $0x1  }
0xe7: {  	[tilespmem:v0+s25+$0x0] =	vst.idx.add.f32.msk vm0, v1  }
0xe8: {  	v0 =	vld [tilespmem:$0x148E0];
	_ =	sdelay $0x4  }
0xe9: {  	(xrf1) =	vunique.msk.u32 $0xffff, v0;
	_ =	sdelay $0xd  }
0xea: {  	_, v1, vm0 =	vpop (xrf1);
	_ =	sdelay $0x3  }
0xeb: {  	v1 =	vcvt.s32.f32 v1;
	_ =	sdelay $0x1  }
0xec: {  	[tilespmem:v0+s25+$0x0] =	vst.idx.add.f32.msk vm0, v1  }
0xed: {  	v0 =	vld [tilespmem:$0x148F0];
	_ =	sdelay $0x4  }
0xee: {  	(xrf1) =	vunique.msk.u32 $0xffff, v0;
	_ =	sdelay $0xd  }
0xef: {  	_, v1, vm0 =	vpop (xrf1);
	_ =	sdelay $0x3  }
0xf0: {  	v1 =	vcvt.s32.f32 v1;
	_ =	sdelay $0x1  }
0xf1: {  	[tilespmem:v0+s25+$0x0] =	vst.idx.add.f32.msk vm0, v1  }
0xf2: {  	_ =	swait.ge [sflag:s7], $0x4000  }
0xf3: {  	[sflag:s7] =	ssyncset.done $0x0  }
0xf4: {  	[sflag:s7] =	ssyncadd.s32 $0xFFFFC000  }
0xf5: {  	[spmem:s3] =	stream.indirect.scatter.add.f32 [tilespmem:s0], [sflag:$0x4], $0x80, s10, s29, $0xb8;
	[tilespmem:$0x1F080] =	vst v63  }
0xf6: {  	_ =	swait.ge [sflag:s9], $0x4000  }
0xf7: {  	[sflag:s9] =	ssyncset.done $0x0  }
0xf8: {  	s14 =	simm.s32 $0x0;
	s15 =	rddreg [dreg:$0x9];
	[sflag:s9] =	ssyncadd.s32 $0xFFFFC000  }
0xf9: {  	[tilespmem:s26], [sflag:$0x5] =	stream.linear.gather [hbm4b:s15+s14], $0x800, $0x38;
	[tilespmem:$0x1F080] =	vst v63  }
0xfa: {  	_ =	swait.ge [sflag:s24], $0x800  }
0xfb: {  	[sflag:s24] =	ssyncset.done $0x0  }
0xfc: {  	s16 =	rddreg [dreg:$0xa];
	[sflag:s24] =	ssyncadd.s32 $0xFFFFF800  }
0xfd: {  	[tilespmem:s28], [sflag:$0x5] =	stream.linear.gather [hbm4b:s16+s14], $0x800, $0x38;
	[tilespmem:$0x1F080] =	vst v63  }
0xfe: {  	_ =	swait.ge [sflag:s24], $0x800  }
0xff: {  	[sflag:s24] =	ssyncset.done $0x0  }
0x100: {  	[sflag:s24] =	ssyncadd.s32 $0xFFFFF800  }
0x101: {  	[tilespmem:s30], [sflag:$0x1] =	stream.indirect.gather [hbm4b:s1+s29], $0x80, s26, s29, $0xb8;
	[tilespmem:$0x1F080] =	vst v63  }
0x102: {  	_ = 	snop  }
0x103: {  	[tilespmem:s0], [sflag:$0x2] =	stream.indirect.gather [hbm4b:s1+s29], $0x80, s31, s29, $0xb8;
	[tilespmem:$0x1F080] =	vst v63  }
0x104: {  	v63 =	vld [tilespmem:$0x14100];
	_ =	sdelay $0x4  }
0x105: {  	(xrf1) =	vunique.msk.u32 $0xffff, v63;
	_ =	sdelay $0xd  }
0x106: {  	_, v1, vm0 =	vpop (xrf1);
	_ =	sdelay $0x3  }
0x107: {  	v1 =	vcvt.s32.f32 v1;
	_ =	sdelay $0x1  }
0x108: {  	[tilespmem:v63+s25+$0x0] =	vst.idx.add.f32.msk vm0, v1  }
0x109: {  	v0 =	vld [tilespmem:$0x14110];
	_ =	sdelay $0x4  }
0x10a: {  	(xrf1) =	vunique.msk.u32 $0xffff, v0;
	_ =	sdelay $0xd  }
0x10b: {  	_, v1, vm0 =	vpop (xrf1);
	_ =	sdelay $0x3  }
0x10c: {  	v1 =	vcvt.s32.f32 v1;
	_ =	sdelay $0x1  }
0x10d: {  	[tilespmem:v0+s25+$0x0] =	vst.idx.add.f32.msk vm0, v1  }
0x10e: {  	v0 =	vld [tilespmem:$0x14120];
	_ =	sdelay $0x4  }
0x10f: {  	(xrf1) =	vunique.msk.u32 $0xffff, v0;
	_ =	sdelay $0xd  }
0x110: {  	_, v1, vm0 =	vpop (xrf1);
	_ =	sdelay $0x3  }
0x111: {  	v1 =	vcvt.s32.f32 v1;
	_ =	sdelay $0x1  }
0x112: {  	[tilespmem:v0+s25+$0x0] =	vst.idx.add.f32.msk vm0, v1  }
0x113: {  	v0 =	vld [tilespmem:$0x14130];
	_ =	sdelay $0x4  }
0x114: {  	(xrf1) =	vunique.msk.u32 $0xffff, v0;
	_ =	sdelay $0xd  }
0x115: {  	_, v1, vm0 =	vpop (xrf1);
	_ =	sdelay $0x3  }
0x116: {  	v1 =	vcvt.s32.f32 v1;
	_ =	sdelay $0x1  }
0x117: {  	[tilespmem:v0+s25+$0x0] =	vst.idx.add.f32.msk vm0, v1  }
0x118: {  	v0 =	vld [tilespmem:$0x14140];
	_ =	sdelay $0x4  }
0x119: {  	(xrf1) =	vunique.msk.u32 $0xffff, v0;
	_ =	sdelay $0xd  }
0x11a: {  	_, v1, vm0 =	vpop (xrf1);
	_ =	sdelay $0x3  }
0x11b: {  	v1 =	vcvt.s32.f32 v1;
	_ =	sdelay $0x1  }
0x11c: {  	[tilespmem:v0+s25+$0x0] =	vst.idx.add.f32.msk vm0, v1  }
0x11d: {  	v0 =	vld [tilespmem:$0x14150];
	_ =	sdelay $0x4  }
0x11e: {  	(xrf1) =	vunique.msk.u32 $0xffff, v0;
	_ =	sdelay $0xd  }
0x11f: {  	_, v1, vm0 =	vpop (xrf1);
	_ =	sdelay $0x3  }
0x120: {  	v1 =	vcvt.s32.f32 v1;
	_ =	sdelay $0x1  }
0x121: {  	[tilespmem:v0+s25+$0x0] =	vst.idx.add.f32.msk vm0, v1  }
0x122: {  	v0 =	vld [tilespmem:$0x14160];
	_ =	sdelay $0x4  }
0x123: {  	(xrf1) =	vunique.msk.u32 $0xffff, v0;
	_ =	sdelay $0xd  }
0x124: {  	_, v1, vm0 =	vpop (xrf1);
	_ =	sdelay $0x3  }
0x125: {  	v1 =	vcvt.s32.f32 v1;
	_ =	sdelay $0x1  }
0x126: {  	[tilespmem:v0+s25+$0x0] =	vst.idx.add.f32.msk vm0, v1  }
0x127: {  	v0 =	vld [tilespmem:$0x14170];
	_ =	sdelay $0x4  }
0x128: {  	(xrf1) =	vunique.msk.u32 $0xffff, v0;
	_ =	sdelay $0xd  }
0x129: {  	_, v1, vm0 =	vpop (xrf1);
	_ =	sdelay $0x3  }
0x12a: {  	v1 =	vcvt.s32.f32 v1;
	_ =	sdelay $0x1  }
0x12b: {  	[tilespmem:v0+s25+$0x0] =	vst.idx.add.f32.msk vm0, v1  }
0x12c: {  	_ =	swait.ge [sflag:s4], $0x4000  }
0x12d: {  	[sflag:s4] =	ssyncset.done $0x0  }
0x12e: {  	[sflag:s4] =	ssyncadd.s32 $0xFFFFC000  }
0x12f: {  	[spmem:s3] =	stream.indirect.scatter.add.f32 [tilespmem:s30], [sflag:$0x3], $0x80, s28, s29, $0xb8;
	[tilespmem:$0x1F080] =	vst v63  }
.LBB2_4:
0x130: {  	_ =	swait.ge [sflag:s2], $0x4000  }
0x131: {  	s15 =	sshra.s32 s14, $0x2;
	[sflag:s2] =	ssyncset.done $0x0  }
0x132: {  	s16 =	sadd.s32 $0x13A00, s15;
	[sflag:s2] =	ssyncadd.s32 $0xFFFFC000  }
0x133: {  	[tilespmem:s30], [sflag:$0x1] =	stream.indirect.gather [hbm4b:s1+s29], $0x80, s16, s29, $0xb8;
	[tilespmem:$0x1F080] =	vst v63  }
0x134: {  	v0 =	vld [tilespmem:s15+$0x14180];
	_ =	sdelay $0x4  }
0x135: {  	(xrf1) =	vunique.msk.u32 $0xffff, v0;
	_ =	sdelay $0xd  }
0x136: {  	_, v1, vm0 =	vpop (xrf1);
	_ =	sdelay $0x3  }
0x137: {  	v1 =	vcvt.s32.f32 v1;
	_ =	sdelay $0x1  }
0x138: {  	[tilespmem:v0+s25+$0x0] =	vst.idx.add.f32.msk vm0, v1  }
0x139: {  	v0 =	vld [tilespmem:s15+$0x14190];
	_ =	sdelay $0x4  }
0x13a: {  	(xrf1) =	vunique.msk.u32 $0xffff, v0;
	_ =	sdelay $0xd  }
0x13b: {  	_, v1, vm0 =	vpop (xrf1);
	_ =	sdelay $0x3  }
0x13c: {  	v1 =	vcvt.s32.f32 v1;
	_ =	sdelay $0x1  }
0x13d: {  	[tilespmem:v0+s25+$0x0] =	vst.idx.add.f32.msk vm0, v1  }
0x13e: {  	v0 =	vld [tilespmem:s15+$0x141A0];
	_ =	sdelay $0x4  }
0x13f: {  	(xrf1) =	vunique.msk.u32 $0xffff, v0;
	_ =	sdelay $0xd  }
0x140: {  	_, v1, vm0 =	vpop (xrf1);
	_ =	sdelay $0x3  }
0x141: {  	v1 =	vcvt.s32.f32 v1;
	_ =	sdelay $0x1  }
0x142: {  	[tilespmem:v0+s25+$0x0] =	vst.idx.add.f32.msk vm0, v1  }
0x143: {  	v0 =	vld [tilespmem:s15+$0x141B0];
	_ =	sdelay $0x4  }
0x144: {  	(xrf1) =	vunique.msk.u32 $0xffff, v0;
	_ =	sdelay $0xd  }
0x145: {  	_, v1, vm0 =	vpop (xrf1);
	_ =	sdelay $0x3  }
0x146: {  	v1 =	vcvt.s32.f32 v1;
	_ =	sdelay $0x1  }
0x147: {  	[tilespmem:v0+s25+$0x0] =	vst.idx.add.f32.msk vm0, v1  }
0x148: {  	v0 =	vld [tilespmem:s15+$0x141C0];
	_ =	sdelay $0x4  }
0x149: {  	(xrf1) =	vunique.msk.u32 $0xffff, v0;
	_ =	sdelay $0xd  }
0x14a: {  	_, v1, vm0 =	vpop (xrf1);
	_ =	sdelay $0x3  }
0x14b: {  	v1 =	vcvt.s32.f32 v1;
	_ =	sdelay $0x1  }
0x14c: {  	[tilespmem:v0+s25+$0x0] =	vst.idx.add.f32.msk vm0, v1  }
0x14d: {  	v0 =	vld [tilespmem:s15+$0x141D0];
	_ =	sdelay $0x4  }
0x14e: {  	(xrf1) =	vunique.msk.u32 $0xffff, v0;
	_ =	sdelay $0xd  }
0x14f: {  	_, v1, vm0 =	vpop (xrf1);
	_ =	sdelay $0x3  }
0x150: {  	v1 =	vcvt.s32.f32 v1;
	_ =	sdelay $0x1  }
0x151: {  	[tilespmem:v0+s25+$0x0] =	vst.idx.add.f32.msk vm0, v1  }
0x152: {  	v0 =	vld [tilespmem:s15+$0x141E0];
	_ =	sdelay $0x4  }
0x153: {  	(xrf1) =	vunique.msk.u32 $0xffff, v0;
	_ =	sdelay $0xd  }
0x154: {  	_, v1, vm0 =	vpop (xrf1);
	_ =	sdelay $0x3  }
0x155: {  	v1 =	vcvt.s32.f32 v1;
	_ =	sdelay $0x1  }
0x156: {  	[tilespmem:v0+s25+$0x0] =	vst.idx.add.f32.msk vm0, v1  }
0x157: {  	v0 =	vld [tilespmem:s15+$0x141F0];
	_ =	sdelay $0x4  }
0x158: {  	(xrf1) =	vunique.msk.u32 $0xffff, v0;
	_ =	sdelay $0xd  }
0x159: {  	_, v1, vm0 =	vpop (xrf1);
	_ =	sdelay $0x3  }
0x15a: {  	v1 =	vcvt.s32.f32 v1;
	_ =	sdelay $0x1  }
0x15b: {  	[tilespmem:v0+s25+$0x0] =	vst.idx.add.f32.msk vm0, v1  }
0x15c: {  	_ =	swait.ge [sflag:s7], $0x4000  }
0x15d: {  	[sflag:s7] =	ssyncset.done $0x0  }
0x15e: {  	s16 =	sadd.s32 $0x14180, s15;
	[sflag:s7] =	ssyncadd.s32 $0xFFFFC000  }
0x15f: {  	[spmem:s3] =	stream.indirect.scatter.add.f32 [tilespmem:s0], [sflag:$0x4], $0x80, s16, s29, $0xb8;
	[tilespmem:$0x1F080] =	vst v63  }
0x160: {  	_ =	swait.ge [sflag:s9], $0x4000  }
0x161: {  	[sflag:s9] =	ssyncset.done $0x0  }
0x162: {  	s16 =	sadd.s32 $0x13A80, s15;
	[sflag:s9] =	ssyncadd.s32 $0xFFFFC000  }
0x163: {  	[tilespmem:s0], [sflag:$0x2] =	stream.indirect.gather [hbm4b:s1+s29], $0x80, s16, s29, $0xb8;
	[tilespmem:$0x1F080] =	vst v63  }
0x164: {  	v63 =	vld [tilespmem:s15+$0x14200];
	_ =	sdelay $0x4  }
0x165: {  	(xrf1) =	vunique.msk.u32 $0xffff, v63;
	_ =	sdelay $0xd  }
0x166: {  	_, v1, vm0 =	vpop (xrf1);
	_ =	sdelay $0x3  }
0x167: {  	v1 =	vcvt.s32.f32 v1;
	_ =	sdelay $0x1  }
0x168: {  	[tilespmem:v63+s25+$0x0] =	vst.idx.add.f32.msk vm0, v1  }
0x169: {  	v0 =	vld [tilespmem:s15+$0x14210];
	_ =	sdelay $0x4  }
0x16a: {  	(xrf1) =	vunique.msk.u32 $0xffff, v0;
	_ =	sdelay $0xd  }
0x16b: {  	_, v1, vm0 =	vpop (xrf1);
	_ =	sdelay $0x3  }
0x16c: {  	v1 =	vcvt.s32.f32 v1;
	_ =	sdelay $0x1  }
0x16d: {  	[tilespmem:v0+s25+$0x0] =	vst.idx.add.f32.msk vm0, v1  }
0x16e: {  	v0 =	vld [tilespmem:s15+$0x14220];
	_ =	sdelay $0x4  }
0x16f: {  	(xrf1) =	vunique.msk.u32 $0xffff, v0;
	_ =	sdelay $0xd  }
0x170: {  	_, v1, vm0 =	vpop (xrf1);
	_ =	sdelay $0x3  }
0x171: {  	v1 =	vcvt.s32.f32 v1;
	_ =	sdelay $0x1  }
0x172: {  	[tilespmem:v0+s25+$0x0] =	vst.idx.add.f32.msk vm0, v1  }
0x173: {  	v0 =	vld [tilespmem:s15+$0x14230];
	_ =	sdelay $0x4  }
0x174: {  	(xrf1) =	vunique.msk.u32 $0xffff, v0;
	_ =	sdelay $0xd  }
0x175: {  	_, v1, vm0 =	vpop (xrf1);
	_ =	sdelay $0x3  }
0x176: {  	v1 =	vcvt.s32.f32 v1;
	_ =	sdelay $0x1  }
0x177: {  	[tilespmem:v0+s25+$0x0] =	vst.idx.add.f32.msk vm0, v1  }
0x178: {  	v0 =	vld [tilespmem:s15+$0x14240];
	_ =	sdelay $0x4  }
0x179: {  	(xrf1) =	vunique.msk.u32 $0xffff, v0;
	_ =	sdelay $0xd  }
0x17a: {  	_, v1, vm0 =	vpop (xrf1);
	_ =	sdelay $0x3  }
0x17b: {  	v1 =	vcvt.s32.f32 v1;
	_ =	sdelay $0x1  }
0x17c: {  	[tilespmem:v0+s25+$0x0] =	vst.idx.add.f32.msk vm0, v1  }
0x17d: {  	v0 =	vld [tilespmem:s15+$0x14250];
	_ =	sdelay $0x4  }
0x17e: {  	(xrf1) =	vunique.msk.u32 $0xffff, v0;
	_ =	sdelay $0xd  }
0x17f: {  	_, v1, vm0 =	vpop (xrf1);
	_ =	sdelay $0x3  }
0x180: {  	v1 =	vcvt.s32.f32 v1;
	_ =	sdelay $0x1  }
0x181: {  	[tilespmem:v0+s25+$0x0] =	vst.idx.add.f32.msk vm0, v1  }
0x182: {  	v0 =	vld [tilespmem:s15+$0x14260];
	_ =	sdelay $0x4  }
0x183: {  	(xrf1) =	vunique.msk.u32 $0xffff, v0;
	_ =	sdelay $0xd  }
0x184: {  	_, v1, vm0 =	vpop (xrf1);
	_ =	sdelay $0x3  }
0x185: {  	v1 =	vcvt.s32.f32 v1;
	_ =	sdelay $0x1  }
0x186: {  	[tilespmem:v0+s25+$0x0] =	vst.idx.add.f32.msk vm0, v1  }
0x187: {  	v0 =	vld [tilespmem:s15+$0x14270];
	_ =	sdelay $0x4  }
0x188: {  	(xrf1) =	vunique.msk.u32 $0xffff, v0;
	_ =	sdelay $0xd  }
0x189: {  	_, v1, vm0 =	vpop (xrf1);
	_ =	sdelay $0x3  }
0x18a: {  	v1 =	vcvt.s32.f32 v1  }
0x18b: {  	p1 =	sne.s32 s14, $0x1800  }
.Ltmp1:
0x18c: {  	[tilespmem:v0+s25+$0x0] =	vst.idx.add.f32.msk vm0, v1;
	(pc) =	sbr.rel @p1 .LBB2_4-.Ltmp1, $4  }
0x18d: {  	_ =	swait.ge [sflag:s4], $0x4000  }
0x18e: {  	[sflag:s4] =	ssyncset.done $0x0  }
0x18f: {  	s14 =	sadd.s32 $0x400, s14;
	s15 =	sadd.s32 $0x14200, s15;
	[sflag:s4] =	ssyncadd.s32 $0xFFFFC000  }
0x190: {  	[spmem:s3] =	stream.indirect.scatter.add.f32 [tilespmem:s30], [sflag:$0x3], $0x80, s15, s29, $0xb8;
	[tilespmem:$0x1F080] =	vst v63  }
0x191: {  	_ =	swait.ge [sflag:s2], $0x4000  }
0x192: {  	[sflag:s2] =	ssyncset.done $0x0  }
0x193: {  	[sflag:s2] =	ssyncadd.s32 $0xFFFFC000  }
0x194: {  	v0 =	vld [tilespmem:$0x14880];
	_ =	sdelay $0x4  }
0x195: {  	(xrf1) =	vunique.msk.u32 $0xffff, v0;
	_ =	sdelay $0xd  }
0x196: {  	_, v1, vm0 =	vpop (xrf1);
	_ =	sdelay $0x3  }
0x197: {  	v1 =	vcvt.s32.f32 v1;
	_ =	sdelay $0x1  }
0x198: {  	[tilespmem:v0+s25+$0x0] =	vst.idx.add.f32.msk vm0, v1  }
0x199: {  	v0 =	vld [tilespmem:$0x14890];
	_ =	sdelay $0x4  }
0x19a: {  	(xrf1) =	vunique.msk.u32 $0xffff, v0;
	_ =	sdelay $0xd  }
0x19b: {  	_, v1, vm0 =	vpop (xrf1);
	_ =	sdelay $0x3  }
0x19c: {  	v1 =	vcvt.s32.f32 v1;
	_ =	sdelay $0x1  }
0x19d: {  	[tilespmem:v0+s25+$0x0] =	vst.idx.add.f32.msk vm0, v1  }
0x19e: {  	v0 =	vld [tilespmem:$0x148A0];
	_ =	sdelay $0x4  }
0x19f: {  	(xrf1) =	vunique.msk.u32 $0xffff, v0;
	_ =	sdelay $0xd  }
0x1a0: {  	_, v1, vm0 =	vpop (xrf1);
	_ =	sdelay $0x3  }
0x1a1: {  	v1 =	vcvt.s32.f32 v1;
	_ =	sdelay $0x1  }
0x1a2: {  	[tilespmem:v0+s25+$0x0] =	vst.idx.add.f32.msk vm0, v1  }
0x1a3: {  	v0 =	vld [tilespmem:$0x148B0];
	_ =	sdelay $0x4  }
0x1a4: {  	(xrf1) =	vunique.msk.u32 $0xffff, v0;
	_ =	sdelay $0xd  }
0x1a5: {  	_, v1, vm0 =	vpop (xrf1);
	_ =	sdelay $0x3  }
0x1a6: {  	v1 =	vcvt.s32.f32 v1;
	_ =	sdelay $0x1  }
0x1a7: {  	[tilespmem:v0+s25+$0x0] =	vst.idx.add.f32.msk vm0, v1  }
0x1a8: {  	v0 =	vld [tilespmem:$0x148C0];
	_ =	sdelay $0x4  }
0x1a9: {  	(xrf1) =	vunique.msk.u32 $0xffff, v0;
	_ =	sdelay $0xd  }
0x1aa: {  	_, v1, vm0 =	vpop (xrf1);
	_ =	sdelay $0x3  }
0x1ab: {  	v1 =	vcvt.s32.f32 v1;
	_ =	sdelay $0x1  }
0x1ac: {  	[tilespmem:v0+s25+$0x0] =	vst.idx.add.f32.msk vm0, v1  }
0x1ad: {  	v0 =	vld [tilespmem:$0x148D0];
	_ =	sdelay $0x4  }
0x1ae: {  	(xrf1) =	vunique.msk.u32 $0xffff, v0;
	_ =	sdelay $0xd  }
0x1af: {  	_, v1, vm0 =	vpop (xrf1);
	_ =	sdelay $0x3  }
0x1b0: {  	v1 =	vcvt.s32.f32 v1;
	_ =	sdelay $0x1  }
0x1b1: {  	[tilespmem:v0+s25+$0x0] =	vst.idx.add.f32.msk vm0, v1  }
0x1b2: {  	v0 =	vld [tilespmem:$0x148E0];
	_ =	sdelay $0x4  }
0x1b3: {  	(xrf1) =	vunique.msk.u32 $0xffff, v0;
	_ =	sdelay $0xd  }
0x1b4: {  	_, v1, vm0 =	vpop (xrf1);
	_ =	sdelay $0x3  }
0x1b5: {  	v1 =	vcvt.s32.f32 v1;
	_ =	sdelay $0x1  }
0x1b6: {  	[tilespmem:v0+s25+$0x0] =	vst.idx.add.f32.msk vm0, v1  }
0x1b7: {  	v0 =	vld [tilespmem:$0x148F0];
	_ =	sdelay $0x4  }
0x1b8: {  	(xrf1) =	vunique.msk.u32 $0xffff, v0;
	_ =	sdelay $0xd  }
0x1b9: {  	_, v1, vm0 =	vpop (xrf1);
	_ =	sdelay $0x3  }
0x1ba: {  	v1 =	vcvt.s32.f32 v1;
	_ =	sdelay $0x1  }
0x1bb: {  	[tilespmem:v0+s25+$0x0] =	vst.idx.add.f32.msk vm0, v1  }
0x1bc: {  	_ =	swait.ge [sflag:s7], $0x4000  }
0x1bd: {  	[sflag:s7] =	ssyncset.done $0x0  }
0x1be: {  	[sflag:s7] =	ssyncadd.s32 $0xFFFFC000  }
0x1bf: {  	[spmem:s3] =	stream.indirect.scatter.add.f32 [tilespmem:s0], [sflag:$0x4], $0x80, s10, s29, $0xb8;
	[tilespmem:$0x1F080] =	vst v63  }
0x1c0: {  	_ =	swait.ge [sflag:s9], $0x4000  }
0x1c1: {  	[sflag:s9] =	ssyncset.done $0x0  }
0x1c2: {  	s14 =	simm.s32 $0x0;
	s15 =	rddreg [dreg:$0xb];
	[sflag:s9] =	ssyncadd.s32 $0xFFFFC000  }
0x1c3: {  	[tilespmem:s26], [sflag:$0x5] =	stream.linear.gather [hbm4b:s15+s14], $0x800, $0x38;
	[tilespmem:$0x1F080] =	vst v63  }
0x1c4: {  	_ =	swait.ge [sflag:s24], $0x800  }
0x1c5: {  	[sflag:s24] =	ssyncset.done $0x0  }
0x1c6: {  	s16 =	rddreg [dreg:$0xc];
	[sflag:s24] =	ssyncadd.s32 $0xFFFFF800  }
0x1c7: {  	[tilespmem:s28], [sflag:$0x5] =	stream.linear.gather [hbm4b:s16+s14], $0x800, $0x38;
	[tilespmem:$0x1F080] =	vst v63  }
0x1c8: {  	_ =	swait.ge [sflag:s24], $0x800  }
0x1c9: {  	[sflag:s24] =	ssyncset.done $0x0  }
0x1ca: {  	[sflag:s24] =	ssyncadd.s32 $0xFFFFF800  }
0x1cb: {  	[tilespmem:s30], [sflag:$0x1] =	stream.indirect.gather [hbm4b:s1+s29], $0x80, s26, s29, $0xb8;
	[tilespmem:$0x1F080] =	vst v63  }
0x1cc: {  	_ = 	snop  }
0x1cd: {  	[tilespmem:s0], [sflag:$0x2] =	stream.indirect.gather [hbm4b:s1+s29], $0x80, s31, s29, $0xb8;
	[tilespmem:$0x1F080] =	vst v63  }
0x1ce: {  	v63 =	vld [tilespmem:$0x14100];
	_ =	sdelay $0x4  }
0x1cf: {  	(xrf1) =	vunique.msk.u32 $0xffff, v63;
	_ =	sdelay $0xd  }
0x1d0: {  	_, v1, vm0 =	vpop (xrf1);
	_ =	sdelay $0x3  }
0x1d1: {  	v1 =	vcvt.s32.f32 v1;
	_ =	sdelay $0x1  }
0x1d2: {  	[tilespmem:v63+s25+$0x0] =	vst.idx.add.f32.msk vm0, v1  }
0x1d3: {  	v0 =	vld [tilespmem:$0x14110];
	_ =	sdelay $0x4  }
0x1d4: {  	(xrf1) =	vunique.msk.u32 $0xffff, v0;
	_ =	sdelay $0xd  }
0x1d5: {  	_, v1, vm0 =	vpop (xrf1);
	_ =	sdelay $0x3  }
0x1d6: {  	v1 =	vcvt.s32.f32 v1;
	_ =	sdelay $0x1  }
0x1d7: {  	[tilespmem:v0+s25+$0x0] =	vst.idx.add.f32.msk vm0, v1  }
0x1d8: {  	v0 =	vld [tilespmem:$0x14120];
	_ =	sdelay $0x4  }
0x1d9: {  	(xrf1) =	vunique.msk.u32 $0xffff, v0;
	_ =	sdelay $0xd  }
0x1da: {  	_, v1, vm0 =	vpop (xrf1);
	_ =	sdelay $0x3  }
0x1db: {  	v1 =	vcvt.s32.f32 v1;
	_ =	sdelay $0x1  }
0x1dc: {  	[tilespmem:v0+s25+$0x0] =	vst.idx.add.f32.msk vm0, v1  }
0x1dd: {  	v0 =	vld [tilespmem:$0x14130];
	_ =	sdelay $0x4  }
0x1de: {  	(xrf1) =	vunique.msk.u32 $0xffff, v0;
	_ =	sdelay $0xd  }
0x1df: {  	_, v1, vm0 =	vpop (xrf1);
	_ =	sdelay $0x3  }
0x1e0: {  	v1 =	vcvt.s32.f32 v1;
	_ =	sdelay $0x1  }
0x1e1: {  	[tilespmem:v0+s25+$0x0] =	vst.idx.add.f32.msk vm0, v1  }
0x1e2: {  	v0 =	vld [tilespmem:$0x14140];
	_ =	sdelay $0x4  }
0x1e3: {  	(xrf1) =	vunique.msk.u32 $0xffff, v0;
	_ =	sdelay $0xd  }
0x1e4: {  	_, v1, vm0 =	vpop (xrf1);
	_ =	sdelay $0x3  }
0x1e5: {  	v1 =	vcvt.s32.f32 v1;
	_ =	sdelay $0x1  }
0x1e6: {  	[tilespmem:v0+s25+$0x0] =	vst.idx.add.f32.msk vm0, v1  }
0x1e7: {  	v0 =	vld [tilespmem:$0x14150];
	_ =	sdelay $0x4  }
0x1e8: {  	(xrf1) =	vunique.msk.u32 $0xffff, v0;
	_ =	sdelay $0xd  }
0x1e9: {  	_, v1, vm0 =	vpop (xrf1);
	_ =	sdelay $0x3  }
0x1ea: {  	v1 =	vcvt.s32.f32 v1;
	_ =	sdelay $0x1  }
0x1eb: {  	[tilespmem:v0+s25+$0x0] =	vst.idx.add.f32.msk vm0, v1  }
0x1ec: {  	v0 =	vld [tilespmem:$0x14160];
	_ =	sdelay $0x4  }
0x1ed: {  	(xrf1) =	vunique.msk.u32 $0xffff, v0;
	_ =	sdelay $0xd  }
0x1ee: {  	_, v1, vm0 =	vpop (xrf1);
	_ =	sdelay $0x3  }
0x1ef: {  	v1 =	vcvt.s32.f32 v1;
	_ =	sdelay $0x1  }
0x1f0: {  	[tilespmem:v0+s25+$0x0] =	vst.idx.add.f32.msk vm0, v1  }
0x1f1: {  	v0 =	vld [tilespmem:$0x14170];
	_ =	sdelay $0x4  }
0x1f2: {  	(xrf1) =	vunique.msk.u32 $0xffff, v0;
	_ =	sdelay $0xd  }
0x1f3: {  	_, v1, vm0 =	vpop (xrf1);
	_ =	sdelay $0x3  }
0x1f4: {  	v1 =	vcvt.s32.f32 v1;
	_ =	sdelay $0x1  }
0x1f5: {  	[tilespmem:v0+s25+$0x0] =	vst.idx.add.f32.msk vm0, v1  }
0x1f6: {  	_ =	swait.ge [sflag:s4], $0x4000  }
0x1f7: {  	[sflag:s4] =	ssyncset.done $0x0  }
0x1f8: {  	[sflag:s4] =	ssyncadd.s32 $0xFFFFC000  }
0x1f9: {  	[spmem:s3] =	stream.indirect.scatter.add.f32 [tilespmem:s30], [sflag:$0x3], $0x80, s28, s29, $0xb8;
	[tilespmem:$0x1F080] =	vst v63  }
.LBB2_6:
0x1fa: {  	_ =	swait.ge [sflag:s2], $0x4000  }
0x1fb: {  	s15 =	sshra.s32 s14, $0x2;
	[sflag:s2] =	ssyncset.done $0x0  }
0x1fc: {  	s16 =	sadd.s32 $0x13A00, s15;
	[sflag:s2] =	ssyncadd.s32 $0xFFFFC000  }
0x1fd: {  	[tilespmem:s30], [sflag:$0x1] =	stream.indirect.gather [hbm4b:s1+s29], $0x80, s16, s29, $0xb8;
	[tilespmem:$0x1F080] =	vst v63  }
0x1fe: {  	v0 =	vld [tilespmem:s15+$0x14180];
	_ =	sdelay $0x4  }
0x1ff: {  	(xrf1) =	vunique.msk.u32 $0xffff, v0;
	_ =	sdelay $0xd  }
0x200: {  	_, v1, vm0 =	vpop (xrf1);
	_ =	sdelay $0x3  }
0x201: {  	v1 =	vcvt.s32.f32 v1;
	_ =	sdelay $0x1  }
0x202: {  	[tilespmem:v0+s25+$0x0] =	vst.idx.add.f32.msk vm0, v1  }
0x203: {  	v0 =	vld [tilespmem:s15+$0x14190];
	_ =	sdelay $0x4  }
0x204: {  	(xrf1) =	vunique.msk.u32 $0xffff, v0;
	_ =	sdelay $0xd  }
0x205: {  	_, v1, vm0 =	vpop (xrf1);
	_ =	sdelay $0x3  }
0x206: {  	v1 =	vcvt.s32.f32 v1;
	_ =	sdelay $0x1  }
0x207: {  	[tilespmem:v0+s25+$0x0] =	vst.idx.add.f32.msk vm0, v1  }
0x208: {  	v0 =	vld [tilespmem:s15+$0x141A0];
	_ =	sdelay $0x4  }
0x209: {  	(xrf1) =	vunique.msk.u32 $0xffff, v0;
	_ =	sdelay $0xd  }
0x20a: {  	_, v1, vm0 =	vpop (xrf1);
	_ =	sdelay $0x3  }
0x20b: {  	v1 =	vcvt.s32.f32 v1;
	_ =	sdelay $0x1  }
0x20c: {  	[tilespmem:v0+s25+$0x0] =	vst.idx.add.f32.msk vm0, v1  }
0x20d: {  	v0 =	vld [tilespmem:s15+$0x141B0];
	_ =	sdelay $0x4  }
0x20e: {  	(xrf1) =	vunique.msk.u32 $0xffff, v0;
	_ =	sdelay $0xd  }
0x20f: {  	_, v1, vm0 =	vpop (xrf1);
	_ =	sdelay $0x3  }
0x210: {  	v1 =	vcvt.s32.f32 v1;
	_ =	sdelay $0x1  }
0x211: {  	[tilespmem:v0+s25+$0x0] =	vst.idx.add.f32.msk vm0, v1  }
0x212: {  	v0 =	vld [tilespmem:s15+$0x141C0];
	_ =	sdelay $0x4  }
0x213: {  	(xrf1) =	vunique.msk.u32 $0xffff, v0;
	_ =	sdelay $0xd  }
0x214: {  	_, v1, vm0 =	vpop (xrf1);
	_ =	sdelay $0x3  }
0x215: {  	v1 =	vcvt.s32.f32 v1;
	_ =	sdelay $0x1  }
0x216: {  	[tilespmem:v0+s25+$0x0] =	vst.idx.add.f32.msk vm0, v1  }
0x217: {  	v0 =	vld [tilespmem:s15+$0x141D0];
	_ =	sdelay $0x4  }
0x218: {  	(xrf1) =	vunique.msk.u32 $0xffff, v0;
	_ =	sdelay $0xd  }
0x219: {  	_, v1, vm0 =	vpop (xrf1);
	_ =	sdelay $0x3  }
0x21a: {  	v1 =	vcvt.s32.f32 v1;
	_ =	sdelay $0x1  }
0x21b: {  	[tilespmem:v0+s25+$0x0] =	vst.idx.add.f32.msk vm0, v1  }
0x21c: {  	v0 =	vld [tilespmem:s15+$0x141E0];
	_ =	sdelay $0x4  }
0x21d: {  	(xrf1) =	vunique.msk.u32 $0xffff, v0;
	_ =	sdelay $0xd  }
0x21e: {  	_, v1, vm0 =	vpop (xrf1);
	_ =	sdelay $0x3  }
0x21f: {  	v1 =	vcvt.s32.f32 v1;
	_ =	sdelay $0x1  }
0x220: {  	[tilespmem:v0+s25+$0x0] =	vst.idx.add.f32.msk vm0, v1  }
0x221: {  	v0 =	vld [tilespmem:s15+$0x141F0];
	_ =	sdelay $0x4  }
0x222: {  	(xrf1) =	vunique.msk.u32 $0xffff, v0;
	_ =	sdelay $0xd  }
0x223: {  	_, v1, vm0 =	vpop (xrf1);
	_ =	sdelay $0x3  }
0x224: {  	v1 =	vcvt.s32.f32 v1;
	_ =	sdelay $0x1  }
0x225: {  	[tilespmem:v0+s25+$0x0] =	vst.idx.add.f32.msk vm0, v1  }
0x226: {  	_ =	swait.ge [sflag:s7], $0x4000  }
0x227: {  	[sflag:s7] =	ssyncset.done $0x0  }
0x228: {  	s16 =	sadd.s32 $0x14180, s15;
	[sflag:s7] =	ssyncadd.s32 $0xFFFFC000  }
0x229: {  	[spmem:s3] =	stream.indirect.scatter.add.f32 [tilespmem:s0], [sflag:$0x4], $0x80, s16, s29, $0xb8;
	[tilespmem:$0x1F080] =	vst v63  }
0x22a: {  	_ =	swait.ge [sflag:s9], $0x4000  }
0x22b: {  	[sflag:s9] =	ssyncset.done $0x0  }
0x22c: {  	s16 =	sadd.s32 $0x13A80, s15;
	[sflag:s9] =	ssyncadd.s32 $0xFFFFC000  }
0x22d: {  	[tilespmem:s0], [sflag:$0x2] =	stream.indirect.gather [hbm4b:s1+s29], $0x80, s16, s29, $0xb8;
	[tilespmem:$0x1F080] =	vst v63  }
0x22e: {  	v63 =	vld [tilespmem:s15+$0x14200];
	_ =	sdelay $0x4  }
0x22f: {  	(xrf1) =	vunique.msk.u32 $0xffff, v63;
	_ =	sdelay $0xd  }
0x230: {  	_, v1, vm0 =	vpop (xrf1);
	_ =	sdelay $0x3  }
0x231: {  	v1 =	vcvt.s32.f32 v1;
	_ =	sdelay $0x1  }
0x232: {  	[tilespmem:v63+s25+$0x0] =	vst.idx.add.f32.msk vm0, v1  }
0x233: {  	v0 =	vld [tilespmem:s15+$0x14210];
	_ =	sdelay $0x4  }
0x234: {  	(xrf1) =	vunique.msk.u32 $0xffff, v0;
	_ =	sdelay $0xd  }
0x235: {  	_, v1, vm0 =	vpop (xrf1);
	_ =	sdelay $0x3  }
0x236: {  	v1 =	vcvt.s32.f32 v1;
	_ =	sdelay $0x1  }
0x237: {  	[tilespmem:v0+s25+$0x0] =	vst.idx.add.f32.msk vm0, v1  }
0x238: {  	v0 =	vld [tilespmem:s15+$0x14220];
	_ =	sdelay $0x4  }
0x239: {  	(xrf1) =	vunique.msk.u32 $0xffff, v0;
	_ =	sdelay $0xd  }
0x23a: {  	_, v1, vm0 =	vpop (xrf1);
	_ =	sdelay $0x3  }
0x23b: {  	v1 =	vcvt.s32.f32 v1;
	_ =	sdelay $0x1  }
0x23c: {  	[tilespmem:v0+s25+$0x0] =	vst.idx.add.f32.msk vm0, v1  }
0x23d: {  	v0 =	vld [tilespmem:s15+$0x14230];
	_ =	sdelay $0x4  }
0x23e: {  	(xrf1) =	vunique.msk.u32 $0xffff, v0;
	_ =	sdelay $0xd  }
0x23f: {  	_, v1, vm0 =	vpop (xrf1);
	_ =	sdelay $0x3  }
0x240: {  	v1 =	vcvt.s32.f32 v1;
	_ =	sdelay $0x1  }
0x241: {  	[tilespmem:v0+s25+$0x0] =	vst.idx.add.f32.msk vm0, v1  }
0x242: {  	v0 =	vld [tilespmem:s15+$0x14240];
	_ =	sdelay $0x4  }
0x243: {  	(xrf1) =	vunique.msk.u32 $0xffff, v0;
	_ =	sdelay $0xd  }
0x244: {  	_, v1, vm0 =	vpop (xrf1);
	_ =	sdelay $0x3  }
0x245: {  	v1 =	vcvt.s32.f32 v1;
	_ =	sdelay $0x1  }
0x246: {  	[tilespmem:v0+s25+$0x0] =	vst.idx.add.f32.msk vm0, v1  }
0x247: {  	v0 =	vld [tilespmem:s15+$0x14250];
	_ =	sdelay $0x4  }
0x248: {  	(xrf1) =	vunique.msk.u32 $0xffff, v0;
	_ =	sdelay $0xd  }
0x249: {  	_, v1, vm0 =	vpop (xrf1);
	_ =	sdelay $0x3  }
0x24a: {  	v1 =	vcvt.s32.f32 v1;
	_ =	sdelay $0x1  }
0x24b: {  	[tilespmem:v0+s25+$0x0] =	vst.idx.add.f32.msk vm0, v1  }
0x24c: {  	v0 =	vld [tilespmem:s15+$0x14260];
	_ =	sdelay $0x4  }
0x24d: {  	(xrf1) =	vunique.msk.u32 $0xffff, v0;
	_ =	sdelay $0xd  }
0x24e: {  	_, v1, vm0 =	vpop (xrf1);
	_ =	sdelay $0x3  }
0x24f: {  	v1 =	vcvt.s32.f32 v1;
	_ =	sdelay $0x1  }
0x250: {  	[tilespmem:v0+s25+$0x0] =	vst.idx.add.f32.msk vm0, v1  }
0x251: {  	v0 =	vld [tilespmem:s15+$0x14270];
	_ =	sdelay $0x4  }
0x252: {  	(xrf1) =	vunique.msk.u32 $0xffff, v0;
	_ =	sdelay $0xd  }
0x253: {  	_, v1, vm0 =	vpop (xrf1);
	_ =	sdelay $0x3  }
0x254: {  	v1 =	vcvt.s32.f32 v1  }
0x255: {  	p1 =	sne.s32 s14, $0x1800  }
.Ltmp2:
0x256: {  	[tilespmem:v0+s25+$0x0] =	vst.idx.add.f32.msk vm0, v1;
	(pc) =	sbr.rel @p1 .LBB2_6-.Ltmp2, $4  }
0x257: {  	_ =	swait.ge [sflag:s4], $0x4000  }
0x258: {  	[sflag:s4] =	ssyncset.done $0x0  }
0x259: {  	s14 =	sadd.s32 $0x400, s14;
	s15 =	sadd.s32 $0x14200, s15;
	[sflag:s4] =	ssyncadd.s32 $0xFFFFC000  }
0x25a: {  	[spmem:s3] =	stream.indirect.scatter.add.f32 [tilespmem:s30], [sflag:$0x3], $0x80, s15, s29, $0xb8;
	[tilespmem:$0x1F080] =	vst v63  }
0x25b: {  	_ =	swait.ge [sflag:s2], $0x4000  }
0x25c: {  	[sflag:s2] =	ssyncset.done $0x0  }
0x25d: {  	[sflag:s2] =	ssyncadd.s32 $0xFFFFC000  }
0x25e: {  	v0 =	vld [tilespmem:$0x14880];
	_ =	sdelay $0x4  }
0x25f: {  	(xrf1) =	vunique.msk.u32 $0xffff, v0;
	_ =	sdelay $0xd  }
0x260: {  	_, v1, vm0 =	vpop (xrf1);
	_ =	sdelay $0x3  }
0x261: {  	v1 =	vcvt.s32.f32 v1;
	_ =	sdelay $0x1  }
0x262: {  	[tilespmem:v0+s25+$0x0] =	vst.idx.add.f32.msk vm0, v1  }
0x263: {  	v0 =	vld [tilespmem:$0x14890];
	_ =	sdelay $0x4  }
0x264: {  	(xrf1) =	vunique.msk.u32 $0xffff, v0;
	_ =	sdelay $0xd  }
0x265: {  	_, v1, vm0 =	vpop (xrf1);
	_ =	sdelay $0x3  }
0x266: {  	v1 =	vcvt.s32.f32 v1;
	_ =	sdelay $0x1  }
0x267: {  	[tilespmem:v0+s25+$0x0] =	vst.idx.add.f32.msk vm0, v1  }
0x268: {  	v0 =	vld [tilespmem:$0x148A0];
	_ =	sdelay $0x4  }
0x269: {  	(xrf1) =	vunique.msk.u32 $0xffff, v0;
	_ =	sdelay $0xd  }
0x26a: {  	_, v1, vm0 =	vpop (xrf1);
	_ =	sdelay $0x3  }
0x26b: {  	v1 =	vcvt.s32.f32 v1;
	_ =	sdelay $0x1  }
0x26c: {  	[tilespmem:v0+s25+$0x0] =	vst.idx.add.f32.msk vm0, v1  }
0x26d: {  	v0 =	vld [tilespmem:$0x148B0];
	_ =	sdelay $0x4  }
0x26e: {  	(xrf1) =	vunique.msk.u32 $0xffff, v0;
	_ =	sdelay $0xd  }
0x26f: {  	_, v1, vm0 =	vpop (xrf1);
	_ =	sdelay $0x3  }
0x270: {  	v1 =	vcvt.s32.f32 v1;
	_ =	sdelay $0x1  }
0x271: {  	[tilespmem:v0+s25+$0x0] =	vst.idx.add.f32.msk vm0, v1  }
0x272: {  	v0 =	vld [tilespmem:$0x148C0];
	_ =	sdelay $0x4  }
0x273: {  	(xrf1) =	vunique.msk.u32 $0xffff, v0;
	_ =	sdelay $0xd  }
0x274: {  	_, v1, vm0 =	vpop (xrf1);
	_ =	sdelay $0x3  }
0x275: {  	v1 =	vcvt.s32.f32 v1;
	_ =	sdelay $0x1  }
0x276: {  	[tilespmem:v0+s25+$0x0] =	vst.idx.add.f32.msk vm0, v1  }
0x277: {  	v0 =	vld [tilespmem:$0x148D0];
	_ =	sdelay $0x4  }
0x278: {  	(xrf1) =	vunique.msk.u32 $0xffff, v0;
	_ =	sdelay $0xd  }
0x279: {  	_, v1, vm0 =	vpop (xrf1);
	_ =	sdelay $0x3  }
0x27a: {  	v1 =	vcvt.s32.f32 v1;
	_ =	sdelay $0x1  }
0x27b: {  	[tilespmem:v0+s25+$0x0] =	vst.idx.add.f32.msk vm0, v1  }
0x27c: {  	v0 =	vld [tilespmem:$0x148E0];
	_ =	sdelay $0x4  }
0x27d: {  	(xrf1) =	vunique.msk.u32 $0xffff, v0;
	_ =	sdelay $0xd  }
0x27e: {  	_, v1, vm0 =	vpop (xrf1);
	_ =	sdelay $0x3  }
0x27f: {  	v1 =	vcvt.s32.f32 v1;
	_ =	sdelay $0x1  }
0x280: {  	[tilespmem:v0+s25+$0x0] =	vst.idx.add.f32.msk vm0, v1  }
0x281: {  	v0 =	vld [tilespmem:$0x148F0];
	_ =	sdelay $0x4  }
0x282: {  	(xrf1) =	vunique.msk.u32 $0xffff, v0;
	_ =	sdelay $0xd  }
0x283: {  	_, v1, vm0 =	vpop (xrf1);
	_ =	sdelay $0x3  }
0x284: {  	v1 =	vcvt.s32.f32 v1;
	_ =	sdelay $0x1  }
0x285: {  	[tilespmem:v0+s25+$0x0] =	vst.idx.add.f32.msk vm0, v1  }
0x286: {  	_ =	swait.ge [sflag:s7], $0x4000  }
0x287: {  	[sflag:s7] =	ssyncset.done $0x0  }
0x288: {  	[sflag:s7] =	ssyncadd.s32 $0xFFFFC000  }
0x289: {  	[spmem:s3] =	stream.indirect.scatter.add.f32 [tilespmem:s0], [sflag:$0x4], $0x80, s10, s29, $0xb8;
	[tilespmem:$0x1F080] =	vst v63  }
0x28a: {  	_ =	swait.ge [sflag:s9], $0x4000  }
0x28b: {  	[sflag:s9] =	ssyncset.done $0x0  }
0x28c: {  	s14 =	simm.s32 $0x0;
	s15 =	rddreg [dreg:$0xd];
	[sflag:s9] =	ssyncadd.s32 $0xFFFFC000  }
0x28d: {  	[tilespmem:s26], [sflag:$0x5] =	stream.linear.gather [hbm4b:s15+s14], $0x800, $0x38;
	[tilespmem:$0x1F080] =	vst v63  }
0x28e: {  	_ =	swait.ge [sflag:s24], $0x800  }
0x28f: {  	[sflag:s24] =	ssyncset.done $0x0  }
0x290: {  	[sflag:s24] =	ssyncadd.s32 $0xFFFFF800  }
0x291: {  	[tilespmem:s28], [sflag:$0x5] =	stream.linear.gather [hbm4b:s17+s14], $0x800, $0x38;
	[tilespmem:$0x1F080] =	vst v63  }
0x292: {  	_ =	swait.ge [sflag:s24], $0x800  }
0x293: {  	[sflag:s24] =	ssyncset.done $0x0  }
0x294: {  	[sflag:s24] =	ssyncadd.s32 $0xFFFFF800  }
0x295: {  	[tilespmem:s30], [sflag:$0x1] =	stream.indirect.gather [hbm4b:s1+s29], $0x80, s26, s29, $0xb8;
	[tilespmem:$0x1F080] =	vst v63  }
0x296: {  	_ = 	snop  }
0x297: {  	[tilespmem:s0], [sflag:$0x2] =	stream.indirect.gather [hbm4b:s1+s29], $0x80, s31, s29, $0xb8;
	[tilespmem:$0x1F080] =	vst v63  }
0x298: {  	v63 =	vld [tilespmem:$0x14100];
	_ =	sdelay $0x4  }
0x299: {  	(xrf1) =	vunique.msk.u32 $0xffff, v63;
	_ =	sdelay $0xd  }
0x29a: {  	_, v1, vm0 =	vpop (xrf1);
	_ =	sdelay $0x3  }
0x29b: {  	v1 =	vcvt.s32.f32 v1;
	_ =	sdelay $0x1  }
0x29c: {  	[tilespmem:v63+s25+$0x0] =	vst.idx.add.f32.msk vm0, v1  }
0x29d: {  	v0 =	vld [tilespmem:$0x14110];
	_ =	sdelay $0x4  }
0x29e: {  	(xrf1) =	vunique.msk.u32 $0xffff, v0;
	_ =	sdelay $0xd  }
0x29f: {  	_, v1, vm0 =	vpop (xrf1);
	_ =	sdelay $0x3  }
0x2a0: {  	v1 =	vcvt.s32.f32 v1;
	_ =	sdelay $0x1  }
0x2a1: {  	[tilespmem:v0+s25+$0x0] =	vst.idx.add.f32.msk vm0, v1  }
0x2a2: {  	v0 =	vld [tilespmem:$0x14120];
	_ =	sdelay $0x4  }
0x2a3: {  	(xrf1) =	vunique.msk.u32 $0xffff, v0;
	_ =	sdelay $0xd  }
0x2a4: {  	_, v1, vm0 =	vpop (xrf1);
	_ =	sdelay $0x3  }
0x2a5: {  	v1 =	vcvt.s32.f32 v1;
	_ =	sdelay $0x1  }
0x2a6: {  	[tilespmem:v0+s25+$0x0] =	vst.idx.add.f32.msk vm0, v1  }
0x2a7: {  	v0 =	vld [tilespmem:$0x14130];
	_ =	sdelay $0x4  }
0x2a8: {  	(xrf1) =	vunique.msk.u32 $0xffff, v0;
	_ =	sdelay $0xd  }
0x2a9: {  	_, v1, vm0 =	vpop (xrf1);
	_ =	sdelay $0x3  }
0x2aa: {  	v1 =	vcvt.s32.f32 v1;
	_ =	sdelay $0x1  }
0x2ab: {  	[tilespmem:v0+s25+$0x0] =	vst.idx.add.f32.msk vm0, v1  }
0x2ac: {  	v0 =	vld [tilespmem:$0x14140];
	_ =	sdelay $0x4  }
0x2ad: {  	(xrf1) =	vunique.msk.u32 $0xffff, v0;
	_ =	sdelay $0xd  }
0x2ae: {  	_, v1, vm0 =	vpop (xrf1);
	_ =	sdelay $0x3  }
0x2af: {  	v1 =	vcvt.s32.f32 v1;
	_ =	sdelay $0x1  }
0x2b0: {  	[tilespmem:v0+s25+$0x0] =	vst.idx.add.f32.msk vm0, v1  }
0x2b1: {  	v0 =	vld [tilespmem:$0x14150];
	_ =	sdelay $0x4  }
0x2b2: {  	(xrf1) =	vunique.msk.u32 $0xffff, v0;
	_ =	sdelay $0xd  }
0x2b3: {  	_, v1, vm0 =	vpop (xrf1);
	_ =	sdelay $0x3  }
0x2b4: {  	v1 =	vcvt.s32.f32 v1;
	_ =	sdelay $0x1  }
0x2b5: {  	[tilespmem:v0+s25+$0x0] =	vst.idx.add.f32.msk vm0, v1  }
0x2b6: {  	v0 =	vld [tilespmem:$0x14160];
	_ =	sdelay $0x4  }
0x2b7: {  	(xrf1) =	vunique.msk.u32 $0xffff, v0;
	_ =	sdelay $0xd  }
0x2b8: {  	_, v1, vm0 =	vpop (xrf1);
	_ =	sdelay $0x3  }
0x2b9: {  	v1 =	vcvt.s32.f32 v1;
	_ =	sdelay $0x1  }
0x2ba: {  	[tilespmem:v0+s25+$0x0] =	vst.idx.add.f32.msk vm0, v1  }
0x2bb: {  	v0 =	vld [tilespmem:$0x14170];
	_ =	sdelay $0x4  }
0x2bc: {  	(xrf1) =	vunique.msk.u32 $0xffff, v0;
	_ =	sdelay $0xd  }
0x2bd: {  	_, v1, vm0 =	vpop (xrf1);
	_ =	sdelay $0x3  }
0x2be: {  	v1 =	vcvt.s32.f32 v1;
	_ =	sdelay $0x1  }
0x2bf: {  	[tilespmem:v0+s25+$0x0] =	vst.idx.add.f32.msk vm0, v1  }
0x2c0: {  	_ =	swait.ge [sflag:s4], $0x4000  }
0x2c1: {  	[sflag:s4] =	ssyncset.done $0x0  }
0x2c2: {  	[sflag:s4] =	ssyncadd.s32 $0xFFFFC000  }
0x2c3: {  	[spmem:s3] =	stream.indirect.scatter.add.f32 [tilespmem:s30], [sflag:$0x3], $0x80, s28, s29, $0xb8;
	[tilespmem:$0x1F080] =	vst v63  }
.LBB2_8:
0x2c4: {  	_ =	swait.ge [sflag:s2], $0x4000  }
0x2c5: {  	s15 =	sshra.s32 s14, $0x2;
	[sflag:s2] =	ssyncset.done $0x0  }
0x2c6: {  	s16 =	sadd.s32 $0x13A00, s15;
	[sflag:s2] =	ssyncadd.s32 $0xFFFFC000  }
0x2c7: {  	[tilespmem:s30], [sflag:$0x1] =	stream.indirect.gather [hbm4b:s1+s29], $0x80, s16, s29, $0xb8;
	[tilespmem:$0x1F080] =	vst v63  }
0x2c8: {  	v0 =	vld [tilespmem:s15+$0x14180];
	_ =	sdelay $0x4  }
0x2c9: {  	(xrf1) =	vunique.msk.u32 $0xffff, v0;
	_ =	sdelay $0xd  }
0x2ca: {  	_, v1, vm0 =	vpop (xrf1);
	_ =	sdelay $0x3  }
0x2cb: {  	v1 =	vcvt.s32.f32 v1;
	_ =	sdelay $0x1  }
0x2cc: {  	[tilespmem:v0+s25+$0x0] =	vst.idx.add.f32.msk vm0, v1  }
0x2cd: {  	v0 =	vld [tilespmem:s15+$0x14190];
	_ =	sdelay $0x4  }
0x2ce: {  	(xrf1) =	vunique.msk.u32 $0xffff, v0;
	_ =	sdelay $0xd  }
0x2cf: {  	_, v1, vm0 =	vpop (xrf1);
	_ =	sdelay $0x3  }
0x2d0: {  	v1 =	vcvt.s32.f32 v1;
	_ =	sdelay $0x1  }
0x2d1: {  	[tilespmem:v0+s25+$0x0] =	vst.idx.add.f32.msk vm0, v1  }
0x2d2: {  	v0 =	vld [tilespmem:s15+$0x141A0];
	_ =	sdelay $0x4  }
0x2d3: {  	(xrf1) =	vunique.msk.u32 $0xffff, v0;
	_ =	sdelay $0xd  }
0x2d4: {  	_, v1, vm0 =	vpop (xrf1);
	_ =	sdelay $0x3  }
0x2d5: {  	v1 =	vcvt.s32.f32 v1;
	_ =	sdelay $0x1  }
0x2d6: {  	[tilespmem:v0+s25+$0x0] =	vst.idx.add.f32.msk vm0, v1  }
0x2d7: {  	v0 =	vld [tilespmem:s15+$0x141B0];
	_ =	sdelay $0x4  }
0x2d8: {  	(xrf1) =	vunique.msk.u32 $0xffff, v0;
	_ =	sdelay $0xd  }
0x2d9: {  	_, v1, vm0 =	vpop (xrf1);
	_ =	sdelay $0x3  }
0x2da: {  	v1 =	vcvt.s32.f32 v1;
	_ =	sdelay $0x1  }
0x2db: {  	[tilespmem:v0+s25+$0x0] =	vst.idx.add.f32.msk vm0, v1  }
0x2dc: {  	v0 =	vld [tilespmem:s15+$0x141C0];
	_ =	sdelay $0x4  }
0x2dd: {  	(xrf1) =	vunique.msk.u32 $0xffff, v0;
	_ =	sdelay $0xd  }
0x2de: {  	_, v1, vm0 =	vpop (xrf1);
	_ =	sdelay $0x3  }
0x2df: {  	v1 =	vcvt.s32.f32 v1;
	_ =	sdelay $0x1  }
0x2e0: {  	[tilespmem:v0+s25+$0x0] =	vst.idx.add.f32.msk vm0, v1  }
0x2e1: {  	v0 =	vld [tilespmem:s15+$0x141D0];
	_ =	sdelay $0x4  }
0x2e2: {  	(xrf1) =	vunique.msk.u32 $0xffff, v0;
	_ =	sdelay $0xd  }
0x2e3: {  	_, v1, vm0 =	vpop (xrf1);
	_ =	sdelay $0x3  }
0x2e4: {  	v1 =	vcvt.s32.f32 v1;
	_ =	sdelay $0x1  }
0x2e5: {  	[tilespmem:v0+s25+$0x0] =	vst.idx.add.f32.msk vm0, v1  }
0x2e6: {  	v0 =	vld [tilespmem:s15+$0x141E0];
	_ =	sdelay $0x4  }
0x2e7: {  	(xrf1) =	vunique.msk.u32 $0xffff, v0;
	_ =	sdelay $0xd  }
0x2e8: {  	_, v1, vm0 =	vpop (xrf1);
	_ =	sdelay $0x3  }
0x2e9: {  	v1 =	vcvt.s32.f32 v1;
	_ =	sdelay $0x1  }
0x2ea: {  	[tilespmem:v0+s25+$0x0] =	vst.idx.add.f32.msk vm0, v1  }
0x2eb: {  	v0 =	vld [tilespmem:s15+$0x141F0];
	_ =	sdelay $0x4  }
0x2ec: {  	(xrf1) =	vunique.msk.u32 $0xffff, v0;
	_ =	sdelay $0xd  }
0x2ed: {  	_, v1, vm0 =	vpop (xrf1);
	_ =	sdelay $0x3  }
0x2ee: {  	v1 =	vcvt.s32.f32 v1;
	_ =	sdelay $0x1  }
0x2ef: {  	[tilespmem:v0+s25+$0x0] =	vst.idx.add.f32.msk vm0, v1  }
0x2f0: {  	_ =	swait.ge [sflag:s7], $0x4000  }
0x2f1: {  	[sflag:s7] =	ssyncset.done $0x0  }
0x2f2: {  	s16 =	sadd.s32 $0x14180, s15;
	[sflag:s7] =	ssyncadd.s32 $0xFFFFC000  }
0x2f3: {  	[spmem:s3] =	stream.indirect.scatter.add.f32 [tilespmem:s0], [sflag:$0x4], $0x80, s16, s29, $0xb8;
	[tilespmem:$0x1F080] =	vst v63  }
0x2f4: {  	_ =	swait.ge [sflag:s9], $0x4000  }
0x2f5: {  	[sflag:s9] =	ssyncset.done $0x0  }
0x2f6: {  	s16 =	sadd.s32 $0x13A80, s15;
	[sflag:s9] =	ssyncadd.s32 $0xFFFFC000  }
0x2f7: {  	[tilespmem:s0], [sflag:$0x2] =	stream.indirect.gather [hbm4b:s1+s29], $0x80, s16, s29, $0xb8;
	[tilespmem:$0x1F080] =	vst v63  }
0x2f8: {  	v63 =	vld [tilespmem:s15+$0x14200];
	_ =	sdelay $0x4  }
0x2f9: {  	(xrf1) =	vunique.msk.u32 $0xffff, v63;
	_ =	sdelay $0xd  }
0x2fa: {  	_, v1, vm0 =	vpop (xrf1);
	_ =	sdelay $0x3  }
0x2fb: {  	v1 =	vcvt.s32.f32 v1;
	_ =	sdelay $0x1  }
0x2fc: {  	[tilespmem:v63+s25+$0x0] =	vst.idx.add.f32.msk vm0, v1  }
0x2fd: {  	v0 =	vld [tilespmem:s15+$0x14210];
	_ =	sdelay $0x4  }
0x2fe: {  	(xrf1) =	vunique.msk.u32 $0xffff, v0;
	_ =	sdelay $0xd  }
0x2ff: {  	_, v1, vm0 =	vpop (xrf1);
	_ =	sdelay $0x3  }
0x300: {  	v1 =	vcvt.s32.f32 v1;
	_ =	sdelay $0x1  }
0x301: {  	[tilespmem:v0+s25+$0x0] =	vst.idx.add.f32.msk vm0, v1  }
0x302: {  	v0 =	vld [tilespmem:s15+$0x14220];
	_ =	sdelay $0x4  }
0x303: {  	(xrf1) =	vunique.msk.u32 $0xffff, v0;
	_ =	sdelay $0xd  }
0x304: {  	_, v1, vm0 =	vpop (xrf1);
	_ =	sdelay $0x3  }
0x305: {  	v1 =	vcvt.s32.f32 v1;
	_ =	sdelay $0x1  }
0x306: {  	[tilespmem:v0+s25+$0x0] =	vst.idx.add.f32.msk vm0, v1  }
0x307: {  	v0 =	vld [tilespmem:s15+$0x14230];
	_ =	sdelay $0x4  }
0x308: {  	(xrf1) =	vunique.msk.u32 $0xffff, v0;
	_ =	sdelay $0xd  }
0x309: {  	_, v1, vm0 =	vpop (xrf1);
	_ =	sdelay $0x3  }
0x30a: {  	v1 =	vcvt.s32.f32 v1;
	_ =	sdelay $0x1  }
0x30b: {  	[tilespmem:v0+s25+$0x0] =	vst.idx.add.f32.msk vm0, v1  }
0x30c: {  	v0 =	vld [tilespmem:s15+$0x14240];
	_ =	sdelay $0x4  }
0x30d: {  	(xrf1) =	vunique.msk.u32 $0xffff, v0;
	_ =	sdelay $0xd  }
0x30e: {  	_, v1, vm0 =	vpop (xrf1);
	_ =	sdelay $0x3  }
0x30f: {  	v1 =	vcvt.s32.f32 v1;
	_ =	sdelay $0x1  }
0x310: {  	[tilespmem:v0+s25+$0x0] =	vst.idx.add.f32.msk vm0, v1  }
0x311: {  	v0 =	vld [tilespmem:s15+$0x14250];
	_ =	sdelay $0x4  }
0x312: {  	(xrf1) =	vunique.msk.u32 $0xffff, v0;
	_ =	sdelay $0xd  }
0x313: {  	_, v1, vm0 =	vpop (xrf1);
	_ =	sdelay $0x3  }
0x314: {  	v1 =	vcvt.s32.f32 v1;
	_ =	sdelay $0x1  }
0x315: {  	[tilespmem:v0+s25+$0x0] =	vst.idx.add.f32.msk vm0, v1  }
0x316: {  	v0 =	vld [tilespmem:s15+$0x14260];
	_ =	sdelay $0x4  }
0x317: {  	(xrf1) =	vunique.msk.u32 $0xffff, v0;
	_ =	sdelay $0xd  }
0x318: {  	_, v1, vm0 =	vpop (xrf1);
	_ =	sdelay $0x3  }
0x319: {  	v1 =	vcvt.s32.f32 v1;
	_ =	sdelay $0x1  }
0x31a: {  	[tilespmem:v0+s25+$0x0] =	vst.idx.add.f32.msk vm0, v1  }
0x31b: {  	v0 =	vld [tilespmem:s15+$0x14270];
	_ =	sdelay $0x4  }
0x31c: {  	(xrf1) =	vunique.msk.u32 $0xffff, v0;
	_ =	sdelay $0xd  }
0x31d: {  	_, v1, vm0 =	vpop (xrf1);
	_ =	sdelay $0x3  }
0x31e: {  	v1 =	vcvt.s32.f32 v1  }
0x31f: {  	p1 =	sne.s32 s14, $0x1800  }
.Ltmp3:
0x320: {  	[tilespmem:v0+s25+$0x0] =	vst.idx.add.f32.msk vm0, v1;
	(pc) =	sbr.rel @p1 .LBB2_8-.Ltmp3, $4  }
0x321: {  	_ =	swait.ge [sflag:s4], $0x4000  }
0x322: {  	[sflag:s4] =	ssyncset.done $0x0  }
0x323: {  	s14 =	sadd.s32 $0x400, s14;
	s15 =	sadd.s32 $0x14200, s15;
	[sflag:s4] =	ssyncadd.s32 $0xFFFFC000  }
0x324: {  	[spmem:s3] =	stream.indirect.scatter.add.f32 [tilespmem:s30], [sflag:$0x3], $0x80, s15, s29, $0xb8;
	[tilespmem:$0x1F080] =	vst v63  }
0x325: {  	_ =	swait.ge [sflag:s2], $0x4000  }
0x326: {  	[sflag:s2] =	ssyncset.done $0x0  }
0x327: {  	[sflag:s2] =	ssyncadd.s32 $0xFFFFC000  }
0x328: {  	v0 =	vld [tilespmem:$0x14880];
	_ =	sdelay $0x4  }
0x329: {  	(xrf1) =	vunique.msk.u32 $0xffff, v0;
	_ =	sdelay $0xd  }
0x32a: {  	_, v1, vm0 =	vpop (xrf1);
	_ =	sdelay $0x3  }
0x32b: {  	v1 =	vcvt.s32.f32 v1;
	_ =	sdelay $0x1  }
0x32c: {  	[tilespmem:v0+s25+$0x0] =	vst.idx.add.f32.msk vm0, v1  }
0x32d: {  	v0 =	vld [tilespmem:$0x14890];
	_ =	sdelay $0x4  }
0x32e: {  	(xrf1) =	vunique.msk.u32 $0xffff, v0;
	_ =	sdelay $0xd  }
0x32f: {  	_, v1, vm0 =	vpop (xrf1);
	_ =	sdelay $0x3  }
0x330: {  	v1 =	vcvt.s32.f32 v1;
	_ =	sdelay $0x1  }
0x331: {  	[tilespmem:v0+s25+$0x0] =	vst.idx.add.f32.msk vm0, v1  }
0x332: {  	v0 =	vld [tilespmem:$0x148A0];
	_ =	sdelay $0x4  }
0x333: {  	(xrf1) =	vunique.msk.u32 $0xffff, v0;
	_ =	sdelay $0xd  }
0x334: {  	_, v1, vm0 =	vpop (xrf1);
	_ =	sdelay $0x3  }
0x335: {  	v1 =	vcvt.s32.f32 v1;
	_ =	sdelay $0x1  }
0x336: {  	[tilespmem:v0+s25+$0x0] =	vst.idx.add.f32.msk vm0, v1  }
0x337: {  	v0 =	vld [tilespmem:$0x148B0];
	_ =	sdelay $0x4  }
0x338: {  	(xrf1) =	vunique.msk.u32 $0xffff, v0;
	_ =	sdelay $0xd  }
0x339: {  	_, v1, vm0 =	vpop (xrf1);
	_ =	sdelay $0x3  }
0x33a: {  	v1 =	vcvt.s32.f32 v1;
	_ =	sdelay $0x1  }
0x33b: {  	[tilespmem:v0+s25+$0x0] =	vst.idx.add.f32.msk vm0, v1  }
0x33c: {  	v0 =	vld [tilespmem:$0x148C0];
	_ =	sdelay $0x4  }
0x33d: {  	(xrf1) =	vunique.msk.u32 $0xffff, v0;
	_ =	sdelay $0xd  }
0x33e: {  	_, v1, vm0 =	vpop (xrf1);
	_ =	sdelay $0x3  }
0x33f: {  	v1 =	vcvt.s32.f32 v1;
	_ =	sdelay $0x1  }
0x340: {  	[tilespmem:v0+s25+$0x0] =	vst.idx.add.f32.msk vm0, v1  }
0x341: {  	v0 =	vld [tilespmem:$0x148D0];
	_ =	sdelay $0x4  }
0x342: {  	(xrf1) =	vunique.msk.u32 $0xffff, v0;
	_ =	sdelay $0xd  }
0x343: {  	_, v1, vm0 =	vpop (xrf1);
	_ =	sdelay $0x3  }
0x344: {  	v1 =	vcvt.s32.f32 v1;
	_ =	sdelay $0x1  }
0x345: {  	[tilespmem:v0+s25+$0x0] =	vst.idx.add.f32.msk vm0, v1  }
0x346: {  	v0 =	vld [tilespmem:$0x148E0];
	_ =	sdelay $0x4  }
0x347: {  	(xrf1) =	vunique.msk.u32 $0xffff, v0;
	_ =	sdelay $0xd  }
0x348: {  	_, v1, vm0 =	vpop (xrf1);
	_ =	sdelay $0x3  }
0x349: {  	v1 =	vcvt.s32.f32 v1;
	_ =	sdelay $0x1  }
0x34a: {  	[tilespmem:v0+s25+$0x0] =	vst.idx.add.f32.msk vm0, v1  }
0x34b: {  	v0 =	vld [tilespmem:$0x148F0];
	_ =	sdelay $0x4  }
0x34c: {  	(xrf1) =	vunique.msk.u32 $0xffff, v0;
	_ =	sdelay $0xd  }
0x34d: {  	_, v1, vm0 =	vpop (xrf1);
	_ =	sdelay $0x3  }
0x34e: {  	v1 =	vcvt.s32.f32 v1;
	_ =	sdelay $0x1  }
0x34f: {  	[tilespmem:v0+s25+$0x0] =	vst.idx.add.f32.msk vm0, v1  }
0x350: {  	_ =	swait.ge [sflag:s7], $0x4000  }
0x351: {  	[sflag:s7] =	ssyncset.done $0x0  }
0x352: {  	[sflag:s7] =	ssyncadd.s32 $0xFFFFC000  }
0x353: {  	[spmem:s3] =	stream.indirect.scatter.add.f32 [tilespmem:s0], [sflag:$0x4], $0x80, s10, s29, $0xb8;
	[tilespmem:$0x1F080] =	vst v63  }
0x354: {  	_ =	swait.ge [sflag:s9], $0x4000  }
0x355: {  	[sflag:s9] =	ssyncset.done $0x0  }
0x356: {  	s14 =	simm.s32 $0x0;
	[sflag:s9] =	ssyncadd.s32 $0xFFFFC000  }
0x357: {  	[tilespmem:s26], [sflag:$0x5] =	stream.linear.gather [hbm4b:s18+s14], $0x800, $0x38;
	[tilespmem:$0x1F080] =	vst v63  }
0x358: {  	_ =	swait.ge [sflag:s24], $0x800  }
0x359: {  	[sflag:s24] =	ssyncset.done $0x0  }
0x35a: {  	[sflag:s24] =	ssyncadd.s32 $0xFFFFF800  }
0x35b: {  	[tilespmem:s28], [sflag:$0x5] =	stream.linear.gather [hbm4b:s19+s14], $0x800, $0x38;
	[tilespmem:$0x1F080] =	vst v63  }
0x35c: {  	_ =	swait.ge [sflag:s24], $0x800  }
0x35d: {  	[sflag:s24] =	ssyncset.done $0x0  }
0x35e: {  	[sflag:s24] =	ssyncadd.s32 $0xFFFFF800  }
0x35f: {  	[tilespmem:s30], [sflag:$0x1] =	stream.indirect.gather [hbm4b:s1+s29], $0x80, s26, s29, $0xb8;
	[tilespmem:$0x1F080] =	vst v63  }
0x360: {  	_ = 	snop  }
0x361: {  	[tilespmem:s0], [sflag:$0x2] =	stream.indirect.gather [hbm4b:s1+s29], $0x80, s31, s29, $0xb8;
	[tilespmem:$0x1F080] =	vst v63  }
0x362: {  	v63 =	vld [tilespmem:$0x14100];
	_ =	sdelay $0x4  }
0x363: {  	(xrf1) =	vunique.msk.u32 $0xffff, v63;
	_ =	sdelay $0xd  }
0x364: {  	_, v1, vm0 =	vpop (xrf1);
	_ =	sdelay $0x3  }
0x365: {  	v1 =	vcvt.s32.f32 v1;
	_ =	sdelay $0x1  }
0x366: {  	[tilespmem:v63+s25+$0x0] =	vst.idx.add.f32.msk vm0, v1  }
0x367: {  	v0 =	vld [tilespmem:$0x14110];
	_ =	sdelay $0x4  }
0x368: {  	(xrf1) =	vunique.msk.u32 $0xffff, v0;
	_ =	sdelay $0xd  }
0x369: {  	_, v1, vm0 =	vpop (xrf1);
	_ =	sdelay $0x3  }
0x36a: {  	v1 =	vcvt.s32.f32 v1;
	_ =	sdelay $0x1  }
0x36b: {  	[tilespmem:v0+s25+$0x0] =	vst.idx.add.f32.msk vm0, v1  }
0x36c: {  	v0 =	vld [tilespmem:$0x14120];
	_ =	sdelay $0x4  }
0x36d: {  	(xrf1) =	vunique.msk.u32 $0xffff, v0;
	_ =	sdelay $0xd  }
0x36e: {  	_, v1, vm0 =	vpop (xrf1);
	_ =	sdelay $0x3  }
0x36f: {  	v1 =	vcvt.s32.f32 v1;
	_ =	sdelay $0x1  }
0x370: {  	[tilespmem:v0+s25+$0x0] =	vst.idx.add.f32.msk vm0, v1  }
0x371: {  	v0 =	vld [tilespmem:$0x14130];
	_ =	sdelay $0x4  }
0x372: {  	(xrf1) =	vunique.msk.u32 $0xffff, v0;
	_ =	sdelay $0xd  }
0x373: {  	_, v1, vm0 =	vpop (xrf1);
	_ =	sdelay $0x3  }
0x374: {  	v1 =	vcvt.s32.f32 v1;
	_ =	sdelay $0x1  }
0x375: {  	[tilespmem:v0+s25+$0x0] =	vst.idx.add.f32.msk vm0, v1  }
0x376: {  	v0 =	vld [tilespmem:$0x14140];
	_ =	sdelay $0x4  }
0x377: {  	(xrf1) =	vunique.msk.u32 $0xffff, v0;
	_ =	sdelay $0xd  }
0x378: {  	_, v1, vm0 =	vpop (xrf1);
	_ =	sdelay $0x3  }
0x379: {  	v1 =	vcvt.s32.f32 v1;
	_ =	sdelay $0x1  }
0x37a: {  	[tilespmem:v0+s25+$0x0] =	vst.idx.add.f32.msk vm0, v1  }
0x37b: {  	v0 =	vld [tilespmem:$0x14150];
	_ =	sdelay $0x4  }
0x37c: {  	(xrf1) =	vunique.msk.u32 $0xffff, v0;
	_ =	sdelay $0xd  }
0x37d: {  	_, v1, vm0 =	vpop (xrf1);
	_ =	sdelay $0x3  }
0x37e: {  	v1 =	vcvt.s32.f32 v1;
	_ =	sdelay $0x1  }
0x37f: {  	[tilespmem:v0+s25+$0x0] =	vst.idx.add.f32.msk vm0, v1  }
0x380: {  	v0 =	vld [tilespmem:$0x14160];
	_ =	sdelay $0x4  }
0x381: {  	(xrf1) =	vunique.msk.u32 $0xffff, v0;
	_ =	sdelay $0xd  }
0x382: {  	_, v1, vm0 =	vpop (xrf1);
	_ =	sdelay $0x3  }
0x383: {  	v1 =	vcvt.s32.f32 v1;
	_ =	sdelay $0x1  }
0x384: {  	[tilespmem:v0+s25+$0x0] =	vst.idx.add.f32.msk vm0, v1  }
0x385: {  	v0 =	vld [tilespmem:$0x14170];
	_ =	sdelay $0x4  }
0x386: {  	(xrf1) =	vunique.msk.u32 $0xffff, v0;
	_ =	sdelay $0xd  }
0x387: {  	_, v1, vm0 =	vpop (xrf1);
	_ =	sdelay $0x3  }
0x388: {  	v1 =	vcvt.s32.f32 v1;
	_ =	sdelay $0x1  }
0x389: {  	[tilespmem:v0+s25+$0x0] =	vst.idx.add.f32.msk vm0, v1  }
0x38a: {  	_ =	swait.ge [sflag:s4], $0x4000  }
0x38b: {  	[sflag:s4] =	ssyncset.done $0x0  }
0x38c: {  	[sflag:s4] =	ssyncadd.s32 $0xFFFFC000  }
0x38d: {  	[spmem:s3] =	stream.indirect.scatter.add.f32 [tilespmem:s30], [sflag:$0x3], $0x80, s28, s29, $0xb8;
	[tilespmem:$0x1F080] =	vst v63  }
.LBB2_10:
0x38e: {  	_ =	swait.ge [sflag:s2], $0x4000  }
0x38f: {  	s15 =	sshra.s32 s14, $0x2;
	[sflag:s2] =	ssyncset.done $0x0  }
0x390: {  	s16 =	sadd.s32 $0x13A00, s15;
	[sflag:s2] =	ssyncadd.s32 $0xFFFFC000  }
0x391: {  	[tilespmem:s30], [sflag:$0x1] =	stream.indirect.gather [hbm4b:s1+s29], $0x80, s16, s29, $0xb8;
	[tilespmem:$0x1F080] =	vst v63  }
0x392: {  	v0 =	vld [tilespmem:s15+$0x14180];
	_ =	sdelay $0x4  }
0x393: {  	(xrf1) =	vunique.msk.u32 $0xffff, v0;
	_ =	sdelay $0xd  }
0x394: {  	_, v1, vm0 =	vpop (xrf1);
	_ =	sdelay $0x3  }
0x395: {  	v1 =	vcvt.s32.f32 v1;
	_ =	sdelay $0x1  }
0x396: {  	[tilespmem:v0+s25+$0x0] =	vst.idx.add.f32.msk vm0, v1  }
0x397: {  	v0 =	vld [tilespmem:s15+$0x14190];
	_ =	sdelay $0x4  }
0x398: {  	(xrf1) =	vunique.msk.u32 $0xffff, v0;
	_ =	sdelay $0xd  }
0x399: {  	_, v1, vm0 =	vpop (xrf1);
	_ =	sdelay $0x3  }
0x39a: {  	v1 =	vcvt.s32.f32 v1;
	_ =	sdelay $0x1  }
0x39b: {  	[tilespmem:v0+s25+$0x0] =	vst.idx.add.f32.msk vm0, v1  }
0x39c: {  	v0 =	vld [tilespmem:s15+$0x141A0];
	_ =	sdelay $0x4  }
0x39d: {  	(xrf1) =	vunique.msk.u32 $0xffff, v0;
	_ =	sdelay $0xd  }
0x39e: {  	_, v1, vm0 =	vpop (xrf1);
	_ =	sdelay $0x3  }
0x39f: {  	v1 =	vcvt.s32.f32 v1;
	_ =	sdelay $0x1  }
0x3a0: {  	[tilespmem:v0+s25+$0x0] =	vst.idx.add.f32.msk vm0, v1  }
0x3a1: {  	v0 =	vld [tilespmem:s15+$0x141B0];
	_ =	sdelay $0x4  }
0x3a2: {  	(xrf1) =	vunique.msk.u32 $0xffff, v0;
	_ =	sdelay $0xd  }
0x3a3: {  	_, v1, vm0 =	vpop (xrf1);
	_ =	sdelay $0x3  }
0x3a4: {  	v1 =	vcvt.s32.f32 v1;
	_ =	sdelay $0x1  }
0x3a5: {  	[tilespmem:v0+s25+$0x0] =	vst.idx.add.f32.msk vm0, v1  }
0x3a6: {  	v0 =	vld [tilespmem:s15+$0x141C0];
	_ =	sdelay $0x4  }
0x3a7: {  	(xrf1) =	vunique.msk.u32 $0xffff, v0;
	_ =	sdelay $0xd  }
0x3a8: {  	_, v1, vm0 =	vpop (xrf1);
	_ =	sdelay $0x3  }
0x3a9: {  	v1 =	vcvt.s32.f32 v1;
	_ =	sdelay $0x1  }
0x3aa: {  	[tilespmem:v0+s25+$0x0] =	vst.idx.add.f32.msk vm0, v1  }
0x3ab: {  	v0 =	vld [tilespmem:s15+$0x141D0];
	_ =	sdelay $0x4  }
0x3ac: {  	(xrf1) =	vunique.msk.u32 $0xffff, v0;
	_ =	sdelay $0xd  }
0x3ad: {  	_, v1, vm0 =	vpop (xrf1);
	_ =	sdelay $0x3  }
0x3ae: {  	v1 =	vcvt.s32.f32 v1;
	_ =	sdelay $0x1  }
0x3af: {  	[tilespmem:v0+s25+$0x0] =	vst.idx.add.f32.msk vm0, v1  }
0x3b0: {  	v0 =	vld [tilespmem:s15+$0x141E0];
	_ =	sdelay $0x4  }
0x3b1: {  	(xrf1) =	vunique.msk.u32 $0xffff, v0;
	_ =	sdelay $0xd  }
0x3b2: {  	_, v1, vm0 =	vpop (xrf1);
	_ =	sdelay $0x3  }
0x3b3: {  	v1 =	vcvt.s32.f32 v1;
	_ =	sdelay $0x1  }
0x3b4: {  	[tilespmem:v0+s25+$0x0] =	vst.idx.add.f32.msk vm0, v1  }
0x3b5: {  	v0 =	vld [tilespmem:s15+$0x141F0];
	_ =	sdelay $0x4  }
0x3b6: {  	(xrf1) =	vunique.msk.u32 $0xffff, v0;
	_ =	sdelay $0xd  }
0x3b7: {  	_, v1, vm0 =	vpop (xrf1);
	_ =	sdelay $0x3  }
0x3b8: {  	v1 =	vcvt.s32.f32 v1;
	_ =	sdelay $0x1  }
0x3b9: {  	[tilespmem:v0+s25+$0x0] =	vst.idx.add.f32.msk vm0, v1  }
0x3ba: {  	_ =	swait.ge [sflag:s7], $0x4000  }
0x3bb: {  	[sflag:s7] =	ssyncset.done $0x0  }
0x3bc: {  	s16 =	sadd.s32 $0x14180, s15;
	[sflag:s7] =	ssyncadd.s32 $0xFFFFC000  }
0x3bd: {  	[spmem:s3] =	stream.indirect.scatter.add.f32 [tilespmem:s0], [sflag:$0x4], $0x80, s16, s29, $0xb8;
	[tilespmem:$0x1F080] =	vst v63  }
0x3be: {  	_ =	swait.ge [sflag:s9], $0x4000  }
0x3bf: {  	[sflag:s9] =	ssyncset.done $0x0  }
0x3c0: {  	s16 =	sadd.s32 $0x13A80, s15;
	[sflag:s9] =	ssyncadd.s32 $0xFFFFC000  }
0x3c1: {  	[tilespmem:s0], [sflag:$0x2] =	stream.indirect.gather [hbm4b:s1+s29], $0x80, s16, s29, $0xb8;
	[tilespmem:$0x1F080] =	vst v63  }
0x3c2: {  	v63 =	vld [tilespmem:s15+$0x14200];
	_ =	sdelay $0x4  }
0x3c3: {  	(xrf1) =	vunique.msk.u32 $0xffff, v63;
	_ =	sdelay $0xd  }
0x3c4: {  	_, v1, vm0 =	vpop (xrf1);
	_ =	sdelay $0x3  }
0x3c5: {  	v1 =	vcvt.s32.f32 v1;
	_ =	sdelay $0x1  }
0x3c6: {  	[tilespmem:v63+s25+$0x0] =	vst.idx.add.f32.msk vm0, v1  }
0x3c7: {  	v0 =	vld [tilespmem:s15+$0x14210];
	_ =	sdelay $0x4  }
0x3c8: {  	(xrf1) =	vunique.msk.u32 $0xffff, v0;
	_ =	sdelay $0xd  }
0x3c9: {  	_, v1, vm0 =	vpop (xrf1);
	_ =	sdelay $0x3  }
0x3ca: {  	v1 =	vcvt.s32.f32 v1;
	_ =	sdelay $0x1  }
0x3cb: {  	[tilespmem:v0+s25+$0x0] =	vst.idx.add.f32.msk vm0, v1  }
0x3cc: {  	v0 =	vld [tilespmem:s15+$0x14220];
	_ =	sdelay $0x4  }
0x3cd: {  	(xrf1) =	vunique.msk.u32 $0xffff, v0;
	_ =	sdelay $0xd  }
0x3ce: {  	_, v1, vm0 =	vpop (xrf1);
	_ =	sdelay $0x3  }
0x3cf: {  	v1 =	vcvt.s32.f32 v1;
	_ =	sdelay $0x1  }
0x3d0: {  	[tilespmem:v0+s25+$0x0] =	vst.idx.add.f32.msk vm0, v1  }
0x3d1: {  	v0 =	vld [tilespmem:s15+$0x14230];
	_ =	sdelay $0x4  }
0x3d2: {  	(xrf1) =	vunique.msk.u32 $0xffff, v0;
	_ =	sdelay $0xd  }
0x3d3: {  	_, v1, vm0 =	vpop (xrf1);
	_ =	sdelay $0x3  }
0x3d4: {  	v1 =	vcvt.s32.f32 v1;
	_ =	sdelay $0x1  }
0x3d5: {  	[tilespmem:v0+s25+$0x0] =	vst.idx.add.f32.msk vm0, v1  }
0x3d6: {  	v0 =	vld [tilespmem:s15+$0x14240];
	_ =	sdelay $0x4  }
0x3d7: {  	(xrf1) =	vunique.msk.u32 $0xffff, v0;
	_ =	sdelay $0xd  }
0x3d8: {  	_, v1, vm0 =	vpop (xrf1);
	_ =	sdelay $0x3  }
0x3d9: {  	v1 =	vcvt.s32.f32 v1;
	_ =	sdelay $0x1  }
0x3da: {  	[tilespmem:v0+s25+$0x0] =	vst.idx.add.f32.msk vm0, v1  }
0x3db: {  	v0 =	vld [tilespmem:s15+$0x14250];
	_ =	sdelay $0x4  }
0x3dc: {  	(xrf1) =	vunique.msk.u32 $0xffff, v0;
	_ =	sdelay $0xd  }
0x3dd: {  	_, v1, vm0 =	vpop (xrf1);
	_ =	sdelay $0x3  }
0x3de: {  	v1 =	vcvt.s32.f32 v1;
	_ =	sdelay $0x1  }
0x3df: {  	[tilespmem:v0+s25+$0x0] =	vst.idx.add.f32.msk vm0, v1  }
0x3e0: {  	v0 =	vld [tilespmem:s15+$0x14260];
	_ =	sdelay $0x4  }
0x3e1: {  	(xrf1) =	vunique.msk.u32 $0xffff, v0;
	_ =	sdelay $0xd  }
0x3e2: {  	_, v1, vm0 =	vpop (xrf1);
	_ =	sdelay $0x3  }
0x3e3: {  	v1 =	vcvt.s32.f32 v1;
	_ =	sdelay $0x1  }
0x3e4: {  	[tilespmem:v0+s25+$0x0] =	vst.idx.add.f32.msk vm0, v1  }
0x3e5: {  	v0 =	vld [tilespmem:s15+$0x14270];
	_ =	sdelay $0x4  }
0x3e6: {  	(xrf1) =	vunique.msk.u32 $0xffff, v0;
	_ =	sdelay $0xd  }
0x3e7: {  	_, v1, vm0 =	vpop (xrf1);
	_ =	sdelay $0x3  }
0x3e8: {  	v1 =	vcvt.s32.f32 v1  }
0x3e9: {  	p1 =	sne.s32 s14, $0x1800  }
.Ltmp4:
0x3ea: {  	[tilespmem:v0+s25+$0x0] =	vst.idx.add.f32.msk vm0, v1;
	(pc) =	sbr.rel @p1 .LBB2_10-.Ltmp4, $4  }
0x3eb: {  	_ =	swait.ge [sflag:s4], $0x4000  }
0x3ec: {  	[sflag:s4] =	ssyncset.done $0x0  }
0x3ed: {  	s14 =	sadd.s32 $0x400, s14;
	s15 =	sadd.s32 $0x14200, s15;
	[sflag:s4] =	ssyncadd.s32 $0xFFFFC000  }
0x3ee: {  	[spmem:s3] =	stream.indirect.scatter.add.f32 [tilespmem:s30], [sflag:$0x3], $0x80, s15, s29, $0xb8;
	[tilespmem:$0x1F080] =	vst v63  }
0x3ef: {  	_ =	swait.ge [sflag:s2], $0x4000  }
0x3f0: {  	[sflag:s2] =	ssyncset.done $0x0  }
0x3f1: {  	[sflag:s2] =	ssyncadd.s32 $0xFFFFC000  }
0x3f2: {  	v0 =	vld [tilespmem:$0x14880];
	_ =	sdelay $0x4  }
0x3f3: {  	(xrf1) =	vunique.msk.u32 $0xffff, v0;
	_ =	sdelay $0xd  }
0x3f4: {  	_, v1, vm0 =	vpop (xrf1);
	_ =	sdelay $0x3  }
0x3f5: {  	v1 =	vcvt.s32.f32 v1;
	_ =	sdelay $0x1  }
0x3f6: {  	[tilespmem:v0+s25+$0x0] =	vst.idx.add.f32.msk vm0, v1  }
0x3f7: {  	v0 =	vld [tilespmem:$0x14890];
	_ =	sdelay $0x4  }
0x3f8: {  	(xrf1) =	vunique.msk.u32 $0xffff, v0;
	_ =	sdelay $0xd  }
0x3f9: {  	_, v1, vm0 =	vpop (xrf1);
	_ =	sdelay $0x3  }
0x3fa: {  	v1 =	vcvt.s32.f32 v1;
	_ =	sdelay $0x1  }
0x3fb: {  	[tilespmem:v0+s25+$0x0] =	vst.idx.add.f32.msk vm0, v1  }
0x3fc: {  	v0 =	vld [tilespmem:$0x148A0];
	_ =	sdelay $0x4  }
0x3fd: {  	(xrf1) =	vunique.msk.u32 $0xffff, v0;
	_ =	sdelay $0xd  }
0x3fe: {  	_, v1, vm0 =	vpop (xrf1);
	_ =	sdelay $0x3  }
0x3ff: {  	v1 =	vcvt.s32.f32 v1;
	_ =	sdelay $0x1  }
0x400: {  	[tilespmem:v0+s25+$0x0] =	vst.idx.add.f32.msk vm0, v1  }
0x401: {  	v0 =	vld [tilespmem:$0x148B0];
	_ =	sdelay $0x4  }
0x402: {  	(xrf1) =	vunique.msk.u32 $0xffff, v0;
	_ =	sdelay $0xd  }
0x403: {  	_, v1, vm0 =	vpop (xrf1);
	_ =	sdelay $0x3  }
0x404: {  	v1 =	vcvt.s32.f32 v1;
	_ =	sdelay $0x1  }
0x405: {  	[tilespmem:v0+s25+$0x0] =	vst.idx.add.f32.msk vm0, v1  }
0x406: {  	v0 =	vld [tilespmem:$0x148C0];
	_ =	sdelay $0x4  }
0x407: {  	(xrf1) =	vunique.msk.u32 $0xffff, v0;
	_ =	sdelay $0xd  }
0x408: {  	_, v1, vm0 =	vpop (xrf1);
	_ =	sdelay $0x3  }
0x409: {  	v1 =	vcvt.s32.f32 v1;
	_ =	sdelay $0x1  }
0x40a: {  	[tilespmem:v0+s25+$0x0] =	vst.idx.add.f32.msk vm0, v1  }
0x40b: {  	v0 =	vld [tilespmem:$0x148D0];
	_ =	sdelay $0x4  }
0x40c: {  	(xrf1) =	vunique.msk.u32 $0xffff, v0;
	_ =	sdelay $0xd  }
0x40d: {  	_, v1, vm0 =	vpop (xrf1);
	_ =	sdelay $0x3  }
0x40e: {  	v1 =	vcvt.s32.f32 v1;
	_ =	sdelay $0x1  }
0x40f: {  	[tilespmem:v0+s25+$0x0] =	vst.idx.add.f32.msk vm0, v1  }
0x410: {  	v0 =	vld [tilespmem:$0x148E0];
	_ =	sdelay $0x4  }
0x411: {  	(xrf1) =	vunique.msk.u32 $0xffff, v0;
	_ =	sdelay $0xd  }
0x412: {  	_, v1, vm0 =	vpop (xrf1);
	_ =	sdelay $0x3  }
0x413: {  	v1 =	vcvt.s32.f32 v1;
	_ =	sdelay $0x1  }
0x414: {  	[tilespmem:v0+s25+$0x0] =	vst.idx.add.f32.msk vm0, v1  }
0x415: {  	v0 =	vld [tilespmem:$0x148F0];
	_ =	sdelay $0x4  }
0x416: {  	(xrf1) =	vunique.msk.u32 $0xffff, v0;
	_ =	sdelay $0xd  }
0x417: {  	_, v1, vm0 =	vpop (xrf1);
	_ =	sdelay $0x3  }
0x418: {  	v1 =	vcvt.s32.f32 v1;
	_ =	sdelay $0x1  }
0x419: {  	[tilespmem:v0+s25+$0x0] =	vst.idx.add.f32.msk vm0, v1  }
0x41a: {  	_ =	swait.ge [sflag:s7], $0x4000  }
0x41b: {  	[sflag:s7] =	ssyncset.done $0x0  }
0x41c: {  	[sflag:s7] =	ssyncadd.s32 $0xFFFFC000  }
0x41d: {  	[spmem:s3] =	stream.indirect.scatter.add.f32 [tilespmem:s0], [sflag:$0x4], $0x80, s10, s29, $0xb8;
	[tilespmem:$0x1F080] =	vst v63  }
0x41e: {  	_ =	swait.ge [sflag:s9], $0x4000  }
0x41f: {  	[sflag:s9] =	ssyncset.done $0x0  }
0x420: {  	[sflag:s9] =	ssyncadd.s32 $0xFFFFC000  }
0x421: {  	[bflag:$0x0] =	sbarrier.arrive $0xFFFF  }
0x422: {  	[hbm:s20], [sflag:s8] =	dma.local [spmem:s12], $0x2700  }
0x423: {  	_ =	swait.ge [sflag:s24], $0x2700  }
0x424: {  	[sflag:s24] =	ssyncset.done $0x0  }
0x425: {  	s12 =	simm.s32 @!p0 $0x5;
	[sflag:s24] =	ssyncadd.s32 $0xFFFFD900  }
0x426: {  	[hbm:s21], [sflag:s8] =	dma.local @!p0 [spmem:s13], $0x100  }
0x427: {  	s11 =	sadd.s32 $0x1, s11;
	_ =	swait.ge @!p0 [sflag:s12], $0x100  }
0x428: {  	p1 =	sne.s32 s11, s23;
	[sflag:s12] =	ssyncset.done @!p0 $0x0  }
.Ltmp5:
0x429: {  	s16 =	simm.s32 $0x400;
	[sflag:s12] =	ssyncadd.s32 @!p0 $0xFFFFFF00;
	(pc) =	sbr.rel @p1 .LBB2_1-.Ltmp5, $4  }
0x42a: {  	[hbm4b:s22+s29] =	stream.strided.scatter [tilespmem:s25], [sflag:$0x5], $0x2780, s16, s29, $0x38;
	[tilespmem:$0x1F080] =	vst v63  }
0x42b: {  	_ =	swait.ge [sflag:s24], $0x2780  }
0x42c: {  	[sflag:s24] =	ssyncset.done $0x0  }
0x42d: {  	[sflag:s24] =	ssyncadd.s32 $0xFFFFD880  }
0x42e: {  	_ =	sfence.sel $0x180000  }
0x42f: {  	[bflag:$0x0] =	sbarrier.arrive $0xFFFF  }
0x430: {  	_ =	strace $0x90000047  }
0x431: {  	s0 =	stileid.u32;
	[bflag:$0x2] =	sbarrier.arrive $0xFFFF  }
0x432: {  	p0 =	sne.s32 s0, $0x0;
	s0 =	rddreg [dreg:$0x4]  }
0x433: {  	s0 =	sadd.s32 @!p0 $0x100000, s0  }
0x434: {  	[sflag:s0] =	ssyncadd.tile.s32 @!p0 $0x1;
	_ =	shalt  }
.Lfunc_end2:
_tile_overlayer_lowered:
.L_overlay_start_2:
0x435: {  	(tag) =	ssettag $0x2  }
0x436: {  	s0 =	rddreg [dreg:$0x0];
	s2 =	stileid.u32  }
0x437: {  	s1 =	rddreg [dreg:$0x1];
	p0 =	sne.s32 s2, $0x0  }
0x438: {  	s3 =	rddreg [dreg:$0x2];
	[bflag:$0x3] =	sbarrier.arrive $0xFFFF;
	s2 =	simm.s32 @!p0 $0x1C05  }
0x439: {  	[timem:s3], [sflag:s2] =	dma.local @!p0 [hbm:s0], s1  }
0x43a: {  	s0 =	simm.s32 @!p0 $0x5  }
0x43b: {  	_ =	swait.ge @!p0 [sflag:s0], s1  }
0x43c: {  	s1 =	ssub.s32 @!p0 $0x0, s1;
	[sflag:s0] =	ssyncset.done @!p0 $0x0  }
0x43d: {  	[sflag:s0] =	ssyncadd.s32 @!p0 s1  }
0x43e: {  	[bflag:$0x3] =	sbarrier.arrive $0xFFFF  }
0x43f: {  	_ =	shalt  }

</sc_bundles>
